<compile_context>
chip_gen: v7x
topology: tpu7x:2x2x1
jax: 0.10.2.dev20260603
libtpu: 0.0.44.dev20260713+nightly
codegen_flags: <defaults>
</compile_context>

<pallas_src>
import jax
import jax.numpy as jnp
from jax import lax
from jax.experimental import pallas as pl
from jax.experimental.pallas import tpu as pltpu
from jax.experimental.pallas import tpu_sc as plsc

_VOCAB = 1000000
_DIM = 64
_B = 16384
_K = 20
_NW = 32
_BPW = _B // _NW
_NG = _BPW // 16
_ROWS = 16 * _K
_TC = 4096
_TG = -(-_VOCAB // (2 * _TC))
_WROWS = _TG * _TC


def _widen_body(x_ref, o_ref):
    x = x_ref[...]
    o_ref[:, 0:_DIM] = x[:, 0:_TC].T
    o_ref[:, _DIM:2 * _DIM] = x[:, _TC:2 * _TC].T


def _widen(wt):
    return pl.pallas_call(
        _widen_body,
        grid=(_TG,),
        in_specs=[pl.BlockSpec((_DIM, 2 * _TC), lambda g: (0, g))],
        out_specs=pl.BlockSpec((_TC, 2 * _DIM), lambda g: (g, 0)),
        out_shape=jax.ShapeDtypeStruct((_WROWS, 2 * _DIM), jnp.float32),
    )(wt)


def _sc_body(center_h, target_h, negf_h, wcen_h, wctx_h, out_h,
             cen_i, tgt_i, neg_i,
             ci_a, ti_a, n0_a, n1_a, n2_a,
             ci_b, ti_b, n0_b, n1_b, n2_b,
             cr_a, tr_a, nr_a, cr_b, tr_b, nr_b,
             dots_v, sem_a, sem_b):
    wid = lax.axis_index("s") * 2 + lax.axis_index("c")
    b0 = pl.multiple_of(wid * _BPW, _BPW)
    pltpu.sync_copy(center_h.at[pl.ds(b0, _BPW)], cen_i)
    pltpu.sync_copy(target_h.at[pl.ds(b0, _BPW)], tgt_i)
    pltpu.sync_copy(negf_h.at[pl.ds(b0 * _K, _BPW * _K)], neg_i)

    iota = lax.broadcasted_iota(jnp.int32, (16,), 0)
    nrows = [iota * _K + k for k in range(_K)]
    c13 = jnp.full((16,), 13, jnp.int32)
    c12 = jnp.full((16,), 12, jnp.int32)
    c6 = jnp.full((16,), 6, jnp.int32)
    c1 = jnp.full((16,), 1, jnp.int32)
    c4095 = jnp.full((16,), 4095, jnp.int32)

    def wrow(v):
        return jnp.bitwise_or(
            jnp.left_shift(jnp.right_shift(v, c13), c12),
            jnp.bitwise_and(v, c4095))

    def cbase(v):
        return jnp.left_shift(
            jnp.bitwise_and(jnp.right_shift(v, c12), c1), c6)

    def copies(bufs, sem):
        ci, ti, n0, n1, n2, cr, tr, nr = bufs
        return [
            pltpu.make_async_copy(wcen_h.at[ci], cr, sem),
            pltpu.make_async_copy(wctx_h.at[ti], tr, sem),
            pltpu.make_async_copy(wctx_h.at[n0], nr.at[pl.ds(0, 128)], sem),
            pltpu.make_async_copy(wctx_h.at[n1], nr.at[pl.ds(128, 128)], sem),
            pltpu.make_async_copy(wctx_h.at[n2], nr.at[pl.ds(256, 64)], sem),
        ]

    def fire(bg, bufs, sem):
        ci, ti, n0, n1, n2, cr, tr, nr = bufs
        i16 = pl.multiple_of(bg * 16, 16)
        r0 = pl.multiple_of(bg * _ROWS, 64)
        ci[...] = wrow(cen_i[pl.ds(i16, 16)])
        ti[...] = wrow(tgt_i[pl.ds(i16, 16)])
        for j in range(8):
            n0[pl.ds(16 * j, 16)] = wrow(neg_i[pl.ds(r0 + 16 * j, 16)])
        for j in range(8):
            n1[pl.ds(16 * j, 16)] = wrow(neg_i[pl.ds(r0 + 128 + 16 * j, 16)])
        for j in range(4):
            n2[pl.ds(16 * j, 16)] = wrow(neg_i[pl.ds(r0 + 256 + 16 * j, 16)])
        for cp in copies(bufs, sem):
            cp.start()

    def drain(bufs, sem):
        for cp in copies(bufs, sem):
            cp.wait()

    def compute(bg, cr, tr, nr):
        i16 = pl.multiple_of(bg * 16, 16)
        r0 = pl.multiple_of(bg * _ROWS, 64)
        cb = cbase(cen_i[pl.ds(i16, 16)])
        tb = cbase(tgt_i[pl.ds(i16, 16)])
        nb = [cbase(plsc.load_gather(neg_i, [r0 + nrows[k]]))
              for k in range(_K)]

        o16 = pl.multiple_of(bg * 16, 16)
        zero = jnp.zeros((16,), jnp.float32)

        def chunk(ks, with_t):
            def dstep(d, accs):
                d0 = d * 4
                dvs = [jnp.full((16,), d0 + u, jnp.int32) for u in range(4)]
                cs = [plsc.load_gather(cr, [iota, cb + dv]) for dv in dvs]
                new = []
                if with_t:
                    ts = [plsc.load_gather(tr, [iota, tb + dv]) for dv in dvs]
                    a = accs[0]
                    for c, t in zip(cs, ts):
                        a = a - c * t
                    new.append(a)
                for i, k in enumerate(ks):
                    a = accs[i + (1 if with_t else 0)]
                    for c, dv in zip(cs, dvs):
                        nv = plsc.load_gather(nr, [nrows[k], nb[k] + dv])
                        a = a + nv * c
                    new.append(a)
                return tuple(new)

            n_acc = len(ks) + (1 if with_t else 0)
            return lax.fori_loop(0, _DIM // 4, dstep, (zero,) * n_acc)

        accs = chunk(range(0, 7), True)
        dots_v[0, pl.ds(o16, 16)] = accs[0]
        for i, k in enumerate(range(0, 7)):
            dots_v[k + 1, pl.ds(o16, 16)] = accs[i + 1]
        accs = chunk(range(7, 14), False)
        for i, k in enumerate(range(7, 14)):
            dots_v[k + 1, pl.ds(o16, 16)] = accs[i]
        accs = chunk(range(14, 20), False)
        for i, k in enumerate(range(14, 20)):
            dots_v[k + 1, pl.ds(o16, 16)] = accs[i]

    bufs_a = (ci_a, ti_a, n0_a, n1_a, n2_a, cr_a, tr_a, nr_a)
    bufs_b = (ci_b, ti_b, n0_b, n1_b, n2_b, cr_b, tr_b, nr_b)
    fire(0, bufs_a, sem_a)

    def outer(i, carry):
        bg = i * 2
        fire(bg + 1, bufs_b, sem_b)
        drain(bufs_a, sem_a)
        compute(bg, cr_a, tr_a, nr_a)

        @pl.when(bg + 2 < _NG)
        def _():
            fire(bg + 2, bufs_a, sem_a)

        drain(bufs_b, sem_b)
        compute(bg + 1, cr_b, tr_b, nr_b)
        return carry

    lax.fori_loop(0, _NG // 2, outer, 0)
    pltpu.sync_copy(dots_v, out_h.at[wid])


@jax.jit
def _sc_dots(center, target, neg_flat, w_center, w_context):
    mesh = plsc.VectorSubcoreMesh(core_axis_name="c", subcore_axis_name="s")
    return pl.kernel(
        _sc_body,
        out_type=jax.ShapeDtypeStruct((_NW, _K + 1, _BPW), jnp.float32),
        mesh=mesh,
        compiler_params=pltpu.CompilerParams(needs_layout_passes=False),
        scratch_types=[
            pltpu.VMEM((_BPW,), jnp.int32),
            pltpu.VMEM((_BPW,), jnp.int32),
            pltpu.VMEM((_BPW * _K,), jnp.int32),
            pltpu.VMEM((16,), jnp.int32),
            pltpu.VMEM((16,), jnp.int32),
            pltpu.VMEM((128,), jnp.int32),
            pltpu.VMEM((128,), jnp.int32),
            pltpu.VMEM((64,), jnp.int32),
            pltpu.VMEM((16,), jnp.int32),
            pltpu.VMEM((16,), jnp.int32),
            pltpu.VMEM((128,), jnp.int32),
            pltpu.VMEM((128,), jnp.int32),
            pltpu.VMEM((64,), jnp.int32),
            pltpu.VMEM((16, 2 * _DIM), jnp.float32),
            pltpu.VMEM((16, 2 * _DIM), jnp.float32),
            pltpu.VMEM((_ROWS, 2 * _DIM), jnp.float32),
            pltpu.VMEM((16, 2 * _DIM), jnp.float32),
            pltpu.VMEM((16, 2 * _DIM), jnp.float32),
            pltpu.VMEM((_ROWS, 2 * _DIM), jnp.float32),
            pltpu.VMEM((_K + 1, _BPW), jnp.float32),
            pltpu.SemaphoreType.DMA,
            pltpu.SemaphoreType.DMA,
        ],
    )(center, target, neg_flat, w_center, w_context)


def _loss_body(x_ref, o_ref):
    x = x_ref[...]
    ls = jnp.minimum(x, 0.0) - jnp.log1p(jnp.exp(-jnp.abs(x)))
    o_ref[0, 0] = -(jnp.sum(ls) + (_K - 1) * jnp.sum(ls[:, 0, :]))


def kernel(center, target, negative, W_center, W_context):
    center = center.astype(jnp.int32)
    target = target.astype(jnp.int32)
    neg_flat = negative.astype(jnp.int32).reshape(-1)
    w_cen = _widen(jnp.swapaxes(W_center, 0, 1))
    w_ctx = _widen(jnp.swapaxes(W_context, 0, 1))
    dots = _sc_dots(center, target, neg_flat, w_cen, w_ctx)
    loss = pl.pallas_call(
        _loss_body,
        out_shape=jax.ShapeDtypeStruct((1, 1), jnp.float32),
        out_specs=pl.BlockSpec(memory_space=pltpu.SMEM),
    )(dots)
    return loss[0, 0]

# --- scband reference (transcript-rebuilt; emitter-appended) ---
"""Pipeline reference for scband-ngram-language-modeler-18794776887911 (READ-ONLY COPY).

The authoritative reference and input builder live on the scoring server;
editing this copy changes nothing except your own understanding.
"""

import jax, jax.numpy as jnp
import numpy as np

VOCAB = 1000000
DIM = 64
B = 16384
K = 20

def setup_inputs(seed: int = 0) -> dict:
    key = jax.random.key(seed)
    k1, k2, k3, k4, k5 = jax.random.split(key, 5)
    center = jax.random.randint(k1, (B,), 0, VOCAB, dtype=jnp.int64) if jax.config.jax_enable_x64 else jax.random.randint(k1, (B,), 0, VOCAB).astype(jnp.int32)
    target = jax.random.randint(k2, (B,), 0, VOCAB).astype(center.dtype)
    negative = jax.random.randint(k3, (B, K), 0, VOCAB).astype(center.dtype)
    W_center = jax.random.uniform(k4, (VOCAB, DIM), dtype=jnp.float32, minval=-0.2, maxval=0.2)
    W_context = jax.random.uniform(k5, (VOCAB, DIM), dtype=jnp.float32, minval=-0.2, maxval=0.2)
    return {"center": center, "target": target, "negative": negative, "W_center": W_center, "W_context": W_context}

def reference(center, target, negative, W_center, W_context):
    # Embedding lookups (gather)
    center_vec = jnp.take(W_center, center, axis=0)      # [B, D]
    target_vec = jnp.take(W_context, target, axis=0)     # [B, D]
    neg_vec = jnp.take(W_context, negative, axis=0)      # [B, K, D]
    # torch: center_vec.unsqueeze(2) -> [B, D, 1]; target_vec.unsqueeze(1) -> [B, 1, D]
    # tar_score = logsigmoid(-bmm([B,1,D],[B,D,1])) -> [B, 1, 1]
    pos_dot = jnp.sum(target_vec * center_vec, axis=-1)  # [B]
    tar_score = jax.nn.log_sigmoid(-pos_dot)[:, None, None]  # [B, 1, 1]
    # neg_score = logsigmoid(bmm([B,K,D],[B,D,1])) -> [B, K, 1]
    neg_dot = jnp.einsum('bkd,bd->bk', neg_vec, center_vec)  # [B, K]
    neg_score = jax.nn.log_sigmoid(neg_dot)[:, :, None]      # [B, K, 1]
    # broadcast add [B,1,1] + [B,K,1] -> [B,K,1], then sum
    loss = -(tar_score + neg_score)
    return jnp.sum(loss)

if __name__ == "__main__":
    import jax
    _d = setup_inputs()
    print(jax.jit(kernel)(*tuple(_d.values())))

</pallas_src>

<mosaic_0001>
#map = affine_map<(d0, d1) -> (0)>
#map1 = affine_map<(d0, d1) -> (0, 0)>
#map2 = affine_map<(d0, d1) -> (0, 0, 0)>
module attributes {stable_mosaic.version = 14 : i64} {
  func.func @_sc_body(%arg0: i32, %arg1: i32, %arg2: memref<16384xi32, #tpu.memory_space<hbm>>, %arg3: memref<16384xi32, #tpu.memory_space<hbm>>, %arg4: memref<327680xi32, #tpu.memory_space<hbm>>, %arg5: memref<503808x128xf32, #tpu.memory_space<hbm>>, %arg6: memref<503808x128xf32, #tpu.memory_space<hbm>>, %arg7: memref<32x21x512xf32, #tpu.memory_space<hbm>>, %arg8: memref<512xi32, #tpu.memory_space<vmem>>, %arg9: memref<512xi32, #tpu.memory_space<vmem>>, %arg10: memref<10240xi32, #tpu.memory_space<vmem>>, %arg11: memref<16xi32, #tpu.memory_space<vmem>>, %arg12: memref<16xi32, #tpu.memory_space<vmem>>, %arg13: memref<128xi32, #tpu.memory_space<vmem>>, %arg14: memref<128xi32, #tpu.memory_space<vmem>>, %arg15: memref<64xi32, #tpu.memory_space<vmem>>, %arg16: memref<16xi32, #tpu.memory_space<vmem>>, %arg17: memref<16xi32, #tpu.memory_space<vmem>>, %arg18: memref<128xi32, #tpu.memory_space<vmem>>, %arg19: memref<128xi32, #tpu.memory_space<vmem>>, %arg20: memref<64xi32, #tpu.memory_space<vmem>>, %arg21: memref<16x128xf32, #tpu.memory_space<vmem>>, %arg22: memref<16x128xf32, #tpu.memory_space<vmem>>, %arg23: memref<320x128xf32, #tpu.memory_space<vmem>>, %arg24: memref<16x128xf32, #tpu.memory_space<vmem>>, %arg25: memref<16x128xf32, #tpu.memory_space<vmem>>, %arg26: memref<320x128xf32, #tpu.memory_space<vmem>>, %arg27: memref<21x512xf32, #tpu.memory_space<vmem>>, %arg28: memref<!tpu.dma_semaphore, #tpu.memory_space<semaphore_mem>>, %arg29: memref<!tpu.dma_semaphore, #tpu.memory_space<semaphore_mem>>) attributes {dimension_semantics = [#tpu.dimension_semantics<core_parallel>, #tpu.dimension_semantics<subcore_parallel>], iteration_bounds = array<i64: 2, 16>, scalar_prefetch = 0 : i64, scratch_operands = 22 : i64, tpu.core_type = #tpu.core_type<sc_vector_subcore>, window_params = [{transform_indices = #map}, {transform_indices = #map}, {transform_indices = #map}, {transform_indices = #map1}, {transform_indices = #map1}, {transform_indices = #map2}]} {
    %mul3A = arith.constant 2 : i32
    %mul3A_0 = arith.muli %arg1, %mul3A : i32
    %add3A = arith.addi %mul3A_0, %arg0 : i32
    %mul3A_1 = arith.constant 512 : i32
    %mul3A_2 = arith.muli %add3A, %mul3A_1 : i32
    %multiple_of3A = tpu.assume_multiple %mul3A_2, 512 : i32
    "tpu.region"() ({
      %run_scoped3A = tpu.sem_alloc : memref<!tpu.dma_semaphore, #tpu.memory_space<semaphore_mem>>
      %dma_start3A_400 = tpu.memref_slice %arg2[%multiple_of3A] : memref<16384xi32, #tpu.memory_space<hbm>> -> memref<512xi32, #tpu.memory_space<hbm>>
      %dma_start3A_401 = tpu.memref_slice %arg2[%multiple_of3A] : memref<16384xi32, #tpu.memory_space<hbm>> -> memref<512xi32, #tpu.memory_space<hbm>>
      tpu.enqueue_dma source(%dma_start3A_401 : memref<512xi32, #tpu.memory_space<hbm>>) target(%arg8 : memref<512xi32, #tpu.memory_space<vmem>>) target_semaphore(%run_scoped3A : memref<!tpu.dma_semaphore, #tpu.memory_space<semaphore_mem>>)
      %dma_wait3A = tpu.memref_slice %arg2[%multiple_of3A] : memref<16384xi32, #tpu.memory_space<hbm>> -> memref<512xi32, #tpu.memory_space<hbm>>
      %dma_wait3A_402 = tpu.memref_slice %arg2[%multiple_of3A] : memref<16384xi32, #tpu.memory_space<hbm>> -> memref<512xi32, #tpu.memory_space<hbm>>
      tpu.wait_dma2 semaphore(%run_scoped3A : memref<!tpu.dma_semaphore, #tpu.memory_space<semaphore_mem>>) src(%dma_wait3A_402 : memref<512xi32, #tpu.memory_space<hbm>>) dst(%arg8 : memref<512xi32, #tpu.memory_space<vmem>>)
      tpu.yield
    }) : () -> ()
    "tpu.region"() ({
      %run_scoped3A = tpu.sem_alloc : memref<!tpu.dma_semaphore, #tpu.memory_space<semaphore_mem>>
      %dma_start3A_400 = tpu.memref_slice %arg3[%multiple_of3A] : memref<16384xi32, #tpu.memory_space<hbm>> -> memref<512xi32, #tpu.memory_space<hbm>>
      %dma_start3A_401 = tpu.memref_slice %arg3[%multiple_of3A] : memref<16384xi32, #tpu.memory_space<hbm>> -> memref<512xi32, #tpu.memory_space<hbm>>
      tpu.enqueue_dma source(%dma_start3A_401 : memref<512xi32, #tpu.memory_space<hbm>>) target(%arg9 : memref<512xi32, #tpu.memory_space<vmem>>) target_semaphore(%run_scoped3A : memref<!tpu.dma_semaphore, #tpu.memory_space<semaphore_mem>>)
      %dma_wait3A = tpu.memref_slice %arg3[%multiple_of3A] : memref<16384xi32, #tpu.memory_space<hbm>> -> memref<512xi32, #tpu.memory_space<hbm>>
      %dma_wait3A_402 = tpu.memref_slice %arg3[%multiple_of3A] : memref<16384xi32, #tpu.memory_space<hbm>> -> memref<512xi32, #tpu.memory_space<hbm>>
      tpu.wait_dma2 semaphore(%run_scoped3A : memref<!tpu.dma_semaphore, #tpu.memory_space<semaphore_mem>>) src(%dma_wait3A_402 : memref<512xi32, #tpu.memory_space<hbm>>) dst(%arg9 : memref<512xi32, #tpu.memory_space<vmem>>)
      tpu.yield
    }) : () -> ()
    %mul3A_3 = arith.constant 20 : i32
    %mul3A_4 = arith.muli %multiple_of3A, %mul3A_3 : i32
    "tpu.region"() ({
      %run_scoped3A = tpu.sem_alloc : memref<!tpu.dma_semaphore, #tpu.memory_space<semaphore_mem>>
      %dma_start3A_400 = tpu.memref_slice %arg4[%mul3A_4] : memref<327680xi32, #tpu.memory_space<hbm>> -> memref<10240xi32, #tpu.memory_space<hbm>>
      %dma_start3A_401 = tpu.memref_slice %arg4[%mul3A_4] : memref<327680xi32, #tpu.memory_space<hbm>> -> memref<10240xi32, #tpu.memory_space<hbm>>
      tpu.enqueue_dma source(%dma_start3A_401 : memref<10240xi32, #tpu.memory_space<hbm>>) target(%arg10 : memref<10240xi32, #tpu.memory_space<vmem>>) target_semaphore(%run_scoped3A : memref<!tpu.dma_semaphore, #tpu.memory_space<semaphore_mem>>)
      %dma_wait3A = tpu.memref_slice %arg4[%mul3A_4] : memref<327680xi32, #tpu.memory_space<hbm>> -> memref<10240xi32, #tpu.memory_space<hbm>>
      %dma_wait3A_402 = tpu.memref_slice %arg4[%mul3A_4] : memref<327680xi32, #tpu.memory_space<hbm>> -> memref<10240xi32, #tpu.memory_space<hbm>>
      tpu.wait_dma2 semaphore(%run_scoped3A : memref<!tpu.dma_semaphore, #tpu.memory_space<semaphore_mem>>) src(%dma_wait3A_402 : memref<10240xi32, #tpu.memory_space<hbm>>) dst(%arg10 : memref<10240xi32, #tpu.memory_space<vmem>>)
      tpu.yield
    }) : () -> ()
    %iota3A = tpu.iota {dimensions = array<i32: 0>} : vector<16xi32>
    %mul3A_5 = arith.constant 20 : i32
    %mul3A_6 = vector.broadcast %mul3A_5 : i32 to vector<16xi32>
    %mul3A_7 = arith.muli %iota3A, %mul3A_6 : vector<16xi32>
    %add3A_8 = arith.constant 0 : i32
    %add3A_9 = vector.broadcast %add3A_8 : i32 to vector<16xi32>
    %add3A_10 = arith.addi %mul3A_7, %add3A_9 : vector<16xi32>
    %mul3A_11 = arith.constant 20 : i32
    %mul3A_12 = vector.broadcast %mul3A_11 : i32 to vector<16xi32>
    %mul3A_13 = arith.muli %iota3A, %mul3A_12 : vector<16xi32>
    %add3A_14 = arith.constant 1 : i32
    %add3A_15 = vector.broadcast %add3A_14 : i32 to vector<16xi32>
    %add3A_16 = arith.addi %mul3A_13, %add3A_15 : vector<16xi32>
    %mul3A_17 = arith.constant 20 : i32
    %mul3A_18 = vector.broadcast %mul3A_17 : i32 to vector<16xi32>
    %mul3A_19 = arith.muli %iota3A, %mul3A_18 : vector<16xi32>
    %add3A_20 = arith.constant 2 : i32
    %add3A_21 = vector.broadcast %add3A_20 : i32 to vector<16xi32>
    %add3A_22 = arith.addi %mul3A_19, %add3A_21 : vector<16xi32>
    %mul3A_23 = arith.constant 20 : i32
    %mul3A_24 = vector.broadcast %mul3A_23 : i32 to vector<16xi32>
    %mul3A_25 = arith.muli %iota3A, %mul3A_24 : vector<16xi32>
    %add3A_26 = arith.constant 3 : i32
    %add3A_27 = vector.broadcast %add3A_26 : i32 to vector<16xi32>
    %add3A_28 = arith.addi %mul3A_25, %add3A_27 : vector<16xi32>
    %mul3A_29 = arith.constant 20 : i32
    %mul3A_30 = vector.broadcast %mul3A_29 : i32 to vector<16xi32>
    %mul3A_31 = arith.muli %iota3A, %mul3A_30 : vector<16xi32>
    %add3A_32 = arith.constant 4 : i32
    %add3A_33 = vector.broadcast %add3A_32 : i32 to vector<16xi32>
    %add3A_34 = arith.addi %mul3A_31, %add3A_33 : vector<16xi32>
    %mul3A_35 = arith.constant 20 : i32
    %mul3A_36 = vector.broadcast %mul3A_35 : i32 to vector<16xi32>
    %mul3A_37 = arith.muli %iota3A, %mul3A_36 : vector<16xi32>
    %add3A_38 = arith.constant 5 : i32
    %add3A_39 = vector.broadcast %add3A_38 : i32 to vector<16xi32>
    %add3A_40 = arith.addi %mul3A_37, %add3A_39 : vector<16xi32>
    %mul3A_41 = arith.constant 20 : i32
    %mul3A_42 = vector.broadcast %mul3A_41 : i32 to vector<16xi32>
    %mul3A_43 = arith.muli %iota3A, %mul3A_42 : vector<16xi32>
    %add3A_44 = arith.constant 6 : i32
    %add3A_45 = vector.broadcast %add3A_44 : i32 to vector<16xi32>
    %add3A_46 = arith.addi %mul3A_43, %add3A_45 : vector<16xi32>
    %mul3A_47 = arith.constant 20 : i32
    %mul3A_48 = vector.broadcast %mul3A_47 : i32 to vector<16xi32>
    %mul3A_49 = arith.muli %iota3A, %mul3A_48 : vector<16xi32>
    %add3A_50 = arith.constant 7 : i32
    %add3A_51 = vector.broadcast %add3A_50 : i32 to vector<16xi32>
    %add3A_52 = arith.addi %mul3A_49, %add3A_51 : vector<16xi32>
    %mul3A_53 = arith.constant 20 : i32
    %mul3A_54 = vector.broadcast %mul3A_53 : i32 to vector<16xi32>
    %mul3A_55 = arith.muli %iota3A, %mul3A_54 : vector<16xi32>
    %add3A_56 = arith.constant 8 : i32
    %add3A_57 = vector.broadcast %add3A_56 : i32 to vector<16xi32>
    %add3A_58 = arith.addi %mul3A_55, %add3A_57 : vector<16xi32>
    %mul3A_59 = arith.constant 20 : i32
    %mul3A_60 = vector.broadcast %mul3A_59 : i32 to vector<16xi32>
    %mul3A_61 = arith.muli %iota3A, %mul3A_60 : vector<16xi32>
    %add3A_62 = arith.constant 9 : i32
    %add3A_63 = vector.broadcast %add3A_62 : i32 to vector<16xi32>
    %add3A_64 = arith.addi %mul3A_61, %add3A_63 : vector<16xi32>
    %mul3A_65 = arith.constant 20 : i32
    %mul3A_66 = vector.broadcast %mul3A_65 : i32 to vector<16xi32>
    %mul3A_67 = arith.muli %iota3A, %mul3A_66 : vector<16xi32>
    %add3A_68 = arith.constant 10 : i32
    %add3A_69 = vector.broadcast %add3A_68 : i32 to vector<16xi32>
    %add3A_70 = arith.addi %mul3A_67, %add3A_69 : vector<16xi32>
    %mul3A_71 = arith.constant 20 : i32
    %mul3A_72 = vector.broadcast %mul3A_71 : i32 to vector<16xi32>
    %mul3A_73 = arith.muli %iota3A, %mul3A_72 : vector<16xi32>
    %add3A_74 = arith.constant 11 : i32
    %add3A_75 = vector.broadcast %add3A_74 : i32 to vector<16xi32>
    %add3A_76 = arith.addi %mul3A_73, %add3A_75 : vector<16xi32>
    %mul3A_77 = arith.constant 20 : i32
    %mul3A_78 = vector.broadcast %mul3A_77 : i32 to vector<16xi32>
    %mul3A_79 = arith.muli %iota3A, %mul3A_78 : vector<16xi32>
    %add3A_80 = arith.constant 12 : i32
    %add3A_81 = vector.broadcast %add3A_80 : i32 to vector<16xi32>
    %add3A_82 = arith.addi %mul3A_79, %add3A_81 : vector<16xi32>
    %mul3A_83 = arith.constant 20 : i32
    %mul3A_84 = vector.broadcast %mul3A_83 : i32 to vector<16xi32>
    %mul3A_85 = arith.muli %iota3A, %mul3A_84 : vector<16xi32>
    %add3A_86 = arith.constant 13 : i32
    %add3A_87 = vector.broadcast %add3A_86 : i32 to vector<16xi32>
    %add3A_88 = arith.addi %mul3A_85, %add3A_87 : vector<16xi32>
    %mul3A_89 = arith.constant 20 : i32
    %mul3A_90 = vector.broadcast %mul3A_89 : i32 to vector<16xi32>
    %mul3A_91 = arith.muli %iota3A, %mul3A_90 : vector<16xi32>
    %add3A_92 = arith.constant 14 : i32
    %add3A_93 = vector.broadcast %add3A_92 : i32 to vector<16xi32>
    %add3A_94 = arith.addi %mul3A_91, %add3A_93 : vector<16xi32>
    %mul3A_95 = arith.constant 20 : i32
    %mul3A_96 = vector.broadcast %mul3A_95 : i32 to vector<16xi32>
    %mul3A_97 = arith.muli %iota3A, %mul3A_96 : vector<16xi32>
    %add3A_98 = arith.constant 15 : i32
    %add3A_99 = vector.broadcast %add3A_98 : i32 to vector<16xi32>
    %add3A_100 = arith.addi %mul3A_97, %add3A_99 : vector<16xi32>
    %mul3A_101 = arith.constant 20 : i32
    %mul3A_102 = vector.broadcast %mul3A_101 : i32 to vector<16xi32>
    %mul3A_103 = arith.muli %iota3A, %mul3A_102 : vector<16xi32>
    %add3A_104 = arith.constant 16 : i32
    %add3A_105 = vector.broadcast %add3A_104 : i32 to vector<16xi32>
    %add3A_106 = arith.addi %mul3A_103, %add3A_105 : vector<16xi32>
    %mul3A_107 = arith.constant 20 : i32
    %mul3A_108 = vector.broadcast %mul3A_107 : i32 to vector<16xi32>
    %mul3A_109 = arith.muli %iota3A, %mul3A_108 : vector<16xi32>
    %add3A_110 = arith.constant 17 : i32
    %add3A_111 = vector.broadcast %add3A_110 : i32 to vector<16xi32>
    %add3A_112 = arith.addi %mul3A_109, %add3A_111 : vector<16xi32>
    %mul3A_113 = arith.constant 20 : i32
    %mul3A_114 = vector.broadcast %mul3A_113 : i32 to vector<16xi32>
    %mul3A_115 = arith.muli %iota3A, %mul3A_114 : vector<16xi32>
    %add3A_116 = arith.constant 18 : i32
    %add3A_117 = vector.broadcast %add3A_116 : i32 to vector<16xi32>
    %add3A_118 = arith.addi %mul3A_115, %add3A_117 : vector<16xi32>
    %mul3A_119 = arith.constant 20 : i32
    %mul3A_120 = vector.broadcast %mul3A_119 : i32 to vector<16xi32>
    %mul3A_121 = arith.muli %iota3A, %mul3A_120 : vector<16xi32>
    %add3A_122 = arith.constant 19 : i32
    %add3A_123 = vector.broadcast %add3A_122 : i32 to vector<16xi32>
    %add3A_124 = arith.addi %mul3A_121, %add3A_123 : vector<16xi32>
    %broadcast_in_dim3A = arith.constant 13 : i32
    %broadcast_in_dim3A_125 = vector.broadcast %broadcast_in_dim3A : i32 to vector<16xi32>
    %broadcast_in_dim3A_126 = arith.constant 12 : i32
    %broadcast_in_dim3A_127 = vector.broadcast %broadcast_in_dim3A_126 : i32 to vector<16xi32>
    %broadcast_in_dim3A_128 = arith.constant 6 : i32
    %broadcast_in_dim3A_129 = vector.broadcast %broadcast_in_dim3A_128 : i32 to vector<16xi32>
    %broadcast_in_dim3A_130 = arith.constant 1 : i32
    %broadcast_in_dim3A_131 = vector.broadcast %broadcast_in_dim3A_130 : i32 to vector<16xi32>
    %broadcast_in_dim3A_132 = arith.constant 4095 : i32
    %broadcast_in_dim3A_133 = vector.broadcast %broadcast_in_dim3A_132 : i32 to vector<16xi32>
    %multiple_of3A_134 = arith.constant 0 : i32
    %multiple_of3A_135 = tpu.assume_multiple %multiple_of3A_134, 16 : i32
    %multiple_of3A_136 = arith.constant 0 : i32
    %multiple_of3A_137 = tpu.assume_multiple %multiple_of3A_136, 64 : i32
    %get3A = arith.index_cast %multiple_of3A_135 : i32 to index
    %get3A_138 = tpu.vector_load %arg8[%get3A] {strides = array<i32>} : memref<512xi32, #tpu.memory_space<vmem>>, vector<16xi32>,
    %shift_right_arithmetic3A = arith.shrsi %get3A_138, %broadcast_in_dim3A_125 : vector<16xi32>
    %shift_left3A = arith.shli %shift_right_arithmetic3A, %broadcast_in_dim3A_127 : vector<16xi32>
    %and3A = arith.andi %get3A_138, %broadcast_in_dim3A_133 : vector<16xi32>
    %or3A = arith.ori %shift_left3A, %and3A : vector<16xi32>
    %swap3A = arith.constant 0 : index
    %swap3A_139 = tpu.vector_load %arg11[%swap3A] {strides = array<i32>} : memref<16xi32, #tpu.memory_space<vmem>>, vector<16xi32>,
    tpu.vector_store %arg11[%swap3A], %or3A {strides = array<i32>} : memref<16xi32, #tpu.memory_space<vmem>>, vector<16xi32>,
    %get3A_140 = arith.index_cast %multiple_of3A_135 : i32 to index
    %get3A_141 = tpu.vector_load %arg9[%get3A_140] {strides = array<i32>} : memref<512xi32, #tpu.memory_space<vmem>>, vector<16xi32>,
    %shift_right_arithmetic3A_142 = arith.shrsi %get3A_141, %broadcast_in_dim3A_125 : vector<16xi32>
    %shift_left3A_143 = arith.shli %shift_right_arithmetic3A_142, %broadcast_in_dim3A_127 : vector<16xi32>
    %and3A_144 = arith.andi %get3A_141, %broadcast_in_dim3A_133 : vector<16xi32>
    %or3A_145 = arith.ori %shift_left3A_143, %and3A_144 : vector<16xi32>
    %swap3A_146 = arith.constant 0 : index
    %swap3A_147 = tpu.vector_load %arg12[%swap3A_146] {strides = array<i32>} : memref<16xi32, #tpu.memory_space<vmem>>, vector<16xi32>,
    tpu.vector_store %arg12[%swap3A_146], %or3A_145 {strides = array<i32>} : memref<16xi32, #tpu.memory_space<vmem>>, vector<16xi32>,
    %add3A_148 = arith.constant 0 : i32
    %add3A_149 = arith.addi %multiple_of3A_137, %add3A_148 : i32
    %get3A_150 = arith.index_cast %add3A_149 : i32 to index
    %get3A_151 = tpu.vector_load %arg10[%get3A_150] {strides = array<i32>} : memref<10240xi32, #tpu.memory_space<vmem>>, vector<16xi32>,
    %shift_right_arithmetic3A_152 = arith.shrsi %get3A_151, %broadcast_in_dim3A_125 : vector<16xi32>
    %shift_left3A_153 = arith.shli %shift_right_arithmetic3A_152, %broadcast_in_dim3A_127 : vector<16xi32>
    %and3A_154 = arith.andi %get3A_151, %broadcast_in_dim3A_133 : vector<16xi32>
    %or3A_155 = arith.ori %shift_left3A_153, %and3A_154 : vector<16xi32>
    %swap3A_156 = arith.constant 0 : index
    %swap3A_157 = tpu.vector_load %arg13[%swap3A_156] {strides = array<i32>} : memref<128xi32, #tpu.memory_space<vmem>>, vector<16xi32>,
    tpu.vector_store %arg13[%swap3A_156], %or3A_155 {strides = array<i32>} : memref<128xi32, #tpu.memory_space<vmem>>, vector<16xi32>,
    %add3A_158 = arith.constant 16 : i32
    %add3A_159 = arith.addi %multiple_of3A_137, %add3A_158 : i32
    %get3A_160 = arith.index_cast %add3A_159 : i32 to index
    %get3A_161 = tpu.vector_load %arg10[%get3A_160] {strides = array<i32>} : memref<10240xi32, #tpu.memory_space<vmem>>, vector<16xi32>,
    %shift_right_arithmetic3A_162 = arith.shrsi %get3A_161, %broadcast_in_dim3A_125 : vector<16xi32>
    %shift_left3A_163 = arith.shli %shift_right_arithmetic3A_162, %broadcast_in_dim3A_127 : vector<16xi32>
    %and3A_164 = arith.andi %get3A_161, %broadcast_in_dim3A_133 : vector<16xi32>
    %or3A_165 = arith.ori %shift_left3A_163, %and3A_164 : vector<16xi32>
    %swap3A_166 = arith.constant 16 : index
    %swap3A_167 = tpu.vector_load %arg13[%swap3A_166] {strides = array<i32>} : memref<128xi32, #tpu.memory_space<vmem>>, vector<16xi32>,
    tpu.vector_store %arg13[%swap3A_166], %or3A_165 {strides = array<i32>} : memref<128xi32, #tpu.memory_space<vmem>>, vector<16xi32>,
    %add3A_168 = arith.constant 32 : i32
    %add3A_169 = arith.addi %multiple_of3A_137, %add3A_168 : i32
    %get3A_170 = arith.index_cast %add3A_169 : i32 to index
    %get3A_171 = tpu.vector_load %arg10[%get3A_170] {strides = array<i32>} : memref<10240xi32, #tpu.memory_space<vmem>>, vector<16xi32>,
    %shift_right_arithmetic3A_172 = arith.shrsi %get3A_171, %broadcast_in_dim3A_125 : vector<16xi32>
    %shift_left3A_173 = arith.shli %shift_right_arithmetic3A_172, %broadcast_in_dim3A_127 : vector<16xi32>
    %and3A_174 = arith.andi %get3A_171, %broadcast_in_dim3A_133 : vector<16xi32>
    %or3A_175 = arith.ori %shift_left3A_173, %and3A_174 : vector<16xi32>
    %swap3A_176 = arith.constant 32 : index
    %swap3A_177 = tpu.vector_load %arg13[%swap3A_176] {strides = array<i32>} : memref<128xi32, #tpu.memory_space<vmem>>, vector<16xi32>,
    tpu.vector_store %arg13[%swap3A_176], %or3A_175 {strides = array<i32>} : memref<128xi32, #tpu.memory_space<vmem>>, vector<16xi32>,
    %add3A_178 = arith.constant 48 : i32
    %add3A_179 = arith.addi %multiple_of3A_137, %add3A_178 : i32
    %get3A_180 = arith.index_cast %add3A_179 : i32 to index
    %get3A_181 = tpu.vector_load %arg10[%get3A_180] {strides = array<i32>} : memref<10240xi32, #tpu.memory_space<vmem>>, vector<16xi32>,
    %shift_right_arithmetic3A_182 = arith.shrsi %get3A_181, %broadcast_in_dim3A_125 : vector<16xi32>
    %shift_left3A_183 = arith.shli %shift_right_arithmetic3A_182, %broadcast_in_dim3A_127 : vector<16xi32>
    %and3A_184 = arith.andi %get3A_181, %broadcast_in_dim3A_133 : vector<16xi32>
    %or3A_185 = arith.ori %shift_left3A_183, %and3A_184 : vector<16xi32>
    %swap3A_186 = arith.constant 48 : index
    %swap3A_187 = tpu.vector_load %arg13[%swap3A_186] {strides = array<i32>} : memref<128xi32, #tpu.memory_space<vmem>>, vector<16xi32>,
    tpu.vector_store %arg13[%swap3A_186], %or3A_185 {strides = array<i32>} : memref<128xi32, #tpu.memory_space<vmem>>, vector<16xi32>,
    %add3A_188 = arith.constant 64 : i32
    %add3A_189 = arith.addi %multiple_of3A_137, %add3A_188 : i32
    %get3A_190 = arith.index_cast %add3A_189 : i32 to index
    %get3A_191 = tpu.vector_load %arg10[%get3A_190] {strides = array<i32>} : memref<10240xi32, #tpu.memory_space<vmem>>, vector<16xi32>,
    %shift_right_arithmetic3A_192 = arith.shrsi %get3A_191, %broadcast_in_dim3A_125 : vector<16xi32>
    %shift_left3A_193 = arith.shli %shift_right_arithmetic3A_192, %broadcast_in_dim3A_127 : vector<16xi32>
    %and3A_194 = arith.andi %get3A_191, %broadcast_in_dim3A_133 : vector<16xi32>
    %or3A_195 = arith.ori %shift_left3A_193, %and3A_194 : vector<16xi32>
    %swap3A_196 = arith.constant 64 : index
    %swap3A_197 = tpu.vector_load %arg13[%swap3A_196] {strides = array<i32>} : memref<128xi32, #tpu.memory_space<vmem>>, vector<16xi32>,
    tpu.vector_store %arg13[%swap3A_196], %or3A_195 {strides = array<i32>} : memref<128xi32, #tpu.memory_space<vmem>>, vector<16xi32>,
    %add3A_198 = arith.constant 80 : i32
    %add3A_199 = arith.addi %multiple_of3A_137, %add3A_198 : i32
    %get3A_200 = arith.index_cast %add3A_199 : i32 to index
    %get3A_201 = tpu.vector_load %arg10[%get3A_200] {strides = array<i32>} : memref<10240xi32, #tpu.memory_space<vmem>>, vector<16xi32>,
    %shift_right_arithmetic3A_202 = arith.shrsi %get3A_201, %broadcast_in_dim3A_125 : vector<16xi32>
    %shift_left3A_203 = arith.shli %shift_right_arithmetic3A_202, %broadcast_in_dim3A_127 : vector<16xi32>
    %and3A_204 = arith.andi %get3A_201, %broadcast_in_dim3A_133 : vector<16xi32>
    %or3A_205 = arith.ori %shift_left3A_203, %and3A_204 : vector<16xi32>
    %swap3A_206 = arith.constant 80 : index
    %swap3A_207 = tpu.vector_load %arg13[%swap3A_206] {strides = array<i32>} : memref<128xi32, #tpu.memory_space<vmem>>, vector<16xi32>,
    tpu.vector_store %arg13[%swap3A_206], %or3A_205 {strides = array<i32>} : memref<128xi32, #tpu.memory_space<vmem>>, vector<16xi32>,
    %add3A_208 = arith.constant 96 : i32
    %add3A_209 = arith.addi %multiple_of3A_137, %add3A_208 : i32
    %get3A_210 = arith.index_cast %add3A_209 : i32 to index
    %get3A_211 = tpu.vector_load %arg10[%get3A_210] {strides = array<i32>} : memref<10240xi32, #tpu.memory_space<vmem>>, vector<16xi32>,
    %shift_right_arithmetic3A_212 = arith.shrsi %get3A_211, %broadcast_in_dim3A_125 : vector<16xi32>
    %shift_left3A_213 = arith.shli %shift_right_arithmetic3A_212, %broadcast_in_dim3A_127 : vector<16xi32>
    %and3A_214 = arith.andi %get3A_211, %broadcast_in_dim3A_133 : vector<16xi32>
    %or3A_215 = arith.ori %shift_left3A_213, %and3A_214 : vector<16xi32>
    %swap3A_216 = arith.constant 96 : index
    %swap3A_217 = tpu.vector_load %arg13[%swap3A_216] {strides = array<i32>} : memref<128xi32, #tpu.memory_space<vmem>>, vector<16xi32>,
    tpu.vector_store %arg13[%swap3A_216], %or3A_215 {strides = array<i32>} : memref<128xi32, #tpu.memory_space<vmem>>, vector<16xi32>,
    %add3A_218 = arith.constant 112 : i32
    %add3A_219 = arith.addi %multiple_of3A_137, %add3A_218 : i32
    %get3A_220 = arith.index_cast %add3A_219 : i32 to index
    %get3A_221 = tpu.vector_load %arg10[%get3A_220] {strides = array<i32>} : memref<10240xi32, #tpu.memory_space<vmem>>, vector<16xi32>,
    %shift_right_arithmetic3A_222 = arith.shrsi %get3A_221, %broadcast_in_dim3A_125 : vector<16xi32>
    %shift_left3A_223 = arith.shli %shift_right_arithmetic3A_222, %broadcast_in_dim3A_127 : vector<16xi32>
    %and3A_224 = arith.andi %get3A_221, %broadcast_in_dim3A_133 : vector<16xi32>
    %or3A_225 = arith.ori %shift_left3A_223, %and3A_224 : vector<16xi32>
    %swap3A_226 = arith.constant 112 : index
    %swap3A_227 = tpu.vector_load %arg13[%swap3A_226] {strides = array<i32>} : memref<128xi32, #tpu.memory_space<vmem>>, vector<16xi32>,
    tpu.vector_store %arg13[%swap3A_226], %or3A_225 {strides = array<i32>} : memref<128xi32, #tpu.memory_space<vmem>>, vector<16xi32>,
    %add3A_228 = arith.constant 128 : i32
    %add3A_229 = arith.addi %multiple_of3A_137, %add3A_228 : i32
    %add3A_230 = arith.constant 0 : i32
    %add3A_231 = arith.addi %add3A_229, %add3A_230 : i32
    %get3A_232 = arith.index_cast %add3A_231 : i32 to index
    %get3A_233 = tpu.vector_load %arg10[%get3A_232] {strides = array<i32>} : memref<10240xi32, #tpu.memory_space<vmem>>, vector<16xi32>,
    %shift_right_arithmetic3A_234 = arith.shrsi %get3A_233, %broadcast_in_dim3A_125 : vector<16xi32>
    %shift_left3A_235 = arith.shli %shift_right_arithmetic3A_234, %broadcast_in_dim3A_127 : vector<16xi32>
    %and3A_236 = arith.andi %get3A_233, %broadcast_in_dim3A_133 : vector<16xi32>
    %or3A_237 = arith.ori %shift_left3A_235, %and3A_236 : vector<16xi32>
    %swap3A_238 = arith.constant 0 : index
    %swap3A_239 = tpu.vector_load %arg14[%swap3A_238] {strides = array<i32>} : memref<128xi32, #tpu.memory_space<vmem>>, vector<16xi32>,
    tpu.vector_store %arg14[%swap3A_238], %or3A_237 {strides = array<i32>} : memref<128xi32, #tpu.memory_space<vmem>>, vector<16xi32>,
    %add3A_240 = arith.constant 128 : i32
    %add3A_241 = arith.addi %multiple_of3A_137, %add3A_240 : i32
    %add3A_242 = arith.constant 16 : i32
    %add3A_243 = arith.addi %add3A_241, %add3A_242 : i32
    %get3A_244 = arith.index_cast %add3A_243 : i32 to index
    %get3A_245 = tpu.vector_load %arg10[%get3A_244] {strides = array<i32>} : memref<10240xi32, #tpu.memory_space<vmem>>, vector<16xi32>,
    %shift_right_arithmetic3A_246 = arith.shrsi %get3A_245, %broadcast_in_dim3A_125 : vector<16xi32>
    %shift_left3A_247 = arith.shli %shift_right_arithmetic3A_246, %broadcast_in_dim3A_127 : vector<16xi32>
    %and3A_248 = arith.andi %get3A_245, %broadcast_in_dim3A_133 : vector<16xi32>
    %or3A_249 = arith.ori %shift_left3A_247, %and3A_248 : vector<16xi32>
    %swap3A_250 = arith.constant 16 : index
    %swap3A_251 = tpu.vector_load %arg14[%swap3A_250] {strides = array<i32>} : memref<128xi32, #tpu.memory_space<vmem>>, vector<16xi32>,
    tpu.vector_store %arg14[%swap3A_250], %or3A_249 {strides = array<i32>} : memref<128xi32, #tpu.memory_space<vmem>>, vector<16xi32>,
    %add3A_252 = arith.constant 128 : i32
    %add3A_253 = arith.addi %multiple_of3A_137, %add3A_252 : i32
    %add3A_254 = arith.constant 32 : i32
    %add3A_255 = arith.addi %add3A_253, %add3A_254 : i32
    %get3A_256 = arith.index_cast %add3A_255 : i32 to index
    %get3A_257 = tpu.vector_load %arg10[%get3A_256] {strides = array<i32>} : memref<10240xi32, #tpu.memory_space<vmem>>, vector<16xi32>,
    %shift_right_arithmetic3A_258 = arith.shrsi %get3A_257, %broadcast_in_dim3A_125 : vector<16xi32>
    %shift_left3A_259 = arith.shli %shift_right_arithmetic3A_258, %broadcast_in_dim3A_127 : vector<16xi32>
    %and3A_260 = arith.andi %get3A_257, %broadcast_in_dim3A_133 : vector<16xi32>
    %or3A_261 = arith.ori %shift_left3A_259, %and3A_260 : vector<16xi32>
    %swap3A_262 = arith.constant 32 : index
    %swap3A_263 = tpu.vector_load %arg14[%swap3A_262] {strides = array<i32>} : memref<128xi32, #tpu.memory_space<vmem>>, vector<16xi32>,
    tpu.vector_store %arg14[%swap3A_262], %or3A_261 {strides = array<i32>} : memref<128xi32, #tpu.memory_space<vmem>>, vector<16xi32>,
    %add3A_264 = arith.constant 128 : i32
    %add3A_265 = arith.addi %multiple_of3A_137, %add3A_264 : i32
    %add3A_266 = arith.constant 48 : i32
    %add3A_267 = arith.addi %add3A_265, %add3A_266 : i32
    %get3A_268 = arith.index_cast %add3A_267 : i32 to index
    %get3A_269 = tpu.vector_load %arg10[%get3A_268] {strides = array<i32>} : memref<10240xi32, #tpu.memory_space<vmem>>, vector<16xi32>,
    %shift_right_arithmetic3A_270 = arith.shrsi %get3A_269, %broadcast_in_dim3A_125 : vector<16xi32>
    %shift_left3A_271 = arith.shli %shift_right_arithmetic3A_270, %broadcast_in_dim3A_127 : vector<16xi32>
    %and3A_272 = arith.andi %get3A_269, %broadcast_in_dim3A_133 : vector<16xi32>
    %or3A_273 = arith.ori %shift_left3A_271, %and3A_272 : vector<16xi32>
    %swap3A_274 = arith.constant 48 : index
    %swap3A_275 = tpu.vector_load %arg14[%swap3A_274] {strides = array<i32>} : memref<128xi32, #tpu.memory_space<vmem>>, vector<16xi32>,
    tpu.vector_store %arg14[%swap3A_274], %or3A_273 {strides = array<i32>} : memref<128xi32, #tpu.memory_space<vmem>>, vector<16xi32>,
    %add3A_276 = arith.constant 128 : i32
    %add3A_277 = arith.addi %multiple_of3A_137, %add3A_276 : i32
    %add3A_278 = arith.constant 64 : i32
    %add3A_279 = arith.addi %add3A_277, %add3A_278 : i32
    %get3A_280 = arith.index_cast %add3A_279 : i32 to index
    %get3A_281 = tpu.vector_load %arg10[%get3A_280] {strides = array<i32>} : memref<10240xi32, #tpu.memory_space<vmem>>, vector<16xi32>,
    %shift_right_arithmetic3A_282 = arith.shrsi %get3A_281, %broadcast_in_dim3A_125 : vector<16xi32>
    %shift_left3A_283 = arith.shli %shift_right_arithmetic3A_282, %broadcast_in_dim3A_127 : vector<16xi32>
    %and3A_284 = arith.andi %get3A_281, %broadcast_in_dim3A_133 : vector<16xi32>
    %or3A_285 = arith.ori %shift_left3A_283, %and3A_284 : vector<16xi32>
    %swap3A_286 = arith.constant 64 : index
    %swap3A_287 = tpu.vector_load %arg14[%swap3A_286] {strides = array<i32>} : memref<128xi32, #tpu.memory_space<vmem>>, vector<16xi32>,
    tpu.vector_store %arg14[%swap3A_286], %or3A_285 {strides = array<i32>} : memref<128xi32, #tpu.memory_space<vmem>>, vector<16xi32>,
    %add3A_288 = arith.constant 128 : i32
    %add3A_289 = arith.addi %multiple_of3A_137, %add3A_288 : i32
    %add3A_290 = arith.constant 80 : i32
    %add3A_291 = arith.addi %add3A_289, %add3A_290 : i32
    %get3A_292 = arith.index_cast %add3A_291 : i32 to index
    %get3A_293 = tpu.vector_load %arg10[%get3A_292] {strides = array<i32>} : memref<10240xi32, #tpu.memory_space<vmem>>, vector<16xi32>,
    %shift_right_arithmetic3A_294 = arith.shrsi %get3A_293, %broadcast_in_dim3A_125 : vector<16xi32>
    %shift_left3A_295 = arith.shli %shift_right_arithmetic3A_294, %broadcast_in_dim3A_127 : vector<16xi32>
    %and3A_296 = arith.andi %get3A_293, %broadcast_in_dim3A_133 : vector<16xi32>
    %or3A_297 = arith.ori %shift_left3A_295, %and3A_296 : vector<16xi32>
    %swap3A_298 = arith.constant 80 : index
    %swap3A_299 = tpu.vector_load %arg14[%swap3A_298] {strides = array<i32>} : memref<128xi32, #tpu.memory_space<vmem>>, vector<16xi32>,
    tpu.vector_store %arg14[%swap3A_298], %or3A_297 {strides = array<i32>} : memref<128xi32, #tpu.memory_space<vmem>>, vector<16xi32>,
    %add3A_300 = arith.constant 128 : i32
    %add3A_301 = arith.addi %multiple_of3A_137, %add3A_300 : i32
    %add3A_302 = arith.constant 96 : i32
    %add3A_303 = arith.addi %add3A_301, %add3A_302 : i32
    %get3A_304 = arith.index_cast %add3A_303 : i32 to index
    %get3A_305 = tpu.vector_load %arg10[%get3A_304] {strides = array<i32>} : memref<10240xi32, #tpu.memory_space<vmem>>, vector<16xi32>,
    %shift_right_arithmetic3A_306 = arith.shrsi %get3A_305, %broadcast_in_dim3A_125 : vector<16xi32>
    %shift_left3A_307 = arith.shli %shift_right_arithmetic3A_306, %broadcast_in_dim3A_127 : vector<16xi32>
    %and3A_308 = arith.andi %get3A_305, %broadcast_in_dim3A_133 : vector<16xi32>
    %or3A_309 = arith.ori %shift_left3A_307, %and3A_308 : vector<16xi32>
    %swap3A_310 = arith.constant 96 : index
    %swap3A_311 = tpu.vector_load %arg14[%swap3A_310] {strides = array<i32>} : memref<128xi32, #tpu.memory_space<vmem>>, vector<16xi32>,
    tpu.vector_store %arg14[%swap3A_310], %or3A_309 {strides = array<i32>} : memref<128xi32, #tpu.memory_space<vmem>>, vector<16xi32>,
    %add3A_312 = arith.constant 128 : i32
    %add3A_313 = arith.addi %multiple_of3A_137, %add3A_312 : i32
    %add3A_314 = arith.constant 112 : i32
    %add3A_315 = arith.addi %add3A_313, %add3A_314 : i32
    %get3A_316 = arith.index_cast %add3A_315 : i32 to index
    %get3A_317 = tpu.vector_load %arg10[%get3A_316] {strides = array<i32>} : memref<10240xi32, #tpu.memory_space<vmem>>, vector<16xi32>,
    %shift_right_arithmetic3A_318 = arith.shrsi %get3A_317, %broadcast_in_dim3A_125 : vector<16xi32>
    %shift_left3A_319 = arith.shli %shift_right_arithmetic3A_318, %broadcast_in_dim3A_127 : vector<16xi32>
    %and3A_320 = arith.andi %get3A_317, %broadcast_in_dim3A_133 : vector<16xi32>
    %or3A_321 = arith.ori %shift_left3A_319, %and3A_320 : vector<16xi32>
    %swap3A_322 = arith.constant 112 : index
    %swap3A_323 = tpu.vector_load %arg14[%swap3A_322] {strides = array<i32>} : memref<128xi32, #tpu.memory_space<vmem>>, vector<16xi32>,
    tpu.vector_store %arg14[%swap3A_322], %or3A_321 {strides = array<i32>} : memref<128xi32, #tpu.memory_space<vmem>>, vector<16xi32>,
    %add3A_324 = arith.constant 256 : i32
    %add3A_325 = arith.addi %multiple_of3A_137, %add3A_324 : i32
    %add3A_326 = arith.constant 0 : i32
    %add3A_327 = arith.addi %add3A_325, %add3A_326 : i32
    %get3A_328 = arith.index_cast %add3A_327 : i32 to index
    %get3A_329 = tpu.vector_load %arg10[%get3A_328] {strides = array<i32>} : memref<10240xi32, #tpu.memory_space<vmem>>, vector<16xi32>,
    %shift_right_arithmetic3A_330 = arith.shrsi %get3A_329, %broadcast_in_dim3A_125 : vector<16xi32>
    %shift_left3A_331 = arith.shli %shift_right_arithmetic3A_330, %broadcast_in_dim3A_127 : vector<16xi32>
    %and3A_332 = arith.andi %get3A_329, %broadcast_in_dim3A_133 : vector<16xi32>
    %or3A_333 = arith.ori %shift_left3A_331, %and3A_332 : vector<16xi32>
    %swap3A_334 = arith.constant 0 : index
    %swap3A_335 = tpu.vector_load %arg15[%swap3A_334] {strides = array<i32>} : memref<64xi32, #tpu.memory_space<vmem>>, vector<16xi32>,
    tpu.vector_store %arg15[%swap3A_334], %or3A_333 {strides = array<i32>} : memref<64xi32, #tpu.memory_space<vmem>>, vector<16xi32>,
    %add3A_336 = arith.constant 256 : i32
    %add3A_337 = arith.addi %multiple_of3A_137, %add3A_336 : i32
    %add3A_338 = arith.constant 16 : i32
    %add3A_339 = arith.addi %add3A_337, %add3A_338 : i32
    %get3A_340 = arith.index_cast %add3A_339 : i32 to index
    %get3A_341 = tpu.vector_load %arg10[%get3A_340] {strides = array<i32>} : memref<10240xi32, #tpu.memory_space<vmem>>, vector<16xi32>,
    %shift_right_arithmetic3A_342 = arith.shrsi %get3A_341, %broadcast_in_dim3A_125 : vector<16xi32>
    %shift_left3A_343 = arith.shli %shift_right_arithmetic3A_342, %broadcast_in_dim3A_127 : vector<16xi32>
    %and3A_344 = arith.andi %get3A_341, %broadcast_in_dim3A_133 : vector<16xi32>
    %or3A_345 = arith.ori %shift_left3A_343, %and3A_344 : vector<16xi32>
    %swap3A_346 = arith.constant 16 : index
    %swap3A_347 = tpu.vector_load %arg15[%swap3A_346] {strides = array<i32>} : memref<64xi32, #tpu.memory_space<vmem>>, vector<16xi32>,
    tpu.vector_store %arg15[%swap3A_346], %or3A_345 {strides = array<i32>} : memref<64xi32, #tpu.memory_space<vmem>>, vector<16xi32>,
    %add3A_348 = arith.constant 256 : i32
    %add3A_349 = arith.addi %multiple_of3A_137, %add3A_348 : i32
    %add3A_350 = arith.constant 32 : i32
    %add3A_351 = arith.addi %add3A_349, %add3A_350 : i32
    %get3A_352 = arith.index_cast %add3A_351 : i32 to index
    %get3A_353 = tpu.vector_load %arg10[%get3A_352] {strides = array<i32>} : memref<10240xi32, #tpu.memory_space<vmem>>, vector<16xi32>,
    %shift_right_arithmetic3A_354 = arith.shrsi %get3A_353, %broadcast_in_dim3A_125 : vector<16xi32>
    %shift_left3A_355 = arith.shli %shift_right_arithmetic3A_354, %broadcast_in_dim3A_127 : vector<16xi32>
    %and3A_356 = arith.andi %get3A_353, %broadcast_in_dim3A_133 : vector<16xi32>
    %or3A_357 = arith.ori %shift_left3A_355, %and3A_356 : vector<16xi32>
    %swap3A_358 = arith.constant 32 : index
    %swap3A_359 = tpu.vector_load %arg15[%swap3A_358] {strides = array<i32>} : memref<64xi32, #tpu.memory_space<vmem>>, vector<16xi32>,
    tpu.vector_store %arg15[%swap3A_358], %or3A_357 {strides = array<i32>} : memref<64xi32, #tpu.memory_space<vmem>>, vector<16xi32>,
    %add3A_360 = arith.constant 256 : i32
    %add3A_361 = arith.addi %multiple_of3A_137, %add3A_360 : i32
    %add3A_362 = arith.constant 48 : i32
    %add3A_363 = arith.addi %add3A_361, %add3A_362 : i32
    %get3A_364 = arith.index_cast %add3A_363 : i32 to index
    %get3A_365 = tpu.vector_load %arg10[%get3A_364] {strides = array<i32>} : memref<10240xi32, #tpu.memory_space<vmem>>, vector<16xi32>,
    %shift_right_arithmetic3A_366 = arith.shrsi %get3A_365, %broadcast_in_dim3A_125 : vector<16xi32>
    %shift_left3A_367 = arith.shli %shift_right_arithmetic3A_366, %broadcast_in_dim3A_127 : vector<16xi32>
    %and3A_368 = arith.andi %get3A_365, %broadcast_in_dim3A_133 : vector<16xi32>
    %or3A_369 = arith.ori %shift_left3A_367, %and3A_368 : vector<16xi32>
    %swap3A_370 = arith.constant 48 : index
    %swap3A_371 = tpu.vector_load %arg15[%swap3A_370] {strides = array<i32>} : memref<64xi32, #tpu.memory_space<vmem>>, vector<16xi32>,
    tpu.vector_store %arg15[%swap3A_370], %or3A_369 {strides = array<i32>} : memref<64xi32, #tpu.memory_space<vmem>>, vector<16xi32>,
    %dma_start3A = arith.constant 0 : i32
    %dma_start3A_372 = arith.constant 0 : i32
    %dma_start3A_373 = tpu.memref_slice %arg5[%dma_start3A, %dma_start3A_372] : memref<503808x128xf32, #tpu.memory_space<hbm>> -> memref<503808x128xf32, #tpu.memory_space<hbm>>
    tpu.enqueue_indirect_dma source(%dma_start3A_373 : memref<503808x128xf32, #tpu.memory_space<hbm>>) target(%arg21 : memref<16x128xf32, #tpu.memory_space<vmem>>) offsets(%arg11 : memref<16xi32, #tpu.memory_space<vmem>>) semaphore(%arg28 : memref<!tpu.dma_semaphore, #tpu.memory_space<semaphore_mem>>)
    %dma_start3A_374 = arith.constant 0 : i32
    %dma_start3A_375 = arith.constant 0 : i32
    %dma_start3A_376 = tpu.memref_slice %arg6[%dma_start3A_374, %dma_start3A_375] : memref<503808x128xf32, #tpu.memory_space<hbm>> -> memref<503808x128xf32, #tpu.memory_space<hbm>>
    tpu.enqueue_indirect_dma source(%dma_start3A_376 : memref<503808x128xf32, #tpu.memory_space<hbm>>) target(%arg22 : memref<16x128xf32, #tpu.memory_space<vmem>>) offsets(%arg12 : memref<16xi32, #tpu.memory_space<vmem>>) semaphore(%arg28 : memref<!tpu.dma_semaphore, #tpu.memory_space<semaphore_mem>>)
    %dma_start3A_377 = arith.constant 0 : i32
    %dma_start3A_378 = arith.constant 0 : i32
    %dma_start3A_379 = tpu.memref_slice %arg23[%dma_start3A_377, %dma_start3A_378] : memref<320x128xf32, #tpu.memory_space<vmem>> -> memref<128x128xf32, #tpu.memory_space<vmem>>
    %dma_start3A_380 = arith.constant 0 : i32
    %dma_start3A_381 = arith.constant 0 : i32
    %dma_start3A_382 = tpu.memref_slice %arg6[%dma_start3A_380, %dma_start3A_381] : memref<503808x128xf32, #tpu.memory_space<hbm>> -> memref<503808x128xf32, #tpu.memory_space<hbm>>
    tpu.enqueue_indirect_dma source(%dma_start3A_382 : memref<503808x128xf32, #tpu.memory_space<hbm>>) target(%dma_start3A_379 : memref<128x128xf32, #tpu.memory_space<vmem>>) offsets(%arg13 : memref<128xi32, #tpu.memory_space<vmem>>) semaphore(%arg28 : memref<!tpu.dma_semaphore, #tpu.memory_space<semaphore_mem>>)
    %dma_start3A_383 = arith.constant 128 : i32
    %dma_start3A_384 = arith.constant 0 : i32
    %dma_start3A_385 = tpu.memref_slice %arg23[%dma_start3A_383, %dma_start3A_384] : memref<320x128xf32, #tpu.memory_space<vmem>> -> memref<128x128xf32, #tpu.memory_space<vmem>>
    %dma_start3A_386 = arith.constant 0 : i32
    %dma_start3A_387 = arith.constant 0 : i32
    %dma_start3A_388 = tpu.memref_slice %arg6[%dma_start3A_386, %dma_start3A_387] : memref<503808x128xf32, #tpu.memory_space<hbm>> -> memref<503808x128xf32, #tpu.memory_space<hbm>>
    tpu.enqueue_indirect_dma source(%dma_start3A_388 : memref<503808x128xf32, #tpu.memory_space<hbm>>) target(%dma_start3A_385 : memref<128x128xf32, #tpu.memory_space<vmem>>) offsets(%arg14 : memref<128xi32, #tpu.memory_space<vmem>>) semaphore(%arg28 : memref<!tpu.dma_semaphore, #tpu.memory_space<semaphore_mem>>)
    %dma_start3A_389 = arith.constant 256 : i32
    %dma_start3A_390 = arith.constant 0 : i32
    %dma_start3A_391 = tpu.memref_slice %arg23[%dma_start3A_389, %dma_start3A_390] : memref<320x128xf32, #tpu.memory_space<vmem>> -> memref<64x128xf32, #tpu.memory_space<vmem>>
    %dma_start3A_392 = arith.constant 0 : i32
    %dma_start3A_393 = arith.constant 0 : i32
    %dma_start3A_394 = tpu.memref_slice %arg6[%dma_start3A_392, %dma_start3A_393] : memref<503808x128xf32, #tpu.memory_space<hbm>> -> memref<503808x128xf32, #tpu.memory_space<hbm>>
    tpu.enqueue_indirect_dma source(%dma_start3A_394 : memref<503808x128xf32, #tpu.memory_space<hbm>>) target(%dma_start3A_391 : memref<64x128xf32, #tpu.memory_space<vmem>>) offsets(%arg15 : memref<64xi32, #tpu.memory_space<vmem>>) semaphore(%arg28 : memref<!tpu.dma_semaphore, #tpu.memory_space<semaphore_mem>>)
    %scan3A = arith.constant 0 : i32
    %scan3A_395 = arith.constant 0 : i32
    %scan3A_396 = arith.constant 16 : i32
    %scan3A_397 = arith.addi %scan3A_395, %scan3A_396 : i32
    %scan3A_398 = arith.constant 1 : i32
    scf.for %scan3A_400 = %scan3A_395 to %scan3A_397 step %scan3A_398  : i32 {
      %mul3A_401 = arith.constant 2 : i32
      %mul3A_402 = arith.muli %scan3A_400, %mul3A_401 : i32
      %add3A_403 = arith.constant 1 : i32
      %add3A_404 = arith.addi %mul3A_402, %add3A_403 : i32
      %mul3A_405 = arith.constant 16 : i32
      %mul3A_406 = arith.muli %add3A_404, %mul3A_405 : i32
      %multiple_of3A_407 = tpu.assume_multiple %mul3A_406, 16 : i32
      %mul3A_408 = arith.constant 320 : i32
      %mul3A_409 = arith.muli %add3A_404, %mul3A_408 : i32
      %multiple_of3A_410 = tpu.assume_multiple %mul3A_409, 64 : i32
      %get3A_411 = arith.index_cast %multiple_of3A_407 : i32 to index
      %get3A_412 = tpu.vector_load %arg8[%get3A_411] {strides = array<i32>} : memref<512xi32, #tpu.memory_space<vmem>>, vector<16xi32>,
      %shift_right_arithmetic3A_413 = arith.shrsi %get3A_412, %broadcast_in_dim3A_125 : vector<16xi32>
      %shift_left3A_414 = arith.shli %shift_right_arithmetic3A_413, %broadcast_in_dim3A_127 : vector<16xi32>
      %and3A_415 = arith.andi %get3A_412, %broadcast_in_dim3A_133 : vector<16xi32>
      %or3A_416 = arith.ori %shift_left3A_414, %and3A_415 : vector<16xi32>
      %swap3A_417 = arith.constant 0 : index
      %swap3A_418 = tpu.vector_load %arg16[%swap3A_417] {strides = array<i32>} : memref<16xi32, #tpu.memory_space<vmem>>, vector<16xi32>,
      tpu.vector_store %arg16[%swap3A_417], %or3A_416 {strides = array<i32>} : memref<16xi32, #tpu.memory_space<vmem>>, vector<16xi32>,
      %get3A_419 = arith.index_cast %multiple_of3A_407 : i32 to index
      %get3A_420 = tpu.vector_load %arg9[%get3A_419] {strides = array<i32>} : memref<512xi32, #tpu.memory_space<vmem>>, vector<16xi32>,
      %shift_right_arithmetic3A_421 = arith.shrsi %get3A_420, %broadcast_in_dim3A_125 : vector<16xi32>
      %shift_left3A_422 = arith.shli %shift_right_arithmetic3A_421, %broadcast_in_dim3A_127 : vector<16xi32>
      %and3A_423 = arith.andi %get3A_420, %broadcast_in_dim3A_133 : vector<16xi32>
      %or3A_424 = arith.ori %shift_left3A_422, %and3A_423 : vector<16xi32>
      %swap3A_425 = arith.constant 0 : index
      %swap3A_426 = tpu.vector_load %arg17[%swap3A_425] {strides = array<i32>} : memref<16xi32, #tpu.memory_space<vmem>>, vector<16xi32>,
      tpu.vector_store %arg17[%swap3A_425], %or3A_424 {strides = array<i32>} : memref<16xi32, #tpu.memory_space<vmem>>, vector<16xi32>,
      %add3A_427 = arith.constant 0 : i32
      %add3A_428 = arith.addi %multiple_of3A_410, %add3A_427 : i32
      %get3A_429 = arith.index_cast %add3A_428 : i32 to index
      %get3A_430 = tpu.vector_load %arg10[%get3A_429] {strides = array<i32>} : memref<10240xi32, #tpu.memory_space<vmem>>, vector<16xi32>,
      %shift_right_arithmetic3A_431 = arith.shrsi %get3A_430, %broadcast_in_dim3A_125 : vector<16xi32>
      %shift_left3A_432 = arith.shli %shift_right_arithmetic3A_431, %broadcast_in_dim3A_127 : vector<16xi32>
      %and3A_433 = arith.andi %get3A_430, %broadcast_in_dim3A_133 : vector<16xi32>
      %or3A_434 = arith.ori %shift_left3A_432, %and3A_433 : vector<16xi32>
      %swap3A_435 = arith.constant 0 : index
      %swap3A_436 = tpu.vector_load %arg18[%swap3A_435] {strides = array<i32>} : memref<128xi32, #tpu.memory_space<vmem>>, vector<16xi32>,
      tpu.vector_store %arg18[%swap3A_435], %or3A_434 {strides = array<i32>} : memref<128xi32, #tpu.memory_space<vmem>>, vector<16xi32>,
      %add3A_437 = arith.constant 16 : i32
      %add3A_438 = arith.addi %multiple_of3A_410, %add3A_437 : i32
      %get3A_439 = arith.index_cast %add3A_438 : i32 to index
      %get3A_440 = tpu.vector_load %arg10[%get3A_439] {strides = array<i32>} : memref<10240xi32, #tpu.memory_space<vmem>>, vector<16xi32>,
      %shift_right_arithmetic3A_441 = arith.shrsi %get3A_440, %broadcast_in_dim3A_125 : vector<16xi32>
      %shift_left3A_442 = arith.shli %shift_right_arithmetic3A_441, %broadcast_in_dim3A_127 : vector<16xi32>
      %and3A_443 = arith.andi %get3A_440, %broadcast_in_dim3A_133 : vector<16xi32>
      %or3A_444 = arith.ori %shift_left3A_442, %and3A_443 : vector<16xi32>
      %swap3A_445 = arith.constant 16 : index
      %swap3A_446 = tpu.vector_load %arg18[%swap3A_445] {strides = array<i32>} : memref<128xi32, #tpu.memory_space<vmem>>, vector<16xi32>,
      tpu.vector_store %arg18[%swap3A_445], %or3A_444 {strides = array<i32>} : memref<128xi32, #tpu.memory_space<vmem>>, vector<16xi32>,
      %add3A_447 = arith.constant 32 : i32
      %add3A_448 = arith.addi %multiple_of3A_410, %add3A_447 : i32
      %get3A_449 = arith.index_cast %add3A_448 : i32 to index
      %get3A_450 = tpu.vector_load %arg10[%get3A_449] {strides = array<i32>} : memref<10240xi32, #tpu.memory_space<vmem>>, vector<16xi32>,
      %shift_right_arithmetic3A_451 = arith.shrsi %get3A_450, %broadcast_in_dim3A_125 : vector<16xi32>
      %shift_left3A_452 = arith.shli %shift_right_arithmetic3A_451, %broadcast_in_dim3A_127 : vector<16xi32>
      %and3A_453 = arith.andi %get3A_450, %broadcast_in_dim3A_133 : vector<16xi32>
      %or3A_454 = arith.ori %shift_left3A_452, %and3A_453 : vector<16xi32>
      %swap3A_455 = arith.constant 32 : index
      %swap3A_456 = tpu.vector_load %arg18[%swap3A_455] {strides = array<i32>} : memref<128xi32, #tpu.memory_space<vmem>>, vector<16xi32>,
      tpu.vector_store %arg18[%swap3A_455], %or3A_454 {strides = array<i32>} : memref<128xi32, #tpu.memory_space<vmem>>, vector<16xi32>,
      %add3A_457 = arith.constant 48 : i32
      %add3A_458 = arith.addi %multiple_of3A_410, %add3A_457 : i32
      %get3A_459 = arith.index_cast %add3A_458 : i32 to index
      %get3A_460 = tpu.vector_load %arg10[%get3A_459] {strides = array<i32>} : memref<10240xi32, #tpu.memory_space<vmem>>, vector<16xi32>,
      %shift_right_arithmetic3A_461 = arith.shrsi %get3A_460, %broadcast_in_dim3A_125 : vector<16xi32>
      %shift_left3A_462 = arith.shli %shift_right_arithmetic3A_461, %broadcast_in_dim3A_127 : vector<16xi32>
      %and3A_463 = arith.andi %get3A_460, %broadcast_in_dim3A_133 : vector<16xi32>
      %or3A_464 = arith.ori %shift_left3A_462, %and3A_463 : vector<16xi32>
      %swap3A_465 = arith.constant 48 : index
      %swap3A_466 = tpu.vector_load %arg18[%swap3A_465] {strides = array<i32>} : memref<128xi32, #tpu.memory_space<vmem>>, vector<16xi32>,
      tpu.vector_store %arg18[%swap3A_465], %or3A_464 {strides = array<i32>} : memref<128xi32, #tpu.memory_space<vmem>>, vector<16xi32>,
      %add3A_467 = arith.constant 64 : i32
      %add3A_468 = arith.addi %multiple_of3A_410, %add3A_467 : i32
      %get3A_469 = arith.index_cast %add3A_468 : i32 to index
      %get3A_470 = tpu.vector_load %arg10[%get3A_469] {strides = array<i32>} : memref<10240xi32, #tpu.memory_space<vmem>>, vector<16xi32>,
      %shift_right_arithmetic3A_471 = arith.shrsi %get3A_470, %broadcast_in_dim3A_125 : vector<16xi32>
      %shift_left3A_472 = arith.shli %shift_right_arithmetic3A_471, %broadcast_in_dim3A_127 : vector<16xi32>
      %and3A_473 = arith.andi %get3A_470, %broadcast_in_dim3A_133 : vector<16xi32>
      %or3A_474 = arith.ori %shift_left3A_472, %and3A_473 : vector<16xi32>
      %swap3A_475 = arith.constant 64 : index
      %swap3A_476 = tpu.vector_load %arg18[%swap3A_475] {strides = array<i32>} : memref<128xi32, #tpu.memory_space<vmem>>, vector<16xi32>,
      tpu.vector_store %arg18[%swap3A_475], %or3A_474 {strides = array<i32>} : memref<128xi32, #tpu.memory_space<vmem>>, vector<16xi32>,
      %add3A_477 = arith.constant 80 : i32
      %add3A_478 = arith.addi %multiple_of3A_410, %add3A_477 : i32
      %get3A_479 = arith.index_cast %add3A_478 : i32 to index
      %get3A_480 = tpu.vector_load %arg10[%get3A_479] {strides = array<i32>} : memref<10240xi32, #tpu.memory_space<vmem>>, vector<16xi32>,
      %shift_right_arithmetic3A_481 = arith.shrsi %get3A_480, %broadcast_in_dim3A_125 : vector<16xi32>
      %shift_left3A_482 = arith.shli %shift_right_arithmetic3A_481, %broadcast_in_dim3A_127 : vector<16xi32>
      %and3A_483 = arith.andi %get3A_480, %broadcast_in_dim3A_133 : vector<16xi32>
      %or3A_484 = arith.ori %shift_left3A_482, %and3A_483 : vector<16xi32>
      %swap3A_485 = arith.constant 80 : index
      %swap3A_486 = tpu.vector_load %arg18[%swap3A_485] {strides = array<i32>} : memref<128xi32, #tpu.memory_space<vmem>>, vector<16xi32>,
      tpu.vector_store %arg18[%swap3A_485], %or3A_484 {strides = array<i32>} : memref<128xi32, #tpu.memory_space<vmem>>, vector<16xi32>,
      %add3A_487 = arith.constant 96 : i32
      %add3A_488 = arith.addi %multiple_of3A_410, %add3A_487 : i32
      %get3A_489 = arith.index_cast %add3A_488 : i32 to index
      %get3A_490 = tpu.vector_load %arg10[%get3A_489] {strides = array<i32>} : memref<10240xi32, #tpu.memory_space<vmem>>, vector<16xi32>,
      %shift_right_arithmetic3A_491 = arith.shrsi %get3A_490, %broadcast_in_dim3A_125 : vector<16xi32>
      %shift_left3A_492 = arith.shli %shift_right_arithmetic3A_491, %broadcast_in_dim3A_127 : vector<16xi32>
      %and3A_493 = arith.andi %get3A_490, %broadcast_in_dim3A_133 : vector<16xi32>
      %or3A_494 = arith.ori %shift_left3A_492, %and3A_493 : vector<16xi32>
      %swap3A_495 = arith.constant 96 : index
      %swap3A_496 = tpu.vector_load %arg18[%swap3A_495] {strides = array<i32>} : memref<128xi32, #tpu.memory_space<vmem>>, vector<16xi32>,
      tpu.vector_store %arg18[%swap3A_495], %or3A_494 {strides = array<i32>} : memref<128xi32, #tpu.memory_space<vmem>>, vector<16xi32>,
      %add3A_497 = arith.constant 112 : i32
      %add3A_498 = arith.addi %multiple_of3A_410, %add3A_497 : i32
      %get3A_499 = arith.index_cast %add3A_498 : i32 to index
      %get3A_500 = tpu.vector_load %arg10[%get3A_499] {strides = array<i32>} : memref<10240xi32, #tpu.memory_space<vmem>>, vector<16xi32>,
      %shift_right_arithmetic3A_501 = arith.shrsi %get3A_500, %broadcast_in_dim3A_125 : vector<16xi32>
      %shift_left3A_502 = arith.shli %shift_right_arithmetic3A_501, %broadcast_in_dim3A_127 : vector<16xi32>
      %and3A_503 = arith.andi %get3A_500, %broadcast_in_dim3A_133 : vector<16xi32>
      %or3A_504 = arith.ori %shift_left3A_502, %and3A_503 : vector<16xi32>
      %swap3A_505 = arith.constant 112 : index
      %swap3A_506 = tpu.vector_load %arg18[%swap3A_505] {strides = array<i32>} : memref<128xi32, #tpu.memory_space<vmem>>, vector<16xi32>,
      tpu.vector_store %arg18[%swap3A_505], %or3A_504 {strides = array<i32>} : memref<128xi32, #tpu.memory_space<vmem>>, vector<16xi32>,
      %add3A_507 = arith.constant 128 : i32
      %add3A_508 = arith.addi %multiple_of3A_410, %add3A_507 : i32
      %add3A_509 = arith.constant 0 : i32
      %add3A_510 = arith.addi %add3A_508, %add3A_509 : i32
      %get3A_511 = arith.index_cast %add3A_510 : i32 to index
      %get3A_512 = tpu.vector_load %arg10[%get3A_511] {strides = array<i32>} : memref<10240xi32, #tpu.memory_space<vmem>>, vector<16xi32>,
      %shift_right_arithmetic3A_513 = arith.shrsi %get3A_512, %broadcast_in_dim3A_125 : vector<16xi32>
      %shift_left3A_514 = arith.shli %shift_right_arithmetic3A_513, %broadcast_in_dim3A_127 : vector<16xi32>
      %and3A_515 = arith.andi %get3A_512, %broadcast_in_dim3A_133 : vector<16xi32>
      %or3A_516 = arith.ori %shift_left3A_514, %and3A_515 : vector<16xi32>
      %swap3A_517 = arith.constant 0 : index
      %swap3A_518 = tpu.vector_load %arg19[%swap3A_517] {strides = array<i32>} : memref<128xi32, #tpu.memory_space<vmem>>, vector<16xi32>,
      tpu.vector_store %arg19[%swap3A_517], %or3A_516 {strides = array<i32>} : memref<128xi32, #tpu.memory_space<vmem>>, vector<16xi32>,
      %add3A_519 = arith.constant 128 : i32
      %add3A_520 = arith.addi %multiple_of3A_410, %add3A_519 : i32
      %add3A_521 = arith.constant 16 : i32
      %add3A_522 = arith.addi %add3A_520, %add3A_521 : i32
      %get3A_523 = arith.index_cast %add3A_522 : i32 to index
      %get3A_524 = tpu.vector_load %arg10[%get3A_523] {strides = array<i32>} : memref<10240xi32, #tpu.memory_space<vmem>>, vector<16xi32>,
      %shift_right_arithmetic3A_525 = arith.shrsi %get3A_524, %broadcast_in_dim3A_125 : vector<16xi32>
      %shift_left3A_526 = arith.shli %shift_right_arithmetic3A_525, %broadcast_in_dim3A_127 : vector<16xi32>
      %and3A_527 = arith.andi %get3A_524, %broadcast_in_dim3A_133 : vector<16xi32>
      %or3A_528 = arith.ori %shift_left3A_526, %and3A_527 : vector<16xi32>
      %swap3A_529 = arith.constant 16 : index
      %swap3A_530 = tpu.vector_load %arg19[%swap3A_529] {strides = array<i32>} : memref<128xi32, #tpu.memory_space<vmem>>, vector<16xi32>,
      tpu.vector_store %arg19[%swap3A_529], %or3A_528 {strides = array<i32>} : memref<128xi32, #tpu.memory_space<vmem>>, vector<16xi32>,
      %add3A_531 = arith.constant 128 : i32
      %add3A_532 = arith.addi %multiple_of3A_410, %add3A_531 : i32
      %add3A_533 = arith.constant 32 : i32
      %add3A_534 = arith.addi %add3A_532, %add3A_533 : i32
      %get3A_535 = arith.index_cast %add3A_534 : i32 to index
      %get3A_536 = tpu.vector_load %arg10[%get3A_535] {strides = array<i32>} : memref<10240xi32, #tpu.memory_space<vmem>>, vector<16xi32>,
      %shift_right_arithmetic3A_537 = arith.shrsi %get3A_536, %broadcast_in_dim3A_125 : vector<16xi32>
      %shift_left3A_538 = arith.shli %shift_right_arithmetic3A_537, %broadcast_in_dim3A_127 : vector<16xi32>
      %and3A_539 = arith.andi %get3A_536, %broadcast_in_dim3A_133 : vector<16xi32>
      %or3A_540 = arith.ori %shift_left3A_538, %and3A_539 : vector<16xi32>
      %swap3A_541 = arith.constant 32 : index
      %swap3A_542 = tpu.vector_load %arg19[%swap3A_541] {strides = array<i32>} : memref<128xi32, #tpu.memory_space<vmem>>, vector<16xi32>,
      tpu.vector_store %arg19[%swap3A_541], %or3A_540 {strides = array<i32>} : memref<128xi32, #tpu.memory_space<vmem>>, vector<16xi32>,
      %add3A_543 = arith.constant 128 : i32
      %add3A_544 = arith.addi %multiple_of3A_410, %add3A_543 : i32
      %add3A_545 = arith.constant 48 : i32
      %add3A_546 = arith.addi %add3A_544, %add3A_545 : i32
      %get3A_547 = arith.index_cast %add3A_546 : i32 to index
      %get3A_548 = tpu.vector_load %arg10[%get3A_547] {strides = array<i32>} : memref<10240xi32, #tpu.memory_space<vmem>>, vector<16xi32>,
      %shift_right_arithmetic3A_549 = arith.shrsi %get3A_548, %broadcast_in_dim3A_125 : vector<16xi32>
      %shift_left3A_550 = arith.shli %shift_right_arithmetic3A_549, %broadcast_in_dim3A_127 : vector<16xi32>
      %and3A_551 = arith.andi %get3A_548, %broadcast_in_dim3A_133 : vector<16xi32>
      %or3A_552 = arith.ori %shift_left3A_550, %and3A_551 : vector<16xi32>
      %swap3A_553 = arith.constant 48 : index
      %swap3A_554 = tpu.vector_load %arg19[%swap3A_553] {strides = array<i32>} : memref<128xi32, #tpu.memory_space<vmem>>, vector<16xi32>,
      tpu.vector_store %arg19[%swap3A_553], %or3A_552 {strides = array<i32>} : memref<128xi32, #tpu.memory_space<vmem>>, vector<16xi32>,
      %add3A_555 = arith.constant 128 : i32
      %add3A_556 = arith.addi %multiple_of3A_410, %add3A_555 : i32
      %add3A_557 = arith.constant 64 : i32
      %add3A_558 = arith.addi %add3A_556, %add3A_557 : i32
      %get3A_559 = arith.index_cast %add3A_558 : i32 to index
      %get3A_560 = tpu.vector_load %arg10[%get3A_559] {strides = array<i32>} : memref<10240xi32, #tpu.memory_space<vmem>>, vector<16xi32>,
      %shift_right_arithmetic3A_561 = arith.shrsi %get3A_560, %broadcast_in_dim3A_125 : vector<16xi32>
      %shift_left3A_562 = arith.shli %shift_right_arithmetic3A_561, %broadcast_in_dim3A_127 : vector<16xi32>
      %and3A_563 = arith.andi %get3A_560, %broadcast_in_dim3A_133 : vector<16xi32>
      %or3A_564 = arith.ori %shift_left3A_562, %and3A_563 : vector<16xi32>
      %swap3A_565 = arith.constant 64 : index
      %swap3A_566 = tpu.vector_load %arg19[%swap3A_565] {strides = array<i32>} : memref<128xi32, #tpu.memory_space<vmem>>, vector<16xi32>,
      tpu.vector_store %arg19[%swap3A_565], %or3A_564 {strides = array<i32>} : memref<128xi32, #tpu.memory_space<vmem>>, vector<16xi32>,
      %add3A_567 = arith.constant 128 : i32
      %add3A_568 = arith.addi %multiple_of3A_410, %add3A_567 : i32
      %add3A_569 = arith.constant 80 : i32
      %add3A_570 = arith.addi %add3A_568, %add3A_569 : i32
      %get3A_571 = arith.index_cast %add3A_570 : i32 to index
      %get3A_572 = tpu.vector_load %arg10[%get3A_571] {strides = array<i32>} : memref<10240xi32, #tpu.memory_space<vmem>>, vector<16xi32>,
      %shift_right_arithmetic3A_573 = arith.shrsi %get3A_572, %broadcast_in_dim3A_125 : vector<16xi32>
      %shift_left3A_574 = arith.shli %shift_right_arithmetic3A_573, %broadcast_in_dim3A_127 : vector<16xi32>
      %and3A_575 = arith.andi %get3A_572, %broadcast_in_dim3A_133 : vector<16xi32>
      %or3A_576 = arith.ori %shift_left3A_574, %and3A_575 : vector<16xi32>
      %swap3A_577 = arith.constant 80 : index
      %swap3A_578 = tpu.vector_load %arg19[%swap3A_577] {strides = array<i32>} : memref<128xi32, #tpu.memory_space<vmem>>, vector<16xi32>,
      tpu.vector_store %arg19[%swap3A_577], %or3A_576 {strides = array<i32>} : memref<128xi32, #tpu.memory_space<vmem>>, vector<16xi32>,
      %add3A_579 = arith.constant 128 : i32
      %add3A_580 = arith.addi %multiple_of3A_410, %add3A_579 : i32
      %add3A_581 = arith.constant 96 : i32
      %add3A_582 = arith.addi %add3A_580, %add3A_581 : i32
      %get3A_583 = arith.index_cast %add3A_582 : i32 to index
      %get3A_584 = tpu.vector_load %arg10[%get3A_583] {strides = array<i32>} : memref<10240xi32, #tpu.memory_space<vmem>>, vector<16xi32>,
      %shift_right_arithmetic3A_585 = arith.shrsi %get3A_584, %broadcast_in_dim3A_125 : vector<16xi32>
      %shift_left3A_586 = arith.shli %shift_right_arithmetic3A_585, %broadcast_in_dim3A_127 : vector<16xi32>
      %and3A_587 = arith.andi %get3A_584, %broadcast_in_dim3A_133 : vector<16xi32>
      %or3A_588 = arith.ori %shift_left3A_586, %and3A_587 : vector<16xi32>
      %swap3A_589 = arith.constant 96 : index
      %swap3A_590 = tpu.vector_load %arg19[%swap3A_589] {strides = array<i32>} : memref<128xi32, #tpu.memory_space<vmem>>, vector<16xi32>,
      tpu.vector_store %arg19[%swap3A_589], %or3A_588 {strides = array<i32>} : memref<128xi32, #tpu.memory_space<vmem>>, vector<16xi32>,
      %add3A_591 = arith.constant 128 : i32
      %add3A_592 = arith.addi %multiple_of3A_410, %add3A_591 : i32
      %add3A_593 = arith.constant 112 : i32
      %add3A_594 = arith.addi %add3A_592, %add3A_593 : i32
      %get3A_595 = arith.index_cast %add3A_594 : i32 to index
      %get3A_596 = tpu.vector_load %arg10[%get3A_595] {strides = array<i32>} : memref<10240xi32, #tpu.memory_space<vmem>>, vector<16xi32>,
      %shift_right_arithmetic3A_597 = arith.shrsi %get3A_596, %broadcast_in_dim3A_125 : vector<16xi32>
      %shift_left3A_598 = arith.shli %shift_right_arithmetic3A_597, %broadcast_in_dim3A_127 : vector<16xi32>
      %and3A_599 = arith.andi %get3A_596, %broadcast_in_dim3A_133 : vector<16xi32>
      %or3A_600 = arith.ori %shift_left3A_598, %and3A_599 : vector<16xi32>
      %swap3A_601 = arith.constant 112 : index
      %swap3A_602 = tpu.vector_load %arg19[%swap3A_601] {strides = array<i32>} : memref<128xi32, #tpu.memory_space<vmem>>, vector<16xi32>,
      tpu.vector_store %arg19[%swap3A_601], %or3A_600 {strides = array<i32>} : memref<128xi32, #tpu.memory_space<vmem>>, vector<16xi32>,
      %add3A_603 = arith.constant 256 : i32
      %add3A_604 = arith.addi %multiple_of3A_410, %add3A_603 : i32
      %add3A_605 = arith.constant 0 : i32
      %add3A_606 = arith.addi %add3A_604, %add3A_605 : i32
      %get3A_607 = arith.index_cast %add3A_606 : i32 to index
      %get3A_608 = tpu.vector_load %arg10[%get3A_607] {strides = array<i32>} : memref<10240xi32, #tpu.memory_space<vmem>>, vector<16xi32>,
      %shift_right_arithmetic3A_609 = arith.shrsi %get3A_608, %broadcast_in_dim3A_125 : vector<16xi32>
      %shift_left3A_610 = arith.shli %shift_right_arithmetic3A_609, %broadcast_in_dim3A_127 : vector<16xi32>
      %and3A_611 = arith.andi %get3A_608, %broadcast_in_dim3A_133 : vector<16xi32>
      %or3A_612 = arith.ori %shift_left3A_610, %and3A_611 : vector<16xi32>
      %swap3A_613 = arith.constant 0 : index
      %swap3A_614 = tpu.vector_load %arg20[%swap3A_613] {strides = array<i32>} : memref<64xi32, #tpu.memory_space<vmem>>, vector<16xi32>,
      tpu.vector_store %arg20[%swap3A_613], %or3A_612 {strides = array<i32>} : memref<64xi32, #tpu.memory_space<vmem>>, vector<16xi32>,
      %add3A_615 = arith.constant 256 : i32
      %add3A_616 = arith.addi %multiple_of3A_410, %add3A_615 : i32
      %add3A_617 = arith.constant 16 : i32
      %add3A_618 = arith.addi %add3A_616, %add3A_617 : i32
      %get3A_619 = arith.index_cast %add3A_618 : i32 to index
      %get3A_620 = tpu.vector_load %arg10[%get3A_619] {strides = array<i32>} : memref<10240xi32, #tpu.memory_space<vmem>>, vector<16xi32>,
      %shift_right_arithmetic3A_621 = arith.shrsi %get3A_620, %broadcast_in_dim3A_125 : vector<16xi32>
      %shift_left3A_622 = arith.shli %shift_right_arithmetic3A_621, %broadcast_in_dim3A_127 : vector<16xi32>
      %and3A_623 = arith.andi %get3A_620, %broadcast_in_dim3A_133 : vector<16xi32>
      %or3A_624 = arith.ori %shift_left3A_622, %and3A_623 : vector<16xi32>
      %swap3A_625 = arith.constant 16 : index
      %swap3A_626 = tpu.vector_load %arg20[%swap3A_625] {strides = array<i32>} : memref<64xi32, #tpu.memory_space<vmem>>, vector<16xi32>,
      tpu.vector_store %arg20[%swap3A_625], %or3A_624 {strides = array<i32>} : memref<64xi32, #tpu.memory_space<vmem>>, vector<16xi32>,
      %add3A_627 = arith.constant 256 : i32
      %add3A_628 = arith.addi %multiple_of3A_410, %add3A_627 : i32
      %add3A_629 = arith.constant 32 : i32
      %add3A_630 = arith.addi %add3A_628, %add3A_629 : i32
      %get3A_631 = arith.index_cast %add3A_630 : i32 to index
      %get3A_632 = tpu.vector_load %arg10[%get3A_631] {strides = array<i32>} : memref<10240xi32, #tpu.memory_space<vmem>>, vector<16xi32>,
      %shift_right_arithmetic3A_633 = arith.shrsi %get3A_632, %broadcast_in_dim3A_125 : vector<16xi32>
      %shift_left3A_634 = arith.shli %shift_right_arithmetic3A_633, %broadcast_in_dim3A_127 : vector<16xi32>
      %and3A_635 = arith.andi %get3A_632, %broadcast_in_dim3A_133 : vector<16xi32>
      %or3A_636 = arith.ori %shift_left3A_634, %and3A_635 : vector<16xi32>
      %swap3A_637 = arith.constant 32 : index
      %swap3A_638 = tpu.vector_load %arg20[%swap3A_637] {strides = array<i32>} : memref<64xi32, #tpu.memory_space<vmem>>, vector<16xi32>,
      tpu.vector_store %arg20[%swap3A_637], %or3A_636 {strides = array<i32>} : memref<64xi32, #tpu.memory_space<vmem>>, vector<16xi32>,
      %add3A_639 = arith.constant 256 : i32
      %add3A_640 = arith.addi %multiple_of3A_410, %add3A_639 : i32
      %add3A_641 = arith.constant 48 : i32
      %add3A_642 = arith.addi %add3A_640, %add3A_641 : i32
      %get3A_643 = arith.index_cast %add3A_642 : i32 to index
      %get3A_644 = tpu.vector_load %arg10[%get3A_643] {strides = array<i32>} : memref<10240xi32, #tpu.memory_space<vmem>>, vector<16xi32>,
      %shift_right_arithmetic3A_645 = arith.shrsi %get3A_644, %broadcast_in_dim3A_125 : vector<16xi32>
      %shift_left3A_646 = arith.shli %shift_right_arithmetic3A_645, %broadcast_in_dim3A_127 : vector<16xi32>
      %and3A_647 = arith.andi %get3A_644, %broadcast_in_dim3A_133 : vector<16xi32>
      %or3A_648 = arith.ori %shift_left3A_646, %and3A_647 : vector<16xi32>
      %swap3A_649 = arith.constant 48 : index
      %swap3A_650 = tpu.vector_load %arg20[%swap3A_649] {strides = array<i32>} : memref<64xi32, #tpu.memory_space<vmem>>, vector<16xi32>,
      tpu.vector_store %arg20[%swap3A_649], %or3A_648 {strides = array<i32>} : memref<64xi32, #tpu.memory_space<vmem>>, vector<16xi32>,
      %dma_start3A_651 = arith.constant 0 : i32
      %dma_start3A_652 = arith.constant 0 : i32
      %dma_start3A_653 = tpu.memref_slice %arg5[%dma_start3A_651, %dma_start3A_652] : memref<503808x128xf32, #tpu.memory_space<hbm>> -> memref<503808x128xf32, #tpu.memory_space<hbm>>
      tpu.enqueue_indirect_dma source(%dma_start3A_653 : memref<503808x128xf32, #tpu.memory_space<hbm>>) target(%arg24 : memref<16x128xf32, #tpu.memory_space<vmem>>) offsets(%arg16 : memref<16xi32, #tpu.memory_space<vmem>>) semaphore(%arg29 : memref<!tpu.dma_semaphore, #tpu.memory_space<semaphore_mem>>)
      %dma_start3A_654 = arith.constant 0 : i32
      %dma_start3A_655 = arith.constant 0 : i32
      %dma_start3A_656 = tpu.memref_slice %arg6[%dma_start3A_654, %dma_start3A_655] : memref<503808x128xf32, #tpu.memory_space<hbm>> -> memref<503808x128xf32, #tpu.memory_space<hbm>>
      tpu.enqueue_indirect_dma source(%dma_start3A_656 : memref<503808x128xf32, #tpu.memory_space<hbm>>) target(%arg25 : memref<16x128xf32, #tpu.memory_space<vmem>>) offsets(%arg17 : memref<16xi32, #tpu.memory_space<vmem>>) semaphore(%arg29 : memref<!tpu.dma_semaphore, #tpu.memory_space<semaphore_mem>>)
      %dma_start3A_657 = arith.constant 0 : i32
      %dma_start3A_658 = arith.constant 0 : i32
      %dma_start3A_659 = tpu.memref_slice %arg26[%dma_start3A_657, %dma_start3A_658] : memref<320x128xf32, #tpu.memory_space<vmem>> -> memref<128x128xf32, #tpu.memory_space<vmem>>
      %dma_start3A_660 = arith.constant 0 : i32
      %dma_start3A_661 = arith.constant 0 : i32
      %dma_start3A_662 = tpu.memref_slice %arg6[%dma_start3A_660, %dma_start3A_661] : memref<503808x128xf32, #tpu.memory_space<hbm>> -> memref<503808x128xf32, #tpu.memory_space<hbm>>
      tpu.enqueue_indirect_dma source(%dma_start3A_662 : memref<503808x128xf32, #tpu.memory_space<hbm>>) target(%dma_start3A_659 : memref<128x128xf32, #tpu.memory_space<vmem>>) offsets(%arg18 : memref<128xi32, #tpu.memory_space<vmem>>) semaphore(%arg29 : memref<!tpu.dma_semaphore, #tpu.memory_space<semaphore_mem>>)
      %dma_start3A_663 = arith.constant 128 : i32
      %dma_start3A_664 = arith.constant 0 : i32
      %dma_start3A_665 = tpu.memref_slice %arg26[%dma_start3A_663, %dma_start3A_664] : memref<320x128xf32, #tpu.memory_space<vmem>> -> memref<128x128xf32, #tpu.memory_space<vmem>>
      %dma_start3A_666 = arith.constant 0 : i32
      %dma_start3A_667 = arith.constant 0 : i32
      %dma_start3A_668 = tpu.memref_slice %arg6[%dma_start3A_666, %dma_start3A_667] : memref<503808x128xf32, #tpu.memory_space<hbm>> -> memref<503808x128xf32, #tpu.memory_space<hbm>>
      tpu.enqueue_indirect_dma source(%dma_start3A_668 : memref<503808x128xf32, #tpu.memory_space<hbm>>) target(%dma_start3A_665 : memref<128x128xf32, #tpu.memory_space<vmem>>) offsets(%arg19 : memref<128xi32, #tpu.memory_space<vmem>>) semaphore(%arg29 : memref<!tpu.dma_semaphore, #tpu.memory_space<semaphore_mem>>)
      %dma_start3A_669 = arith.constant 256 : i32
      %dma_start3A_670 = arith.constant 0 : i32
      %dma_start3A_671 = tpu.memref_slice %arg26[%dma_start3A_669, %dma_start3A_670] : memref<320x128xf32, #tpu.memory_space<vmem>> -> memref<64x128xf32, #tpu.memory_space<vmem>>
      %dma_start3A_672 = arith.constant 0 : i32
      %dma_start3A_673 = arith.constant 0 : i32
      %dma_start3A_674 = tpu.memref_slice %arg6[%dma_start3A_672, %dma_start3A_673] : memref<503808x128xf32, #tpu.memory_space<hbm>> -> memref<503808x128xf32, #tpu.memory_space<hbm>>
      tpu.enqueue_indirect_dma source(%dma_start3A_674 : memref<503808x128xf32, #tpu.memory_space<hbm>>) target(%dma_start3A_671 : memref<64x128xf32, #tpu.memory_space<vmem>>) offsets(%arg20 : memref<64xi32, #tpu.memory_space<vmem>>) semaphore(%arg29 : memref<!tpu.dma_semaphore, #tpu.memory_space<semaphore_mem>>)
      %dma_wait3A = arith.constant 0 : i32
      %dma_wait3A_675 = arith.constant 0 : i32
      %dma_wait3A_676 = tpu.memref_slice %arg5[%dma_wait3A, %dma_wait3A_675] : memref<503808x128xf32, #tpu.memory_space<hbm>> -> memref<503808x128xf32, #tpu.memory_space<hbm>>
      tpu.wait_indirect_dma semaphore(%arg28 : memref<!tpu.dma_semaphore, #tpu.memory_space<semaphore_mem>>) src(%dma_wait3A_676 : memref<503808x128xf32, #tpu.memory_space<hbm>>) dst(%arg21 : memref<16x128xf32, #tpu.memory_space<vmem>>)
      %dma_wait3A_677 = arith.constant 0 : i32
      %dma_wait3A_678 = arith.constant 0 : i32
      %dma_wait3A_679 = tpu.memref_slice %arg6[%dma_wait3A_677, %dma_wait3A_678] : memref<503808x128xf32, #tpu.memory_space<hbm>> -> memref<503808x128xf32, #tpu.memory_space<hbm>>
      tpu.wait_indirect_dma semaphore(%arg28 : memref<!tpu.dma_semaphore, #tpu.memory_space<semaphore_mem>>) src(%dma_wait3A_679 : memref<503808x128xf32, #tpu.memory_space<hbm>>) dst(%arg22 : memref<16x128xf32, #tpu.memory_space<vmem>>)
      %dma_wait3A_680 = arith.constant 0 : i32
      %dma_wait3A_681 = arith.constant 0 : i32
      %dma_wait3A_682 = tpu.memref_slice %arg23[%dma_wait3A_680, %dma_wait3A_681] : memref<320x128xf32, #tpu.memory_space<vmem>> -> memref<128x128xf32, #tpu.memory_space<vmem>>
      %dma_wait3A_683 = arith.constant 0 : i32
      %dma_wait3A_684 = arith.constant 0 : i32
      %dma_wait3A_685 = tpu.memref_slice %arg6[%dma_wait3A_683, %dma_wait3A_684] : memref<503808x128xf32, #tpu.memory_space<hbm>> -> memref<503808x128xf32, #tpu.memory_space<hbm>>
      tpu.wait_indirect_dma semaphore(%arg28 : memref<!tpu.dma_semaphore, #tpu.memory_space<semaphore_mem>>) src(%dma_wait3A_685 : memref<503808x128xf32, #tpu.memory_space<hbm>>) dst(%dma_wait3A_682 : memref<128x128xf32, #tpu.memory_space<vmem>>)
      %dma_wait3A_686 = arith.constant 128 : i32
      %dma_wait3A_687 = arith.constant 0 : i32
      %dma_wait3A_688 = tpu.memref_slice %arg23[%dma_wait3A_686, %dma_wait3A_687] : memref<320x128xf32, #tpu.memory_space<vmem>> -> memref<128x128xf32, #tpu.memory_space<vmem>>
      %dma_wait3A_689 = arith.constant 0 : i32
      %dma_wait3A_690 = arith.constant 0 : i32
      %dma_wait3A_691 = tpu.memref_slice %arg6[%dma_wait3A_689, %dma_wait3A_690] : memref<503808x128xf32, #tpu.memory_space<hbm>> -> memref<503808x128xf32, #tpu.memory_space<hbm>>
      tpu.wait_indirect_dma semaphore(%arg28 : memref<!tpu.dma_semaphore, #tpu.memory_space<semaphore_mem>>) src(%dma_wait3A_691 : memref<503808x128xf32, #tpu.memory_space<hbm>>) dst(%dma_wait3A_688 : memref<128x128xf32, #tpu.memory_space<vmem>>)
      %dma_wait3A_692 = arith.constant 256 : i32
      %dma_wait3A_693 = arith.constant 0 : i32
      %dma_wait3A_694 = tpu.memref_slice %arg23[%dma_wait3A_692, %dma_wait3A_693] : memref<320x128xf32, #tpu.memory_space<vmem>> -> memref<64x128xf32, #tpu.memory_space<vmem>>
      %dma_wait3A_695 = arith.constant 0 : i32
      %dma_wait3A_696 = arith.constant 0 : i32
      %dma_wait3A_697 = tpu.memref_slice %arg6[%dma_wait3A_695, %dma_wait3A_696] : memref<503808x128xf32, #tpu.memory_space<hbm>> -> memref<503808x128xf32, #tpu.memory_space<hbm>>
      tpu.wait_indirect_dma semaphore(%arg28 : memref<!tpu.dma_semaphore, #tpu.memory_space<semaphore_mem>>) src(%dma_wait3A_697 : memref<503808x128xf32, #tpu.memory_space<hbm>>) dst(%dma_wait3A_694 : memref<64x128xf32, #tpu.memory_space<vmem>>)
      %mul3A_698 = arith.constant 16 : i32
      %mul3A_699 = arith.muli %mul3A_402, %mul3A_698 : i32
      %multiple_of3A_700 = tpu.assume_multiple %mul3A_699, 16 : i32
      %mul3A_701 = arith.constant 320 : i32
      %mul3A_702 = arith.muli %mul3A_402, %mul3A_701 : i32
      %multiple_of3A_703 = tpu.assume_multiple %mul3A_702, 64 : i32
      %get3A_704 = arith.index_cast %multiple_of3A_700 : i32 to index
      %get3A_705 = tpu.vector_load %arg8[%get3A_704] {strides = array<i32>} : memref<512xi32, #tpu.memory_space<vmem>>, vector<16xi32>,
      %shift_right_arithmetic3A_706 = arith.shrsi %get3A_705, %broadcast_in_dim3A_127 : vector<16xi32>
      %and3A_707 = arith.andi %shift_right_arithmetic3A_706, %broadcast_in_dim3A_131 : vector<16xi32>
      %shift_left3A_708 = arith.shli %and3A_707, %broadcast_in_dim3A_129 : vector<16xi32>
      %get3A_709 = arith.index_cast %multiple_of3A_700 : i32 to index
      %get3A_710 = tpu.vector_load %arg9[%get3A_709] {strides = array<i32>} : memref<512xi32, #tpu.memory_space<vmem>>, vector<16xi32>,
      %shift_right_arithmetic3A_711 = arith.shrsi %get3A_710, %broadcast_in_dim3A_127 : vector<16xi32>
      %and3A_712 = arith.andi %shift_right_arithmetic3A_711, %broadcast_in_dim3A_131 : vector<16xi32>
      %shift_left3A_713 = arith.shli %and3A_712, %broadcast_in_dim3A_129 : vector<16xi32>
      %add3A_714 = vector.broadcast %multiple_of3A_703 : i32 to vector<16xi32>
      %add3A_715 = arith.addi %add3A_714, %add3A_10 : vector<16xi32>
      %gather3A = tpu.vector_load_idx %arg10[%add3A_715] : memref<10240xi32, #tpu.memory_space<vmem>>[vector<16xi32>], vector<16xi32>,
      %shift_right_arithmetic3A_716 = arith.shrsi %gather3A, %broadcast_in_dim3A_127 : vector<16xi32>
      %and3A_717 = arith.andi %shift_right_arithmetic3A_716, %broadcast_in_dim3A_131 : vector<16xi32>
      %shift_left3A_718 = arith.shli %and3A_717, %broadcast_in_dim3A_129 : vector<16xi32>
      %add3A_719 = vector.broadcast %multiple_of3A_703 : i32 to vector<16xi32>
      %add3A_720 = arith.addi %add3A_719, %add3A_16 : vector<16xi32>
      %gather3A_721 = tpu.vector_load_idx %arg10[%add3A_720] : memref<10240xi32, #tpu.memory_space<vmem>>[vector<16xi32>], vector<16xi32>,
      %shift_right_arithmetic3A_722 = arith.shrsi %gather3A_721, %broadcast_in_dim3A_127 : vector<16xi32>
      %and3A_723 = arith.andi %shift_right_arithmetic3A_722, %broadcast_in_dim3A_131 : vector<16xi32>
      %shift_left3A_724 = arith.shli %and3A_723, %broadcast_in_dim3A_129 : vector<16xi32>
      %add3A_725 = vector.broadcast %multiple_of3A_703 : i32 to vector<16xi32>
      %add3A_726 = arith.addi %add3A_725, %add3A_22 : vector<16xi32>
      %gather3A_727 = tpu.vector_load_idx %arg10[%add3A_726] : memref<10240xi32, #tpu.memory_space<vmem>>[vector<16xi32>], vector<16xi32>,
      %shift_right_arithmetic3A_728 = arith.shrsi %gather3A_727, %broadcast_in_dim3A_127 : vector<16xi32>
      %and3A_729 = arith.andi %shift_right_arithmetic3A_728, %broadcast_in_dim3A_131 : vector<16xi32>
      %shift_left3A_730 = arith.shli %and3A_729, %broadcast_in_dim3A_129 : vector<16xi32>
      %add3A_731 = vector.broadcast %multiple_of3A_703 : i32 to vector<16xi32>
      %add3A_732 = arith.addi %add3A_731, %add3A_28 : vector<16xi32>
      %gather3A_733 = tpu.vector_load_idx %arg10[%add3A_732] : memref<10240xi32, #tpu.memory_space<vmem>>[vector<16xi32>], vector<16xi32>,
      %shift_right_arithmetic3A_734 = arith.shrsi %gather3A_733, %broadcast_in_dim3A_127 : vector<16xi32>
      %and3A_735 = arith.andi %shift_right_arithmetic3A_734, %broadcast_in_dim3A_131 : vector<16xi32>
      %shift_left3A_736 = arith.shli %and3A_735, %broadcast_in_dim3A_129 : vector<16xi32>
      %add3A_737 = vector.broadcast %multiple_of3A_703 : i32 to vector<16xi32>
      %add3A_738 = arith.addi %add3A_737, %add3A_34 : vector<16xi32>
      %gather3A_739 = tpu.vector_load_idx %arg10[%add3A_738] : memref<10240xi32, #tpu.memory_space<vmem>>[vector<16xi32>], vector<16xi32>,
      %shift_right_arithmetic3A_740 = arith.shrsi %gather3A_739, %broadcast_in_dim3A_127 : vector<16xi32>
      %and3A_741 = arith.andi %shift_right_arithmetic3A_740, %broadcast_in_dim3A_131 : vector<16xi32>
      %shift_left3A_742 = arith.shli %and3A_741, %broadcast_in_dim3A_129 : vector<16xi32>
      %add3A_743 = vector.broadcast %multiple_of3A_703 : i32 to vector<16xi32>
      %add3A_744 = arith.addi %add3A_743, %add3A_40 : vector<16xi32>
      %gather3A_745 = tpu.vector_load_idx %arg10[%add3A_744] : memref<10240xi32, #tpu.memory_space<vmem>>[vector<16xi32>], vector<16xi32>,
      %shift_right_arithmetic3A_746 = arith.shrsi %gather3A_745, %broadcast_in_dim3A_127 : vector<16xi32>
      %and3A_747 = arith.andi %shift_right_arithmetic3A_746, %broadcast_in_dim3A_131 : vector<16xi32>
      %shift_left3A_748 = arith.shli %and3A_747, %broadcast_in_dim3A_129 : vector<16xi32>
      %add3A_749 = vector.broadcast %multiple_of3A_703 : i32 to vector<16xi32>
      %add3A_750 = arith.addi %add3A_749, %add3A_46 : vector<16xi32>
      %gather3A_751 = tpu.vector_load_idx %arg10[%add3A_750] : memref<10240xi32, #tpu.memory_space<vmem>>[vector<16xi32>], vector<16xi32>,
      %shift_right_arithmetic3A_752 = arith.shrsi %gather3A_751, %broadcast_in_dim3A_127 : vector<16xi32>
      %and3A_753 = arith.andi %shift_right_arithmetic3A_752, %broadcast_in_dim3A_131 : vector<16xi32>
      %shift_left3A_754 = arith.shli %and3A_753, %broadcast_in_dim3A_129 : vector<16xi32>
      %add3A_755 = vector.broadcast %multiple_of3A_703 : i32 to vector<16xi32>
      %add3A_756 = arith.addi %add3A_755, %add3A_52 : vector<16xi32>
      %gather3A_757 = tpu.vector_load_idx %arg10[%add3A_756] : memref<10240xi32, #tpu.memory_space<vmem>>[vector<16xi32>], vector<16xi32>,
      %shift_right_arithmetic3A_758 = arith.shrsi %gather3A_757, %broadcast_in_dim3A_127 : vector<16xi32>
      %and3A_759 = arith.andi %shift_right_arithmetic3A_758, %broadcast_in_dim3A_131 : vector<16xi32>
      %shift_left3A_760 = arith.shli %and3A_759, %broadcast_in_dim3A_129 : vector<16xi32>
      %add3A_761 = vector.broadcast %multiple_of3A_703 : i32 to vector<16xi32>
      %add3A_762 = arith.addi %add3A_761, %add3A_58 : vector<16xi32>
      %gather3A_763 = tpu.vector_load_idx %arg10[%add3A_762] : memref<10240xi32, #tpu.memory_space<vmem>>[vector<16xi32>], vector<16xi32>,
      %shift_right_arithmetic3A_764 = arith.shrsi %gather3A_763, %broadcast_in_dim3A_127 : vector<16xi32>
      %and3A_765 = arith.andi %shift_right_arithmetic3A_764, %broadcast_in_dim3A_131 : vector<16xi32>
      %shift_left3A_766 = arith.shli %and3A_765, %broadcast_in_dim3A_129 : vector<16xi32>
      %add3A_767 = vector.broadcast %multiple_of3A_703 : i32 to vector<16xi32>
      %add3A_768 = arith.addi %add3A_767, %add3A_64 : vector<16xi32>
      %gather3A_769 = tpu.vector_load_idx %arg10[%add3A_768] : memref<10240xi32, #tpu.memory_space<vmem>>[vector<16xi32>], vector<16xi32>,
      %shift_right_arithmetic3A_770 = arith.shrsi %gather3A_769, %broadcast_in_dim3A_127 : vector<16xi32>
      %and3A_771 = arith.andi %shift_right_arithmetic3A_770, %broadcast_in_dim3A_131 : vector<16xi32>
      %shift_left3A_772 = arith.shli %and3A_771, %broadcast_in_dim3A_129 : vector<16xi32>
      %add3A_773 = vector.broadcast %multiple_of3A_703 : i32 to vector<16xi32>
      %add3A_774 = arith.addi %add3A_773, %add3A_70 : vector<16xi32>
      %gather3A_775 = tpu.vector_load_idx %arg10[%add3A_774] : memref<10240xi32, #tpu.memory_space<vmem>>[vector<16xi32>], vector<16xi32>,
      %shift_right_arithmetic3A_776 = arith.shrsi %gather3A_775, %broadcast_in_dim3A_127 : vector<16xi32>
      %and3A_777 = arith.andi %shift_right_arithmetic3A_776, %broadcast_in_dim3A_131 : vector<16xi32>
      %shift_left3A_778 = arith.shli %and3A_777, %broadcast_in_dim3A_129 : vector<16xi32>
      %add3A_779 = vector.broadcast %multiple_of3A_703 : i32 to vector<16xi32>
      %add3A_780 = arith.addi %add3A_779, %add3A_76 : vector<16xi32>
      %gather3A_781 = tpu.vector_load_idx %arg10[%add3A_780] : memref<10240xi32, #tpu.memory_space<vmem>>[vector<16xi32>], vector<16xi32>,
      %shift_right_arithmetic3A_782 = arith.shrsi %gather3A_781, %broadcast_in_dim3A_127 : vector<16xi32>
      %and3A_783 = arith.andi %shift_right_arithmetic3A_782, %broadcast_in_dim3A_131 : vector<16xi32>
      %shift_left3A_784 = arith.shli %and3A_783, %broadcast_in_dim3A_129 : vector<16xi32>
      %add3A_785 = vector.broadcast %multiple_of3A_703 : i32 to vector<16xi32>
      %add3A_786 = arith.addi %add3A_785, %add3A_82 : vector<16xi32>
      %gather3A_787 = tpu.vector_load_idx %arg10[%add3A_786] : memref<10240xi32, #tpu.memory_space<vmem>>[vector<16xi32>], vector<16xi32>,
      %shift_right_arithmetic3A_788 = arith.shrsi %gather3A_787, %broadcast_in_dim3A_127 : vector<16xi32>
      %and3A_789 = arith.andi %shift_right_arithmetic3A_788, %broadcast_in_dim3A_131 : vector<16xi32>
      %shift_left3A_790 = arith.shli %and3A_789, %broadcast_in_dim3A_129 : vector<16xi32>
      %add3A_791 = vector.broadcast %multiple_of3A_703 : i32 to vector<16xi32>
      %add3A_792 = arith.addi %add3A_791, %add3A_88 : vector<16xi32>
      %gather3A_793 = tpu.vector_load_idx %arg10[%add3A_792] : memref<10240xi32, #tpu.memory_space<vmem>>[vector<16xi32>], vector<16xi32>,
      %shift_right_arithmetic3A_794 = arith.shrsi %gather3A_793, %broadcast_in_dim3A_127 : vector<16xi32>
      %and3A_795 = arith.andi %shift_right_arithmetic3A_794, %broadcast_in_dim3A_131 : vector<16xi32>
      %shift_left3A_796 = arith.shli %and3A_795, %broadcast_in_dim3A_129 : vector<16xi32>
      %add3A_797 = vector.broadcast %multiple_of3A_703 : i32 to vector<16xi32>
      %add3A_798 = arith.addi %add3A_797, %add3A_94 : vector<16xi32>
      %gather3A_799 = tpu.vector_load_idx %arg10[%add3A_798] : memref<10240xi32, #tpu.memory_space<vmem>>[vector<16xi32>], vector<16xi32>,
      %shift_right_arithmetic3A_800 = arith.shrsi %gather3A_799, %broadcast_in_dim3A_127 : vector<16xi32>
      %and3A_801 = arith.andi %shift_right_arithmetic3A_800, %broadcast_in_dim3A_131 : vector<16xi32>
      %shift_left3A_802 = arith.shli %and3A_801, %broadcast_in_dim3A_129 : vector<16xi32>
      %add3A_803 = vector.broadcast %multiple_of3A_703 : i32 to vector<16xi32>
      %add3A_804 = arith.addi %add3A_803, %add3A_100 : vector<16xi32>
      %gather3A_805 = tpu.vector_load_idx %arg10[%add3A_804] : memref<10240xi32, #tpu.memory_space<vmem>>[vector<16xi32>], vector<16xi32>,
      %shift_right_arithmetic3A_806 = arith.shrsi %gather3A_805, %broadcast_in_dim3A_127 : vector<16xi32>
      %and3A_807 = arith.andi %shift_right_arithmetic3A_806, %broadcast_in_dim3A_131 : vector<16xi32>
      %shift_left3A_808 = arith.shli %and3A_807, %broadcast_in_dim3A_129 : vector<16xi32>
      %add3A_809 = vector.broadcast %multiple_of3A_703 : i32 to vector<16xi32>
      %add3A_810 = arith.addi %add3A_809, %add3A_106 : vector<16xi32>
      %gather3A_811 = tpu.vector_load_idx %arg10[%add3A_810] : memref<10240xi32, #tpu.memory_space<vmem>>[vector<16xi32>], vector<16xi32>,
      %shift_right_arithmetic3A_812 = arith.shrsi %gather3A_811, %broadcast_in_dim3A_127 : vector<16xi32>
      %and3A_813 = arith.andi %shift_right_arithmetic3A_812, %broadcast_in_dim3A_131 : vector<16xi32>
      %shift_left3A_814 = arith.shli %and3A_813, %broadcast_in_dim3A_129 : vector<16xi32>
      %add3A_815 = vector.broadcast %multiple_of3A_703 : i32 to vector<16xi32>
      %add3A_816 = arith.addi %add3A_815, %add3A_112 : vector<16xi32>
      %gather3A_817 = tpu.vector_load_idx %arg10[%add3A_816] : memref<10240xi32, #tpu.memory_space<vmem>>[vector<16xi32>], vector<16xi32>,
      %shift_right_arithmetic3A_818 = arith.shrsi %gather3A_817, %broadcast_in_dim3A_127 : vector<16xi32>
      %and3A_819 = arith.andi %shift_right_arithmetic3A_818, %broadcast_in_dim3A_131 : vector<16xi32>
      %shift_left3A_820 = arith.shli %and3A_819, %broadcast_in_dim3A_129 : vector<16xi32>
      %add3A_821 = vector.broadcast %multiple_of3A_703 : i32 to vector<16xi32>
      %add3A_822 = arith.addi %add3A_821, %add3A_118 : vector<16xi32>
      %gather3A_823 = tpu.vector_load_idx %arg10[%add3A_822] : memref<10240xi32, #tpu.memory_space<vmem>>[vector<16xi32>], vector<16xi32>,
      %shift_right_arithmetic3A_824 = arith.shrsi %gather3A_823, %broadcast_in_dim3A_127 : vector<16xi32>
      %and3A_825 = arith.andi %shift_right_arithmetic3A_824, %broadcast_in_dim3A_131 : vector<16xi32>
      %shift_left3A_826 = arith.shli %and3A_825, %broadcast_in_dim3A_129 : vector<16xi32>
      %add3A_827 = vector.broadcast %multiple_of3A_703 : i32 to vector<16xi32>
      %add3A_828 = arith.addi %add3A_827, %add3A_124 : vector<16xi32>
      %gather3A_829 = tpu.vector_load_idx %arg10[%add3A_828] : memref<10240xi32, #tpu.memory_space<vmem>>[vector<16xi32>], vector<16xi32>,
      %shift_right_arithmetic3A_830 = arith.shrsi %gather3A_829, %broadcast_in_dim3A_127 : vector<16xi32>
      %and3A_831 = arith.andi %shift_right_arithmetic3A_830, %broadcast_in_dim3A_131 : vector<16xi32>
      %shift_left3A_832 = arith.shli %and3A_831, %broadcast_in_dim3A_129 : vector<16xi32>
      %mul3A_833 = arith.constant 16 : i32
      %mul3A_834 = arith.muli %mul3A_402, %mul3A_833 : i32
      %multiple_of3A_835 = tpu.assume_multiple %mul3A_834, 16 : i32
      %broadcast_in_dim3A_836 = arith.constant 0.000000e+00 : f32
      %broadcast_in_dim3A_837 = vector.broadcast %broadcast_in_dim3A_836 : f32 to vector<16xf32>
      %scan3A_838 = arith.constant 0 : i32
      %scan3A_839 = arith.constant 16 : i32
      %scan3A_840 = arith.addi %scan3A_838, %scan3A_839 : i32
      %scan3A_841 = arith.constant 1 : i32
      %scan3A_842:8 = scf.for %scan3A_1213 = %scan3A_838 to %scan3A_840 step %scan3A_841 iter_args(%scan3A_1214 = %broadcast_in_dim3A_837, %scan3A_1215 = %broadcast_in_dim3A_837, %scan3A_1216 = %broadcast_in_dim3A_837, %scan3A_1217 = %broadcast_in_dim3A_837, %scan3A_1218 = %broadcast_in_dim3A_837, %scan3A_1219 = %broadcast_in_dim3A_837, %scan3A_1220 = %broadcast_in_dim3A_837, %scan3A_1221 = %broadcast_in_dim3A_837) -> (vector<16xf32>, vector<16xf32>, vector<16xf32>, vector<16xf32>, vector<16xf32>, vector<16xf32>, vector<16xf32>, vector<16xf32>)  : i32 {
        %mul3A_1222 = arith.constant 4 : i32
        %mul3A_1223 = arith.muli %scan3A_1213, %mul3A_1222 : i32
        %add3A_1224 = arith.constant 0 : i32
        %add3A_1225 = arith.addi %mul3A_1223, %add3A_1224 : i32
        %broadcast_in_dim3A_1226 = vector.broadcast %add3A_1225 : i32 to vector<16xi32>
        %add3A_1227 = arith.constant 1 : i32
        %add3A_1228 = arith.addi %mul3A_1223, %add3A_1227 : i32
        %broadcast_in_dim3A_1229 = vector.broadcast %add3A_1228 : i32 to vector<16xi32>
        %add3A_1230 = arith.constant 2 : i32
        %add3A_1231 = arith.addi %mul3A_1223, %add3A_1230 : i32
        %broadcast_in_dim3A_1232 = vector.broadcast %add3A_1231 : i32 to vector<16xi32>
        %add3A_1233 = arith.constant 3 : i32
        %add3A_1234 = arith.addi %mul3A_1223, %add3A_1233 : i32
        %broadcast_in_dim3A_1235 = vector.broadcast %add3A_1234 : i32 to vector<16xi32>
        %add3A_1236 = arith.addi %shift_left3A_708, %broadcast_in_dim3A_1226 : vector<16xi32>
        %gather3A_1237 = tpu.vector_load_idx %arg21[%iota3A, %add3A_1236] : memref<16x128xf32, #tpu.memory_space<vmem>>[vector<16xi32>, vector<16xi32>], vector<16xf32>,
        %add3A_1238 = arith.addi %shift_left3A_708, %broadcast_in_dim3A_1229 : vector<16xi32>
        %gather3A_1239 = tpu.vector_load_idx %arg21[%iota3A, %add3A_1238] : memref<16x128xf32, #tpu.memory_space<vmem>>[vector<16xi32>, vector<16xi32>], vector<16xf32>,
        %add3A_1240 = arith.addi %shift_left3A_708, %broadcast_in_dim3A_1232 : vector<16xi32>
        %gather3A_1241 = tpu.vector_load_idx %arg21[%iota3A, %add3A_1240] : memref<16x128xf32, #tpu.memory_space<vmem>>[vector<16xi32>, vector<16xi32>], vector<16xf32>,
        %add3A_1242 = arith.addi %shift_left3A_708, %broadcast_in_dim3A_1235 : vector<16xi32>
        %gather3A_1243 = tpu.vector_load_idx %arg21[%iota3A, %add3A_1242] : memref<16x128xf32, #tpu.memory_space<vmem>>[vector<16xi32>, vector<16xi32>], vector<16xf32>,
        %add3A_1244 = arith.addi %shift_left3A_713, %broadcast_in_dim3A_1226 : vector<16xi32>
        %gather3A_1245 = tpu.vector_load_idx %arg22[%iota3A, %add3A_1244] : memref<16x128xf32, #tpu.memory_space<vmem>>[vector<16xi32>, vector<16xi32>], vector<16xf32>,
        %add3A_1246 = arith.addi %shift_left3A_713, %broadcast_in_dim3A_1229 : vector<16xi32>
        %gather3A_1247 = tpu.vector_load_idx %arg22[%iota3A, %add3A_1246] : memref<16x128xf32, #tpu.memory_space<vmem>>[vector<16xi32>, vector<16xi32>], vector<16xf32>,
        %add3A_1248 = arith.addi %shift_left3A_713, %broadcast_in_dim3A_1232 : vector<16xi32>
        %gather3A_1249 = tpu.vector_load_idx %arg22[%iota3A, %add3A_1248] : memref<16x128xf32, #tpu.memory_space<vmem>>[vector<16xi32>, vector<16xi32>], vector<16xf32>,
        %add3A_1250 = arith.addi %shift_left3A_713, %broadcast_in_dim3A_1235 : vector<16xi32>
        %gather3A_1251 = tpu.vector_load_idx %arg22[%iota3A, %add3A_1250] : memref<16x128xf32, #tpu.memory_space<vmem>>[vector<16xi32>, vector<16xi32>], vector<16xf32>,
        %mul3A_1252 = arith.mulf %gather3A_1237, %gather3A_1245 : vector<16xf32>
        %sub3A = arith.subf %scan3A_1214, %mul3A_1252 : vector<16xf32>
        %mul3A_1253 = arith.mulf %gather3A_1239, %gather3A_1247 : vector<16xf32>
        %sub3A_1254 = arith.subf %sub3A, %mul3A_1253 : vector<16xf32>
        %mul3A_1255 = arith.mulf %gather3A_1241, %gather3A_1249 : vector<16xf32>
        %sub3A_1256 = arith.subf %sub3A_1254, %mul3A_1255 : vector<16xf32>
        %mul3A_1257 = arith.mulf %gather3A_1243, %gather3A_1251 : vector<16xf32>
        %sub3A_1258 = arith.subf %sub3A_1256, %mul3A_1257 : vector<16xf32>
        %add3A_1259 = arith.addi %shift_left3A_718, %broadcast_in_dim3A_1226 : vector<16xi32>
        %gather3A_1260 = tpu.vector_load_idx %arg23[%add3A_10, %add3A_1259] : memref<320x128xf32, #tpu.memory_space<vmem>>[vector<16xi32>, vector<16xi32>], vector<16xf32>,
        %mul3A_1261 = arith.mulf %gather3A_1260, %gather3A_1237 : vector<16xf32>
        %add3A_1262 = arith.addf %scan3A_1215, %mul3A_1261 : vector<16xf32>
        %add3A_1263 = arith.addi %shift_left3A_718, %broadcast_in_dim3A_1229 : vector<16xi32>
        %gather3A_1264 = tpu.vector_load_idx %arg23[%add3A_10, %add3A_1263] : memref<320x128xf32, #tpu.memory_space<vmem>>[vector<16xi32>, vector<16xi32>], vector<16xf32>,
        %mul3A_1265 = arith.mulf %gather3A_1264, %gather3A_1239 : vector<16xf32>
        %add3A_1266 = arith.addf %add3A_1262, %mul3A_1265 : vector<16xf32>
        %add3A_1267 = arith.addi %shift_left3A_718, %broadcast_in_dim3A_1232 : vector<16xi32>
        %gather3A_1268 = tpu.vector_load_idx %arg23[%add3A_10, %add3A_1267] : memref<320x128xf32, #tpu.memory_space<vmem>>[vector<16xi32>, vector<16xi32>], vector<16xf32>,
        %mul3A_1269 = arith.mulf %gather3A_1268, %gather3A_1241 : vector<16xf32>
        %add3A_1270 = arith.addf %add3A_1266, %mul3A_1269 : vector<16xf32>
        %add3A_1271 = arith.addi %shift_left3A_718, %broadcast_in_dim3A_1235 : vector<16xi32>
        %gather3A_1272 = tpu.vector_load_idx %arg23[%add3A_10, %add3A_1271] : memref<320x128xf32, #tpu.memory_space<vmem>>[vector<16xi32>, vector<16xi32>], vector<16xf32>,
        %mul3A_1273 = arith.mulf %gather3A_1272, %gather3A_1243 : vector<16xf32>
        %add3A_1274 = arith.addf %add3A_1270, %mul3A_1273 : vector<16xf32>
        %add3A_1275 = arith.addi %shift_left3A_724, %broadcast_in_dim3A_1226 : vector<16xi32>
        %gather3A_1276 = tpu.vector_load_idx %arg23[%add3A_16, %add3A_1275] : memref<320x128xf32, #tpu.memory_space<vmem>>[vector<16xi32>, vector<16xi32>], vector<16xf32>,
        %mul3A_1277 = arith.mulf %gather3A_1276, %gather3A_1237 : vector<16xf32>
        %add3A_1278 = arith.addf %scan3A_1216, %mul3A_1277 : vector<16xf32>
        %add3A_1279 = arith.addi %shift_left3A_724, %broadcast_in_dim3A_1229 : vector<16xi32>
        %gather3A_1280 = tpu.vector_load_idx %arg23[%add3A_16, %add3A_1279] : memref<320x128xf32, #tpu.memory_space<vmem>>[vector<16xi32>, vector<16xi32>], vector<16xf32>,
        %mul3A_1281 = arith.mulf %gather3A_1280, %gather3A_1239 : vector<16xf32>
        %add3A_1282 = arith.addf %add3A_1278, %mul3A_1281 : vector<16xf32>
        %add3A_1283 = arith.addi %shift_left3A_724, %broadcast_in_dim3A_1232 : vector<16xi32>
        %gather3A_1284 = tpu.vector_load_idx %arg23[%add3A_16, %add3A_1283] : memref<320x128xf32, #tpu.memory_space<vmem>>[vector<16xi32>, vector<16xi32>], vector<16xf32>,
        %mul3A_1285 = arith.mulf %gather3A_1284, %gather3A_1241 : vector<16xf32>
        %add3A_1286 = arith.addf %add3A_1282, %mul3A_1285 : vector<16xf32>
        %add3A_1287 = arith.addi %shift_left3A_724, %broadcast_in_dim3A_1235 : vector<16xi32>
        %gather3A_1288 = tpu.vector_load_idx %arg23[%add3A_16, %add3A_1287] : memref<320x128xf32, #tpu.memory_space<vmem>>[vector<16xi32>, vector<16xi32>], vector<16xf32>,
        %mul3A_1289 = arith.mulf %gather3A_1288, %gather3A_1243 : vector<16xf32>
        %add3A_1290 = arith.addf %add3A_1286, %mul3A_1289 : vector<16xf32>
        %add3A_1291 = arith.addi %shift_left3A_730, %broadcast_in_dim3A_1226 : vector<16xi32>
        %gather3A_1292 = tpu.vector_load_idx %arg23[%add3A_22, %add3A_1291] : memref<320x128xf32, #tpu.memory_space<vmem>>[vector<16xi32>, vector<16xi32>], vector<16xf32>,
        %mul3A_1293 = arith.mulf %gather3A_1292, %gather3A_1237 : vector<16xf32>
        %add3A_1294 = arith.addf %scan3A_1217, %mul3A_1293 : vector<16xf32>
        %add3A_1295 = arith.addi %shift_left3A_730, %broadcast_in_dim3A_1229 : vector<16xi32>
        %gather3A_1296 = tpu.vector_load_idx %arg23[%add3A_22, %add3A_1295] : memref<320x128xf32, #tpu.memory_space<vmem>>[vector<16xi32>, vector<16xi32>], vector<16xf32>,
        %mul3A_1297 = arith.mulf %gather3A_1296, %gather3A_1239 : vector<16xf32>
        %add3A_1298 = arith.addf %add3A_1294, %mul3A_1297 : vector<16xf32>
        %add3A_1299 = arith.addi %shift_left3A_730, %broadcast_in_dim3A_1232 : vector<16xi32>
        %gather3A_1300 = tpu.vector_load_idx %arg23[%add3A_22, %add3A_1299] : memref<320x128xf32, #tpu.memory_space<vmem>>[vector<16xi32>, vector<16xi32>], vector<16xf32>,
        %mul3A_1301 = arith.mulf %gather3A_1300, %gather3A_1241 : vector<16xf32>
        %add3A_1302 = arith.addf %add3A_1298, %mul3A_1301 : vector<16xf32>
        %add3A_1303 = arith.addi %shift_left3A_730, %broadcast_in_dim3A_1235 : vector<16xi32>
        %gather3A_1304 = tpu.vector_load_idx %arg23[%add3A_22, %add3A_1303] : memref<320x128xf32, #tpu.memory_space<vmem>>[vector<16xi32>, vector<16xi32>], vector<16xf32>,
        %mul3A_1305 = arith.mulf %gather3A_1304, %gather3A_1243 : vector<16xf32>
        %add3A_1306 = arith.addf %add3A_1302, %mul3A_1305 : vector<16xf32>
        %add3A_1307 = arith.addi %shift_left3A_736, %broadcast_in_dim3A_1226 : vector<16xi32>
        %gather3A_1308 = tpu.vector_load_idx %arg23[%add3A_28, %add3A_1307] : memref<320x128xf32, #tpu.memory_space<vmem>>[vector<16xi32>, vector<16xi32>], vector<16xf32>,
        %mul3A_1309 = arith.mulf %gather3A_1308, %gather3A_1237 : vector<16xf32>
        %add3A_1310 = arith.addf %scan3A_1218, %mul3A_1309 : vector<16xf32>
        %add3A_1311 = arith.addi %shift_left3A_736, %broadcast_in_dim3A_1229 : vector<16xi32>
        %gather3A_1312 = tpu.vector_load_idx %arg23[%add3A_28, %add3A_1311] : memref<320x128xf32, #tpu.memory_space<vmem>>[vector<16xi32>, vector<16xi32>], vector<16xf32>,
        %mul3A_1313 = arith.mulf %gather3A_1312, %gather3A_1239 : vector<16xf32>
        %add3A_1314 = arith.addf %add3A_1310, %mul3A_1313 : vector<16xf32>
        %add3A_1315 = arith.addi %shift_left3A_736, %broadcast_in_dim3A_1232 : vector<16xi32>
        %gather3A_1316 = tpu.vector_load_idx %arg23[%add3A_28, %add3A_1315] : memref<320x128xf32, #tpu.memory_space<vmem>>[vector<16xi32>, vector<16xi32>], vector<16xf32>,
        %mul3A_1317 = arith.mulf %gather3A_1316, %gather3A_1241 : vector<16xf32>
        %add3A_1318 = arith.addf %add3A_1314, %mul3A_1317 : vector<16xf32>
        %add3A_1319 = arith.addi %shift_left3A_736, %broadcast_in_dim3A_1235 : vector<16xi32>
        %gather3A_1320 = tpu.vector_load_idx %arg23[%add3A_28, %add3A_1319] : memref<320x128xf32, #tpu.memory_space<vmem>>[vector<16xi32>, vector<16xi32>], vector<16xf32>,
        %mul3A_1321 = arith.mulf %gather3A_1320, %gather3A_1243 : vector<16xf32>
        %add3A_1322 = arith.addf %add3A_1318, %mul3A_1321 : vector<16xf32>
        %add3A_1323 = arith.addi %shift_left3A_742, %broadcast_in_dim3A_1226 : vector<16xi32>
        %gather3A_1324 = tpu.vector_load_idx %arg23[%add3A_34, %add3A_1323] : memref<320x128xf32, #tpu.memory_space<vmem>>[vector<16xi32>, vector<16xi32>], vector<16xf32>,
        %mul3A_1325 = arith.mulf %gather3A_1324, %gather3A_1237 : vector<16xf32>
        %add3A_1326 = arith.addf %scan3A_1219, %mul3A_1325 : vector<16xf32>
        %add3A_1327 = arith.addi %shift_left3A_742, %broadcast_in_dim3A_1229 : vector<16xi32>
        %gather3A_1328 = tpu.vector_load_idx %arg23[%add3A_34, %add3A_1327] : memref<320x128xf32, #tpu.memory_space<vmem>>[vector<16xi32>, vector<16xi32>], vector<16xf32>,
        %mul3A_1329 = arith.mulf %gather3A_1328, %gather3A_1239 : vector<16xf32>
        %add3A_1330 = arith.addf %add3A_1326, %mul3A_1329 : vector<16xf32>
        %add3A_1331 = arith.addi %shift_left3A_742, %broadcast_in_dim3A_1232 : vector<16xi32>
        %gather3A_1332 = tpu.vector_load_idx %arg23[%add3A_34, %add3A_1331] : memref<320x128xf32, #tpu.memory_space<vmem>>[vector<16xi32>, vector<16xi32>], vector<16xf32>,
        %mul3A_1333 = arith.mulf %gather3A_1332, %gather3A_1241 : vector<16xf32>
        %add3A_1334 = arith.addf %add3A_1330, %mul3A_1333 : vector<16xf32>
        %add3A_1335 = arith.addi %shift_left3A_742, %broadcast_in_dim3A_1235 : vector<16xi32>
        %gather3A_1336 = tpu.vector_load_idx %arg23[%add3A_34, %add3A_1335] : memref<320x128xf32, #tpu.memory_space<vmem>>[vector<16xi32>, vector<16xi32>], vector<16xf32>,
        %mul3A_1337 = arith.mulf %gather3A_1336, %gather3A_1243 : vector<16xf32>
        %add3A_1338 = arith.addf %add3A_1334, %mul3A_1337 : vector<16xf32>
        %add3A_1339 = arith.addi %shift_left3A_748, %broadcast_in_dim3A_1226 : vector<16xi32>
        %gather3A_1340 = tpu.vector_load_idx %arg23[%add3A_40, %add3A_1339] : memref<320x128xf32, #tpu.memory_space<vmem>>[vector<16xi32>, vector<16xi32>], vector<16xf32>,
        %mul3A_1341 = arith.mulf %gather3A_1340, %gather3A_1237 : vector<16xf32>
        %add3A_1342 = arith.addf %scan3A_1220, %mul3A_1341 : vector<16xf32>
        %add3A_1343 = arith.addi %shift_left3A_748, %broadcast_in_dim3A_1229 : vector<16xi32>
        %gather3A_1344 = tpu.vector_load_idx %arg23[%add3A_40, %add3A_1343] : memref<320x128xf32, #tpu.memory_space<vmem>>[vector<16xi32>, vector<16xi32>], vector<16xf32>,
        %mul3A_1345 = arith.mulf %gather3A_1344, %gather3A_1239 : vector<16xf32>
        %add3A_1346 = arith.addf %add3A_1342, %mul3A_1345 : vector<16xf32>
        %add3A_1347 = arith.addi %shift_left3A_748, %broadcast_in_dim3A_1232 : vector<16xi32>
        %gather3A_1348 = tpu.vector_load_idx %arg23[%add3A_40, %add3A_1347] : memref<320x128xf32, #tpu.memory_space<vmem>>[vector<16xi32>, vector<16xi32>], vector<16xf32>,
        %mul3A_1349 = arith.mulf %gather3A_1348, %gather3A_1241 : vector<16xf32>
        %add3A_1350 = arith.addf %add3A_1346, %mul3A_1349 : vector<16xf32>
        %add3A_1351 = arith.addi %shift_left3A_748, %broadcast_in_dim3A_1235 : vector<16xi32>
        %gather3A_1352 = tpu.vector_load_idx %arg23[%add3A_40, %add3A_1351] : memref<320x128xf32, #tpu.memory_space<vmem>>[vector<16xi32>, vector<16xi32>], vector<16xf32>,
        %mul3A_1353 = arith.mulf %gather3A_1352, %gather3A_1243 : vector<16xf32>
        %add3A_1354 = arith.addf %add3A_1350, %mul3A_1353 : vector<16xf32>
        %add3A_1355 = arith.addi %shift_left3A_754, %broadcast_in_dim3A_1226 : vector<16xi32>
        %gather3A_1356 = tpu.vector_load_idx %arg23[%add3A_46, %add3A_1355] : memref<320x128xf32, #tpu.memory_space<vmem>>[vector<16xi32>, vector<16xi32>], vector<16xf32>,
        %mul3A_1357 = arith.mulf %gather3A_1356, %gather3A_1237 : vector<16xf32>
        %add3A_1358 = arith.addf %scan3A_1221, %mul3A_1357 : vector<16xf32>
        %add3A_1359 = arith.addi %shift_left3A_754, %broadcast_in_dim3A_1229 : vector<16xi32>
        %gather3A_1360 = tpu.vector_load_idx %arg23[%add3A_46, %add3A_1359] : memref<320x128xf32, #tpu.memory_space<vmem>>[vector<16xi32>, vector<16xi32>], vector<16xf32>,
        %mul3A_1361 = arith.mulf %gather3A_1360, %gather3A_1239 : vector<16xf32>
        %add3A_1362 = arith.addf %add3A_1358, %mul3A_1361 : vector<16xf32>
        %add3A_1363 = arith.addi %shift_left3A_754, %broadcast_in_dim3A_1232 : vector<16xi32>
        %gather3A_1364 = tpu.vector_load_idx %arg23[%add3A_46, %add3A_1363] : memref<320x128xf32, #tpu.memory_space<vmem>>[vector<16xi32>, vector<16xi32>], vector<16xf32>,
        %mul3A_1365 = arith.mulf %gather3A_1364, %gather3A_1241 : vector<16xf32>
        %add3A_1366 = arith.addf %add3A_1362, %mul3A_1365 : vector<16xf32>
        %add3A_1367 = arith.addi %shift_left3A_754, %broadcast_in_dim3A_1235 : vector<16xi32>
        %gather3A_1368 = tpu.vector_load_idx %arg23[%add3A_46, %add3A_1367] : memref<320x128xf32, #tpu.memory_space<vmem>>[vector<16xi32>, vector<16xi32>], vector<16xf32>,
        %mul3A_1369 = arith.mulf %gather3A_1368, %gather3A_1243 : vector<16xf32>
        %add3A_1370 = arith.addf %add3A_1366, %mul3A_1369 : vector<16xf32>
        scf.yield %sub3A_1258, %add3A_1274, %add3A_1290, %add3A_1306, %add3A_1322, %add3A_1338, %add3A_1354, %add3A_1370 : vector<16xf32>, vector<16xf32>, vector<16xf32>, vector<16xf32>, vector<16xf32>, vector<16xf32>, vector<16xf32>, vector<16xf32>
      }
      %scan3A_843 = arith.constant 16 : i32
      %swap3A_844 = arith.constant 0 : i32
      %swap3A_845 = arith.index_cast %swap3A_844 : i32 to index
      %swap3A_846 = arith.index_cast %multiple_of3A_835 : i32 to index
      %swap3A_847 = tpu.vector_load %arg27[%swap3A_845, %swap3A_846] {strides = array<i32>} : memref<21x512xf32, #tpu.memory_space<vmem>>, vector<16xf32>,
      tpu.vector_store %arg27[%swap3A_845, %swap3A_846], %scan3A_842#0 {strides = array<i32>} : memref<21x512xf32, #tpu.memory_space<vmem>>, vector<16xf32>,
      %swap3A_848 = arith.constant 1 : i32
      %swap3A_849 = arith.index_cast %swap3A_848 : i32 to index
      %swap3A_850 = arith.index_cast %multiple_of3A_835 : i32 to index
      %swap3A_851 = tpu.vector_load %arg27[%swap3A_849, %swap3A_850] {strides = array<i32>} : memref<21x512xf32, #tpu.memory_space<vmem>>, vector<16xf32>,
      tpu.vector_store %arg27[%swap3A_849, %swap3A_850], %scan3A_842#1 {strides = array<i32>} : memref<21x512xf32, #tpu.memory_space<vmem>>, vector<16xf32>,
      %swap3A_852 = arith.constant 2 : i32
      %swap3A_853 = arith.index_cast %swap3A_852 : i32 to index
      %swap3A_854 = arith.index_cast %multiple_of3A_835 : i32 to index
      %swap3A_855 = tpu.vector_load %arg27[%swap3A_853, %swap3A_854] {strides = array<i32>} : memref<21x512xf32, #tpu.memory_space<vmem>>, vector<16xf32>,
      tpu.vector_store %arg27[%swap3A_853, %swap3A_854], %scan3A_842#2 {strides = array<i32>} : memref<21x512xf32, #tpu.memory_space<vmem>>, vector<16xf32>,
      %swap3A_856 = arith.constant 3 : i32
      %swap3A_857 = arith.index_cast %swap3A_856 : i32 to index
      %swap3A_858 = arith.index_cast %multiple_of3A_835 : i32 to index
      %swap3A_859 = tpu.vector_load %arg27[%swap3A_857, %swap3A_858] {strides = array<i32>} : memref<21x512xf32, #tpu.memory_space<vmem>>, vector<16xf32>,
      tpu.vector_store %arg27[%swap3A_857, %swap3A_858], %scan3A_842#3 {strides = array<i32>} : memref<21x512xf32, #tpu.memory_space<vmem>>, vector<16xf32>,
      %swap3A_860 = arith.constant 4 : i32
      %swap3A_861 = arith.index_cast %swap3A_860 : i32 to index
      %swap3A_862 = arith.index_cast %multiple_of3A_835 : i32 to index
      %swap3A_863 = tpu.vector_load %arg27[%swap3A_861, %swap3A_862] {strides = array<i32>} : memref<21x512xf32, #tpu.memory_space<vmem>>, vector<16xf32>,
      tpu.vector_store %arg27[%swap3A_861, %swap3A_862], %scan3A_842#4 {strides = array<i32>} : memref<21x512xf32, #tpu.memory_space<vmem>>, vector<16xf32>,
      %swap3A_864 = arith.constant 5 : i32
      %swap3A_865 = arith.index_cast %swap3A_864 : i32 to index
      %swap3A_866 = arith.index_cast %multiple_of3A_835 : i32 to index
      %swap3A_867 = tpu.vector_load %arg27[%swap3A_865, %swap3A_866] {strides = array<i32>} : memref<21x512xf32, #tpu.memory_space<vmem>>, vector<16xf32>,
      tpu.vector_store %arg27[%swap3A_865, %swap3A_866], %scan3A_842#5 {strides = array<i32>} : memref<21x512xf32, #tpu.memory_space<vmem>>, vector<16xf32>,
      %swap3A_868 = arith.constant 6 : i32
      %swap3A_869 = arith.index_cast %swap3A_868 : i32 to index
      %swap3A_870 = arith.index_cast %multiple_of3A_835 : i32 to index
      %swap3A_871 = tpu.vector_load %arg27[%swap3A_869, %swap3A_870] {strides = array<i32>} : memref<21x512xf32, #tpu.memory_space<vmem>>, vector<16xf32>,
      tpu.vector_store %arg27[%swap3A_869, %swap3A_870], %scan3A_842#6 {strides = array<i32>} : memref<21x512xf32, #tpu.memory_space<vmem>>, vector<16xf32>,
      %swap3A_872 = arith.constant 7 : i32
      %swap3A_873 = arith.index_cast %swap3A_872 : i32 to index
      %swap3A_874 = arith.index_cast %multiple_of3A_835 : i32 to index
      %swap3A_875 = tpu.vector_load %arg27[%swap3A_873, %swap3A_874] {strides = array<i32>} : memref<21x512xf32, #tpu.memory_space<vmem>>, vector<16xf32>,
      tpu.vector_store %arg27[%swap3A_873, %swap3A_874], %scan3A_842#7 {strides = array<i32>} : memref<21x512xf32, #tpu.memory_space<vmem>>, vector<16xf32>,
      %scan3A_876 = arith.constant 0 : i32
      %scan3A_877 = arith.constant 16 : i32
      %scan3A_878 = arith.addi %scan3A_876, %scan3A_877 : i32
      %scan3A_879 = arith.constant 1 : i32
      %scan3A_880:7 = scf.for %scan3A_1213 = %scan3A_876 to %scan3A_878 step %scan3A_879 iter_args(%scan3A_1214 = %broadcast_in_dim3A_837, %scan3A_1215 = %broadcast_in_dim3A_837, %scan3A_1216 = %broadcast_in_dim3A_837, %scan3A_1217 = %broadcast_in_dim3A_837, %scan3A_1218 = %broadcast_in_dim3A_837, %scan3A_1219 = %broadcast_in_dim3A_837, %scan3A_1220 = %broadcast_in_dim3A_837) -> (vector<16xf32>, vector<16xf32>, vector<16xf32>, vector<16xf32>, vector<16xf32>, vector<16xf32>, vector<16xf32>)  : i32 {
        %mul3A_1221 = arith.constant 4 : i32
        %mul3A_1222 = arith.muli %scan3A_1213, %mul3A_1221 : i32
        %add3A_1223 = arith.constant 0 : i32
        %add3A_1224 = arith.addi %mul3A_1222, %add3A_1223 : i32
        %broadcast_in_dim3A_1225 = vector.broadcast %add3A_1224 : i32 to vector<16xi32>
        %add3A_1226 = arith.constant 1 : i32
        %add3A_1227 = arith.addi %mul3A_1222, %add3A_1226 : i32
        %broadcast_in_dim3A_1228 = vector.broadcast %add3A_1227 : i32 to vector<16xi32>
        %add3A_1229 = arith.constant 2 : i32
        %add3A_1230 = arith.addi %mul3A_1222, %add3A_1229 : i32
        %broadcast_in_dim3A_1231 = vector.broadcast %add3A_1230 : i32 to vector<16xi32>
        %add3A_1232 = arith.constant 3 : i32
        %add3A_1233 = arith.addi %mul3A_1222, %add3A_1232 : i32
        %broadcast_in_dim3A_1234 = vector.broadcast %add3A_1233 : i32 to vector<16xi32>
        %add3A_1235 = arith.addi %shift_left3A_708, %broadcast_in_dim3A_1225 : vector<16xi32>
        %gather3A_1236 = tpu.vector_load_idx %arg21[%iota3A, %add3A_1235] : memref<16x128xf32, #tpu.memory_space<vmem>>[vector<16xi32>, vector<16xi32>], vector<16xf32>,
        %add3A_1237 = arith.addi %shift_left3A_708, %broadcast_in_dim3A_1228 : vector<16xi32>
        %gather3A_1238 = tpu.vector_load_idx %arg21[%iota3A, %add3A_1237] : memref<16x128xf32, #tpu.memory_space<vmem>>[vector<16xi32>, vector<16xi32>], vector<16xf32>,
        %add3A_1239 = arith.addi %shift_left3A_708, %broadcast_in_dim3A_1231 : vector<16xi32>
        %gather3A_1240 = tpu.vector_load_idx %arg21[%iota3A, %add3A_1239] : memref<16x128xf32, #tpu.memory_space<vmem>>[vector<16xi32>, vector<16xi32>], vector<16xf32>,
        %add3A_1241 = arith.addi %shift_left3A_708, %broadcast_in_dim3A_1234 : vector<16xi32>
        %gather3A_1242 = tpu.vector_load_idx %arg21[%iota3A, %add3A_1241] : memref<16x128xf32, #tpu.memory_space<vmem>>[vector<16xi32>, vector<16xi32>], vector<16xf32>,
        %add3A_1243 = arith.addi %shift_left3A_760, %broadcast_in_dim3A_1225 : vector<16xi32>
        %gather3A_1244 = tpu.vector_load_idx %arg23[%add3A_52, %add3A_1243] : memref<320x128xf32, #tpu.memory_space<vmem>>[vector<16xi32>, vector<16xi32>], vector<16xf32>,
        %mul3A_1245 = arith.mulf %gather3A_1244, %gather3A_1236 : vector<16xf32>
        %add3A_1246 = arith.addf %scan3A_1214, %mul3A_1245 : vector<16xf32>
        %add3A_1247 = arith.addi %shift_left3A_760, %broadcast_in_dim3A_1228 : vector<16xi32>
        %gather3A_1248 = tpu.vector_load_idx %arg23[%add3A_52, %add3A_1247] : memref<320x128xf32, #tpu.memory_space<vmem>>[vector<16xi32>, vector<16xi32>], vector<16xf32>,
        %mul3A_1249 = arith.mulf %gather3A_1248, %gather3A_1238 : vector<16xf32>
        %add3A_1250 = arith.addf %add3A_1246, %mul3A_1249 : vector<16xf32>
        %add3A_1251 = arith.addi %shift_left3A_760, %broadcast_in_dim3A_1231 : vector<16xi32>
        %gather3A_1252 = tpu.vector_load_idx %arg23[%add3A_52, %add3A_1251] : memref<320x128xf32, #tpu.memory_space<vmem>>[vector<16xi32>, vector<16xi32>], vector<16xf32>,
        %mul3A_1253 = arith.mulf %gather3A_1252, %gather3A_1240 : vector<16xf32>
        %add3A_1254 = arith.addf %add3A_1250, %mul3A_1253 : vector<16xf32>
        %add3A_1255 = arith.addi %shift_left3A_760, %broadcast_in_dim3A_1234 : vector<16xi32>
        %gather3A_1256 = tpu.vector_load_idx %arg23[%add3A_52, %add3A_1255] : memref<320x128xf32, #tpu.memory_space<vmem>>[vector<16xi32>, vector<16xi32>], vector<16xf32>,
        %mul3A_1257 = arith.mulf %gather3A_1256, %gather3A_1242 : vector<16xf32>
        %add3A_1258 = arith.addf %add3A_1254, %mul3A_1257 : vector<16xf32>
        %add3A_1259 = arith.addi %shift_left3A_766, %broadcast_in_dim3A_1225 : vector<16xi32>
        %gather3A_1260 = tpu.vector_load_idx %arg23[%add3A_58, %add3A_1259] : memref<320x128xf32, #tpu.memory_space<vmem>>[vector<16xi32>, vector<16xi32>], vector<16xf32>,
        %mul3A_1261 = arith.mulf %gather3A_1260, %gather3A_1236 : vector<16xf32>
        %add3A_1262 = arith.addf %scan3A_1215, %mul3A_1261 : vector<16xf32>
        %add3A_1263 = arith.addi %shift_left3A_766, %broadcast_in_dim3A_1228 : vector<16xi32>
        %gather3A_1264 = tpu.vector_load_idx %arg23[%add3A_58, %add3A_1263] : memref<320x128xf32, #tpu.memory_space<vmem>>[vector<16xi32>, vector<16xi32>], vector<16xf32>,
        %mul3A_1265 = arith.mulf %gather3A_1264, %gather3A_1238 : vector<16xf32>
        %add3A_1266 = arith.addf %add3A_1262, %mul3A_1265 : vector<16xf32>
        %add3A_1267 = arith.addi %shift_left3A_766, %broadcast_in_dim3A_1231 : vector<16xi32>
        %gather3A_1268 = tpu.vector_load_idx %arg23[%add3A_58, %add3A_1267] : memref<320x128xf32, #tpu.memory_space<vmem>>[vector<16xi32>, vector<16xi32>], vector<16xf32>,
        %mul3A_1269 = arith.mulf %gather3A_1268, %gather3A_1240 : vector<16xf32>
        %add3A_1270 = arith.addf %add3A_1266, %mul3A_1269 : vector<16xf32>
        %add3A_1271 = arith.addi %shift_left3A_766, %broadcast_in_dim3A_1234 : vector<16xi32>
        %gather3A_1272 = tpu.vector_load_idx %arg23[%add3A_58, %add3A_1271] : memref<320x128xf32, #tpu.memory_space<vmem>>[vector<16xi32>, vector<16xi32>], vector<16xf32>,
        %mul3A_1273 = arith.mulf %gather3A_1272, %gather3A_1242 : vector<16xf32>
        %add3A_1274 = arith.addf %add3A_1270, %mul3A_1273 : vector<16xf32>
        %add3A_1275 = arith.addi %shift_left3A_772, %broadcast_in_dim3A_1225 : vector<16xi32>
        %gather3A_1276 = tpu.vector_load_idx %arg23[%add3A_64, %add3A_1275] : memref<320x128xf32, #tpu.memory_space<vmem>>[vector<16xi32>, vector<16xi32>], vector<16xf32>,
        %mul3A_1277 = arith.mulf %gather3A_1276, %gather3A_1236 : vector<16xf32>
        %add3A_1278 = arith.addf %scan3A_1216, %mul3A_1277 : vector<16xf32>
        %add3A_1279 = arith.addi %shift_left3A_772, %broadcast_in_dim3A_1228 : vector<16xi32>
        %gather3A_1280 = tpu.vector_load_idx %arg23[%add3A_64, %add3A_1279] : memref<320x128xf32, #tpu.memory_space<vmem>>[vector<16xi32>, vector<16xi32>], vector<16xf32>,
        %mul3A_1281 = arith.mulf %gather3A_1280, %gather3A_1238 : vector<16xf32>
        %add3A_1282 = arith.addf %add3A_1278, %mul3A_1281 : vector<16xf32>
        %add3A_1283 = arith.addi %shift_left3A_772, %broadcast_in_dim3A_1231 : vector<16xi32>
        %gather3A_1284 = tpu.vector_load_idx %arg23[%add3A_64, %add3A_1283] : memref<320x128xf32, #tpu.memory_space<vmem>>[vector<16xi32>, vector<16xi32>], vector<16xf32>,
        %mul3A_1285 = arith.mulf %gather3A_1284, %gather3A_1240 : vector<16xf32>
        %add3A_1286 = arith.addf %add3A_1282, %mul3A_1285 : vector<16xf32>
        %add3A_1287 = arith.addi %shift_left3A_772, %broadcast_in_dim3A_1234 : vector<16xi32>
        %gather3A_1288 = tpu.vector_load_idx %arg23[%add3A_64, %add3A_1287] : memref<320x128xf32, #tpu.memory_space<vmem>>[vector<16xi32>, vector<16xi32>], vector<16xf32>,
        %mul3A_1289 = arith.mulf %gather3A_1288, %gather3A_1242 : vector<16xf32>
        %add3A_1290 = arith.addf %add3A_1286, %mul3A_1289 : vector<16xf32>
        %add3A_1291 = arith.addi %shift_left3A_778, %broadcast_in_dim3A_1225 : vector<16xi32>
        %gather3A_1292 = tpu.vector_load_idx %arg23[%add3A_70, %add3A_1291] : memref<320x128xf32, #tpu.memory_space<vmem>>[vector<16xi32>, vector<16xi32>], vector<16xf32>,
        %mul3A_1293 = arith.mulf %gather3A_1292, %gather3A_1236 : vector<16xf32>
        %add3A_1294 = arith.addf %scan3A_1217, %mul3A_1293 : vector<16xf32>
        %add3A_1295 = arith.addi %shift_left3A_778, %broadcast_in_dim3A_1228 : vector<16xi32>
        %gather3A_1296 = tpu.vector_load_idx %arg23[%add3A_70, %add3A_1295] : memref<320x128xf32, #tpu.memory_space<vmem>>[vector<16xi32>, vector<16xi32>], vector<16xf32>,
        %mul3A_1297 = arith.mulf %gather3A_1296, %gather3A_1238 : vector<16xf32>
        %add3A_1298 = arith.addf %add3A_1294, %mul3A_1297 : vector<16xf32>
        %add3A_1299 = arith.addi %shift_left3A_778, %broadcast_in_dim3A_1231 : vector<16xi32>
        %gather3A_1300 = tpu.vector_load_idx %arg23[%add3A_70, %add3A_1299] : memref<320x128xf32, #tpu.memory_space<vmem>>[vector<16xi32>, vector<16xi32>], vector<16xf32>,
        %mul3A_1301 = arith.mulf %gather3A_1300, %gather3A_1240 : vector<16xf32>
        %add3A_1302 = arith.addf %add3A_1298, %mul3A_1301 : vector<16xf32>
        %add3A_1303 = arith.addi %shift_left3A_778, %broadcast_in_dim3A_1234 : vector<16xi32>
        %gather3A_1304 = tpu.vector_load_idx %arg23[%add3A_70, %add3A_1303] : memref<320x128xf32, #tpu.memory_space<vmem>>[vector<16xi32>, vector<16xi32>], vector<16xf32>,
        %mul3A_1305 = arith.mulf %gather3A_1304, %gather3A_1242 : vector<16xf32>
        %add3A_1306 = arith.addf %add3A_1302, %mul3A_1305 : vector<16xf32>
        %add3A_1307 = arith.addi %shift_left3A_784, %broadcast_in_dim3A_1225 : vector<16xi32>
        %gather3A_1308 = tpu.vector_load_idx %arg23[%add3A_76, %add3A_1307] : memref<320x128xf32, #tpu.memory_space<vmem>>[vector<16xi32>, vector<16xi32>], vector<16xf32>,
        %mul3A_1309 = arith.mulf %gather3A_1308, %gather3A_1236 : vector<16xf32>
        %add3A_1310 = arith.addf %scan3A_1218, %mul3A_1309 : vector<16xf32>
        %add3A_1311 = arith.addi %shift_left3A_784, %broadcast_in_dim3A_1228 : vector<16xi32>
        %gather3A_1312 = tpu.vector_load_idx %arg23[%add3A_76, %add3A_1311] : memref<320x128xf32, #tpu.memory_space<vmem>>[vector<16xi32>, vector<16xi32>], vector<16xf32>,
        %mul3A_1313 = arith.mulf %gather3A_1312, %gather3A_1238 : vector<16xf32>
        %add3A_1314 = arith.addf %add3A_1310, %mul3A_1313 : vector<16xf32>
        %add3A_1315 = arith.addi %shift_left3A_784, %broadcast_in_dim3A_1231 : vector<16xi32>
        %gather3A_1316 = tpu.vector_load_idx %arg23[%add3A_76, %add3A_1315] : memref<320x128xf32, #tpu.memory_space<vmem>>[vector<16xi32>, vector<16xi32>], vector<16xf32>,
        %mul3A_1317 = arith.mulf %gather3A_1316, %gather3A_1240 : vector<16xf32>
        %add3A_1318 = arith.addf %add3A_1314, %mul3A_1317 : vector<16xf32>
        %add3A_1319 = arith.addi %shift_left3A_784, %broadcast_in_dim3A_1234 : vector<16xi32>
        %gather3A_1320 = tpu.vector_load_idx %arg23[%add3A_76, %add3A_1319] : memref<320x128xf32, #tpu.memory_space<vmem>>[vector<16xi32>, vector<16xi32>], vector<16xf32>,
        %mul3A_1321 = arith.mulf %gather3A_1320, %gather3A_1242 : vector<16xf32>
        %add3A_1322 = arith.addf %add3A_1318, %mul3A_1321 : vector<16xf32>
        %add3A_1323 = arith.addi %shift_left3A_790, %broadcast_in_dim3A_1225 : vector<16xi32>
        %gather3A_1324 = tpu.vector_load_idx %arg23[%add3A_82, %add3A_1323] : memref<320x128xf32, #tpu.memory_space<vmem>>[vector<16xi32>, vector<16xi32>], vector<16xf32>,
        %mul3A_1325 = arith.mulf %gather3A_1324, %gather3A_1236 : vector<16xf32>
        %add3A_1326 = arith.addf %scan3A_1219, %mul3A_1325 : vector<16xf32>
        %add3A_1327 = arith.addi %shift_left3A_790, %broadcast_in_dim3A_1228 : vector<16xi32>
        %gather3A_1328 = tpu.vector_load_idx %arg23[%add3A_82, %add3A_1327] : memref<320x128xf32, #tpu.memory_space<vmem>>[vector<16xi32>, vector<16xi32>], vector<16xf32>,
        %mul3A_1329 = arith.mulf %gather3A_1328, %gather3A_1238 : vector<16xf32>
        %add3A_1330 = arith.addf %add3A_1326, %mul3A_1329 : vector<16xf32>
        %add3A_1331 = arith.addi %shift_left3A_790, %broadcast_in_dim3A_1231 : vector<16xi32>
        %gather3A_1332 = tpu.vector_load_idx %arg23[%add3A_82, %add3A_1331] : memref<320x128xf32, #tpu.memory_space<vmem>>[vector<16xi32>, vector<16xi32>], vector<16xf32>,
        %mul3A_1333 = arith.mulf %gather3A_1332, %gather3A_1240 : vector<16xf32>
        %add3A_1334 = arith.addf %add3A_1330, %mul3A_1333 : vector<16xf32>
        %add3A_1335 = arith.addi %shift_left3A_790, %broadcast_in_dim3A_1234 : vector<16xi32>
        %gather3A_1336 = tpu.vector_load_idx %arg23[%add3A_82, %add3A_1335] : memref<320x128xf32, #tpu.memory_space<vmem>>[vector<16xi32>, vector<16xi32>], vector<16xf32>,
        %mul3A_1337 = arith.mulf %gather3A_1336, %gather3A_1242 : vector<16xf32>
        %add3A_1338 = arith.addf %add3A_1334, %mul3A_1337 : vector<16xf32>
        %add3A_1339 = arith.addi %shift_left3A_796, %broadcast_in_dim3A_1225 : vector<16xi32>
        %gather3A_1340 = tpu.vector_load_idx %arg23[%add3A_88, %add3A_1339] : memref<320x128xf32, #tpu.memory_space<vmem>>[vector<16xi32>, vector<16xi32>], vector<16xf32>,
        %mul3A_1341 = arith.mulf %gather3A_1340, %gather3A_1236 : vector<16xf32>
        %add3A_1342 = arith.addf %scan3A_1220, %mul3A_1341 : vector<16xf32>
        %add3A_1343 = arith.addi %shift_left3A_796, %broadcast_in_dim3A_1228 : vector<16xi32>
        %gather3A_1344 = tpu.vector_load_idx %arg23[%add3A_88, %add3A_1343] : memref<320x128xf32, #tpu.memory_space<vmem>>[vector<16xi32>, vector<16xi32>], vector<16xf32>,
        %mul3A_1345 = arith.mulf %gather3A_1344, %gather3A_1238 : vector<16xf32>
        %add3A_1346 = arith.addf %add3A_1342, %mul3A_1345 : vector<16xf32>
        %add3A_1347 = arith.addi %shift_left3A_796, %broadcast_in_dim3A_1231 : vector<16xi32>
        %gather3A_1348 = tpu.vector_load_idx %arg23[%add3A_88, %add3A_1347] : memref<320x128xf32, #tpu.memory_space<vmem>>[vector<16xi32>, vector<16xi32>], vector<16xf32>,
        %mul3A_1349 = arith.mulf %gather3A_1348, %gather3A_1240 : vector<16xf32>
        %add3A_1350 = arith.addf %add3A_1346, %mul3A_1349 : vector<16xf32>
        %add3A_1351 = arith.addi %shift_left3A_796, %broadcast_in_dim3A_1234 : vector<16xi32>
        %gather3A_1352 = tpu.vector_load_idx %arg23[%add3A_88, %add3A_1351] : memref<320x128xf32, #tpu.memory_space<vmem>>[vector<16xi32>, vector<16xi32>], vector<16xf32>,
        %mul3A_1353 = arith.mulf %gather3A_1352, %gather3A_1242 : vector<16xf32>
        %add3A_1354 = arith.addf %add3A_1350, %mul3A_1353 : vector<16xf32>
        scf.yield %add3A_1258, %add3A_1274, %add3A_1290, %add3A_1306, %add3A_1322, %add3A_1338, %add3A_1354 : vector<16xf32>, vector<16xf32>, vector<16xf32>, vector<16xf32>, vector<16xf32>, vector<16xf32>, vector<16xf32>
      }
      %scan3A_881 = arith.constant 16 : i32
      %swap3A_882 = arith.constant 8 : i32
      %swap3A_883 = arith.index_cast %swap3A_882 : i32 to index
      %swap3A_884 = arith.index_cast %multiple_of3A_835 : i32 to index
      %swap3A_885 = tpu.vector_load %arg27[%swap3A_883, %swap3A_884] {strides = array<i32>} : memref<21x512xf32, #tpu.memory_space<vmem>>, vector<16xf32>,
      tpu.vector_store %arg27[%swap3A_883, %swap3A_884], %scan3A_880#0 {strides = array<i32>} : memref<21x512xf32, #tpu.memory_space<vmem>>, vector<16xf32>,
      %swap3A_886 = arith.constant 9 : i32
      %swap3A_887 = arith.index_cast %swap3A_886 : i32 to index
      %swap3A_888 = arith.index_cast %multiple_of3A_835 : i32 to index
      %swap3A_889 = tpu.vector_load %arg27[%swap3A_887, %swap3A_888] {strides = array<i32>} : memref<21x512xf32, #tpu.memory_space<vmem>>, vector<16xf32>,
      tpu.vector_store %arg27[%swap3A_887, %swap3A_888], %scan3A_880#1 {strides = array<i32>} : memref<21x512xf32, #tpu.memory_space<vmem>>, vector<16xf32>,
      %swap3A_890 = arith.constant 10 : i32
      %swap3A_891 = arith.index_cast %swap3A_890 : i32 to index
      %swap3A_892 = arith.index_cast %multiple_of3A_835 : i32 to index
      %swap3A_893 = tpu.vector_load %arg27[%swap3A_891, %swap3A_892] {strides = array<i32>} : memref<21x512xf32, #tpu.memory_space<vmem>>, vector<16xf32>,
      tpu.vector_store %arg27[%swap3A_891, %swap3A_892], %scan3A_880#2 {strides = array<i32>} : memref<21x512xf32, #tpu.memory_space<vmem>>, vector<16xf32>,
      %swap3A_894 = arith.constant 11 : i32
      %swap3A_895 = arith.index_cast %swap3A_894 : i32 to index
      %swap3A_896 = arith.index_cast %multiple_of3A_835 : i32 to index
      %swap3A_897 = tpu.vector_load %arg27[%swap3A_895, %swap3A_896] {strides = array<i32>} : memref<21x512xf32, #tpu.memory_space<vmem>>, vector<16xf32>,
      tpu.vector_store %arg27[%swap3A_895, %swap3A_896], %scan3A_880#3 {strides = array<i32>} : memref<21x512xf32, #tpu.memory_space<vmem>>, vector<16xf32>,
      %swap3A_898 = arith.constant 12 : i32
      %swap3A_899 = arith.index_cast %swap3A_898 : i32 to index
      %swap3A_900 = arith.index_cast %multiple_of3A_835 : i32 to index
      %swap3A_901 = tpu.vector_load %arg27[%swap3A_899, %swap3A_900] {strides = array<i32>} : memref<21x512xf32, #tpu.memory_space<vmem>>, vector<16xf32>,
      tpu.vector_store %arg27[%swap3A_899, %swap3A_900], %scan3A_880#4 {strides = array<i32>} : memref<21x512xf32, #tpu.memory_space<vmem>>, vector<16xf32>,
      %swap3A_902 = arith.constant 13 : i32
      %swap3A_903 = arith.index_cast %swap3A_902 : i32 to index
      %swap3A_904 = arith.index_cast %multiple_of3A_835 : i32 to index
      %swap3A_905 = tpu.vector_load %arg27[%swap3A_903, %swap3A_904] {strides = array<i32>} : memref<21x512xf32, #tpu.memory_space<vmem>>, vector<16xf32>,
      tpu.vector_store %arg27[%swap3A_903, %swap3A_904], %scan3A_880#5 {strides = array<i32>} : memref<21x512xf32, #tpu.memory_space<vmem>>, vector<16xf32>,
      %swap3A_906 = arith.constant 14 : i32
      %swap3A_907 = arith.index_cast %swap3A_906 : i32 to index
      %swap3A_908 = arith.index_cast %multiple_of3A_835 : i32 to index
      %swap3A_909 = tpu.vector_load %arg27[%swap3A_907, %swap3A_908] {strides = array<i32>} : memref<21x512xf32, #tpu.memory_space<vmem>>, vector<16xf32>,
      tpu.vector_store %arg27[%swap3A_907, %swap3A_908], %scan3A_880#6 {strides = array<i32>} : memref<21x512xf32, #tpu.memory_space<vmem>>, vector<16xf32>,
      %scan3A_910 = arith.constant 0 : i32
      %scan3A_911 = arith.constant 16 : i32
      %scan3A_912 = arith.addi %scan3A_910, %scan3A_911 : i32
      %scan3A_913 = arith.constant 1 : i32
      %scan3A_914:6 = scf.for %scan3A_1213 = %scan3A_910 to %scan3A_912 step %scan3A_913 iter_args(%scan3A_1214 = %broadcast_in_dim3A_837, %scan3A_1215 = %broadcast_in_dim3A_837, %scan3A_1216 = %broadcast_in_dim3A_837, %scan3A_1217 = %broadcast_in_dim3A_837, %scan3A_1218 = %broadcast_in_dim3A_837, %scan3A_1219 = %broadcast_in_dim3A_837) -> (vector<16xf32>, vector<16xf32>, vector<16xf32>, vector<16xf32>, vector<16xf32>, vector<16xf32>)  : i32 {
        %mul3A_1220 = arith.constant 4 : i32
        %mul3A_1221 = arith.muli %scan3A_1213, %mul3A_1220 : i32
        %add3A_1222 = arith.constant 0 : i32
        %add3A_1223 = arith.addi %mul3A_1221, %add3A_1222 : i32
        %broadcast_in_dim3A_1224 = vector.broadcast %add3A_1223 : i32 to vector<16xi32>
        %add3A_1225 = arith.constant 1 : i32
        %add3A_1226 = arith.addi %mul3A_1221, %add3A_1225 : i32
        %broadcast_in_dim3A_1227 = vector.broadcast %add3A_1226 : i32 to vector<16xi32>
        %add3A_1228 = arith.constant 2 : i32
        %add3A_1229 = arith.addi %mul3A_1221, %add3A_1228 : i32
        %broadcast_in_dim3A_1230 = vector.broadcast %add3A_1229 : i32 to vector<16xi32>
        %add3A_1231 = arith.constant 3 : i32
        %add3A_1232 = arith.addi %mul3A_1221, %add3A_1231 : i32
        %broadcast_in_dim3A_1233 = vector.broadcast %add3A_1232 : i32 to vector<16xi32>
        %add3A_1234 = arith.addi %shift_left3A_708, %broadcast_in_dim3A_1224 : vector<16xi32>
        %gather3A_1235 = tpu.vector_load_idx %arg21[%iota3A, %add3A_1234] : memref<16x128xf32, #tpu.memory_space<vmem>>[vector<16xi32>, vector<16xi32>], vector<16xf32>,
        %add3A_1236 = arith.addi %shift_left3A_708, %broadcast_in_dim3A_1227 : vector<16xi32>
        %gather3A_1237 = tpu.vector_load_idx %arg21[%iota3A, %add3A_1236] : memref<16x128xf32, #tpu.memory_space<vmem>>[vector<16xi32>, vector<16xi32>], vector<16xf32>,
        %add3A_1238 = arith.addi %shift_left3A_708, %broadcast_in_dim3A_1230 : vector<16xi32>
        %gather3A_1239 = tpu.vector_load_idx %arg21[%iota3A, %add3A_1238] : memref<16x128xf32, #tpu.memory_space<vmem>>[vector<16xi32>, vector<16xi32>], vector<16xf32>,
        %add3A_1240 = arith.addi %shift_left3A_708, %broadcast_in_dim3A_1233 : vector<16xi32>
        %gather3A_1241 = tpu.vector_load_idx %arg21[%iota3A, %add3A_1240] : memref<16x128xf32, #tpu.memory_space<vmem>>[vector<16xi32>, vector<16xi32>], vector<16xf32>,
        %add3A_1242 = arith.addi %shift_left3A_802, %broadcast_in_dim3A_1224 : vector<16xi32>
        %gather3A_1243 = tpu.vector_load_idx %arg23[%add3A_94, %add3A_1242] : memref<320x128xf32, #tpu.memory_space<vmem>>[vector<16xi32>, vector<16xi32>], vector<16xf32>,
        %mul3A_1244 = arith.mulf %gather3A_1243, %gather3A_1235 : vector<16xf32>
        %add3A_1245 = arith.addf %scan3A_1214, %mul3A_1244 : vector<16xf32>
        %add3A_1246 = arith.addi %shift_left3A_802, %broadcast_in_dim3A_1227 : vector<16xi32>
        %gather3A_1247 = tpu.vector_load_idx %arg23[%add3A_94, %add3A_1246] : memref<320x128xf32, #tpu.memory_space<vmem>>[vector<16xi32>, vector<16xi32>], vector<16xf32>,
        %mul3A_1248 = arith.mulf %gather3A_1247, %gather3A_1237 : vector<16xf32>
        %add3A_1249 = arith.addf %add3A_1245, %mul3A_1248 : vector<16xf32>
        %add3A_1250 = arith.addi %shift_left3A_802, %broadcast_in_dim3A_1230 : vector<16xi32>
        %gather3A_1251 = tpu.vector_load_idx %arg23[%add3A_94, %add3A_1250] : memref<320x128xf32, #tpu.memory_space<vmem>>[vector<16xi32>, vector<16xi32>], vector<16xf32>,
        %mul3A_1252 = arith.mulf %gather3A_1251, %gather3A_1239 : vector<16xf32>
        %add3A_1253 = arith.addf %add3A_1249, %mul3A_1252 : vector<16xf32>
        %add3A_1254 = arith.addi %shift_left3A_802, %broadcast_in_dim3A_1233 : vector<16xi32>
        %gather3A_1255 = tpu.vector_load_idx %arg23[%add3A_94, %add3A_1254] : memref<320x128xf32, #tpu.memory_space<vmem>>[vector<16xi32>, vector<16xi32>], vector<16xf32>,
        %mul3A_1256 = arith.mulf %gather3A_1255, %gather3A_1241 : vector<16xf32>
        %add3A_1257 = arith.addf %add3A_1253, %mul3A_1256 : vector<16xf32>
        %add3A_1258 = arith.addi %shift_left3A_808, %broadcast_in_dim3A_1224 : vector<16xi32>
        %gather3A_1259 = tpu.vector_load_idx %arg23[%add3A_100, %add3A_1258] : memref<320x128xf32, #tpu.memory_space<vmem>>[vector<16xi32>, vector<16xi32>], vector<16xf32>,
        %mul3A_1260 = arith.mulf %gather3A_1259, %gather3A_1235 : vector<16xf32>
        %add3A_1261 = arith.addf %scan3A_1215, %mul3A_1260 : vector<16xf32>
        %add3A_1262 = arith.addi %shift_left3A_808, %broadcast_in_dim3A_1227 : vector<16xi32>
        %gather3A_1263 = tpu.vector_load_idx %arg23[%add3A_100, %add3A_1262] : memref<320x128xf32, #tpu.memory_space<vmem>>[vector<16xi32>, vector<16xi32>], vector<16xf32>,
        %mul3A_1264 = arith.mulf %gather3A_1263, %gather3A_1237 : vector<16xf32>
        %add3A_1265 = arith.addf %add3A_1261, %mul3A_1264 : vector<16xf32>
        %add3A_1266 = arith.addi %shift_left3A_808, %broadcast_in_dim3A_1230 : vector<16xi32>
        %gather3A_1267 = tpu.vector_load_idx %arg23[%add3A_100, %add3A_1266] : memref<320x128xf32, #tpu.memory_space<vmem>>[vector<16xi32>, vector<16xi32>], vector<16xf32>,
        %mul3A_1268 = arith.mulf %gather3A_1267, %gather3A_1239 : vector<16xf32>
        %add3A_1269 = arith.addf %add3A_1265, %mul3A_1268 : vector<16xf32>
        %add3A_1270 = arith.addi %shift_left3A_808, %broadcast_in_dim3A_1233 : vector<16xi32>
        %gather3A_1271 = tpu.vector_load_idx %arg23[%add3A_100, %add3A_1270] : memref<320x128xf32, #tpu.memory_space<vmem>>[vector<16xi32>, vector<16xi32>], vector<16xf32>,
        %mul3A_1272 = arith.mulf %gather3A_1271, %gather3A_1241 : vector<16xf32>
        %add3A_1273 = arith.addf %add3A_1269, %mul3A_1272 : vector<16xf32>
        %add3A_1274 = arith.addi %shift_left3A_814, %broadcast_in_dim3A_1224 : vector<16xi32>
        %gather3A_1275 = tpu.vector_load_idx %arg23[%add3A_106, %add3A_1274] : memref<320x128xf32, #tpu.memory_space<vmem>>[vector<16xi32>, vector<16xi32>], vector<16xf32>,
        %mul3A_1276 = arith.mulf %gather3A_1275, %gather3A_1235 : vector<16xf32>
        %add3A_1277 = arith.addf %scan3A_1216, %mul3A_1276 : vector<16xf32>
        %add3A_1278 = arith.addi %shift_left3A_814, %broadcast_in_dim3A_1227 : vector<16xi32>
        %gather3A_1279 = tpu.vector_load_idx %arg23[%add3A_106, %add3A_1278] : memref<320x128xf32, #tpu.memory_space<vmem>>[vector<16xi32>, vector<16xi32>], vector<16xf32>,
        %mul3A_1280 = arith.mulf %gather3A_1279, %gather3A_1237 : vector<16xf32>
        %add3A_1281 = arith.addf %add3A_1277, %mul3A_1280 : vector<16xf32>
        %add3A_1282 = arith.addi %shift_left3A_814, %broadcast_in_dim3A_1230 : vector<16xi32>
        %gather3A_1283 = tpu.vector_load_idx %arg23[%add3A_106, %add3A_1282] : memref<320x128xf32, #tpu.memory_space<vmem>>[vector<16xi32>, vector<16xi32>], vector<16xf32>,
        %mul3A_1284 = arith.mulf %gather3A_1283, %gather3A_1239 : vector<16xf32>
        %add3A_1285 = arith.addf %add3A_1281, %mul3A_1284 : vector<16xf32>
        %add3A_1286 = arith.addi %shift_left3A_814, %broadcast_in_dim3A_1233 : vector<16xi32>
        %gather3A_1287 = tpu.vector_load_idx %arg23[%add3A_106, %add3A_1286] : memref<320x128xf32, #tpu.memory_space<vmem>>[vector<16xi32>, vector<16xi32>], vector<16xf32>,
        %mul3A_1288 = arith.mulf %gather3A_1287, %gather3A_1241 : vector<16xf32>
        %add3A_1289 = arith.addf %add3A_1285, %mul3A_1288 : vector<16xf32>
        %add3A_1290 = arith.addi %shift_left3A_820, %broadcast_in_dim3A_1224 : vector<16xi32>
        %gather3A_1291 = tpu.vector_load_idx %arg23[%add3A_112, %add3A_1290] : memref<320x128xf32, #tpu.memory_space<vmem>>[vector<16xi32>, vector<16xi32>], vector<16xf32>,
        %mul3A_1292 = arith.mulf %gather3A_1291, %gather3A_1235 : vector<16xf32>
        %add3A_1293 = arith.addf %scan3A_1217, %mul3A_1292 : vector<16xf32>
        %add3A_1294 = arith.addi %shift_left3A_820, %broadcast_in_dim3A_1227 : vector<16xi32>
        %gather3A_1295 = tpu.vector_load_idx %arg23[%add3A_112, %add3A_1294] : memref<320x128xf32, #tpu.memory_space<vmem>>[vector<16xi32>, vector<16xi32>], vector<16xf32>,
        %mul3A_1296 = arith.mulf %gather3A_1295, %gather3A_1237 : vector<16xf32>
        %add3A_1297 = arith.addf %add3A_1293, %mul3A_1296 : vector<16xf32>
        %add3A_1298 = arith.addi %shift_left3A_820, %broadcast_in_dim3A_1230 : vector<16xi32>
        %gather3A_1299 = tpu.vector_load_idx %arg23[%add3A_112, %add3A_1298] : memref<320x128xf32, #tpu.memory_space<vmem>>[vector<16xi32>, vector<16xi32>], vector<16xf32>,
        %mul3A_1300 = arith.mulf %gather3A_1299, %gather3A_1239 : vector<16xf32>
        %add3A_1301 = arith.addf %add3A_1297, %mul3A_1300 : vector<16xf32>
        %add3A_1302 = arith.addi %shift_left3A_820, %broadcast_in_dim3A_1233 : vector<16xi32>
        %gather3A_1303 = tpu.vector_load_idx %arg23[%add3A_112, %add3A_1302] : memref<320x128xf32, #tpu.memory_space<vmem>>[vector<16xi32>, vector<16xi32>], vector<16xf32>,
        %mul3A_1304 = arith.mulf %gather3A_1303, %gather3A_1241 : vector<16xf32>
        %add3A_1305 = arith.addf %add3A_1301, %mul3A_1304 : vector<16xf32>
        %add3A_1306 = arith.addi %shift_left3A_826, %broadcast_in_dim3A_1224 : vector<16xi32>
        %gather3A_1307 = tpu.vector_load_idx %arg23[%add3A_118, %add3A_1306] : memref<320x128xf32, #tpu.memory_space<vmem>>[vector<16xi32>, vector<16xi32>], vector<16xf32>,
        %mul3A_1308 = arith.mulf %gather3A_1307, %gather3A_1235 : vector<16xf32>
        %add3A_1309 = arith.addf %scan3A_1218, %mul3A_1308 : vector<16xf32>
        %add3A_1310 = arith.addi %shift_left3A_826, %broadcast_in_dim3A_1227 : vector<16xi32>
        %gather3A_1311 = tpu.vector_load_idx %arg23[%add3A_118, %add3A_1310] : memref<320x128xf32, #tpu.memory_space<vmem>>[vector<16xi32>, vector<16xi32>], vector<16xf32>,
        %mul3A_1312 = arith.mulf %gather3A_1311, %gather3A_1237 : vector<16xf32>
        %add3A_1313 = arith.addf %add3A_1309, %mul3A_1312 : vector<16xf32>
        %add3A_1314 = arith.addi %shift_left3A_826, %broadcast_in_dim3A_1230 : vector<16xi32>
        %gather3A_1315 = tpu.vector_load_idx %arg23[%add3A_118, %add3A_1314] : memref<320x128xf32, #tpu.memory_space<vmem>>[vector<16xi32>, vector<16xi32>], vector<16xf32>,
        %mul3A_1316 = arith.mulf %gather3A_1315, %gather3A_1239 : vector<16xf32>
        %add3A_1317 = arith.addf %add3A_1313, %mul3A_1316 : vector<16xf32>
        %add3A_1318 = arith.addi %shift_left3A_826, %broadcast_in_dim3A_1233 : vector<16xi32>
        %gather3A_1319 = tpu.vector_load_idx %arg23[%add3A_118, %add3A_1318] : memref<320x128xf32, #tpu.memory_space<vmem>>[vector<16xi32>, vector<16xi32>], vector<16xf32>,
        %mul3A_1320 = arith.mulf %gather3A_1319, %gather3A_1241 : vector<16xf32>
        %add3A_1321 = arith.addf %add3A_1317, %mul3A_1320 : vector<16xf32>
        %add3A_1322 = arith.addi %shift_left3A_832, %broadcast_in_dim3A_1224 : vector<16xi32>
        %gather3A_1323 = tpu.vector_load_idx %arg23[%add3A_124, %add3A_1322] : memref<320x128xf32, #tpu.memory_space<vmem>>[vector<16xi32>, vector<16xi32>], vector<16xf32>,
        %mul3A_1324 = arith.mulf %gather3A_1323, %gather3A_1235 : vector<16xf32>
        %add3A_1325 = arith.addf %scan3A_1219, %mul3A_1324 : vector<16xf32>
        %add3A_1326 = arith.addi %shift_left3A_832, %broadcast_in_dim3A_1227 : vector<16xi32>
        %gather3A_1327 = tpu.vector_load_idx %arg23[%add3A_124, %add3A_1326] : memref<320x128xf32, #tpu.memory_space<vmem>>[vector<16xi32>, vector<16xi32>], vector<16xf32>,
        %mul3A_1328 = arith.mulf %gather3A_1327, %gather3A_1237 : vector<16xf32>
        %add3A_1329 = arith.addf %add3A_1325, %mul3A_1328 : vector<16xf32>
        %add3A_1330 = arith.addi %shift_left3A_832, %broadcast_in_dim3A_1230 : vector<16xi32>
        %gather3A_1331 = tpu.vector_load_idx %arg23[%add3A_124, %add3A_1330] : memref<320x128xf32, #tpu.memory_space<vmem>>[vector<16xi32>, vector<16xi32>], vector<16xf32>,
        %mul3A_1332 = arith.mulf %gather3A_1331, %gather3A_1239 : vector<16xf32>
        %add3A_1333 = arith.addf %add3A_1329, %mul3A_1332 : vector<16xf32>
        %add3A_1334 = arith.addi %shift_left3A_832, %broadcast_in_dim3A_1233 : vector<16xi32>
        %gather3A_1335 = tpu.vector_load_idx %arg23[%add3A_124, %add3A_1334] : memref<320x128xf32, #tpu.memory_space<vmem>>[vector<16xi32>, vector<16xi32>], vector<16xf32>,
        %mul3A_1336 = arith.mulf %gather3A_1335, %gather3A_1241 : vector<16xf32>
        %add3A_1337 = arith.addf %add3A_1333, %mul3A_1336 : vector<16xf32>
        scf.yield %add3A_1257, %add3A_1273, %add3A_1289, %add3A_1305, %add3A_1321, %add3A_1337 : vector<16xf32>, vector<16xf32>, vector<16xf32>, vector<16xf32>, vector<16xf32>, vector<16xf32>
      }
      %scan3A_915 = arith.constant 16 : i32
      %swap3A_916 = arith.constant 15 : i32
      %swap3A_917 = arith.index_cast %swap3A_916 : i32 to index
      %swap3A_918 = arith.index_cast %multiple_of3A_835 : i32 to index
      %swap3A_919 = tpu.vector_load %arg27[%swap3A_917, %swap3A_918] {strides = array<i32>} : memref<21x512xf32, #tpu.memory_space<vmem>>, vector<16xf32>,
      tpu.vector_store %arg27[%swap3A_917, %swap3A_918], %scan3A_914#0 {strides = array<i32>} : memref<21x512xf32, #tpu.memory_space<vmem>>, vector<16xf32>,
      %swap3A_920 = arith.constant 16 : i32
      %swap3A_921 = arith.index_cast %swap3A_920 : i32 to index
      %swap3A_922 = arith.index_cast %multiple_of3A_835 : i32 to index
      %swap3A_923 = tpu.vector_load %arg27[%swap3A_921, %swap3A_922] {strides = array<i32>} : memref<21x512xf32, #tpu.memory_space<vmem>>, vector<16xf32>,
      tpu.vector_store %arg27[%swap3A_921, %swap3A_922], %scan3A_914#1 {strides = array<i32>} : memref<21x512xf32, #tpu.memory_space<vmem>>, vector<16xf32>,
      %swap3A_924 = arith.constant 17 : i32
      %swap3A_925 = arith.index_cast %swap3A_924 : i32 to index
      %swap3A_926 = arith.index_cast %multiple_of3A_835 : i32 to index
      %swap3A_927 = tpu.vector_load %arg27[%swap3A_925, %swap3A_926] {strides = array<i32>} : memref<21x512xf32, #tpu.memory_space<vmem>>, vector<16xf32>,
      tpu.vector_store %arg27[%swap3A_925, %swap3A_926], %scan3A_914#2 {strides = array<i32>} : memref<21x512xf32, #tpu.memory_space<vmem>>, vector<16xf32>,
      %swap3A_928 = arith.constant 18 : i32
      %swap3A_929 = arith.index_cast %swap3A_928 : i32 to index
      %swap3A_930 = arith.index_cast %multiple_of3A_835 : i32 to index
      %swap3A_931 = tpu.vector_load %arg27[%swap3A_929, %swap3A_930] {strides = array<i32>} : memref<21x512xf32, #tpu.memory_space<vmem>>, vector<16xf32>,
      tpu.vector_store %arg27[%swap3A_929, %swap3A_930], %scan3A_914#3 {strides = array<i32>} : memref<21x512xf32, #tpu.memory_space<vmem>>, vector<16xf32>,
      %swap3A_932 = arith.constant 19 : i32
      %swap3A_933 = arith.index_cast %swap3A_932 : i32 to index
      %swap3A_934 = arith.index_cast %multiple_of3A_835 : i32 to index
      %swap3A_935 = tpu.vector_load %arg27[%swap3A_933, %swap3A_934] {strides = array<i32>} : memref<21x512xf32, #tpu.memory_space<vmem>>, vector<16xf32>,
      tpu.vector_store %arg27[%swap3A_933, %swap3A_934], %scan3A_914#4 {strides = array<i32>} : memref<21x512xf32, #tpu.memory_space<vmem>>, vector<16xf32>,
      %swap3A_936 = arith.constant 20 : i32
      %swap3A_937 = arith.index_cast %swap3A_936 : i32 to index
      %swap3A_938 = arith.index_cast %multiple_of3A_835 : i32 to index
      %swap3A_939 = tpu.vector_load %arg27[%swap3A_937, %swap3A_938] {strides = array<i32>} : memref<21x512xf32, #tpu.memory_space<vmem>>, vector<16xf32>,
      tpu.vector_store %arg27[%swap3A_937, %swap3A_938], %scan3A_914#5 {strides = array<i32>} : memref<21x512xf32, #tpu.memory_space<vmem>>, vector<16xf32>,
      %add3A_940 = arith.constant 2 : i32
      %add3A_941 = arith.addi %mul3A_402, %add3A_940 : i32
      %lt3A = arith.constant 32 : i32
      %lt3A_942 = arith.cmpi slt, %add3A_941, %lt3A : i32
      %convert_element_type3A = arith.extui %lt3A_942 : i1 to i32
      %cond3A = arith.constant 0 : i32
      %cond3A_943 = arith.cmpi ne, %convert_element_type3A, %cond3A : i32
      scf.if %cond3A_943 {
        %add3A_1213 = arith.constant 2 : i32
        %add3A_1214 = arith.addi %mul3A_402, %add3A_1213 : i32
        %mul3A_1215 = arith.constant 16 : i32
        %mul3A_1216 = arith.muli %add3A_1214, %mul3A_1215 : i32
        %multiple_of3A_1217 = tpu.assume_multiple %mul3A_1216, 16 : i32
        %mul3A_1218 = arith.constant 320 : i32
        %mul3A_1219 = arith.muli %add3A_1214, %mul3A_1218 : i32
        %multiple_of3A_1220 = tpu.assume_multiple %mul3A_1219, 64 : i32
        %get3A_1221 = arith.index_cast %multiple_of3A_1217 : i32 to index
        %get3A_1222 = tpu.vector_load %arg8[%get3A_1221] {strides = array<i32>} : memref<512xi32, #tpu.memory_space<vmem>>, vector<16xi32>,
        %shift_right_arithmetic3A_1223 = arith.shrsi %get3A_1222, %broadcast_in_dim3A_125 : vector<16xi32>
        %shift_left3A_1224 = arith.shli %shift_right_arithmetic3A_1223, %broadcast_in_dim3A_127 : vector<16xi32>
        %and3A_1225 = arith.andi %get3A_1222, %broadcast_in_dim3A_133 : vector<16xi32>
        %or3A_1226 = arith.ori %shift_left3A_1224, %and3A_1225 : vector<16xi32>
        %swap3A_1227 = arith.constant 0 : index
        %swap3A_1228 = tpu.vector_load %arg11[%swap3A_1227] {strides = array<i32>} : memref<16xi32, #tpu.memory_space<vmem>>, vector<16xi32>,
        tpu.vector_store %arg11[%swap3A_1227], %or3A_1226 {strides = array<i32>} : memref<16xi32, #tpu.memory_space<vmem>>, vector<16xi32>,
        %get3A_1229 = arith.index_cast %multiple_of3A_1217 : i32 to index
        %get3A_1230 = tpu.vector_load %arg9[%get3A_1229] {strides = array<i32>} : memref<512xi32, #tpu.memory_space<vmem>>, vector<16xi32>,
        %shift_right_arithmetic3A_1231 = arith.shrsi %get3A_1230, %broadcast_in_dim3A_125 : vector<16xi32>
        %shift_left3A_1232 = arith.shli %shift_right_arithmetic3A_1231, %broadcast_in_dim3A_127 : vector<16xi32>
        %and3A_1233 = arith.andi %get3A_1230, %broadcast_in_dim3A_133 : vector<16xi32>
        %or3A_1234 = arith.ori %shift_left3A_1232, %and3A_1233 : vector<16xi32>
        %swap3A_1235 = arith.constant 0 : index
        %swap3A_1236 = tpu.vector_load %arg12[%swap3A_1235] {strides = array<i32>} : memref<16xi32, #tpu.memory_space<vmem>>, vector<16xi32>,
        tpu.vector_store %arg12[%swap3A_1235], %or3A_1234 {strides = array<i32>} : memref<16xi32, #tpu.memory_space<vmem>>, vector<16xi32>,
        %add3A_1237 = arith.constant 0 : i32
        %add3A_1238 = arith.addi %multiple_of3A_1220, %add3A_1237 : i32
        %get3A_1239 = arith.index_cast %add3A_1238 : i32 to index
        %get3A_1240 = tpu.vector_load %arg10[%get3A_1239] {strides = array<i32>} : memref<10240xi32, #tpu.memory_space<vmem>>, vector<16xi32>,
        %shift_right_arithmetic3A_1241 = arith.shrsi %get3A_1240, %broadcast_in_dim3A_125 : vector<16xi32>
        %shift_left3A_1242 = arith.shli %shift_right_arithmetic3A_1241, %broadcast_in_dim3A_127 : vector<16xi32>
        %and3A_1243 = arith.andi %get3A_1240, %broadcast_in_dim3A_133 : vector<16xi32>
        %or3A_1244 = arith.ori %shift_left3A_1242, %and3A_1243 : vector<16xi32>
        %swap3A_1245 = arith.constant 0 : index
        %swap3A_1246 = tpu.vector_load %arg13[%swap3A_1245] {strides = array<i32>} : memref<128xi32, #tpu.memory_space<vmem>>, vector<16xi32>,
        tpu.vector_store %arg13[%swap3A_1245], %or3A_1244 {strides = array<i32>} : memref<128xi32, #tpu.memory_space<vmem>>, vector<16xi32>,
        %add3A_1247 = arith.constant 16 : i32
        %add3A_1248 = arith.addi %multiple_of3A_1220, %add3A_1247 : i32
        %get3A_1249 = arith.index_cast %add3A_1248 : i32 to index
        %get3A_1250 = tpu.vector_load %arg10[%get3A_1249] {strides = array<i32>} : memref<10240xi32, #tpu.memory_space<vmem>>, vector<16xi32>,
        %shift_right_arithmetic3A_1251 = arith.shrsi %get3A_1250, %broadcast_in_dim3A_125 : vector<16xi32>
        %shift_left3A_1252 = arith.shli %shift_right_arithmetic3A_1251, %broadcast_in_dim3A_127 : vector<16xi32>
        %and3A_1253 = arith.andi %get3A_1250, %broadcast_in_dim3A_133 : vector<16xi32>
        %or3A_1254 = arith.ori %shift_left3A_1252, %and3A_1253 : vector<16xi32>
        %swap3A_1255 = arith.constant 16 : index
        %swap3A_1256 = tpu.vector_load %arg13[%swap3A_1255] {strides = array<i32>} : memref<128xi32, #tpu.memory_space<vmem>>, vector<16xi32>,
        tpu.vector_store %arg13[%swap3A_1255], %or3A_1254 {strides = array<i32>} : memref<128xi32, #tpu.memory_space<vmem>>, vector<16xi32>,
        %add3A_1257 = arith.constant 32 : i32
        %add3A_1258 = arith.addi %multiple_of3A_1220, %add3A_1257 : i32
        %get3A_1259 = arith.index_cast %add3A_1258 : i32 to index
        %get3A_1260 = tpu.vector_load %arg10[%get3A_1259] {strides = array<i32>} : memref<10240xi32, #tpu.memory_space<vmem>>, vector<16xi32>,
        %shift_right_arithmetic3A_1261 = arith.shrsi %get3A_1260, %broadcast_in_dim3A_125 : vector<16xi32>
        %shift_left3A_1262 = arith.shli %shift_right_arithmetic3A_1261, %broadcast_in_dim3A_127 : vector<16xi32>
        %and3A_1263 = arith.andi %get3A_1260, %broadcast_in_dim3A_133 : vector<16xi32>
        %or3A_1264 = arith.ori %shift_left3A_1262, %and3A_1263 : vector<16xi32>
        %swap3A_1265 = arith.constant 32 : index
        %swap3A_1266 = tpu.vector_load %arg13[%swap3A_1265] {strides = array<i32>} : memref<128xi32, #tpu.memory_space<vmem>>, vector<16xi32>,
        tpu.vector_store %arg13[%swap3A_1265], %or3A_1264 {strides = array<i32>} : memref<128xi32, #tpu.memory_space<vmem>>, vector<16xi32>,
        %add3A_1267 = arith.constant 48 : i32
        %add3A_1268 = arith.addi %multiple_of3A_1220, %add3A_1267 : i32
        %get3A_1269 = arith.index_cast %add3A_1268 : i32 to index
        %get3A_1270 = tpu.vector_load %arg10[%get3A_1269] {strides = array<i32>} : memref<10240xi32, #tpu.memory_space<vmem>>, vector<16xi32>,
        %shift_right_arithmetic3A_1271 = arith.shrsi %get3A_1270, %broadcast_in_dim3A_125 : vector<16xi32>
        %shift_left3A_1272 = arith.shli %shift_right_arithmetic3A_1271, %broadcast_in_dim3A_127 : vector<16xi32>
        %and3A_1273 = arith.andi %get3A_1270, %broadcast_in_dim3A_133 : vector<16xi32>
        %or3A_1274 = arith.ori %shift_left3A_1272, %and3A_1273 : vector<16xi32>
        %swap3A_1275 = arith.constant 48 : index
        %swap3A_1276 = tpu.vector_load %arg13[%swap3A_1275] {strides = array<i32>} : memref<128xi32, #tpu.memory_space<vmem>>, vector<16xi32>,
        tpu.vector_store %arg13[%swap3A_1275], %or3A_1274 {strides = array<i32>} : memref<128xi32, #tpu.memory_space<vmem>>, vector<16xi32>,
        %add3A_1277 = arith.constant 64 : i32
        %add3A_1278 = arith.addi %multiple_of3A_1220, %add3A_1277 : i32
        %get3A_1279 = arith.index_cast %add3A_1278 : i32 to index
        %get3A_1280 = tpu.vector_load %arg10[%get3A_1279] {strides = array<i32>} : memref<10240xi32, #tpu.memory_space<vmem>>, vector<16xi32>,
        %shift_right_arithmetic3A_1281 = arith.shrsi %get3A_1280, %broadcast_in_dim3A_125 : vector<16xi32>
        %shift_left3A_1282 = arith.shli %shift_right_arithmetic3A_1281, %broadcast_in_dim3A_127 : vector<16xi32>
        %and3A_1283 = arith.andi %get3A_1280, %broadcast_in_dim3A_133 : vector<16xi32>
        %or3A_1284 = arith.ori %shift_left3A_1282, %and3A_1283 : vector<16xi32>
        %swap3A_1285 = arith.constant 64 : index
        %swap3A_1286 = tpu.vector_load %arg13[%swap3A_1285] {strides = array<i32>} : memref<128xi32, #tpu.memory_space<vmem>>, vector<16xi32>,
        tpu.vector_store %arg13[%swap3A_1285], %or3A_1284 {strides = array<i32>} : memref<128xi32, #tpu.memory_space<vmem>>, vector<16xi32>,
        %add3A_1287 = arith.constant 80 : i32
        %add3A_1288 = arith.addi %multiple_of3A_1220, %add3A_1287 : i32
        %get3A_1289 = arith.index_cast %add3A_1288 : i32 to index
        %get3A_1290 = tpu.vector_load %arg10[%get3A_1289] {strides = array<i32>} : memref<10240xi32, #tpu.memory_space<vmem>>, vector<16xi32>,
        %shift_right_arithmetic3A_1291 = arith.shrsi %get3A_1290, %broadcast_in_dim3A_125 : vector<16xi32>
        %shift_left3A_1292 = arith.shli %shift_right_arithmetic3A_1291, %broadcast_in_dim3A_127 : vector<16xi32>
        %and3A_1293 = arith.andi %get3A_1290, %broadcast_in_dim3A_133 : vector<16xi32>
        %or3A_1294 = arith.ori %shift_left3A_1292, %and3A_1293 : vector<16xi32>
        %swap3A_1295 = arith.constant 80 : index
        %swap3A_1296 = tpu.vector_load %arg13[%swap3A_1295] {strides = array<i32>} : memref<128xi32, #tpu.memory_space<vmem>>, vector<16xi32>,
        tpu.vector_store %arg13[%swap3A_1295], %or3A_1294 {strides = array<i32>} : memref<128xi32, #tpu.memory_space<vmem>>, vector<16xi32>,
        %add3A_1297 = arith.constant 96 : i32
        %add3A_1298 = arith.addi %multiple_of3A_1220, %add3A_1297 : i32
        %get3A_1299 = arith.index_cast %add3A_1298 : i32 to index
        %get3A_1300 = tpu.vector_load %arg10[%get3A_1299] {strides = array<i32>} : memref<10240xi32, #tpu.memory_space<vmem>>, vector<16xi32>,
        %shift_right_arithmetic3A_1301 = arith.shrsi %get3A_1300, %broadcast_in_dim3A_125 : vector<16xi32>
        %shift_left3A_1302 = arith.shli %shift_right_arithmetic3A_1301, %broadcast_in_dim3A_127 : vector<16xi32>
        %and3A_1303 = arith.andi %get3A_1300, %broadcast_in_dim3A_133 : vector<16xi32>
        %or3A_1304 = arith.ori %shift_left3A_1302, %and3A_1303 : vector<16xi32>
        %swap3A_1305 = arith.constant 96 : index
        %swap3A_1306 = tpu.vector_load %arg13[%swap3A_1305] {strides = array<i32>} : memref<128xi32, #tpu.memory_space<vmem>>, vector<16xi32>,
        tpu.vector_store %arg13[%swap3A_1305], %or3A_1304 {strides = array<i32>} : memref<128xi32, #tpu.memory_space<vmem>>, vector<16xi32>,
        %add3A_1307 = arith.constant 112 : i32
        %add3A_1308 = arith.addi %multiple_of3A_1220, %add3A_1307 : i32
        %get3A_1309 = arith.index_cast %add3A_1308 : i32 to index
        %get3A_1310 = tpu.vector_load %arg10[%get3A_1309] {strides = array<i32>} : memref<10240xi32, #tpu.memory_space<vmem>>, vector<16xi32>,
        %shift_right_arithmetic3A_1311 = arith.shrsi %get3A_1310, %broadcast_in_dim3A_125 : vector<16xi32>
        %shift_left3A_1312 = arith.shli %shift_right_arithmetic3A_1311, %broadcast_in_dim3A_127 : vector<16xi32>
        %and3A_1313 = arith.andi %get3A_1310, %broadcast_in_dim3A_133 : vector<16xi32>
        %or3A_1314 = arith.ori %shift_left3A_1312, %and3A_1313 : vector<16xi32>
        %swap3A_1315 = arith.constant 112 : index
        %swap3A_1316 = tpu.vector_load %arg13[%swap3A_1315] {strides = array<i32>} : memref<128xi32, #tpu.memory_space<vmem>>, vector<16xi32>,
        tpu.vector_store %arg13[%swap3A_1315], %or3A_1314 {strides = array<i32>} : memref<128xi32, #tpu.memory_space<vmem>>, vector<16xi32>,
        %add3A_1317 = arith.constant 128 : i32
        %add3A_1318 = arith.addi %multiple_of3A_1220, %add3A_1317 : i32
        %add3A_1319 = arith.constant 0 : i32
        %add3A_1320 = arith.addi %add3A_1318, %add3A_1319 : i32
        %get3A_1321 = arith.index_cast %add3A_1320 : i32 to index
        %get3A_1322 = tpu.vector_load %arg10[%get3A_1321] {strides = array<i32>} : memref<10240xi32, #tpu.memory_space<vmem>>, vector<16xi32>,
        %shift_right_arithmetic3A_1323 = arith.shrsi %get3A_1322, %broadcast_in_dim3A_125 : vector<16xi32>
        %shift_left3A_1324 = arith.shli %shift_right_arithmetic3A_1323, %broadcast_in_dim3A_127 : vector<16xi32>
        %and3A_1325 = arith.andi %get3A_1322, %broadcast_in_dim3A_133 : vector<16xi32>
        %or3A_1326 = arith.ori %shift_left3A_1324, %and3A_1325 : vector<16xi32>
        %swap3A_1327 = arith.constant 0 : index
        %swap3A_1328 = tpu.vector_load %arg14[%swap3A_1327] {strides = array<i32>} : memref<128xi32, #tpu.memory_space<vmem>>, vector<16xi32>,
        tpu.vector_store %arg14[%swap3A_1327], %or3A_1326 {strides = array<i32>} : memref<128xi32, #tpu.memory_space<vmem>>, vector<16xi32>,
        %add3A_1329 = arith.constant 128 : i32
        %add3A_1330 = arith.addi %multiple_of3A_1220, %add3A_1329 : i32
        %add3A_1331 = arith.constant 16 : i32
        %add3A_1332 = arith.addi %add3A_1330, %add3A_1331 : i32
        %get3A_1333 = arith.index_cast %add3A_1332 : i32 to index
        %get3A_1334 = tpu.vector_load %arg10[%get3A_1333] {strides = array<i32>} : memref<10240xi32, #tpu.memory_space<vmem>>, vector<16xi32>,
        %shift_right_arithmetic3A_1335 = arith.shrsi %get3A_1334, %broadcast_in_dim3A_125 : vector<16xi32>
        %shift_left3A_1336 = arith.shli %shift_right_arithmetic3A_1335, %broadcast_in_dim3A_127 : vector<16xi32>
        %and3A_1337 = arith.andi %get3A_1334, %broadcast_in_dim3A_133 : vector<16xi32>
        %or3A_1338 = arith.ori %shift_left3A_1336, %and3A_1337 : vector<16xi32>
        %swap3A_1339 = arith.constant 16 : index
        %swap3A_1340 = tpu.vector_load %arg14[%swap3A_1339] {strides = array<i32>} : memref<128xi32, #tpu.memory_space<vmem>>, vector<16xi32>,
        tpu.vector_store %arg14[%swap3A_1339], %or3A_1338 {strides = array<i32>} : memref<128xi32, #tpu.memory_space<vmem>>, vector<16xi32>,
        %add3A_1341 = arith.constant 128 : i32
        %add3A_1342 = arith.addi %multiple_of3A_1220, %add3A_1341 : i32
        %add3A_1343 = arith.constant 32 : i32
        %add3A_1344 = arith.addi %add3A_1342, %add3A_1343 : i32
        %get3A_1345 = arith.index_cast %add3A_1344 : i32 to index
        %get3A_1346 = tpu.vector_load %arg10[%get3A_1345] {strides = array<i32>} : memref<10240xi32, #tpu.memory_space<vmem>>, vector<16xi32>,
        %shift_right_arithmetic3A_1347 = arith.shrsi %get3A_1346, %broadcast_in_dim3A_125 : vector<16xi32>
        %shift_left3A_1348 = arith.shli %shift_right_arithmetic3A_1347, %broadcast_in_dim3A_127 : vector<16xi32>
        %and3A_1349 = arith.andi %get3A_1346, %broadcast_in_dim3A_133 : vector<16xi32>
        %or3A_1350 = arith.ori %shift_left3A_1348, %and3A_1349 : vector<16xi32>
        %swap3A_1351 = arith.constant 32 : index
        %swap3A_1352 = tpu.vector_load %arg14[%swap3A_1351] {strides = array<i32>} : memref<128xi32, #tpu.memory_space<vmem>>, vector<16xi32>,
        tpu.vector_store %arg14[%swap3A_1351], %or3A_1350 {strides = array<i32>} : memref<128xi32, #tpu.memory_space<vmem>>, vector<16xi32>,
        %add3A_1353 = arith.constant 128 : i32
        %add3A_1354 = arith.addi %multiple_of3A_1220, %add3A_1353 : i32
        %add3A_1355 = arith.constant 48 : i32
        %add3A_1356 = arith.addi %add3A_1354, %add3A_1355 : i32
        %get3A_1357 = arith.index_cast %add3A_1356 : i32 to index
        %get3A_1358 = tpu.vector_load %arg10[%get3A_1357] {strides = array<i32>} : memref<10240xi32, #tpu.memory_space<vmem>>, vector<16xi32>,
        %shift_right_arithmetic3A_1359 = arith.shrsi %get3A_1358, %broadcast_in_dim3A_125 : vector<16xi32>
        %shift_left3A_1360 = arith.shli %shift_right_arithmetic3A_1359, %broadcast_in_dim3A_127 : vector<16xi32>
        %and3A_1361 = arith.andi %get3A_1358, %broadcast_in_dim3A_133 : vector<16xi32>
        %or3A_1362 = arith.ori %shift_left3A_1360, %and3A_1361 : vector<16xi32>
        %swap3A_1363 = arith.constant 48 : index
        %swap3A_1364 = tpu.vector_load %arg14[%swap3A_1363] {strides = array<i32>} : memref<128xi32, #tpu.memory_space<vmem>>, vector<16xi32>,
        tpu.vector_store %arg14[%swap3A_1363], %or3A_1362 {strides = array<i32>} : memref<128xi32, #tpu.memory_space<vmem>>, vector<16xi32>,
        %add3A_1365 = arith.constant 128 : i32
        %add3A_1366 = arith.addi %multiple_of3A_1220, %add3A_1365 : i32
        %add3A_1367 = arith.constant 64 : i32
        %add3A_1368 = arith.addi %add3A_1366, %add3A_1367 : i32
        %get3A_1369 = arith.index_cast %add3A_1368 : i32 to index
        %get3A_1370 = tpu.vector_load %arg10[%get3A_1369] {strides = array<i32>} : memref<10240xi32, #tpu.memory_space<vmem>>, vector<16xi32>,
        %shift_right_arithmetic3A_1371 = arith.shrsi %get3A_1370, %broadcast_in_dim3A_125 : vector<16xi32>
        %shift_left3A_1372 = arith.shli %shift_right_arithmetic3A_1371, %broadcast_in_dim3A_127 : vector<16xi32>
        %and3A_1373 = arith.andi %get3A_1370, %broadcast_in_dim3A_133 : vector<16xi32>
        %or3A_1374 = arith.ori %shift_left3A_1372, %and3A_1373 : vector<16xi32>
        %swap3A_1375 = arith.constant 64 : index
        %swap3A_1376 = tpu.vector_load %arg14[%swap3A_1375] {strides = array<i32>} : memref<128xi32, #tpu.memory_space<vmem>>, vector<16xi32>,
        tpu.vector_store %arg14[%swap3A_1375], %or3A_1374 {strides = array<i32>} : memref<128xi32, #tpu.memory_space<vmem>>, vector<16xi32>,
        %add3A_1377 = arith.constant 128 : i32
        %add3A_1378 = arith.addi %multiple_of3A_1220, %add3A_1377 : i32
        %add3A_1379 = arith.constant 80 : i32
        %add3A_1380 = arith.addi %add3A_1378, %add3A_1379 : i32
        %get3A_1381 = arith.index_cast %add3A_1380 : i32 to index
        %get3A_1382 = tpu.vector_load %arg10[%get3A_1381] {strides = array<i32>} : memref<10240xi32, #tpu.memory_space<vmem>>, vector<16xi32>,
        %shift_right_arithmetic3A_1383 = arith.shrsi %get3A_1382, %broadcast_in_dim3A_125 : vector<16xi32>
        %shift_left3A_1384 = arith.shli %shift_right_arithmetic3A_1383, %broadcast_in_dim3A_127 : vector<16xi32>
        %and3A_1385 = arith.andi %get3A_1382, %broadcast_in_dim3A_133 : vector<16xi32>
        %or3A_1386 = arith.ori %shift_left3A_1384, %and3A_1385 : vector<16xi32>
        %swap3A_1387 = arith.constant 80 : index
        %swap3A_1388 = tpu.vector_load %arg14[%swap3A_1387] {strides = array<i32>} : memref<128xi32, #tpu.memory_space<vmem>>, vector<16xi32>,
        tpu.vector_store %arg14[%swap3A_1387], %or3A_1386 {strides = array<i32>} : memref<128xi32, #tpu.memory_space<vmem>>, vector<16xi32>,
        %add3A_1389 = arith.constant 128 : i32
        %add3A_1390 = arith.addi %multiple_of3A_1220, %add3A_1389 : i32
        %add3A_1391 = arith.constant 96 : i32
        %add3A_1392 = arith.addi %add3A_1390, %add3A_1391 : i32
        %get3A_1393 = arith.index_cast %add3A_1392 : i32 to index
        %get3A_1394 = tpu.vector_load %arg10[%get3A_1393] {strides = array<i32>} : memref<10240xi32, #tpu.memory_space<vmem>>, vector<16xi32>,
        %shift_right_arithmetic3A_1395 = arith.shrsi %get3A_1394, %broadcast_in_dim3A_125 : vector<16xi32>
        %shift_left3A_1396 = arith.shli %shift_right_arithmetic3A_1395, %broadcast_in_dim3A_127 : vector<16xi32>
        %and3A_1397 = arith.andi %get3A_1394, %broadcast_in_dim3A_133 : vector<16xi32>
        %or3A_1398 = arith.ori %shift_left3A_1396, %and3A_1397 : vector<16xi32>
        %swap3A_1399 = arith.constant 96 : index
        %swap3A_1400 = tpu.vector_load %arg14[%swap3A_1399] {strides = array<i32>} : memref<128xi32, #tpu.memory_space<vmem>>, vector<16xi32>,
        tpu.vector_store %arg14[%swap3A_1399], %or3A_1398 {strides = array<i32>} : memref<128xi32, #tpu.memory_space<vmem>>, vector<16xi32>,
        %add3A_1401 = arith.constant 128 : i32
        %add3A_1402 = arith.addi %multiple_of3A_1220, %add3A_1401 : i32
        %add3A_1403 = arith.constant 112 : i32
        %add3A_1404 = arith.addi %add3A_1402, %add3A_1403 : i32
        %get3A_1405 = arith.index_cast %add3A_1404 : i32 to index
        %get3A_1406 = tpu.vector_load %arg10[%get3A_1405] {strides = array<i32>} : memref<10240xi32, #tpu.memory_space<vmem>>, vector<16xi32>,
        %shift_right_arithmetic3A_1407 = arith.shrsi %get3A_1406, %broadcast_in_dim3A_125 : vector<16xi32>
        %shift_left3A_1408 = arith.shli %shift_right_arithmetic3A_1407, %broadcast_in_dim3A_127 : vector<16xi32>
        %and3A_1409 = arith.andi %get3A_1406, %broadcast_in_dim3A_133 : vector<16xi32>
        %or3A_1410 = arith.ori %shift_left3A_1408, %and3A_1409 : vector<16xi32>
        %swap3A_1411 = arith.constant 112 : index
        %swap3A_1412 = tpu.vector_load %arg14[%swap3A_1411] {strides = array<i32>} : memref<128xi32, #tpu.memory_space<vmem>>, vector<16xi32>,
        tpu.vector_store %arg14[%swap3A_1411], %or3A_1410 {strides = array<i32>} : memref<128xi32, #tpu.memory_space<vmem>>, vector<16xi32>,
        %add3A_1413 = arith.constant 256 : i32
        %add3A_1414 = arith.addi %multiple_of3A_1220, %add3A_1413 : i32
        %add3A_1415 = arith.constant 0 : i32
        %add3A_1416 = arith.addi %add3A_1414, %add3A_1415 : i32
        %get3A_1417 = arith.index_cast %add3A_1416 : i32 to index
        %get3A_1418 = tpu.vector_load %arg10[%get3A_1417] {strides = array<i32>} : memref<10240xi32, #tpu.memory_space<vmem>>, vector<16xi32>,
        %shift_right_arithmetic3A_1419 = arith.shrsi %get3A_1418, %broadcast_in_dim3A_125 : vector<16xi32>
        %shift_left3A_1420 = arith.shli %shift_right_arithmetic3A_1419, %broadcast_in_dim3A_127 : vector<16xi32>
        %and3A_1421 = arith.andi %get3A_1418, %broadcast_in_dim3A_133 : vector<16xi32>
        %or3A_1422 = arith.ori %shift_left3A_1420, %and3A_1421 : vector<16xi32>
        %swap3A_1423 = arith.constant 0 : index
        %swap3A_1424 = tpu.vector_load %arg15[%swap3A_1423] {strides = array<i32>} : memref<64xi32, #tpu.memory_space<vmem>>, vector<16xi32>,
        tpu.vector_store %arg15[%swap3A_1423], %or3A_1422 {strides = array<i32>} : memref<64xi32, #tpu.memory_space<vmem>>, vector<16xi32>,
        %add3A_1425 = arith.constant 256 : i32
        %add3A_1426 = arith.addi %multiple_of3A_1220, %add3A_1425 : i32
        %add3A_1427 = arith.constant 16 : i32
        %add3A_1428 = arith.addi %add3A_1426, %add3A_1427 : i32
        %get3A_1429 = arith.index_cast %add3A_1428 : i32 to index
        %get3A_1430 = tpu.vector_load %arg10[%get3A_1429] {strides = array<i32>} : memref<10240xi32, #tpu.memory_space<vmem>>, vector<16xi32>,
        %shift_right_arithmetic3A_1431 = arith.shrsi %get3A_1430, %broadcast_in_dim3A_125 : vector<16xi32>
        %shift_left3A_1432 = arith.shli %shift_right_arithmetic3A_1431, %broadcast_in_dim3A_127 : vector<16xi32>
        %and3A_1433 = arith.andi %get3A_1430, %broadcast_in_dim3A_133 : vector<16xi32>
        %or3A_1434 = arith.ori %shift_left3A_1432, %and3A_1433 : vector<16xi32>
        %swap3A_1435 = arith.constant 16 : index
        %swap3A_1436 = tpu.vector_load %arg15[%swap3A_1435] {strides = array<i32>} : memref<64xi32, #tpu.memory_space<vmem>>, vector<16xi32>,
        tpu.vector_store %arg15[%swap3A_1435], %or3A_1434 {strides = array<i32>} : memref<64xi32, #tpu.memory_space<vmem>>, vector<16xi32>,
        %add3A_1437 = arith.constant 256 : i32
        %add3A_1438 = arith.addi %multiple_of3A_1220, %add3A_1437 : i32
        %add3A_1439 = arith.constant 32 : i32
        %add3A_1440 = arith.addi %add3A_1438, %add3A_1439 : i32
        %get3A_1441 = arith.index_cast %add3A_1440 : i32 to index
        %get3A_1442 = tpu.vector_load %arg10[%get3A_1441] {strides = array<i32>} : memref<10240xi32, #tpu.memory_space<vmem>>, vector<16xi32>,
        %shift_right_arithmetic3A_1443 = arith.shrsi %get3A_1442, %broadcast_in_dim3A_125 : vector<16xi32>
        %shift_left3A_1444 = arith.shli %shift_right_arithmetic3A_1443, %broadcast_in_dim3A_127 : vector<16xi32>
        %and3A_1445 = arith.andi %get3A_1442, %broadcast_in_dim3A_133 : vector<16xi32>
        %or3A_1446 = arith.ori %shift_left3A_1444, %and3A_1445 : vector<16xi32>
        %swap3A_1447 = arith.constant 32 : index
        %swap3A_1448 = tpu.vector_load %arg15[%swap3A_1447] {strides = array<i32>} : memref<64xi32, #tpu.memory_space<vmem>>, vector<16xi32>,
        tpu.vector_store %arg15[%swap3A_1447], %or3A_1446 {strides = array<i32>} : memref<64xi32, #tpu.memory_space<vmem>>, vector<16xi32>,
        %add3A_1449 = arith.constant 256 : i32
        %add3A_1450 = arith.addi %multiple_of3A_1220, %add3A_1449 : i32
        %add3A_1451 = arith.constant 48 : i32
        %add3A_1452 = arith.addi %add3A_1450, %add3A_1451 : i32
        %get3A_1453 = arith.index_cast %add3A_1452 : i32 to index
        %get3A_1454 = tpu.vector_load %arg10[%get3A_1453] {strides = array<i32>} : memref<10240xi32, #tpu.memory_space<vmem>>, vector<16xi32>,
        %shift_right_arithmetic3A_1455 = arith.shrsi %get3A_1454, %broadcast_in_dim3A_125 : vector<16xi32>
        %shift_left3A_1456 = arith.shli %shift_right_arithmetic3A_1455, %broadcast_in_dim3A_127 : vector<16xi32>
        %and3A_1457 = arith.andi %get3A_1454, %broadcast_in_dim3A_133 : vector<16xi32>
        %or3A_1458 = arith.ori %shift_left3A_1456, %and3A_1457 : vector<16xi32>
        %swap3A_1459 = arith.constant 48 : index
        %swap3A_1460 = tpu.vector_load %arg15[%swap3A_1459] {strides = array<i32>} : memref<64xi32, #tpu.memory_space<vmem>>, vector<16xi32>,
        tpu.vector_store %arg15[%swap3A_1459], %or3A_1458 {strides = array<i32>} : memref<64xi32, #tpu.memory_space<vmem>>, vector<16xi32>,
        %dma_start3A_1461 = arith.constant 0 : i32
        %dma_start3A_1462 = arith.constant 0 : i32
        %dma_start3A_1463 = tpu.memref_slice %arg5[%dma_start3A_1461, %dma_start3A_1462] : memref<503808x128xf32, #tpu.memory_space<hbm>> -> memref<503808x128xf32, #tpu.memory_space<hbm>>
        tpu.enqueue_indirect_dma source(%dma_start3A_1463 : memref<503808x128xf32, #tpu.memory_space<hbm>>) target(%arg21 : memref<16x128xf32, #tpu.memory_space<vmem>>) offsets(%arg11 : memref<16xi32, #tpu.memory_space<vmem>>) semaphore(%arg28 : memref<!tpu.dma_semaphore, #tpu.memory_space<semaphore_mem>>)
        %dma_start3A_1464 = arith.constant 0 : i32
        %dma_start3A_1465 = arith.constant 0 : i32
        %dma_start3A_1466 = tpu.memref_slice %arg6[%dma_start3A_1464, %dma_start3A_1465] : memref<503808x128xf32, #tpu.memory_space<hbm>> -> memref<503808x128xf32, #tpu.memory_space<hbm>>
        tpu.enqueue_indirect_dma source(%dma_start3A_1466 : memref<503808x128xf32, #tpu.memory_space<hbm>>) target(%arg22 : memref<16x128xf32, #tpu.memory_space<vmem>>) offsets(%arg12 : memref<16xi32, #tpu.memory_space<vmem>>) semaphore(%arg28 : memref<!tpu.dma_semaphore, #tpu.memory_space<semaphore_mem>>)
        %dma_start3A_1467 = arith.constant 0 : i32
        %dma_start3A_1468 = arith.constant 0 : i32
        %dma_start3A_1469 = tpu.memref_slice %arg23[%dma_start3A_1467, %dma_start3A_1468] : memref<320x128xf32, #tpu.memory_space<vmem>> -> memref<128x128xf32, #tpu.memory_space<vmem>>
        %dma_start3A_1470 = arith.constant 0 : i32
        %dma_start3A_1471 = arith.constant 0 : i32
        %dma_start3A_1472 = tpu.memref_slice %arg6[%dma_start3A_1470, %dma_start3A_1471] : memref<503808x128xf32, #tpu.memory_space<hbm>> -> memref<503808x128xf32, #tpu.memory_space<hbm>>
        tpu.enqueue_indirect_dma source(%dma_start3A_1472 : memref<503808x128xf32, #tpu.memory_space<hbm>>) target(%dma_start3A_1469 : memref<128x128xf32, #tpu.memory_space<vmem>>) offsets(%arg13 : memref<128xi32, #tpu.memory_space<vmem>>) semaphore(%arg28 : memref<!tpu.dma_semaphore, #tpu.memory_space<semaphore_mem>>)
        %dma_start3A_1473 = arith.constant 128 : i32
        %dma_start3A_1474 = arith.constant 0 : i32
        %dma_start3A_1475 = tpu.memref_slice %arg23[%dma_start3A_1473, %dma_start3A_1474] : memref<320x128xf32, #tpu.memory_space<vmem>> -> memref<128x128xf32, #tpu.memory_space<vmem>>
        %dma_start3A_1476 = arith.constant 0 : i32
        %dma_start3A_1477 = arith.constant 0 : i32
        %dma_start3A_1478 = tpu.memref_slice %arg6[%dma_start3A_1476, %dma_start3A_1477] : memref<503808x128xf32, #tpu.memory_space<hbm>> -> memref<503808x128xf32, #tpu.memory_space<hbm>>
        tpu.enqueue_indirect_dma source(%dma_start3A_1478 : memref<503808x128xf32, #tpu.memory_space<hbm>>) target(%dma_start3A_1475 : memref<128x128xf32, #tpu.memory_space<vmem>>) offsets(%arg14 : memref<128xi32, #tpu.memory_space<vmem>>) semaphore(%arg28 : memref<!tpu.dma_semaphore, #tpu.memory_space<semaphore_mem>>)
        %dma_start3A_1479 = arith.constant 256 : i32
        %dma_start3A_1480 = arith.constant 0 : i32
        %dma_start3A_1481 = tpu.memref_slice %arg23[%dma_start3A_1479, %dma_start3A_1480] : memref<320x128xf32, #tpu.memory_space<vmem>> -> memref<64x128xf32, #tpu.memory_space<vmem>>
        %dma_start3A_1482 = arith.constant 0 : i32
        %dma_start3A_1483 = arith.constant 0 : i32
        %dma_start3A_1484 = tpu.memref_slice %arg6[%dma_start3A_1482, %dma_start3A_1483] : memref<503808x128xf32, #tpu.memory_space<hbm>> -> memref<503808x128xf32, #tpu.memory_space<hbm>>
        tpu.enqueue_indirect_dma source(%dma_start3A_1484 : memref<503808x128xf32, #tpu.memory_space<hbm>>) target(%dma_start3A_1481 : memref<64x128xf32, #tpu.memory_space<vmem>>) offsets(%arg15 : memref<64xi32, #tpu.memory_space<vmem>>) semaphore(%arg28 : memref<!tpu.dma_semaphore, #tpu.memory_space<semaphore_mem>>)
      } else {
      }
      %dma_wait3A_944 = arith.constant 0 : i32
      %dma_wait3A_945 = arith.constant 0 : i32
      %dma_wait3A_946 = tpu.memref_slice %arg5[%dma_wait3A_944, %dma_wait3A_945] : memref<503808x128xf32, #tpu.memory_space<hbm>> -> memref<503808x128xf32, #tpu.memory_space<hbm>>
      tpu.wait_indirect_dma semaphore(%arg29 : memref<!tpu.dma_semaphore, #tpu.memory_space<semaphore_mem>>) src(%dma_wait3A_946 : memref<503808x128xf32, #tpu.memory_space<hbm>>) dst(%arg24 : memref<16x128xf32, #tpu.memory_space<vmem>>)
      %dma_wait3A_947 = arith.constant 0 : i32
      %dma_wait3A_948 = arith.constant 0 : i32
      %dma_wait3A_949 = tpu.memref_slice %arg6[%dma_wait3A_947, %dma_wait3A_948] : memref<503808x128xf32, #tpu.memory_space<hbm>> -> memref<503808x128xf32, #tpu.memory_space<hbm>>
      tpu.wait_indirect_dma semaphore(%arg29 : memref<!tpu.dma_semaphore, #tpu.memory_space<semaphore_mem>>) src(%dma_wait3A_949 : memref<503808x128xf32, #tpu.memory_space<hbm>>) dst(%arg25 : memref<16x128xf32, #tpu.memory_space<vmem>>)
      %dma_wait3A_950 = arith.constant 0 : i32
      %dma_wait3A_951 = arith.constant 0 : i32
      %dma_wait3A_952 = tpu.memref_slice %arg26[%dma_wait3A_950, %dma_wait3A_951] : memref<320x128xf32, #tpu.memory_space<vmem>> -> memref<128x128xf32, #tpu.memory_space<vmem>>
      %dma_wait3A_953 = arith.constant 0 : i32
      %dma_wait3A_954 = arith.constant 0 : i32
      %dma_wait3A_955 = tpu.memref_slice %arg6[%dma_wait3A_953, %dma_wait3A_954] : memref<503808x128xf32, #tpu.memory_space<hbm>> -> memref<503808x128xf32, #tpu.memory_space<hbm>>
      tpu.wait_indirect_dma semaphore(%arg29 : memref<!tpu.dma_semaphore, #tpu.memory_space<semaphore_mem>>) src(%dma_wait3A_955 : memref<503808x128xf32, #tpu.memory_space<hbm>>) dst(%dma_wait3A_952 : memref<128x128xf32, #tpu.memory_space<vmem>>)
      %dma_wait3A_956 = arith.constant 128 : i32
      %dma_wait3A_957 = arith.constant 0 : i32
      %dma_wait3A_958 = tpu.memref_slice %arg26[%dma_wait3A_956, %dma_wait3A_957] : memref<320x128xf32, #tpu.memory_space<vmem>> -> memref<128x128xf32, #tpu.memory_space<vmem>>
      %dma_wait3A_959 = arith.constant 0 : i32
      %dma_wait3A_960 = arith.constant 0 : i32
      %dma_wait3A_961 = tpu.memref_slice %arg6[%dma_wait3A_959, %dma_wait3A_960] : memref<503808x128xf32, #tpu.memory_space<hbm>> -> memref<503808x128xf32, #tpu.memory_space<hbm>>
      tpu.wait_indirect_dma semaphore(%arg29 : memref<!tpu.dma_semaphore, #tpu.memory_space<semaphore_mem>>) src(%dma_wait3A_961 : memref<503808x128xf32, #tpu.memory_space<hbm>>) dst(%dma_wait3A_958 : memref<128x128xf32, #tpu.memory_space<vmem>>)
      %dma_wait3A_962 = arith.constant 256 : i32
      %dma_wait3A_963 = arith.constant 0 : i32
      %dma_wait3A_964 = tpu.memref_slice %arg26[%dma_wait3A_962, %dma_wait3A_963] : memref<320x128xf32, #tpu.memory_space<vmem>> -> memref<64x128xf32, #tpu.memory_space<vmem>>
      %dma_wait3A_965 = arith.constant 0 : i32
      %dma_wait3A_966 = arith.constant 0 : i32
      %dma_wait3A_967 = tpu.memref_slice %arg6[%dma_wait3A_965, %dma_wait3A_966] : memref<503808x128xf32, #tpu.memory_space<hbm>> -> memref<503808x128xf32, #tpu.memory_space<hbm>>
      tpu.wait_indirect_dma semaphore(%arg29 : memref<!tpu.dma_semaphore, #tpu.memory_space<semaphore_mem>>) src(%dma_wait3A_967 : memref<503808x128xf32, #tpu.memory_space<hbm>>) dst(%dma_wait3A_964 : memref<64x128xf32, #tpu.memory_space<vmem>>)
      %add3A_968 = arith.constant 1 : i32
      %add3A_969 = arith.addi %mul3A_402, %add3A_968 : i32
      %mul3A_970 = arith.constant 16 : i32
      %mul3A_971 = arith.muli %add3A_969, %mul3A_970 : i32
      %multiple_of3A_972 = tpu.assume_multiple %mul3A_971, 16 : i32
      %mul3A_973 = arith.constant 320 : i32
      %mul3A_974 = arith.muli %add3A_969, %mul3A_973 : i32
      %multiple_of3A_975 = tpu.assume_multiple %mul3A_974, 64 : i32
      %get3A_976 = arith.index_cast %multiple_of3A_972 : i32 to index
      %get3A_977 = tpu.vector_load %arg8[%get3A_976] {strides = array<i32>} : memref<512xi32, #tpu.memory_space<vmem>>, vector<16xi32>,
      %shift_right_arithmetic3A_978 = arith.shrsi %get3A_977, %broadcast_in_dim3A_127 : vector<16xi32>
      %and3A_979 = arith.andi %shift_right_arithmetic3A_978, %broadcast_in_dim3A_131 : vector<16xi32>
      %shift_left3A_980 = arith.shli %and3A_979, %broadcast_in_dim3A_129 : vector<16xi32>
      %get3A_981 = arith.index_cast %multiple_of3A_972 : i32 to index
      %get3A_982 = tpu.vector_load %arg9[%get3A_981] {strides = array<i32>} : memref<512xi32, #tpu.memory_space<vmem>>, vector<16xi32>,
      %shift_right_arithmetic3A_983 = arith.shrsi %get3A_982, %broadcast_in_dim3A_127 : vector<16xi32>
      %and3A_984 = arith.andi %shift_right_arithmetic3A_983, %broadcast_in_dim3A_131 : vector<16xi32>
      %shift_left3A_985 = arith.shli %and3A_984, %broadcast_in_dim3A_129 : vector<16xi32>
      %add3A_986 = vector.broadcast %multiple_of3A_975 : i32 to vector<16xi32>
      %add3A_987 = arith.addi %add3A_986, %add3A_10 : vector<16xi32>
      %gather3A_988 = tpu.vector_load_idx %arg10[%add3A_987] : memref<10240xi32, #tpu.memory_space<vmem>>[vector<16xi32>], vector<16xi32>,
      %shift_right_arithmetic3A_989 = arith.shrsi %gather3A_988, %broadcast_in_dim3A_127 : vector<16xi32>
      %and3A_990 = arith.andi %shift_right_arithmetic3A_989, %broadcast_in_dim3A_131 : vector<16xi32>
      %shift_left3A_991 = arith.shli %and3A_990, %broadcast_in_dim3A_129 : vector<16xi32>
      %add3A_992 = vector.broadcast %multiple_of3A_975 : i32 to vector<16xi32>
      %add3A_993 = arith.addi %add3A_992, %add3A_16 : vector<16xi32>
      %gather3A_994 = tpu.vector_load_idx %arg10[%add3A_993] : memref<10240xi32, #tpu.memory_space<vmem>>[vector<16xi32>], vector<16xi32>,
      %shift_right_arithmetic3A_995 = arith.shrsi %gather3A_994, %broadcast_in_dim3A_127 : vector<16xi32>
      %and3A_996 = arith.andi %shift_right_arithmetic3A_995, %broadcast_in_dim3A_131 : vector<16xi32>
      %shift_left3A_997 = arith.shli %and3A_996, %broadcast_in_dim3A_129 : vector<16xi32>
      %add3A_998 = vector.broadcast %multiple_of3A_975 : i32 to vector<16xi32>
      %add3A_999 = arith.addi %add3A_998, %add3A_22 : vector<16xi32>
      %gather3A_1000 = tpu.vector_load_idx %arg10[%add3A_999] : memref<10240xi32, #tpu.memory_space<vmem>>[vector<16xi32>], vector<16xi32>,
      %shift_right_arithmetic3A_1001 = arith.shrsi %gather3A_1000, %broadcast_in_dim3A_127 : vector<16xi32>
      %and3A_1002 = arith.andi %shift_right_arithmetic3A_1001, %broadcast_in_dim3A_131 : vector<16xi32>
      %shift_left3A_1003 = arith.shli %and3A_1002, %broadcast_in_dim3A_129 : vector<16xi32>
      %add3A_1004 = vector.broadcast %multiple_of3A_975 : i32 to vector<16xi32>
      %add3A_1005 = arith.addi %add3A_1004, %add3A_28 : vector<16xi32>
      %gather3A_1006 = tpu.vector_load_idx %arg10[%add3A_1005] : memref<10240xi32, #tpu.memory_space<vmem>>[vector<16xi32>], vector<16xi32>,
      %shift_right_arithmetic3A_1007 = arith.shrsi %gather3A_1006, %broadcast_in_dim3A_127 : vector<16xi32>
      %and3A_1008 = arith.andi %shift_right_arithmetic3A_1007, %broadcast_in_dim3A_131 : vector<16xi32>
      %shift_left3A_1009 = arith.shli %and3A_1008, %broadcast_in_dim3A_129 : vector<16xi32>
      %add3A_1010 = vector.broadcast %multiple_of3A_975 : i32 to vector<16xi32>
      %add3A_1011 = arith.addi %add3A_1010, %add3A_34 : vector<16xi32>
      %gather3A_1012 = tpu.vector_load_idx %arg10[%add3A_1011] : memref<10240xi32, #tpu.memory_space<vmem>>[vector<16xi32>], vector<16xi32>,
      %shift_right_arithmetic3A_1013 = arith.shrsi %gather3A_1012, %broadcast_in_dim3A_127 : vector<16xi32>
      %and3A_1014 = arith.andi %shift_right_arithmetic3A_1013, %broadcast_in_dim3A_131 : vector<16xi32>
      %shift_left3A_1015 = arith.shli %and3A_1014, %broadcast_in_dim3A_129 : vector<16xi32>
      %add3A_1016 = vector.broadcast %multiple_of3A_975 : i32 to vector<16xi32>
      %add3A_1017 = arith.addi %add3A_1016, %add3A_40 : vector<16xi32>
      %gather3A_1018 = tpu.vector_load_idx %arg10[%add3A_1017] : memref<10240xi32, #tpu.memory_space<vmem>>[vector<16xi32>], vector<16xi32>,
      %shift_right_arithmetic3A_1019 = arith.shrsi %gather3A_1018, %broadcast_in_dim3A_127 : vector<16xi32>
      %and3A_1020 = arith.andi %shift_right_arithmetic3A_1019, %broadcast_in_dim3A_131 : vector<16xi32>
      %shift_left3A_1021 = arith.shli %and3A_1020, %broadcast_in_dim3A_129 : vector<16xi32>
      %add3A_1022 = vector.broadcast %multiple_of3A_975 : i32 to vector<16xi32>
      %add3A_1023 = arith.addi %add3A_1022, %add3A_46 : vector<16xi32>
      %gather3A_1024 = tpu.vector_load_idx %arg10[%add3A_1023] : memref<10240xi32, #tpu.memory_space<vmem>>[vector<16xi32>], vector<16xi32>,
      %shift_right_arithmetic3A_1025 = arith.shrsi %gather3A_1024, %broadcast_in_dim3A_127 : vector<16xi32>
      %and3A_1026 = arith.andi %shift_right_arithmetic3A_1025, %broadcast_in_dim3A_131 : vector<16xi32>
      %shift_left3A_1027 = arith.shli %and3A_1026, %broadcast_in_dim3A_129 : vector<16xi32>
      %add3A_1028 = vector.broadcast %multiple_of3A_975 : i32 to vector<16xi32>
      %add3A_1029 = arith.addi %add3A_1028, %add3A_52 : vector<16xi32>
      %gather3A_1030 = tpu.vector_load_idx %arg10[%add3A_1029] : memref<10240xi32, #tpu.memory_space<vmem>>[vector<16xi32>], vector<16xi32>,
      %shift_right_arithmetic3A_1031 = arith.shrsi %gather3A_1030, %broadcast_in_dim3A_127 : vector<16xi32>
      %and3A_1032 = arith.andi %shift_right_arithmetic3A_1031, %broadcast_in_dim3A_131 : vector<16xi32>
      %shift_left3A_1033 = arith.shli %and3A_1032, %broadcast_in_dim3A_129 : vector<16xi32>
      %add3A_1034 = vector.broadcast %multiple_of3A_975 : i32 to vector<16xi32>
      %add3A_1035 = arith.addi %add3A_1034, %add3A_58 : vector<16xi32>
      %gather3A_1036 = tpu.vector_load_idx %arg10[%add3A_1035] : memref<10240xi32, #tpu.memory_space<vmem>>[vector<16xi32>], vector<16xi32>,
      %shift_right_arithmetic3A_1037 = arith.shrsi %gather3A_1036, %broadcast_in_dim3A_127 : vector<16xi32>
      %and3A_1038 = arith.andi %shift_right_arithmetic3A_1037, %broadcast_in_dim3A_131 : vector<16xi32>
      %shift_left3A_1039 = arith.shli %and3A_1038, %broadcast_in_dim3A_129 : vector<16xi32>
      %add3A_1040 = vector.broadcast %multiple_of3A_975 : i32 to vector<16xi32>
      %add3A_1041 = arith.addi %add3A_1040, %add3A_64 : vector<16xi32>
      %gather3A_1042 = tpu.vector_load_idx %arg10[%add3A_1041] : memref<10240xi32, #tpu.memory_space<vmem>>[vector<16xi32>], vector<16xi32>,
      %shift_right_arithmetic3A_1043 = arith.shrsi %gather3A_1042, %broadcast_in_dim3A_127 : vector<16xi32>
      %and3A_1044 = arith.andi %shift_right_arithmetic3A_1043, %broadcast_in_dim3A_131 : vector<16xi32>
      %shift_left3A_1045 = arith.shli %and3A_1044, %broadcast_in_dim3A_129 : vector<16xi32>
      %add3A_1046 = vector.broadcast %multiple_of3A_975 : i32 to vector<16xi32>
      %add3A_1047 = arith.addi %add3A_1046, %add3A_70 : vector<16xi32>
      %gather3A_1048 = tpu.vector_load_idx %arg10[%add3A_1047] : memref<10240xi32, #tpu.memory_space<vmem>>[vector<16xi32>], vector<16xi32>,
      %shift_right_arithmetic3A_1049 = arith.shrsi %gather3A_1048, %broadcast_in_dim3A_127 : vector<16xi32>
      %and3A_1050 = arith.andi %shift_right_arithmetic3A_1049, %broadcast_in_dim3A_131 : vector<16xi32>
      %shift_left3A_1051 = arith.shli %and3A_1050, %broadcast_in_dim3A_129 : vector<16xi32>
      %add3A_1052 = vector.broadcast %multiple_of3A_975 : i32 to vector<16xi32>
      %add3A_1053 = arith.addi %add3A_1052, %add3A_76 : vector<16xi32>
      %gather3A_1054 = tpu.vector_load_idx %arg10[%add3A_1053] : memref<10240xi32, #tpu.memory_space<vmem>>[vector<16xi32>], vector<16xi32>,
      %shift_right_arithmetic3A_1055 = arith.shrsi %gather3A_1054, %broadcast_in_dim3A_127 : vector<16xi32>
      %and3A_1056 = arith.andi %shift_right_arithmetic3A_1055, %broadcast_in_dim3A_131 : vector<16xi32>
      %shift_left3A_1057 = arith.shli %and3A_1056, %broadcast_in_dim3A_129 : vector<16xi32>
      %add3A_1058 = vector.broadcast %multiple_of3A_975 : i32 to vector<16xi32>
      %add3A_1059 = arith.addi %add3A_1058, %add3A_82 : vector<16xi32>
      %gather3A_1060 = tpu.vector_load_idx %arg10[%add3A_1059] : memref<10240xi32, #tpu.memory_space<vmem>>[vector<16xi32>], vector<16xi32>,
      %shift_right_arithmetic3A_1061 = arith.shrsi %gather3A_1060, %broadcast_in_dim3A_127 : vector<16xi32>
      %and3A_1062 = arith.andi %shift_right_arithmetic3A_1061, %broadcast_in_dim3A_131 : vector<16xi32>
      %shift_left3A_1063 = arith.shli %and3A_1062, %broadcast_in_dim3A_129 : vector<16xi32>
      %add3A_1064 = vector.broadcast %multiple_of3A_975 : i32 to vector<16xi32>
      %add3A_1065 = arith.addi %add3A_1064, %add3A_88 : vector<16xi32>
      %gather3A_1066 = tpu.vector_load_idx %arg10[%add3A_1065] : memref<10240xi32, #tpu.memory_space<vmem>>[vector<16xi32>], vector<16xi32>,
      %shift_right_arithmetic3A_1067 = arith.shrsi %gather3A_1066, %broadcast_in_dim3A_127 : vector<16xi32>
      %and3A_1068 = arith.andi %shift_right_arithmetic3A_1067, %broadcast_in_dim3A_131 : vector<16xi32>
      %shift_left3A_1069 = arith.shli %and3A_1068, %broadcast_in_dim3A_129 : vector<16xi32>
      %add3A_1070 = vector.broadcast %multiple_of3A_975 : i32 to vector<16xi32>
      %add3A_1071 = arith.addi %add3A_1070, %add3A_94 : vector<16xi32>
      %gather3A_1072 = tpu.vector_load_idx %arg10[%add3A_1071] : memref<10240xi32, #tpu.memory_space<vmem>>[vector<16xi32>], vector<16xi32>,
      %shift_right_arithmetic3A_1073 = arith.shrsi %gather3A_1072, %broadcast_in_dim3A_127 : vector<16xi32>
      %and3A_1074 = arith.andi %shift_right_arithmetic3A_1073, %broadcast_in_dim3A_131 : vector<16xi32>
      %shift_left3A_1075 = arith.shli %and3A_1074, %broadcast_in_dim3A_129 : vector<16xi32>
      %add3A_1076 = vector.broadcast %multiple_of3A_975 : i32 to vector<16xi32>
      %add3A_1077 = arith.addi %add3A_1076, %add3A_100 : vector<16xi32>
      %gather3A_1078 = tpu.vector_load_idx %arg10[%add3A_1077] : memref<10240xi32, #tpu.memory_space<vmem>>[vector<16xi32>], vector<16xi32>,
      %shift_right_arithmetic3A_1079 = arith.shrsi %gather3A_1078, %broadcast_in_dim3A_127 : vector<16xi32>
      %and3A_1080 = arith.andi %shift_right_arithmetic3A_1079, %broadcast_in_dim3A_131 : vector<16xi32>
      %shift_left3A_1081 = arith.shli %and3A_1080, %broadcast_in_dim3A_129 : vector<16xi32>
      %add3A_1082 = vector.broadcast %multiple_of3A_975 : i32 to vector<16xi32>
      %add3A_1083 = arith.addi %add3A_1082, %add3A_106 : vector<16xi32>
      %gather3A_1084 = tpu.vector_load_idx %arg10[%add3A_1083] : memref<10240xi32, #tpu.memory_space<vmem>>[vector<16xi32>], vector<16xi32>,
      %shift_right_arithmetic3A_1085 = arith.shrsi %gather3A_1084, %broadcast_in_dim3A_127 : vector<16xi32>
      %and3A_1086 = arith.andi %shift_right_arithmetic3A_1085, %broadcast_in_dim3A_131 : vector<16xi32>
      %shift_left3A_1087 = arith.shli %and3A_1086, %broadcast_in_dim3A_129 : vector<16xi32>
      %add3A_1088 = vector.broadcast %multiple_of3A_975 : i32 to vector<16xi32>
      %add3A_1089 = arith.addi %add3A_1088, %add3A_112 : vector<16xi32>
      %gather3A_1090 = tpu.vector_load_idx %arg10[%add3A_1089] : memref<10240xi32, #tpu.memory_space<vmem>>[vector<16xi32>], vector<16xi32>,
      %shift_right_arithmetic3A_1091 = arith.shrsi %gather3A_1090, %broadcast_in_dim3A_127 : vector<16xi32>
      %and3A_1092 = arith.andi %shift_right_arithmetic3A_1091, %broadcast_in_dim3A_131 : vector<16xi32>
      %shift_left3A_1093 = arith.shli %and3A_1092, %broadcast_in_dim3A_129 : vector<16xi32>
      %add3A_1094 = vector.broadcast %multiple_of3A_975 : i32 to vector<16xi32>
      %add3A_1095 = arith.addi %add3A_1094, %add3A_118 : vector<16xi32>
      %gather3A_1096 = tpu.vector_load_idx %arg10[%add3A_1095] : memref<10240xi32, #tpu.memory_space<vmem>>[vector<16xi32>], vector<16xi32>,
      %shift_right_arithmetic3A_1097 = arith.shrsi %gather3A_1096, %broadcast_in_dim3A_127 : vector<16xi32>
      %and3A_1098 = arith.andi %shift_right_arithmetic3A_1097, %broadcast_in_dim3A_131 : vector<16xi32>
      %shift_left3A_1099 = arith.shli %and3A_1098, %broadcast_in_dim3A_129 : vector<16xi32>
      %add3A_1100 = vector.broadcast %multiple_of3A_975 : i32 to vector<16xi32>
      %add3A_1101 = arith.addi %add3A_1100, %add3A_124 : vector<16xi32>
      %gather3A_1102 = tpu.vector_load_idx %arg10[%add3A_1101] : memref<10240xi32, #tpu.memory_space<vmem>>[vector<16xi32>], vector<16xi32>,
      %shift_right_arithmetic3A_1103 = arith.shrsi %gather3A_1102, %broadcast_in_dim3A_127 : vector<16xi32>
      %and3A_1104 = arith.andi %shift_right_arithmetic3A_1103, %broadcast_in_dim3A_131 : vector<16xi32>
      %shift_left3A_1105 = arith.shli %and3A_1104, %broadcast_in_dim3A_129 : vector<16xi32>
      %mul3A_1106 = arith.constant 16 : i32
      %mul3A_1107 = arith.muli %add3A_969, %mul3A_1106 : i32
      %multiple_of3A_1108 = tpu.assume_multiple %mul3A_1107, 16 : i32
      %broadcast_in_dim3A_1109 = arith.constant 0.000000e+00 : f32
      %broadcast_in_dim3A_1110 = vector.broadcast %broadcast_in_dim3A_1109 : f32 to vector<16xf32>
      %scan3A_1111 = arith.constant 0 : i32
      %scan3A_1112 = arith.constant 16 : i32
      %scan3A_1113 = arith.addi %scan3A_1111, %scan3A_1112 : i32
      %scan3A_1114 = arith.constant 1 : i32
      %scan3A_1115:8 = scf.for %scan3A_1213 = %scan3A_1111 to %scan3A_1113 step %scan3A_1114 iter_args(%scan3A_1214 = %broadcast_in_dim3A_1110, %scan3A_1215 = %broadcast_in_dim3A_1110, %scan3A_1216 = %broadcast_in_dim3A_1110, %scan3A_1217 = %broadcast_in_dim3A_1110, %scan3A_1218 = %broadcast_in_dim3A_1110, %scan3A_1219 = %broadcast_in_dim3A_1110, %scan3A_1220 = %broadcast_in_dim3A_1110, %scan3A_1221 = %broadcast_in_dim3A_1110) -> (vector<16xf32>, vector<16xf32>, vector<16xf32>, vector<16xf32>, vector<16xf32>, vector<16xf32>, vector<16xf32>, vector<16xf32>)  : i32 {
        %mul3A_1222 = arith.constant 4 : i32
        %mul3A_1223 = arith.muli %scan3A_1213, %mul3A_1222 : i32
        %add3A_1224 = arith.constant 0 : i32
        %add3A_1225 = arith.addi %mul3A_1223, %add3A_1224 : i32
        %broadcast_in_dim3A_1226 = vector.broadcast %add3A_1225 : i32 to vector<16xi32>
        %add3A_1227 = arith.constant 1 : i32
        %add3A_1228 = arith.addi %mul3A_1223, %add3A_1227 : i32
        %broadcast_in_dim3A_1229 = vector.broadcast %add3A_1228 : i32 to vector<16xi32>
        %add3A_1230 = arith.constant 2 : i32
        %add3A_1231 = arith.addi %mul3A_1223, %add3A_1230 : i32
        %broadcast_in_dim3A_1232 = vector.broadcast %add3A_1231 : i32 to vector<16xi32>
        %add3A_1233 = arith.constant 3 : i32
        %add3A_1234 = arith.addi %mul3A_1223, %add3A_1233 : i32
        %broadcast_in_dim3A_1235 = vector.broadcast %add3A_1234 : i32 to vector<16xi32>
        %add3A_1236 = arith.addi %shift_left3A_980, %broadcast_in_dim3A_1226 : vector<16xi32>
        %gather3A_1237 = tpu.vector_load_idx %arg24[%iota3A, %add3A_1236] : memref<16x128xf32, #tpu.memory_space<vmem>>[vector<16xi32>, vector<16xi32>], vector<16xf32>,
        %add3A_1238 = arith.addi %shift_left3A_980, %broadcast_in_dim3A_1229 : vector<16xi32>
        %gather3A_1239 = tpu.vector_load_idx %arg24[%iota3A, %add3A_1238] : memref<16x128xf32, #tpu.memory_space<vmem>>[vector<16xi32>, vector<16xi32>], vector<16xf32>,
        %add3A_1240 = arith.addi %shift_left3A_980, %broadcast_in_dim3A_1232 : vector<16xi32>
        %gather3A_1241 = tpu.vector_load_idx %arg24[%iota3A, %add3A_1240] : memref<16x128xf32, #tpu.memory_space<vmem>>[vector<16xi32>, vector<16xi32>], vector<16xf32>,
        %add3A_1242 = arith.addi %shift_left3A_980, %broadcast_in_dim3A_1235 : vector<16xi32>
        %gather3A_1243 = tpu.vector_load_idx %arg24[%iota3A, %add3A_1242] : memref<16x128xf32, #tpu.memory_space<vmem>>[vector<16xi32>, vector<16xi32>], vector<16xf32>,
        %add3A_1244 = arith.addi %shift_left3A_985, %broadcast_in_dim3A_1226 : vector<16xi32>
        %gather3A_1245 = tpu.vector_load_idx %arg25[%iota3A, %add3A_1244] : memref<16x128xf32, #tpu.memory_space<vmem>>[vector<16xi32>, vector<16xi32>], vector<16xf32>,
        %add3A_1246 = arith.addi %shift_left3A_985, %broadcast_in_dim3A_1229 : vector<16xi32>
        %gather3A_1247 = tpu.vector_load_idx %arg25[%iota3A, %add3A_1246] : memref<16x128xf32, #tpu.memory_space<vmem>>[vector<16xi32>, vector<16xi32>], vector<16xf32>,
        %add3A_1248 = arith.addi %shift_left3A_985, %broadcast_in_dim3A_1232 : vector<16xi32>
        %gather3A_1249 = tpu.vector_load_idx %arg25[%iota3A, %add3A_1248] : memref<16x128xf32, #tpu.memory_space<vmem>>[vector<16xi32>, vector<16xi32>], vector<16xf32>,
        %add3A_1250 = arith.addi %shift_left3A_985, %broadcast_in_dim3A_1235 : vector<16xi32>
        %gather3A_1251 = tpu.vector_load_idx %arg25[%iota3A, %add3A_1250] : memref<16x128xf32, #tpu.memory_space<vmem>>[vector<16xi32>, vector<16xi32>], vector<16xf32>,
        %mul3A_1252 = arith.mulf %gather3A_1237, %gather3A_1245 : vector<16xf32>
        %sub3A = arith.subf %scan3A_1214, %mul3A_1252 : vector<16xf32>
        %mul3A_1253 = arith.mulf %gather3A_1239, %gather3A_1247 : vector<16xf32>
        %sub3A_1254 = arith.subf %sub3A, %mul3A_1253 : vector<16xf32>
        %mul3A_1255 = arith.mulf %gather3A_1241, %gather3A_1249 : vector<16xf32>
        %sub3A_1256 = arith.subf %sub3A_1254, %mul3A_1255 : vector<16xf32>
        %mul3A_1257 = arith.mulf %gather3A_1243, %gather3A_1251 : vector<16xf32>
        %sub3A_1258 = arith.subf %sub3A_1256, %mul3A_1257 : vector<16xf32>
        %add3A_1259 = arith.addi %shift_left3A_991, %broadcast_in_dim3A_1226 : vector<16xi32>
        %gather3A_1260 = tpu.vector_load_idx %arg26[%add3A_10, %add3A_1259] : memref<320x128xf32, #tpu.memory_space<vmem>>[vector<16xi32>, vector<16xi32>], vector<16xf32>,
        %mul3A_1261 = arith.mulf %gather3A_1260, %gather3A_1237 : vector<16xf32>
        %add3A_1262 = arith.addf %scan3A_1215, %mul3A_1261 : vector<16xf32>
        %add3A_1263 = arith.addi %shift_left3A_991, %broadcast_in_dim3A_1229 : vector<16xi32>
        %gather3A_1264 = tpu.vector_load_idx %arg26[%add3A_10, %add3A_1263] : memref<320x128xf32, #tpu.memory_space<vmem>>[vector<16xi32>, vector<16xi32>], vector<16xf32>,
        %mul3A_1265 = arith.mulf %gather3A_1264, %gather3A_1239 : vector<16xf32>
        %add3A_1266 = arith.addf %add3A_1262, %mul3A_1265 : vector<16xf32>
        %add3A_1267 = arith.addi %shift_left3A_991, %broadcast_in_dim3A_1232 : vector<16xi32>
        %gather3A_1268 = tpu.vector_load_idx %arg26[%add3A_10, %add3A_1267] : memref<320x128xf32, #tpu.memory_space<vmem>>[vector<16xi32>, vector<16xi32>], vector<16xf32>,
        %mul3A_1269 = arith.mulf %gather3A_1268, %gather3A_1241 : vector<16xf32>
        %add3A_1270 = arith.addf %add3A_1266, %mul3A_1269 : vector<16xf32>
        %add3A_1271 = arith.addi %shift_left3A_991, %broadcast_in_dim3A_1235 : vector<16xi32>
        %gather3A_1272 = tpu.vector_load_idx %arg26[%add3A_10, %add3A_1271] : memref<320x128xf32, #tpu.memory_space<vmem>>[vector<16xi32>, vector<16xi32>], vector<16xf32>,
        %mul3A_1273 = arith.mulf %gather3A_1272, %gather3A_1243 : vector<16xf32>
        %add3A_1274 = arith.addf %add3A_1270, %mul3A_1273 : vector<16xf32>
        %add3A_1275 = arith.addi %shift_left3A_997, %broadcast_in_dim3A_1226 : vector<16xi32>
        %gather3A_1276 = tpu.vector_load_idx %arg26[%add3A_16, %add3A_1275] : memref<320x128xf32, #tpu.memory_space<vmem>>[vector<16xi32>, vector<16xi32>], vector<16xf32>,
        %mul3A_1277 = arith.mulf %gather3A_1276, %gather3A_1237 : vector<16xf32>
        %add3A_1278 = arith.addf %scan3A_1216, %mul3A_1277 : vector<16xf32>
        %add3A_1279 = arith.addi %shift_left3A_997, %broadcast_in_dim3A_1229 : vector<16xi32>
        %gather3A_1280 = tpu.vector_load_idx %arg26[%add3A_16, %add3A_1279] : memref<320x128xf32, #tpu.memory_space<vmem>>[vector<16xi32>, vector<16xi32>], vector<16xf32>,
        %mul3A_1281 = arith.mulf %gather3A_1280, %gather3A_1239 : vector<16xf32>
        %add3A_1282 = arith.addf %add3A_1278, %mul3A_1281 : vector<16xf32>
        %add3A_1283 = arith.addi %shift_left3A_997, %broadcast_in_dim3A_1232 : vector<16xi32>
        %gather3A_1284 = tpu.vector_load_idx %arg26[%add3A_16, %add3A_1283] : memref<320x128xf32, #tpu.memory_space<vmem>>[vector<16xi32>, vector<16xi32>], vector<16xf32>,
        %mul3A_1285 = arith.mulf %gather3A_1284, %gather3A_1241 : vector<16xf32>
        %add3A_1286 = arith.addf %add3A_1282, %mul3A_1285 : vector<16xf32>
        %add3A_1287 = arith.addi %shift_left3A_997, %broadcast_in_dim3A_1235 : vector<16xi32>
        %gather3A_1288 = tpu.vector_load_idx %arg26[%add3A_16, %add3A_1287] : memref<320x128xf32, #tpu.memory_space<vmem>>[vector<16xi32>, vector<16xi32>], vector<16xf32>,
        %mul3A_1289 = arith.mulf %gather3A_1288, %gather3A_1243 : vector<16xf32>
        %add3A_1290 = arith.addf %add3A_1286, %mul3A_1289 : vector<16xf32>
        %add3A_1291 = arith.addi %shift_left3A_1003, %broadcast_in_dim3A_1226 : vector<16xi32>
        %gather3A_1292 = tpu.vector_load_idx %arg26[%add3A_22, %add3A_1291] : memref<320x128xf32, #tpu.memory_space<vmem>>[vector<16xi32>, vector<16xi32>], vector<16xf32>,
        %mul3A_1293 = arith.mulf %gather3A_1292, %gather3A_1237 : vector<16xf32>
        %add3A_1294 = arith.addf %scan3A_1217, %mul3A_1293 : vector<16xf32>
        %add3A_1295 = arith.addi %shift_left3A_1003, %broadcast_in_dim3A_1229 : vector<16xi32>
        %gather3A_1296 = tpu.vector_load_idx %arg26[%add3A_22, %add3A_1295] : memref<320x128xf32, #tpu.memory_space<vmem>>[vector<16xi32>, vector<16xi32>], vector<16xf32>,
        %mul3A_1297 = arith.mulf %gather3A_1296, %gather3A_1239 : vector<16xf32>
        %add3A_1298 = arith.addf %add3A_1294, %mul3A_1297 : vector<16xf32>
        %add3A_1299 = arith.addi %shift_left3A_1003, %broadcast_in_dim3A_1232 : vector<16xi32>
        %gather3A_1300 = tpu.vector_load_idx %arg26[%add3A_22, %add3A_1299] : memref<320x128xf32, #tpu.memory_space<vmem>>[vector<16xi32>, vector<16xi32>], vector<16xf32>,
        %mul3A_1301 = arith.mulf %gather3A_1300, %gather3A_1241 : vector<16xf32>
        %add3A_1302 = arith.addf %add3A_1298, %mul3A_1301 : vector<16xf32>
        %add3A_1303 = arith.addi %shift_left3A_1003, %broadcast_in_dim3A_1235 : vector<16xi32>
        %gather3A_1304 = tpu.vector_load_idx %arg26[%add3A_22, %add3A_1303] : memref<320x128xf32, #tpu.memory_space<vmem>>[vector<16xi32>, vector<16xi32>], vector<16xf32>,
        %mul3A_1305 = arith.mulf %gather3A_1304, %gather3A_1243 : vector<16xf32>
        %add3A_1306 = arith.addf %add3A_1302, %mul3A_1305 : vector<16xf32>
        %add3A_1307 = arith.addi %shift_left3A_1009, %broadcast_in_dim3A_1226 : vector<16xi32>
        %gather3A_1308 = tpu.vector_load_idx %arg26[%add3A_28, %add3A_1307] : memref<320x128xf32, #tpu.memory_space<vmem>>[vector<16xi32>, vector<16xi32>], vector<16xf32>,
        %mul3A_1309 = arith.mulf %gather3A_1308, %gather3A_1237 : vector<16xf32>
        %add3A_1310 = arith.addf %scan3A_1218, %mul3A_1309 : vector<16xf32>
        %add3A_1311 = arith.addi %shift_left3A_1009, %broadcast_in_dim3A_1229 : vector<16xi32>
        %gather3A_1312 = tpu.vector_load_idx %arg26[%add3A_28, %add3A_1311] : memref<320x128xf32, #tpu.memory_space<vmem>>[vector<16xi32>, vector<16xi32>], vector<16xf32>,
        %mul3A_1313 = arith.mulf %gather3A_1312, %gather3A_1239 : vector<16xf32>
        %add3A_1314 = arith.addf %add3A_1310, %mul3A_1313 : vector<16xf32>
        %add3A_1315 = arith.addi %shift_left3A_1009, %broadcast_in_dim3A_1232 : vector<16xi32>
        %gather3A_1316 = tpu.vector_load_idx %arg26[%add3A_28, %add3A_1315] : memref<320x128xf32, #tpu.memory_space<vmem>>[vector<16xi32>, vector<16xi32>], vector<16xf32>,
        %mul3A_1317 = arith.mulf %gather3A_1316, %gather3A_1241 : vector<16xf32>
        %add3A_1318 = arith.addf %add3A_1314, %mul3A_1317 : vector<16xf32>
        %add3A_1319 = arith.addi %shift_left3A_1009, %broadcast_in_dim3A_1235 : vector<16xi32>
        %gather3A_1320 = tpu.vector_load_idx %arg26[%add3A_28, %add3A_1319] : memref<320x128xf32, #tpu.memory_space<vmem>>[vector<16xi32>, vector<16xi32>], vector<16xf32>,
        %mul3A_1321 = arith.mulf %gather3A_1320, %gather3A_1243 : vector<16xf32>
        %add3A_1322 = arith.addf %add3A_1318, %mul3A_1321 : vector<16xf32>
        %add3A_1323 = arith.addi %shift_left3A_1015, %broadcast_in_dim3A_1226 : vector<16xi32>
        %gather3A_1324 = tpu.vector_load_idx %arg26[%add3A_34, %add3A_1323] : memref<320x128xf32, #tpu.memory_space<vmem>>[vector<16xi32>, vector<16xi32>], vector<16xf32>,
        %mul3A_1325 = arith.mulf %gather3A_1324, %gather3A_1237 : vector<16xf32>
        %add3A_1326 = arith.addf %scan3A_1219, %mul3A_1325 : vector<16xf32>
        %add3A_1327 = arith.addi %shift_left3A_1015, %broadcast_in_dim3A_1229 : vector<16xi32>
        %gather3A_1328 = tpu.vector_load_idx %arg26[%add3A_34, %add3A_1327] : memref<320x128xf32, #tpu.memory_space<vmem>>[vector<16xi32>, vector<16xi32>], vector<16xf32>,
        %mul3A_1329 = arith.mulf %gather3A_1328, %gather3A_1239 : vector<16xf32>
        %add3A_1330 = arith.addf %add3A_1326, %mul3A_1329 : vector<16xf32>
        %add3A_1331 = arith.addi %shift_left3A_1015, %broadcast_in_dim3A_1232 : vector<16xi32>
        %gather3A_1332 = tpu.vector_load_idx %arg26[%add3A_34, %add3A_1331] : memref<320x128xf32, #tpu.memory_space<vmem>>[vector<16xi32>, vector<16xi32>], vector<16xf32>,
        %mul3A_1333 = arith.mulf %gather3A_1332, %gather3A_1241 : vector<16xf32>
        %add3A_1334 = arith.addf %add3A_1330, %mul3A_1333 : vector<16xf32>
        %add3A_1335 = arith.addi %shift_left3A_1015, %broadcast_in_dim3A_1235 : vector<16xi32>
        %gather3A_1336 = tpu.vector_load_idx %arg26[%add3A_34, %add3A_1335] : memref<320x128xf32, #tpu.memory_space<vmem>>[vector<16xi32>, vector<16xi32>], vector<16xf32>,
        %mul3A_1337 = arith.mulf %gather3A_1336, %gather3A_1243 : vector<16xf32>
        %add3A_1338 = arith.addf %add3A_1334, %mul3A_1337 : vector<16xf32>
        %add3A_1339 = arith.addi %shift_left3A_1021, %broadcast_in_dim3A_1226 : vector<16xi32>
        %gather3A_1340 = tpu.vector_load_idx %arg26[%add3A_40, %add3A_1339] : memref<320x128xf32, #tpu.memory_space<vmem>>[vector<16xi32>, vector<16xi32>], vector<16xf32>,
        %mul3A_1341 = arith.mulf %gather3A_1340, %gather3A_1237 : vector<16xf32>
        %add3A_1342 = arith.addf %scan3A_1220, %mul3A_1341 : vector<16xf32>
        %add3A_1343 = arith.addi %shift_left3A_1021, %broadcast_in_dim3A_1229 : vector<16xi32>
        %gather3A_1344 = tpu.vector_load_idx %arg26[%add3A_40, %add3A_1343] : memref<320x128xf32, #tpu.memory_space<vmem>>[vector<16xi32>, vector<16xi32>], vector<16xf32>,
        %mul3A_1345 = arith.mulf %gather3A_1344, %gather3A_1239 : vector<16xf32>
        %add3A_1346 = arith.addf %add3A_1342, %mul3A_1345 : vector<16xf32>
        %add3A_1347 = arith.addi %shift_left3A_1021, %broadcast_in_dim3A_1232 : vector<16xi32>
        %gather3A_1348 = tpu.vector_load_idx %arg26[%add3A_40, %add3A_1347] : memref<320x128xf32, #tpu.memory_space<vmem>>[vector<16xi32>, vector<16xi32>], vector<16xf32>,
        %mul3A_1349 = arith.mulf %gather3A_1348, %gather3A_1241 : vector<16xf32>
        %add3A_1350 = arith.addf %add3A_1346, %mul3A_1349 : vector<16xf32>
        %add3A_1351 = arith.addi %shift_left3A_1021, %broadcast_in_dim3A_1235 : vector<16xi32>
        %gather3A_1352 = tpu.vector_load_idx %arg26[%add3A_40, %add3A_1351] : memref<320x128xf32, #tpu.memory_space<vmem>>[vector<16xi32>, vector<16xi32>], vector<16xf32>,
        %mul3A_1353 = arith.mulf %gather3A_1352, %gather3A_1243 : vector<16xf32>
        %add3A_1354 = arith.addf %add3A_1350, %mul3A_1353 : vector<16xf32>
        %add3A_1355 = arith.addi %shift_left3A_1027, %broadcast_in_dim3A_1226 : vector<16xi32>
        %gather3A_1356 = tpu.vector_load_idx %arg26[%add3A_46, %add3A_1355] : memref<320x128xf32, #tpu.memory_space<vmem>>[vector<16xi32>, vector<16xi32>], vector<16xf32>,
        %mul3A_1357 = arith.mulf %gather3A_1356, %gather3A_1237 : vector<16xf32>
        %add3A_1358 = arith.addf %scan3A_1221, %mul3A_1357 : vector<16xf32>
        %add3A_1359 = arith.addi %shift_left3A_1027, %broadcast_in_dim3A_1229 : vector<16xi32>
        %gather3A_1360 = tpu.vector_load_idx %arg26[%add3A_46, %add3A_1359] : memref<320x128xf32, #tpu.memory_space<vmem>>[vector<16xi32>, vector<16xi32>], vector<16xf32>,
        %mul3A_1361 = arith.mulf %gather3A_1360, %gather3A_1239 : vector<16xf32>
        %add3A_1362 = arith.addf %add3A_1358, %mul3A_1361 : vector<16xf32>
        %add3A_1363 = arith.addi %shift_left3A_1027, %broadcast_in_dim3A_1232 : vector<16xi32>
        %gather3A_1364 = tpu.vector_load_idx %arg26[%add3A_46, %add3A_1363] : memref<320x128xf32, #tpu.memory_space<vmem>>[vector<16xi32>, vector<16xi32>], vector<16xf32>,
        %mul3A_1365 = arith.mulf %gather3A_1364, %gather3A_1241 : vector<16xf32>
        %add3A_1366 = arith.addf %add3A_1362, %mul3A_1365 : vector<16xf32>
        %add3A_1367 = arith.addi %shift_left3A_1027, %broadcast_in_dim3A_1235 : vector<16xi32>
        %gather3A_1368 = tpu.vector_load_idx %arg26[%add3A_46, %add3A_1367] : memref<320x128xf32, #tpu.memory_space<vmem>>[vector<16xi32>, vector<16xi32>], vector<16xf32>,
        %mul3A_1369 = arith.mulf %gather3A_1368, %gather3A_1243 : vector<16xf32>
        %add3A_1370 = arith.addf %add3A_1366, %mul3A_1369 : vector<16xf32>
        scf.yield %sub3A_1258, %add3A_1274, %add3A_1290, %add3A_1306, %add3A_1322, %add3A_1338, %add3A_1354, %add3A_1370 : vector<16xf32>, vector<16xf32>, vector<16xf32>, vector<16xf32>, vector<16xf32>, vector<16xf32>, vector<16xf32>, vector<16xf32>
      }
      %scan3A_1116 = arith.constant 16 : i32
      %swap3A_1117 = arith.constant 0 : i32
      %swap3A_1118 = arith.index_cast %swap3A_1117 : i32 to index
      %swap3A_1119 = arith.index_cast %multiple_of3A_1108 : i32 to index
      %swap3A_1120 = tpu.vector_load %arg27[%swap3A_1118, %swap3A_1119] {strides = array<i32>} : memref<21x512xf32, #tpu.memory_space<vmem>>, vector<16xf32>,
      tpu.vector_store %arg27[%swap3A_1118, %swap3A_1119], %scan3A_1115#0 {strides = array<i32>} : memref<21x512xf32, #tpu.memory_space<vmem>>, vector<16xf32>,
      %swap3A_1121 = arith.constant 1 : i32
      %swap3A_1122 = arith.index_cast %swap3A_1121 : i32 to index
      %swap3A_1123 = arith.index_cast %multiple_of3A_1108 : i32 to index
      %swap3A_1124 = tpu.vector_load %arg27[%swap3A_1122, %swap3A_1123] {strides = array<i32>} : memref<21x512xf32, #tpu.memory_space<vmem>>, vector<16xf32>,
      tpu.vector_store %arg27[%swap3A_1122, %swap3A_1123], %scan3A_1115#1 {strides = array<i32>} : memref<21x512xf32, #tpu.memory_space<vmem>>, vector<16xf32>,
      %swap3A_1125 = arith.constant 2 : i32
      %swap3A_1126 = arith.index_cast %swap3A_1125 : i32 to index
      %swap3A_1127 = arith.index_cast %multiple_of3A_1108 : i32 to index
      %swap3A_1128 = tpu.vector_load %arg27[%swap3A_1126, %swap3A_1127] {strides = array<i32>} : memref<21x512xf32, #tpu.memory_space<vmem>>, vector<16xf32>,
      tpu.vector_store %arg27[%swap3A_1126, %swap3A_1127], %scan3A_1115#2 {strides = array<i32>} : memref<21x512xf32, #tpu.memory_space<vmem>>, vector<16xf32>,
      %swap3A_1129 = arith.constant 3 : i32
      %swap3A_1130 = arith.index_cast %swap3A_1129 : i32 to index
      %swap3A_1131 = arith.index_cast %multiple_of3A_1108 : i32 to index
      %swap3A_1132 = tpu.vector_load %arg27[%swap3A_1130, %swap3A_1131] {strides = array<i32>} : memref<21x512xf32, #tpu.memory_space<vmem>>, vector<16xf32>,
      tpu.vector_store %arg27[%swap3A_1130, %swap3A_1131], %scan3A_1115#3 {strides = array<i32>} : memref<21x512xf32, #tpu.memory_space<vmem>>, vector<16xf32>,
      %swap3A_1133 = arith.constant 4 : i32
      %swap3A_1134 = arith.index_cast %swap3A_1133 : i32 to index
      %swap3A_1135 = arith.index_cast %multiple_of3A_1108 : i32 to index
      %swap3A_1136 = tpu.vector_load %arg27[%swap3A_1134, %swap3A_1135] {strides = array<i32>} : memref<21x512xf32, #tpu.memory_space<vmem>>, vector<16xf32>,
      tpu.vector_store %arg27[%swap3A_1134, %swap3A_1135], %scan3A_1115#4 {strides = array<i32>} : memref<21x512xf32, #tpu.memory_space<vmem>>, vector<16xf32>,
      %swap3A_1137 = arith.constant 5 : i32
      %swap3A_1138 = arith.index_cast %swap3A_1137 : i32 to index
      %swap3A_1139 = arith.index_cast %multiple_of3A_1108 : i32 to index
      %swap3A_1140 = tpu.vector_load %arg27[%swap3A_1138, %swap3A_1139] {strides = array<i32>} : memref<21x512xf32, #tpu.memory_space<vmem>>, vector<16xf32>,
      tpu.vector_store %arg27[%swap3A_1138, %swap3A_1139], %scan3A_1115#5 {strides = array<i32>} : memref<21x512xf32, #tpu.memory_space<vmem>>, vector<16xf32>,
      %swap3A_1141 = arith.constant 6 : i32
      %swap3A_1142 = arith.index_cast %swap3A_1141 : i32 to index
      %swap3A_1143 = arith.index_cast %multiple_of3A_1108 : i32 to index
      %swap3A_1144 = tpu.vector_load %arg27[%swap3A_1142, %swap3A_1143] {strides = array<i32>} : memref<21x512xf32, #tpu.memory_space<vmem>>, vector<16xf32>,
      tpu.vector_store %arg27[%swap3A_1142, %swap3A_1143], %scan3A_1115#6 {strides = array<i32>} : memref<21x512xf32, #tpu.memory_space<vmem>>, vector<16xf32>,
      %swap3A_1145 = arith.constant 7 : i32
      %swap3A_1146 = arith.index_cast %swap3A_1145 : i32 to index
      %swap3A_1147 = arith.index_cast %multiple_of3A_1108 : i32 to index
      %swap3A_1148 = tpu.vector_load %arg27[%swap3A_1146, %swap3A_1147] {strides = array<i32>} : memref<21x512xf32, #tpu.memory_space<vmem>>, vector<16xf32>,
      tpu.vector_store %arg27[%swap3A_1146, %swap3A_1147], %scan3A_1115#7 {strides = array<i32>} : memref<21x512xf32, #tpu.memory_space<vmem>>, vector<16xf32>,
      %scan3A_1149 = arith.constant 0 : i32
      %scan3A_1150 = arith.constant 16 : i32
      %scan3A_1151 = arith.addi %scan3A_1149, %scan3A_1150 : i32
      %scan3A_1152 = arith.constant 1 : i32
      %scan3A_1153:7 = scf.for %scan3A_1213 = %scan3A_1149 to %scan3A_1151 step %scan3A_1152 iter_args(%scan3A_1214 = %broadcast_in_dim3A_1110, %scan3A_1215 = %broadcast_in_dim3A_1110, %scan3A_1216 = %broadcast_in_dim3A_1110, %scan3A_1217 = %broadcast_in_dim3A_1110, %scan3A_1218 = %broadcast_in_dim3A_1110, %scan3A_1219 = %broadcast_in_dim3A_1110, %scan3A_1220 = %broadcast_in_dim3A_1110) -> (vector<16xf32>, vector<16xf32>, vector<16xf32>, vector<16xf32>, vector<16xf32>, vector<16xf32>, vector<16xf32>)  : i32 {
        %mul3A_1221 = arith.constant 4 : i32
        %mul3A_1222 = arith.muli %scan3A_1213, %mul3A_1221 : i32
        %add3A_1223 = arith.constant 0 : i32
        %add3A_1224 = arith.addi %mul3A_1222, %add3A_1223 : i32
        %broadcast_in_dim3A_1225 = vector.broadcast %add3A_1224 : i32 to vector<16xi32>
        %add3A_1226 = arith.constant 1 : i32
        %add3A_1227 = arith.addi %mul3A_1222, %add3A_1226 : i32
        %broadcast_in_dim3A_1228 = vector.broadcast %add3A_1227 : i32 to vector<16xi32>
        %add3A_1229 = arith.constant 2 : i32
        %add3A_1230 = arith.addi %mul3A_1222, %add3A_1229 : i32
        %broadcast_in_dim3A_1231 = vector.broadcast %add3A_1230 : i32 to vector<16xi32>
        %add3A_1232 = arith.constant 3 : i32
        %add3A_1233 = arith.addi %mul3A_1222, %add3A_1232 : i32
        %broadcast_in_dim3A_1234 = vector.broadcast %add3A_1233 : i32 to vector<16xi32>
        %add3A_1235 = arith.addi %shift_left3A_980, %broadcast_in_dim3A_1225 : vector<16xi32>
        %gather3A_1236 = tpu.vector_load_idx %arg24[%iota3A, %add3A_1235] : memref<16x128xf32, #tpu.memory_space<vmem>>[vector<16xi32>, vector<16xi32>], vector<16xf32>,
        %add3A_1237 = arith.addi %shift_left3A_980, %broadcast_in_dim3A_1228 : vector<16xi32>
        %gather3A_1238 = tpu.vector_load_idx %arg24[%iota3A, %add3A_1237] : memref<16x128xf32, #tpu.memory_space<vmem>>[vector<16xi32>, vector<16xi32>], vector<16xf32>,
        %add3A_1239 = arith.addi %shift_left3A_980, %broadcast_in_dim3A_1231 : vector<16xi32>
        %gather3A_1240 = tpu.vector_load_idx %arg24[%iota3A, %add3A_1239] : memref<16x128xf32, #tpu.memory_space<vmem>>[vector<16xi32>, vector<16xi32>], vector<16xf32>,
        %add3A_1241 = arith.addi %shift_left3A_980, %broadcast_in_dim3A_1234 : vector<16xi32>
        %gather3A_1242 = tpu.vector_load_idx %arg24[%iota3A, %add3A_1241] : memref<16x128xf32, #tpu.memory_space<vmem>>[vector<16xi32>, vector<16xi32>], vector<16xf32>,
        %add3A_1243 = arith.addi %shift_left3A_1033, %broadcast_in_dim3A_1225 : vector<16xi32>
        %gather3A_1244 = tpu.vector_load_idx %arg26[%add3A_52, %add3A_1243] : memref<320x128xf32, #tpu.memory_space<vmem>>[vector<16xi32>, vector<16xi32>], vector<16xf32>,
        %mul3A_1245 = arith.mulf %gather3A_1244, %gather3A_1236 : vector<16xf32>
        %add3A_1246 = arith.addf %scan3A_1214, %mul3A_1245 : vector<16xf32>
        %add3A_1247 = arith.addi %shift_left3A_1033, %broadcast_in_dim3A_1228 : vector<16xi32>
        %gather3A_1248 = tpu.vector_load_idx %arg26[%add3A_52, %add3A_1247] : memref<320x128xf32, #tpu.memory_space<vmem>>[vector<16xi32>, vector<16xi32>], vector<16xf32>,
        %mul3A_1249 = arith.mulf %gather3A_1248, %gather3A_1238 : vector<16xf32>
        %add3A_1250 = arith.addf %add3A_1246, %mul3A_1249 : vector<16xf32>
        %add3A_1251 = arith.addi %shift_left3A_1033, %broadcast_in_dim3A_1231 : vector<16xi32>
        %gather3A_1252 = tpu.vector_load_idx %arg26[%add3A_52, %add3A_1251] : memref<320x128xf32, #tpu.memory_space<vmem>>[vector<16xi32>, vector<16xi32>], vector<16xf32>,
        %mul3A_1253 = arith.mulf %gather3A_1252, %gather3A_1240 : vector<16xf32>
        %add3A_1254 = arith.addf %add3A_1250, %mul3A_1253 : vector<16xf32>
        %add3A_1255 = arith.addi %shift_left3A_1033, %broadcast_in_dim3A_1234 : vector<16xi32>
        %gather3A_1256 = tpu.vector_load_idx %arg26[%add3A_52, %add3A_1255] : memref<320x128xf32, #tpu.memory_space<vmem>>[vector<16xi32>, vector<16xi32>], vector<16xf32>,
        %mul3A_1257 = arith.mulf %gather3A_1256, %gather3A_1242 : vector<16xf32>
        %add3A_1258 = arith.addf %add3A_1254, %mul3A_1257 : vector<16xf32>
        %add3A_1259 = arith.addi %shift_left3A_1039, %broadcast_in_dim3A_1225 : vector<16xi32>
        %gather3A_1260 = tpu.vector_load_idx %arg26[%add3A_58, %add3A_1259] : memref<320x128xf32, #tpu.memory_space<vmem>>[vector<16xi32>, vector<16xi32>], vector<16xf32>,
        %mul3A_1261 = arith.mulf %gather3A_1260, %gather3A_1236 : vector<16xf32>
        %add3A_1262 = arith.addf %scan3A_1215, %mul3A_1261 : vector<16xf32>
        %add3A_1263 = arith.addi %shift_left3A_1039, %broadcast_in_dim3A_1228 : vector<16xi32>
        %gather3A_1264 = tpu.vector_load_idx %arg26[%add3A_58, %add3A_1263] : memref<320x128xf32, #tpu.memory_space<vmem>>[vector<16xi32>, vector<16xi32>], vector<16xf32>,
        %mul3A_1265 = arith.mulf %gather3A_1264, %gather3A_1238 : vector<16xf32>
        %add3A_1266 = arith.addf %add3A_1262, %mul3A_1265 : vector<16xf32>
        %add3A_1267 = arith.addi %shift_left3A_1039, %broadcast_in_dim3A_1231 : vector<16xi32>
        %gather3A_1268 = tpu.vector_load_idx %arg26[%add3A_58, %add3A_1267] : memref<320x128xf32, #tpu.memory_space<vmem>>[vector<16xi32>, vector<16xi32>], vector<16xf32>,
        %mul3A_1269 = arith.mulf %gather3A_1268, %gather3A_1240 : vector<16xf32>
        %add3A_1270 = arith.addf %add3A_1266, %mul3A_1269 : vector<16xf32>
        %add3A_1271 = arith.addi %shift_left3A_1039, %broadcast_in_dim3A_1234 : vector<16xi32>
        %gather3A_1272 = tpu.vector_load_idx %arg26[%add3A_58, %add3A_1271] : memref<320x128xf32, #tpu.memory_space<vmem>>[vector<16xi32>, vector<16xi32>], vector<16xf32>,
        %mul3A_1273 = arith.mulf %gather3A_1272, %gather3A_1242 : vector<16xf32>
        %add3A_1274 = arith.addf %add3A_1270, %mul3A_1273 : vector<16xf32>
        %add3A_1275 = arith.addi %shift_left3A_1045, %broadcast_in_dim3A_1225 : vector<16xi32>
        %gather3A_1276 = tpu.vector_load_idx %arg26[%add3A_64, %add3A_1275] : memref<320x128xf32, #tpu.memory_space<vmem>>[vector<16xi32>, vector<16xi32>], vector<16xf32>,
        %mul3A_1277 = arith.mulf %gather3A_1276, %gather3A_1236 : vector<16xf32>
        %add3A_1278 = arith.addf %scan3A_1216, %mul3A_1277 : vector<16xf32>
        %add3A_1279 = arith.addi %shift_left3A_1045, %broadcast_in_dim3A_1228 : vector<16xi32>
        %gather3A_1280 = tpu.vector_load_idx %arg26[%add3A_64, %add3A_1279] : memref<320x128xf32, #tpu.memory_space<vmem>>[vector<16xi32>, vector<16xi32>], vector<16xf32>,
        %mul3A_1281 = arith.mulf %gather3A_1280, %gather3A_1238 : vector<16xf32>
        %add3A_1282 = arith.addf %add3A_1278, %mul3A_1281 : vector<16xf32>
        %add3A_1283 = arith.addi %shift_left3A_1045, %broadcast_in_dim3A_1231 : vector<16xi32>
        %gather3A_1284 = tpu.vector_load_idx %arg26[%add3A_64, %add3A_1283] : memref<320x128xf32, #tpu.memory_space<vmem>>[vector<16xi32>, vector<16xi32>], vector<16xf32>,
        %mul3A_1285 = arith.mulf %gather3A_1284, %gather3A_1240 : vector<16xf32>
        %add3A_1286 = arith.addf %add3A_1282, %mul3A_1285 : vector<16xf32>
        %add3A_1287 = arith.addi %shift_left3A_1045, %broadcast_in_dim3A_1234 : vector<16xi32>
        %gather3A_1288 = tpu.vector_load_idx %arg26[%add3A_64, %add3A_1287] : memref<320x128xf32, #tpu.memory_space<vmem>>[vector<16xi32>, vector<16xi32>], vector<16xf32>,
        %mul3A_1289 = arith.mulf %gather3A_1288, %gather3A_1242 : vector<16xf32>
        %add3A_1290 = arith.addf %add3A_1286, %mul3A_1289 : vector<16xf32>
        %add3A_1291 = arith.addi %shift_left3A_1051, %broadcast_in_dim3A_1225 : vector<16xi32>
        %gather3A_1292 = tpu.vector_load_idx %arg26[%add3A_70, %add3A_1291] : memref<320x128xf32, #tpu.memory_space<vmem>>[vector<16xi32>, vector<16xi32>], vector<16xf32>,
        %mul3A_1293 = arith.mulf %gather3A_1292, %gather3A_1236 : vector<16xf32>
        %add3A_1294 = arith.addf %scan3A_1217, %mul3A_1293 : vector<16xf32>
        %add3A_1295 = arith.addi %shift_left3A_1051, %broadcast_in_dim3A_1228 : vector<16xi32>
        %gather3A_1296 = tpu.vector_load_idx %arg26[%add3A_70, %add3A_1295] : memref<320x128xf32, #tpu.memory_space<vmem>>[vector<16xi32>, vector<16xi32>], vector<16xf32>,
        %mul3A_1297 = arith.mulf %gather3A_1296, %gather3A_1238 : vector<16xf32>
        %add3A_1298 = arith.addf %add3A_1294, %mul3A_1297 : vector<16xf32>
        %add3A_1299 = arith.addi %shift_left3A_1051, %broadcast_in_dim3A_1231 : vector<16xi32>
        %gather3A_1300 = tpu.vector_load_idx %arg26[%add3A_70, %add3A_1299] : memref<320x128xf32, #tpu.memory_space<vmem>>[vector<16xi32>, vector<16xi32>], vector<16xf32>,
        %mul3A_1301 = arith.mulf %gather3A_1300, %gather3A_1240 : vector<16xf32>
        %add3A_1302 = arith.addf %add3A_1298, %mul3A_1301 : vector<16xf32>
        %add3A_1303 = arith.addi %shift_left3A_1051, %broadcast_in_dim3A_1234 : vector<16xi32>
        %gather3A_1304 = tpu.vector_load_idx %arg26[%add3A_70, %add3A_1303] : memref<320x128xf32, #tpu.memory_space<vmem>>[vector<16xi32>, vector<16xi32>], vector<16xf32>,
        %mul3A_1305 = arith.mulf %gather3A_1304, %gather3A_1242 : vector<16xf32>
        %add3A_1306 = arith.addf %add3A_1302, %mul3A_1305 : vector<16xf32>
        %add3A_1307 = arith.addi %shift_left3A_1057, %broadcast_in_dim3A_1225 : vector<16xi32>
        %gather3A_1308 = tpu.vector_load_idx %arg26[%add3A_76, %add3A_1307] : memref<320x128xf32, #tpu.memory_space<vmem>>[vector<16xi32>, vector<16xi32>], vector<16xf32>,
        %mul3A_1309 = arith.mulf %gather3A_1308, %gather3A_1236 : vector<16xf32>
        %add3A_1310 = arith.addf %scan3A_1218, %mul3A_1309 : vector<16xf32>
        %add3A_1311 = arith.addi %shift_left3A_1057, %broadcast_in_dim3A_1228 : vector<16xi32>
        %gather3A_1312 = tpu.vector_load_idx %arg26[%add3A_76, %add3A_1311] : memref<320x128xf32, #tpu.memory_space<vmem>>[vector<16xi32>, vector<16xi32>], vector<16xf32>,
        %mul3A_1313 = arith.mulf %gather3A_1312, %gather3A_1238 : vector<16xf32>
        %add3A_1314 = arith.addf %add3A_1310, %mul3A_1313 : vector<16xf32>
        %add3A_1315 = arith.addi %shift_left3A_1057, %broadcast_in_dim3A_1231 : vector<16xi32>
        %gather3A_1316 = tpu.vector_load_idx %arg26[%add3A_76, %add3A_1315] : memref<320x128xf32, #tpu.memory_space<vmem>>[vector<16xi32>, vector<16xi32>], vector<16xf32>,
        %mul3A_1317 = arith.mulf %gather3A_1316, %gather3A_1240 : vector<16xf32>
        %add3A_1318 = arith.addf %add3A_1314, %mul3A_1317 : vector<16xf32>
        %add3A_1319 = arith.addi %shift_left3A_1057, %broadcast_in_dim3A_1234 : vector<16xi32>
        %gather3A_1320 = tpu.vector_load_idx %arg26[%add3A_76, %add3A_1319] : memref<320x128xf32, #tpu.memory_space<vmem>>[vector<16xi32>, vector<16xi32>], vector<16xf32>,
        %mul3A_1321 = arith.mulf %gather3A_1320, %gather3A_1242 : vector<16xf32>
        %add3A_1322 = arith.addf %add3A_1318, %mul3A_1321 : vector<16xf32>
        %add3A_1323 = arith.addi %shift_left3A_1063, %broadcast_in_dim3A_1225 : vector<16xi32>
        %gather3A_1324 = tpu.vector_load_idx %arg26[%add3A_82, %add3A_1323] : memref<320x128xf32, #tpu.memory_space<vmem>>[vector<16xi32>, vector<16xi32>], vector<16xf32>,
        %mul3A_1325 = arith.mulf %gather3A_1324, %gather3A_1236 : vector<16xf32>
        %add3A_1326 = arith.addf %scan3A_1219, %mul3A_1325 : vector<16xf32>
        %add3A_1327 = arith.addi %shift_left3A_1063, %broadcast_in_dim3A_1228 : vector<16xi32>
        %gather3A_1328 = tpu.vector_load_idx %arg26[%add3A_82, %add3A_1327] : memref<320x128xf32, #tpu.memory_space<vmem>>[vector<16xi32>, vector<16xi32>], vector<16xf32>,
        %mul3A_1329 = arith.mulf %gather3A_1328, %gather3A_1238 : vector<16xf32>
        %add3A_1330 = arith.addf %add3A_1326, %mul3A_1329 : vector<16xf32>
        %add3A_1331 = arith.addi %shift_left3A_1063, %broadcast_in_dim3A_1231 : vector<16xi32>
        %gather3A_1332 = tpu.vector_load_idx %arg26[%add3A_82, %add3A_1331] : memref<320x128xf32, #tpu.memory_space<vmem>>[vector<16xi32>, vector<16xi32>], vector<16xf32>,
        %mul3A_1333 = arith.mulf %gather3A_1332, %gather3A_1240 : vector<16xf32>
        %add3A_1334 = arith.addf %add3A_1330, %mul3A_1333 : vector<16xf32>
        %add3A_1335 = arith.addi %shift_left3A_1063, %broadcast_in_dim3A_1234 : vector<16xi32>
        %gather3A_1336 = tpu.vector_load_idx %arg26[%add3A_82, %add3A_1335] : memref<320x128xf32, #tpu.memory_space<vmem>>[vector<16xi32>, vector<16xi32>], vector<16xf32>,
        %mul3A_1337 = arith.mulf %gather3A_1336, %gather3A_1242 : vector<16xf32>
        %add3A_1338 = arith.addf %add3A_1334, %mul3A_1337 : vector<16xf32>
        %add3A_1339 = arith.addi %shift_left3A_1069, %broadcast_in_dim3A_1225 : vector<16xi32>
        %gather3A_1340 = tpu.vector_load_idx %arg26[%add3A_88, %add3A_1339] : memref<320x128xf32, #tpu.memory_space<vmem>>[vector<16xi32>, vector<16xi32>], vector<16xf32>,
        %mul3A_1341 = arith.mulf %gather3A_1340, %gather3A_1236 : vector<16xf32>
        %add3A_1342 = arith.addf %scan3A_1220, %mul3A_1341 : vector<16xf32>
        %add3A_1343 = arith.addi %shift_left3A_1069, %broadcast_in_dim3A_1228 : vector<16xi32>
        %gather3A_1344 = tpu.vector_load_idx %arg26[%add3A_88, %add3A_1343] : memref<320x128xf32, #tpu.memory_space<vmem>>[vector<16xi32>, vector<16xi32>], vector<16xf32>,
        %mul3A_1345 = arith.mulf %gather3A_1344, %gather3A_1238 : vector<16xf32>
        %add3A_1346 = arith.addf %add3A_1342, %mul3A_1345 : vector<16xf32>
        %add3A_1347 = arith.addi %shift_left3A_1069, %broadcast_in_dim3A_1231 : vector<16xi32>
        %gather3A_1348 = tpu.vector_load_idx %arg26[%add3A_88, %add3A_1347] : memref<320x128xf32, #tpu.memory_space<vmem>>[vector<16xi32>, vector<16xi32>], vector<16xf32>,
        %mul3A_1349 = arith.mulf %gather3A_1348, %gather3A_1240 : vector<16xf32>
        %add3A_1350 = arith.addf %add3A_1346, %mul3A_1349 : vector<16xf32>
        %add3A_1351 = arith.addi %shift_left3A_1069, %broadcast_in_dim3A_1234 : vector<16xi32>
        %gather3A_1352 = tpu.vector_load_idx %arg26[%add3A_88, %add3A_1351] : memref<320x128xf32, #tpu.memory_space<vmem>>[vector<16xi32>, vector<16xi32>], vector<16xf32>,
        %mul3A_1353 = arith.mulf %gather3A_1352, %gather3A_1242 : vector<16xf32>
        %add3A_1354 = arith.addf %add3A_1350, %mul3A_1353 : vector<16xf32>
        scf.yield %add3A_1258, %add3A_1274, %add3A_1290, %add3A_1306, %add3A_1322, %add3A_1338, %add3A_1354 : vector<16xf32>, vector<16xf32>, vector<16xf32>, vector<16xf32>, vector<16xf32>, vector<16xf32>, vector<16xf32>
      }
      %scan3A_1154 = arith.constant 16 : i32
      %swap3A_1155 = arith.constant 8 : i32
      %swap3A_1156 = arith.index_cast %swap3A_1155 : i32 to index
      %swap3A_1157 = arith.index_cast %multiple_of3A_1108 : i32 to index
      %swap3A_1158 = tpu.vector_load %arg27[%swap3A_1156, %swap3A_1157] {strides = array<i32>} : memref<21x512xf32, #tpu.memory_space<vmem>>, vector<16xf32>,
      tpu.vector_store %arg27[%swap3A_1156, %swap3A_1157], %scan3A_1153#0 {strides = array<i32>} : memref<21x512xf32, #tpu.memory_space<vmem>>, vector<16xf32>,
      %swap3A_1159 = arith.constant 9 : i32
      %swap3A_1160 = arith.index_cast %swap3A_1159 : i32 to index
      %swap3A_1161 = arith.index_cast %multiple_of3A_1108 : i32 to index
      %swap3A_1162 = tpu.vector_load %arg27[%swap3A_1160, %swap3A_1161] {strides = array<i32>} : memref<21x512xf32, #tpu.memory_space<vmem>>, vector<16xf32>,
      tpu.vector_store %arg27[%swap3A_1160, %swap3A_1161], %scan3A_1153#1 {strides = array<i32>} : memref<21x512xf32, #tpu.memory_space<vmem>>, vector<16xf32>,
      %swap3A_1163 = arith.constant 10 : i32
      %swap3A_1164 = arith.index_cast %swap3A_1163 : i32 to index
      %swap3A_1165 = arith.index_cast %multiple_of3A_1108 : i32 to index
      %swap3A_1166 = tpu.vector_load %arg27[%swap3A_1164, %swap3A_1165] {strides = array<i32>} : memref<21x512xf32, #tpu.memory_space<vmem>>, vector<16xf32>,
      tpu.vector_store %arg27[%swap3A_1164, %swap3A_1165], %scan3A_1153#2 {strides = array<i32>} : memref<21x512xf32, #tpu.memory_space<vmem>>, vector<16xf32>,
      %swap3A_1167 = arith.constant 11 : i32
      %swap3A_1168 = arith.index_cast %swap3A_1167 : i32 to index
      %swap3A_1169 = arith.index_cast %multiple_of3A_1108 : i32 to index
      %swap3A_1170 = tpu.vector_load %arg27[%swap3A_1168, %swap3A_1169] {strides = array<i32>} : memref<21x512xf32, #tpu.memory_space<vmem>>, vector<16xf32>,
      tpu.vector_store %arg27[%swap3A_1168, %swap3A_1169], %scan3A_1153#3 {strides = array<i32>} : memref<21x512xf32, #tpu.memory_space<vmem>>, vector<16xf32>,
      %swap3A_1171 = arith.constant 12 : i32
      %swap3A_1172 = arith.index_cast %swap3A_1171 : i32 to index
      %swap3A_1173 = arith.index_cast %multiple_of3A_1108 : i32 to index
      %swap3A_1174 = tpu.vector_load %arg27[%swap3A_1172, %swap3A_1173] {strides = array<i32>} : memref<21x512xf32, #tpu.memory_space<vmem>>, vector<16xf32>,
      tpu.vector_store %arg27[%swap3A_1172, %swap3A_1173], %scan3A_1153#4 {strides = array<i32>} : memref<21x512xf32, #tpu.memory_space<vmem>>, vector<16xf32>,
      %swap3A_1175 = arith.constant 13 : i32
      %swap3A_1176 = arith.index_cast %swap3A_1175 : i32 to index
      %swap3A_1177 = arith.index_cast %multiple_of3A_1108 : i32 to index
      %swap3A_1178 = tpu.vector_load %arg27[%swap3A_1176, %swap3A_1177] {strides = array<i32>} : memref<21x512xf32, #tpu.memory_space<vmem>>, vector<16xf32>,
      tpu.vector_store %arg27[%swap3A_1176, %swap3A_1177], %scan3A_1153#5 {strides = array<i32>} : memref<21x512xf32, #tpu.memory_space<vmem>>, vector<16xf32>,
      %swap3A_1179 = arith.constant 14 : i32
      %swap3A_1180 = arith.index_cast %swap3A_1179 : i32 to index
      %swap3A_1181 = arith.index_cast %multiple_of3A_1108 : i32 to index
      %swap3A_1182 = tpu.vector_load %arg27[%swap3A_1180, %swap3A_1181] {strides = array<i32>} : memref<21x512xf32, #tpu.memory_space<vmem>>, vector<16xf32>,
      tpu.vector_store %arg27[%swap3A_1180, %swap3A_1181], %scan3A_1153#6 {strides = array<i32>} : memref<21x512xf32, #tpu.memory_space<vmem>>, vector<16xf32>,
      %scan3A_1183 = arith.constant 0 : i32
      %scan3A_1184 = arith.constant 16 : i32
      %scan3A_1185 = arith.addi %scan3A_1183, %scan3A_1184 : i32
      %scan3A_1186 = arith.constant 1 : i32
      %scan3A_1187:6 = scf.for %scan3A_1213 = %scan3A_1183 to %scan3A_1185 step %scan3A_1186 iter_args(%scan3A_1214 = %broadcast_in_dim3A_1110, %scan3A_1215 = %broadcast_in_dim3A_1110, %scan3A_1216 = %broadcast_in_dim3A_1110, %scan3A_1217 = %broadcast_in_dim3A_1110, %scan3A_1218 = %broadcast_in_dim3A_1110, %scan3A_1219 = %broadcast_in_dim3A_1110) -> (vector<16xf32>, vector<16xf32>, vector<16xf32>, vector<16xf32>, vector<16xf32>, vector<16xf32>)  : i32 {
        %mul3A_1220 = arith.constant 4 : i32
        %mul3A_1221 = arith.muli %scan3A_1213, %mul3A_1220 : i32
        %add3A_1222 = arith.constant 0 : i32
        %add3A_1223 = arith.addi %mul3A_1221, %add3A_1222 : i32
        %broadcast_in_dim3A_1224 = vector.broadcast %add3A_1223 : i32 to vector<16xi32>
        %add3A_1225 = arith.constant 1 : i32
        %add3A_1226 = arith.addi %mul3A_1221, %add3A_1225 : i32
        %broadcast_in_dim3A_1227 = vector.broadcast %add3A_1226 : i32 to vector<16xi32>
        %add3A_1228 = arith.constant 2 : i32
        %add3A_1229 = arith.addi %mul3A_1221, %add3A_1228 : i32
        %broadcast_in_dim3A_1230 = vector.broadcast %add3A_1229 : i32 to vector<16xi32>
        %add3A_1231 = arith.constant 3 : i32
        %add3A_1232 = arith.addi %mul3A_1221, %add3A_1231 : i32
        %broadcast_in_dim3A_1233 = vector.broadcast %add3A_1232 : i32 to vector<16xi32>
        %add3A_1234 = arith.addi %shift_left3A_980, %broadcast_in_dim3A_1224 : vector<16xi32>
        %gather3A_1235 = tpu.vector_load_idx %arg24[%iota3A, %add3A_1234] : memref<16x128xf32, #tpu.memory_space<vmem>>[vector<16xi32>, vector<16xi32>], vector<16xf32>,
        %add3A_1236 = arith.addi %shift_left3A_980, %broadcast_in_dim3A_1227 : vector<16xi32>
        %gather3A_1237 = tpu.vector_load_idx %arg24[%iota3A, %add3A_1236] : memref<16x128xf32, #tpu.memory_space<vmem>>[vector<16xi32>, vector<16xi32>], vector<16xf32>,
        %add3A_1238 = arith.addi %shift_left3A_980, %broadcast_in_dim3A_1230 : vector<16xi32>
        %gather3A_1239 = tpu.vector_load_idx %arg24[%iota3A, %add3A_1238] : memref<16x128xf32, #tpu.memory_space<vmem>>[vector<16xi32>, vector<16xi32>], vector<16xf32>,
        %add3A_1240 = arith.addi %shift_left3A_980, %broadcast_in_dim3A_1233 : vector<16xi32>
        %gather3A_1241 = tpu.vector_load_idx %arg24[%iota3A, %add3A_1240] : memref<16x128xf32, #tpu.memory_space<vmem>>[vector<16xi32>, vector<16xi32>], vector<16xf32>,
        %add3A_1242 = arith.addi %shift_left3A_1075, %broadcast_in_dim3A_1224 : vector<16xi32>
        %gather3A_1243 = tpu.vector_load_idx %arg26[%add3A_94, %add3A_1242] : memref<320x128xf32, #tpu.memory_space<vmem>>[vector<16xi32>, vector<16xi32>], vector<16xf32>,
        %mul3A_1244 = arith.mulf %gather3A_1243, %gather3A_1235 : vector<16xf32>
        %add3A_1245 = arith.addf %scan3A_1214, %mul3A_1244 : vector<16xf32>
        %add3A_1246 = arith.addi %shift_left3A_1075, %broadcast_in_dim3A_1227 : vector<16xi32>
        %gather3A_1247 = tpu.vector_load_idx %arg26[%add3A_94, %add3A_1246] : memref<320x128xf32, #tpu.memory_space<vmem>>[vector<16xi32>, vector<16xi32>], vector<16xf32>,
        %mul3A_1248 = arith.mulf %gather3A_1247, %gather3A_1237 : vector<16xf32>
        %add3A_1249 = arith.addf %add3A_1245, %mul3A_1248 : vector<16xf32>
        %add3A_1250 = arith.addi %shift_left3A_1075, %broadcast_in_dim3A_1230 : vector<16xi32>
        %gather3A_1251 = tpu.vector_load_idx %arg26[%add3A_94, %add3A_1250] : memref<320x128xf32, #tpu.memory_space<vmem>>[vector<16xi32>, vector<16xi32>], vector<16xf32>,
        %mul3A_1252 = arith.mulf %gather3A_1251, %gather3A_1239 : vector<16xf32>
        %add3A_1253 = arith.addf %add3A_1249, %mul3A_1252 : vector<16xf32>
        %add3A_1254 = arith.addi %shift_left3A_1075, %broadcast_in_dim3A_1233 : vector<16xi32>
        %gather3A_1255 = tpu.vector_load_idx %arg26[%add3A_94, %add3A_1254] : memref<320x128xf32, #tpu.memory_space<vmem>>[vector<16xi32>, vector<16xi32>], vector<16xf32>,
        %mul3A_1256 = arith.mulf %gather3A_1255, %gather3A_1241 : vector<16xf32>
        %add3A_1257 = arith.addf %add3A_1253, %mul3A_1256 : vector<16xf32>
        %add3A_1258 = arith.addi %shift_left3A_1081, %broadcast_in_dim3A_1224 : vector<16xi32>
        %gather3A_1259 = tpu.vector_load_idx %arg26[%add3A_100, %add3A_1258] : memref<320x128xf32, #tpu.memory_space<vmem>>[vector<16xi32>, vector<16xi32>], vector<16xf32>,
        %mul3A_1260 = arith.mulf %gather3A_1259, %gather3A_1235 : vector<16xf32>
        %add3A_1261 = arith.addf %scan3A_1215, %mul3A_1260 : vector<16xf32>
        %add3A_1262 = arith.addi %shift_left3A_1081, %broadcast_in_dim3A_1227 : vector<16xi32>
        %gather3A_1263 = tpu.vector_load_idx %arg26[%add3A_100, %add3A_1262] : memref<320x128xf32, #tpu.memory_space<vmem>>[vector<16xi32>, vector<16xi32>], vector<16xf32>,
        %mul3A_1264 = arith.mulf %gather3A_1263, %gather3A_1237 : vector<16xf32>
        %add3A_1265 = arith.addf %add3A_1261, %mul3A_1264 : vector<16xf32>
        %add3A_1266 = arith.addi %shift_left3A_1081, %broadcast_in_dim3A_1230 : vector<16xi32>
        %gather3A_1267 = tpu.vector_load_idx %arg26[%add3A_100, %add3A_1266] : memref<320x128xf32, #tpu.memory_space<vmem>>[vector<16xi32>, vector<16xi32>], vector<16xf32>,
        %mul3A_1268 = arith.mulf %gather3A_1267, %gather3A_1239 : vector<16xf32>
        %add3A_1269 = arith.addf %add3A_1265, %mul3A_1268 : vector<16xf32>
        %add3A_1270 = arith.addi %shift_left3A_1081, %broadcast_in_dim3A_1233 : vector<16xi32>
        %gather3A_1271 = tpu.vector_load_idx %arg26[%add3A_100, %add3A_1270] : memref<320x128xf32, #tpu.memory_space<vmem>>[vector<16xi32>, vector<16xi32>], vector<16xf32>,
        %mul3A_1272 = arith.mulf %gather3A_1271, %gather3A_1241 : vector<16xf32>
        %add3A_1273 = arith.addf %add3A_1269, %mul3A_1272 : vector<16xf32>
        %add3A_1274 = arith.addi %shift_left3A_1087, %broadcast_in_dim3A_1224 : vector<16xi32>
        %gather3A_1275 = tpu.vector_load_idx %arg26[%add3A_106, %add3A_1274] : memref<320x128xf32, #tpu.memory_space<vmem>>[vector<16xi32>, vector<16xi32>], vector<16xf32>,
        %mul3A_1276 = arith.mulf %gather3A_1275, %gather3A_1235 : vector<16xf32>
        %add3A_1277 = arith.addf %scan3A_1216, %mul3A_1276 : vector<16xf32>
        %add3A_1278 = arith.addi %shift_left3A_1087, %broadcast_in_dim3A_1227 : vector<16xi32>
        %gather3A_1279 = tpu.vector_load_idx %arg26[%add3A_106, %add3A_1278] : memref<320x128xf32, #tpu.memory_space<vmem>>[vector<16xi32>, vector<16xi32>], vector<16xf32>,
        %mul3A_1280 = arith.mulf %gather3A_1279, %gather3A_1237 : vector<16xf32>
        %add3A_1281 = arith.addf %add3A_1277, %mul3A_1280 : vector<16xf32>
        %add3A_1282 = arith.addi %shift_left3A_1087, %broadcast_in_dim3A_1230 : vector<16xi32>
        %gather3A_1283 = tpu.vector_load_idx %arg26[%add3A_106, %add3A_1282] : memref<320x128xf32, #tpu.memory_space<vmem>>[vector<16xi32>, vector<16xi32>], vector<16xf32>,
        %mul3A_1284 = arith.mulf %gather3A_1283, %gather3A_1239 : vector<16xf32>
        %add3A_1285 = arith.addf %add3A_1281, %mul3A_1284 : vector<16xf32>
        %add3A_1286 = arith.addi %shift_left3A_1087, %broadcast_in_dim3A_1233 : vector<16xi32>
        %gather3A_1287 = tpu.vector_load_idx %arg26[%add3A_106, %add3A_1286] : memref<320x128xf32, #tpu.memory_space<vmem>>[vector<16xi32>, vector<16xi32>], vector<16xf32>,
        %mul3A_1288 = arith.mulf %gather3A_1287, %gather3A_1241 : vector<16xf32>
        %add3A_1289 = arith.addf %add3A_1285, %mul3A_1288 : vector<16xf32>
        %add3A_1290 = arith.addi %shift_left3A_1093, %broadcast_in_dim3A_1224 : vector<16xi32>
        %gather3A_1291 = tpu.vector_load_idx %arg26[%add3A_112, %add3A_1290] : memref<320x128xf32, #tpu.memory_space<vmem>>[vector<16xi32>, vector<16xi32>], vector<16xf32>,
        %mul3A_1292 = arith.mulf %gather3A_1291, %gather3A_1235 : vector<16xf32>
        %add3A_1293 = arith.addf %scan3A_1217, %mul3A_1292 : vector<16xf32>
        %add3A_1294 = arith.addi %shift_left3A_1093, %broadcast_in_dim3A_1227 : vector<16xi32>
        %gather3A_1295 = tpu.vector_load_idx %arg26[%add3A_112, %add3A_1294] : memref<320x128xf32, #tpu.memory_space<vmem>>[vector<16xi32>, vector<16xi32>], vector<16xf32>,
        %mul3A_1296 = arith.mulf %gather3A_1295, %gather3A_1237 : vector<16xf32>
        %add3A_1297 = arith.addf %add3A_1293, %mul3A_1296 : vector<16xf32>
        %add3A_1298 = arith.addi %shift_left3A_1093, %broadcast_in_dim3A_1230 : vector<16xi32>
        %gather3A_1299 = tpu.vector_load_idx %arg26[%add3A_112, %add3A_1298] : memref<320x128xf32, #tpu.memory_space<vmem>>[vector<16xi32>, vector<16xi32>], vector<16xf32>,
        %mul3A_1300 = arith.mulf %gather3A_1299, %gather3A_1239 : vector<16xf32>
        %add3A_1301 = arith.addf %add3A_1297, %mul3A_1300 : vector<16xf32>
        %add3A_1302 = arith.addi %shift_left3A_1093, %broadcast_in_dim3A_1233 : vector<16xi32>
        %gather3A_1303 = tpu.vector_load_idx %arg26[%add3A_112, %add3A_1302] : memref<320x128xf32, #tpu.memory_space<vmem>>[vector<16xi32>, vector<16xi32>], vector<16xf32>,
        %mul3A_1304 = arith.mulf %gather3A_1303, %gather3A_1241 : vector<16xf32>
        %add3A_1305 = arith.addf %add3A_1301, %mul3A_1304 : vector<16xf32>
        %add3A_1306 = arith.addi %shift_left3A_1099, %broadcast_in_dim3A_1224 : vector<16xi32>
        %gather3A_1307 = tpu.vector_load_idx %arg26[%add3A_118, %add3A_1306] : memref<320x128xf32, #tpu.memory_space<vmem>>[vector<16xi32>, vector<16xi32>], vector<16xf32>,
        %mul3A_1308 = arith.mulf %gather3A_1307, %gather3A_1235 : vector<16xf32>
        %add3A_1309 = arith.addf %scan3A_1218, %mul3A_1308 : vector<16xf32>
        %add3A_1310 = arith.addi %shift_left3A_1099, %broadcast_in_dim3A_1227 : vector<16xi32>
        %gather3A_1311 = tpu.vector_load_idx %arg26[%add3A_118, %add3A_1310] : memref<320x128xf32, #tpu.memory_space<vmem>>[vector<16xi32>, vector<16xi32>], vector<16xf32>,
        %mul3A_1312 = arith.mulf %gather3A_1311, %gather3A_1237 : vector<16xf32>
        %add3A_1313 = arith.addf %add3A_1309, %mul3A_1312 : vector<16xf32>
        %add3A_1314 = arith.addi %shift_left3A_1099, %broadcast_in_dim3A_1230 : vector<16xi32>
        %gather3A_1315 = tpu.vector_load_idx %arg26[%add3A_118, %add3A_1314] : memref<320x128xf32, #tpu.memory_space<vmem>>[vector<16xi32>, vector<16xi32>], vector<16xf32>,
        %mul3A_1316 = arith.mulf %gather3A_1315, %gather3A_1239 : vector<16xf32>
        %add3A_1317 = arith.addf %add3A_1313, %mul3A_1316 : vector<16xf32>
        %add3A_1318 = arith.addi %shift_left3A_1099, %broadcast_in_dim3A_1233 : vector<16xi32>
        %gather3A_1319 = tpu.vector_load_idx %arg26[%add3A_118, %add3A_1318] : memref<320x128xf32, #tpu.memory_space<vmem>>[vector<16xi32>, vector<16xi32>], vector<16xf32>,
        %mul3A_1320 = arith.mulf %gather3A_1319, %gather3A_1241 : vector<16xf32>
        %add3A_1321 = arith.addf %add3A_1317, %mul3A_1320 : vector<16xf32>
        %add3A_1322 = arith.addi %shift_left3A_1105, %broadcast_in_dim3A_1224 : vector<16xi32>
        %gather3A_1323 = tpu.vector_load_idx %arg26[%add3A_124, %add3A_1322] : memref<320x128xf32, #tpu.memory_space<vmem>>[vector<16xi32>, vector<16xi32>], vector<16xf32>,
        %mul3A_1324 = arith.mulf %gather3A_1323, %gather3A_1235 : vector<16xf32>
        %add3A_1325 = arith.addf %scan3A_1219, %mul3A_1324 : vector<16xf32>
        %add3A_1326 = arith.addi %shift_left3A_1105, %broadcast_in_dim3A_1227 : vector<16xi32>
        %gather3A_1327 = tpu.vector_load_idx %arg26[%add3A_124, %add3A_1326] : memref<320x128xf32, #tpu.memory_space<vmem>>[vector<16xi32>, vector<16xi32>], vector<16xf32>,
        %mul3A_1328 = arith.mulf %gather3A_1327, %gather3A_1237 : vector<16xf32>
        %add3A_1329 = arith.addf %add3A_1325, %mul3A_1328 : vector<16xf32>
        %add3A_1330 = arith.addi %shift_left3A_1105, %broadcast_in_dim3A_1230 : vector<16xi32>
        %gather3A_1331 = tpu.vector_load_idx %arg26[%add3A_124, %add3A_1330] : memref<320x128xf32, #tpu.memory_space<vmem>>[vector<16xi32>, vector<16xi32>], vector<16xf32>,
        %mul3A_1332 = arith.mulf %gather3A_1331, %gather3A_1239 : vector<16xf32>
        %add3A_1333 = arith.addf %add3A_1329, %mul3A_1332 : vector<16xf32>
        %add3A_1334 = arith.addi %shift_left3A_1105, %broadcast_in_dim3A_1233 : vector<16xi32>
        %gather3A_1335 = tpu.vector_load_idx %arg26[%add3A_124, %add3A_1334] : memref<320x128xf32, #tpu.memory_space<vmem>>[vector<16xi32>, vector<16xi32>], vector<16xf32>,
        %mul3A_1336 = arith.mulf %gather3A_1335, %gather3A_1241 : vector<16xf32>
        %add3A_1337 = arith.addf %add3A_1333, %mul3A_1336 : vector<16xf32>
        scf.yield %add3A_1257, %add3A_1273, %add3A_1289, %add3A_1305, %add3A_1321, %add3A_1337 : vector<16xf32>, vector<16xf32>, vector<16xf32>, vector<16xf32>, vector<16xf32>, vector<16xf32>
      }
      %scan3A_1188 = arith.constant 16 : i32
      %swap3A_1189 = arith.constant 15 : i32
      %swap3A_1190 = arith.index_cast %swap3A_1189 : i32 to index
      %swap3A_1191 = arith.index_cast %multiple_of3A_1108 : i32 to index
      %swap3A_1192 = tpu.vector_load %arg27[%swap3A_1190, %swap3A_1191] {strides = array<i32>} : memref<21x512xf32, #tpu.memory_space<vmem>>, vector<16xf32>,
      tpu.vector_store %arg27[%swap3A_1190, %swap3A_1191], %scan3A_1187#0 {strides = array<i32>} : memref<21x512xf32, #tpu.memory_space<vmem>>, vector<16xf32>,
      %swap3A_1193 = arith.constant 16 : i32
      %swap3A_1194 = arith.index_cast %swap3A_1193 : i32 to index
      %swap3A_1195 = arith.index_cast %multiple_of3A_1108 : i32 to index
      %swap3A_1196 = tpu.vector_load %arg27[%swap3A_1194, %swap3A_1195] {strides = array<i32>} : memref<21x512xf32, #tpu.memory_space<vmem>>, vector<16xf32>,
      tpu.vector_store %arg27[%swap3A_1194, %swap3A_1195], %scan3A_1187#1 {strides = array<i32>} : memref<21x512xf32, #tpu.memory_space<vmem>>, vector<16xf32>,
      %swap3A_1197 = arith.constant 17 : i32
      %swap3A_1198 = arith.index_cast %swap3A_1197 : i32 to index
      %swap3A_1199 = arith.index_cast %multiple_of3A_1108 : i32 to index
      %swap3A_1200 = tpu.vector_load %arg27[%swap3A_1198, %swap3A_1199] {strides = array<i32>} : memref<21x512xf32, #tpu.memory_space<vmem>>, vector<16xf32>,
      tpu.vector_store %arg27[%swap3A_1198, %swap3A_1199], %scan3A_1187#2 {strides = array<i32>} : memref<21x512xf32, #tpu.memory_space<vmem>>, vector<16xf32>,
      %swap3A_1201 = arith.constant 18 : i32
      %swap3A_1202 = arith.index_cast %swap3A_1201 : i32 to index
      %swap3A_1203 = arith.index_cast %multiple_of3A_1108 : i32 to index
      %swap3A_1204 = tpu.vector_load %arg27[%swap3A_1202, %swap3A_1203] {strides = array<i32>} : memref<21x512xf32, #tpu.memory_space<vmem>>, vector<16xf32>,
      tpu.vector_store %arg27[%swap3A_1202, %swap3A_1203], %scan3A_1187#3 {strides = array<i32>} : memref<21x512xf32, #tpu.memory_space<vmem>>, vector<16xf32>,
      %swap3A_1205 = arith.constant 19 : i32
      %swap3A_1206 = arith.index_cast %swap3A_1205 : i32 to index
      %swap3A_1207 = arith.index_cast %multiple_of3A_1108 : i32 to index
      %swap3A_1208 = tpu.vector_load %arg27[%swap3A_1206, %swap3A_1207] {strides = array<i32>} : memref<21x512xf32, #tpu.memory_space<vmem>>, vector<16xf32>,
      tpu.vector_store %arg27[%swap3A_1206, %swap3A_1207], %scan3A_1187#4 {strides = array<i32>} : memref<21x512xf32, #tpu.memory_space<vmem>>, vector<16xf32>,
      %swap3A_1209 = arith.constant 20 : i32
      %swap3A_1210 = arith.index_cast %swap3A_1209 : i32 to index
      %swap3A_1211 = arith.index_cast %multiple_of3A_1108 : i32 to index
      %swap3A_1212 = tpu.vector_load %arg27[%swap3A_1210, %swap3A_1211] {strides = array<i32>} : memref<21x512xf32, #tpu.memory_space<vmem>>, vector<16xf32>,
      tpu.vector_store %arg27[%swap3A_1210, %swap3A_1211], %scan3A_1187#5 {strides = array<i32>} : memref<21x512xf32, #tpu.memory_space<vmem>>, vector<16xf32>,
    }
    %scan3A_399 = arith.constant 16 : i32
    "tpu.region"() ({
      %run_scoped3A = tpu.sem_alloc : memref<!tpu.dma_semaphore, #tpu.memory_space<semaphore_mem>>
      %dma_start3A_400 = arith.constant 0 : i32
      %dma_start3A_401 = arith.constant 0 : i32
      %dma_start3A_402 = tpu.memref_slice %arg7[%add3A, %dma_start3A_400, %dma_start3A_401] : memref<32x21x512xf32, #tpu.memory_space<hbm>> -> memref<1x21x512xf32, #tpu.memory_space<hbm>>
      %dma_start3A_403 = tpu.memref_squeeze %dma_start3A_402 : memref<1x21x512xf32, #tpu.memory_space<hbm>> -> memref<21x512xf32, #tpu.memory_space<hbm>>
      %dma_start3A_404 = arith.constant 0 : i32
      %dma_start3A_405 = arith.constant 0 : i32
      %dma_start3A_406 = tpu.memref_slice %arg7[%add3A, %dma_start3A_404, %dma_start3A_405] : memref<32x21x512xf32, #tpu.memory_space<hbm>> -> memref<1x21x512xf32, #tpu.memory_space<hbm>>
      %dma_start3A_407 = tpu.memref_squeeze %dma_start3A_406 : memref<1x21x512xf32, #tpu.memory_space<hbm>> -> memref<21x512xf32, #tpu.memory_space<hbm>>
      tpu.enqueue_dma source(%arg27 : memref<21x512xf32, #tpu.memory_space<vmem>>) target(%dma_start3A_407 : memref<21x512xf32, #tpu.memory_space<hbm>>) target_semaphore(%run_scoped3A : memref<!tpu.dma_semaphore, #tpu.memory_space<semaphore_mem>>)
      %dma_wait3A = arith.constant 0 : i32
      %dma_wait3A_408 = arith.constant 0 : i32
      %dma_wait3A_409 = tpu.memref_slice %arg7[%add3A, %dma_wait3A, %dma_wait3A_408] : memref<32x21x512xf32, #tpu.memory_space<hbm>> -> memref<1x21x512xf32, #tpu.memory_space<hbm>>
      %dma_wait3A_410 = tpu.memref_squeeze %dma_wait3A_409 : memref<1x21x512xf32, #tpu.memory_space<hbm>> -> memref<21x512xf32, #tpu.memory_space<hbm>>
      %dma_wait3A_411 = arith.constant 0 : i32
      %dma_wait3A_412 = arith.constant 0 : i32
      %dma_wait3A_413 = tpu.memref_slice %arg7[%add3A, %dma_wait3A_411, %dma_wait3A_412] : memref<32x21x512xf32, #tpu.memory_space<hbm>> -> memref<1x21x512xf32, #tpu.memory_space<hbm>>
      %dma_wait3A_414 = tpu.memref_squeeze %dma_wait3A_413 : memref<1x21x512xf32, #tpu.memory_space<hbm>> -> memref<21x512xf32, #tpu.memory_space<hbm>>
      tpu.wait_dma2 semaphore(%run_scoped3A : memref<!tpu.dma_semaphore, #tpu.memory_space<semaphore_mem>>) src(%arg27 : memref<21x512xf32, #tpu.memory_space<vmem>>) dst(%dma_wait3A_414 : memref<21x512xf32, #tpu.memory_space<hbm>>)
      tpu.yield
    }) : () -> ()
    return
  }
}

</mosaic_0001>

<sc_bundles>
// kernel: _sc_dots.3.cloned.1.call-start
scs
__scs_entry_jumppad:
0x0: {  	(pc) =	sbr.rel $0x88, $3  }
0x1: {  	(tag) =	ssettag $0x0;
	lr =	simm.s32 $0x1  }
0x2: {  	[smem:$0x3F9C] =	sst lr;
	_ =	strace $0xD0000000  }
0x3: {  	_ = 	snop  }
0x4: {  	_ = 	snop  }
0x5: {  	_ = 	snop  }
0x6: {  	_ = 	snop  }
0x7: {  	_ = 	snop  }
__scs_overlays_trampoline_lowered:
0x8: {  	[smem:$0x3FAB] =	sst s0  }
0x9: {  	[smem:$0x3FAC] =	sst s1  }
0xa: {  	[smem:$0x3FAD] =	sst s2  }
0xb: {  	[smem:$0x3FAE] =	sst s3  }
0xc: {  	[smem:$0x3FAF] =	sst s4  }
0xd: {  	[smem:$0x3FB0] =	sst s5  }
0xe: {  	[smem:$0x3FB1] =	sst s6  }
0xf: {  	[smem:$0x3FB2] =	sst s7  }
0x10: {  	[smem:$0x3FB3] =	sst s8  }
0x11: {  	[smem:$0x3FB4] =	sst s9;
	s0 =	simm.s32 @!p0 $0x0  }
0x12: {  	s1 =	sld [smem:$0x3F9A];
	s0 =	simm.s32 @p0 $0x1  }
0x13: {  	[smem:$0x3FB5] =	sst s0;
	s0 =	simm.s32 @!p1 $0x0  }
0x14: {  	s2 =	sld [smem:$0x3F99];
	s0 =	simm.s32 @p1 $0x1  }
0x15: {  	[smem:$0x3FB6] =	sst s0;
	s0 =	simm.s32 @!p2 $0x0  }
0x16: {  	s3 =	sld [smem:$0x3FDB];
	s0 =	simm.s32 @p2 $0x1  }
0x17: {  	s4 =	simm.s32 $0x1BF5;
	[smem:$0x3FB8] =	sst s0  }
0x18: {  	s0 =	sld [smem:$0x3F9B];
	_ =	swait.ge [sflag:s4], $0x0  }
0x19: {  	s7 =	sld [smem:$0x3F9C]  }
0x1a: {  	s8 =	sadd.s32 $0xFFFFE003, lr  }
0x1b: {  	s9 =	sadd.s32 $0xFFFFFEF7, lr;
	s5 =	simm.s32 $0xFFFFFFFF;
	p2 =	slt.u32 s8, $0xFFFFF086  }
0x1c: {  	p1 =	slt.u32 s9, $0xF7A;
	s5 =	simm.s32 @!p2 $0x0  }
0x1d: {  	s5 =	simm.s32 @p1 $0x1;
	p0 =	seq.s32 s7, s2  }
0x1e: {  	s7 =	smul.u32 @!p0 $0xF7A, s2;
	p2 =	seq.s32 @!p0 s5, $0x0  }
0x1f: {  	s9 =	smul.u32 $0xF7A, s1;
	s8 =	simm.s32 @!p0 $0x1BF5;
	p2 =	por !p2, p0  }
0x20: {  	[sflag:s8] =	ssyncset.s32 @!p0 $0xFFFFF086;
	s6 =	sadd.s32 @!p0 s3, s7;
	s7 =	simm.s32 @!p0 $0x108  }
0x21: {  	s3 =	sadd.s32 s3, s9;
	s6 =	sadd.s32 @!p0 $0x88, s6;
	s7 =	simm.s32 @p2 $0x1082  }
0x22: {  	[simem:s7], [sflag:s8] =	dma.local @!p0 [hbm:s6], $0xF7A  }
0x23: {  	s9 =	sor.u32 $0xD0000000, s2;
	s6 =	simm.s32 $0x108;
	_ =	swait.ge @!p0 [sflag:s8], $0x0  }
0x24: {  	s3 =	sadd.s32 $0x88, s3;
	s6 =	simm.s32 @!p1 $0x1082;
	[sflag:s4] =	ssyncset.s32 $0xFFFFF086  }
0x25: {  	[simem:s6], [sflag:s4] =	dma.local [hbm:s3], $0xF7A  }
0x26: {  	[smem:$0x3F9C] =	sst s1;
	(tag) =	ssettag s2;
	_ =	strace s9  }
0x27: {  	s1 =	sld [smem:$0x3FAC]  }
0x28: {  	s2 =	sld [smem:$0x3FAD]  }
0x29: {  	s4 =	sld [smem:$0x3FAF]  }
0x2a: {  	p0 =	seq.s32 s5, $0x0;
	s5 =	sld [smem:$0x3FB0]  }
0x2b: {  	s6 =	sld [smem:$0x3FB1]  }
0x2c: {  	s7 =	sld [smem:$0x3FB2]  }
0x2d: {  	s3 =	simm.s32 $0x108;
	s8 =	sld [smem:$0x3FB3]  }
0x2e: {  	s3 =	simm.s32 @!p0 $0x1082;
	s9 =	sld [smem:$0x3FB4]  }
0x2f: {  	lr =	sadd.s32 s0, s3;
	s0 =	sld [smem:$0x3FAB]  }
0x30: {  	s3 =	sld [smem:$0x3FAE]  }
0x31: {  	[smem:$0x3FB7] =	sst s10  }
0x32: {  	s10 =	sld [smem:$0x3FB5];
	_ =	sdelay $0x3  }
0x33: {  	p0 =	seq.s32 s10, $0x1;
	s10 =	sld [smem:$0x3FB7];
	_ =	sdelay $0x3  }
0x34: {  	[smem:$0x3FB7] =	sst s10  }
0x35: {  	s10 =	sld [smem:$0x3FB6];
	_ =	sdelay $0x3  }
0x36: {  	p1 =	seq.s32 s10, $0x1;
	s10 =	sld [smem:$0x3FB7];
	_ =	sdelay $0x3  }
0x37: {  	[smem:$0x3FB7] =	sst s10  }
0x38: {  	s10 =	sld [smem:$0x3FB8]  }
0x39: {  	_ = 	snop;
	(pc) =	sbr.ind lr, $3  }
0x3a: {  	_ = 	snop  }
0x3b: {  	_ = 	snop  }
0x3c: {  	p2 =	seq.s32 s10, $0x1;
	s10 =	sld [smem:$0x3FB7]  }
0x3d: {  	_ =	shalt  }
0x3e: {  	_ =	shalt  }
0x3f: {  	_ =	shalt  }
0x40: {  	_ =	shalt  }
0x41: {  	_ =	shalt  }
0x42: {  	_ =	shalt  }
0x43: {  	_ =	shalt  }
0x44: {  	_ =	shalt  }
0x45: {  	_ =	shalt  }
0x46: {  	_ =	shalt  }
0x47: {  	_ =	shalt  }
0x48: {  	_ =	shalt  }
0x49: {  	_ =	shalt  }
0x4a: {  	_ =	shalt  }
0x4b: {  	_ =	shalt  }
0x4c: {  	_ =	shalt  }
0x4d: {  	_ =	shalt  }
0x4e: {  	_ =	shalt  }
0x4f: {  	_ =	shalt  }
0x50: {  	_ =	shalt  }
0x51: {  	_ =	shalt  }
0x52: {  	_ =	shalt  }
0x53: {  	_ =	shalt  }
0x54: {  	_ =	shalt  }
0x55: {  	_ =	shalt  }
0x56: {  	_ =	shalt  }
0x57: {  	_ =	shalt  }
0x58: {  	_ =	shalt  }
0x59: {  	_ =	shalt  }
0x5a: {  	_ =	shalt  }
0x5b: {  	_ =	shalt  }
0x5c: {  	_ =	shalt  }
0x5d: {  	_ =	shalt  }
0x5e: {  	_ =	shalt  }
0x5f: {  	_ =	shalt  }
0x60: {  	_ =	shalt  }
0x61: {  	_ =	shalt  }
0x62: {  	_ =	shalt  }
0x63: {  	_ =	shalt  }
0x64: {  	_ =	shalt  }
0x65: {  	_ =	shalt  }
0x66: {  	_ =	shalt  }
0x67: {  	_ =	shalt  }
0x68: {  	_ =	shalt  }
0x69: {  	_ =	shalt  }
0x6a: {  	_ =	shalt  }
0x6b: {  	_ =	shalt  }
0x6c: {  	_ =	shalt  }
0x6d: {  	_ =	shalt  }
0x6e: {  	_ =	shalt  }
0x6f: {  	_ =	shalt  }
0x70: {  	_ =	shalt  }
0x71: {  	_ =	shalt  }
0x72: {  	_ =	shalt  }
0x73: {  	_ =	shalt  }
0x74: {  	_ =	shalt  }
0x75: {  	_ =	shalt  }
0x76: {  	_ =	shalt  }
0x77: {  	_ =	shalt  }
0x78: {  	_ =	shalt  }
0x79: {  	_ =	shalt  }
0x7a: {  	_ =	shalt  }
0x7b: {  	_ =	shalt  }
0x7c: {  	_ =	shalt  }
0x7d: {  	_ =	shalt  }
0x7e: {  	_ =	shalt  }
0x7f: {  	_ =	shalt  }
0x80: {  	_ =	shalt  }
0x81: {  	_ =	shalt  }
0x82: {  	_ =	shalt  }
0x83: {  	_ =	shalt  }
0x84: {  	_ =	shalt  }
0x85: {  	_ =	shalt  }
0x86: {  	_ =	shalt  }
0x87: {  	_ =	shalt  }
.Lfunc_end0:
.L_simem_size_0:
called_computation_lowered:
.L_overlay_start_0:
0x88: {  	s2 =	sld [smem:$0x3FD9]  }
0x89: {  	s3 =	sld [smem:$0x3FFE];
	_ =	sdelay $0x1  }
0x8a: {  	s1 =	srdreg.scid  }
0x8b: {  	s0 =	sand.u32 $0x1, s1  }
0x8c: {  	s17 =	sshll.u32 s0, $0xA;
	s2 =	sadd.s32 s3, s2  }
0x8d: {  	s2 =	sadd.s32 s2, s17  }
0x8e: {  	[smem:$0x3FC3] =	sst s2  }
0x8f: {  	_ = 	snop  }
0x90: {  	s2 =	sld [smem:$0x3FC9]  }
0x91: {  	s18 =	sld [smem:$0x3FC8]  }
0x92: {  	s4 =	sld [smem:$0x3FC7]  }
0x93: {  	s5 =	sld [smem:$0x3FC6]  }
0x94: {  	s6 =	sld [smem:$0x3FC5];
	(tm) =	ssettm $0x1  }
0x95: {  	s7 =	sld [smem:$0x3FFB];
	_ =	sdelay $0x3  }
0x96: {  	_ =	strace s7  }
0x97: {  	s7 =	sld [smem:$0x3FFC];
	_ =	sdelay $0x3  }
0x98: {  	_ =	strace s7  }
0x99: {  	s7 =	sld [smem:$0x3FFD];
	_ =	sdelay $0x3  }
0x9a: {  	_ =	strace s7  }
0x9b: {  	_ =	strace $0x8FFFFFFF  }
0x9c: {  	s19 =	sld [smem:$0x3FDB];
	_ =	sdelay $0x1  }
0x9d: {  	s8 =	simm.s32 $_scs_section_size  }
0x9e: {  	s9 =	simm.s32 $_size__tile_overlayer_lowered;
	s10 =	simm.s32 $_tile_overlayer_lowered  }
0x9f: {  	s22 =	simm.s32 $0x1BFF;
	s21 =	sshll.u32 s10, $0x1;
	s7 =	sadd.s32 s8, s19  }
0xa0: {  	s11 =	simm.s32 $0x0;
	s20 =	sshll.u32 s9, $0x1;
	s9 =	sadd.s32 s21, s7  }
0xa1: {  	[timem:s11], [sflag:s22] =	dma.local [hbm:s9], s20  }
0xa2: {  	_ =	swait.ge [sflag:s22], s20  }
0xa3: {  	s8 =	ssub.s32 $0x0, s20;
	[sflag:s22] =	ssyncset.done $0x0  }
0xa4: {  	[sflag:s22] =	ssyncadd.s32 s8;
	_ =	sdelay $0x1  }
0xa5: {  	s23 =	simm.s32 $0x1B8B  }
0xa6: {  	_ =	swait.ge [sflag:s23], $0x1  }
0xa7: {  	[sflag:s23] =	ssyncset.done $0x0  }
0xa8: {  	s25 =	simm.s32 $0x1B8E;
	s24 =	sld [smem:$0x3FFE];
	[sflag:s23] =	ssyncadd.s32 $0xFFFFFFFF  }
0xa9: {  	s26 =	simm.s32 $execute0_lowered;
	[smem:$0x3FD2] =	sst s25  }
0xaa: {  	s9 =	sshll.u32 s26, $0x1;
	_ =	strace $0x80000046;
	[dreg:$0x1] =	wrdreg $0xFFFFFFFF  }
0xab: {  	s28 =	simm.s32 $_size_execute0_lowered;
	s7 =	sadd.s32 s7, s9;
	[dreg:$0x0] =	wrdreg $0x0  }
0xac: {  	s9 =	sshll.u32 s28, $0x1;
	[dreg:$0x2] =	wrdreg s7  }
0xad: {  	[dreg:$0x3] =	wrdreg s9  }
0xae: {  	[dreg:$0x4] =	wrdreg $0xC0  }
0xaf: {  	_ =	task [dreg:s11], $0x5FFFF  }
0xb0: {  	[dreg:$0x1] =	wrdreg $0xFFFFFFFF  }
0xb1: {  	[dreg:$0x0] =	wrdreg $0x60  }
0xb2: {  	[dreg:$0x2] =	wrdreg s2  }
0xb3: {  	[dreg:$0x3] =	wrdreg s18  }
0xb4: {  	[dreg:$0x4] =	wrdreg s4  }
0xb5: {  	[dreg:$0x5] =	wrdreg s5  }
0xb6: {  	[dreg:$0x6] =	wrdreg s6  }
0xb7: {  	[dreg:$0x7] =	wrdreg s24  }
0xb8: {  	[dreg:$0x8] =	wrdreg $0x9  }
0xb9: {  	_ =	task.clear_ibuf [dreg:s11], $0x9FFFF;
	_ =	strace $0x90000046  }
0xba: {  	s29 =	simm.s32 $0x9;
	_ =	strace $0x80000048  }
0xbb: {  	_ =	swait.ge [sflag:s29], $0x1  }
0xbc: {  	[sflag:s29] =	ssyncadd.s32 $0xFFFFFFFF  }
0xbd: {  	_ =	strace $0x90000048  }
0xbe: {  	_ =	sfence  }
0xbf: {  	s30 =	sld [smem:$0x0];
	_ =	sdelay $0x2  }
0xc0: {  	s31 =	sshll.u32 s1, $0xD;
	s1 =	sshrl.u32 s1, $0x2  }
0xc1: {  	s3 =	sand.u32 $0x4000, s31;
	s1 =	sadd.s32 s1, s30  }
0xc2: {  	s0 =	sor.u32 s3, s0;
	s1 =	sshll.u32 s1, $0x11  }
0xc3: {  	s0 =	sor.u32 s1, s0  }
0xc4: {  	s0 =	sadd.s32 $0x8F2B, s0  }
0xc5: {  	[sflag:s0] =	ssyncadd.remote.s32 $0x1  }
0xc6: {  	_ =	sfence.sel $0xFFFF  }
0xc7: {  	[dreg:$0x0] =	wrdreg $0xFFFFFFFF;
	(pc) =	sbr.abs _section_cstart, $3  }
0xc8: {  	[dreg:$0x1] =	wrdreg $0xFFFFFFFF  }
0xc9: {  	_ =	task.clear_ibuf [dreg:s11], $0x2FFFF;
	_ =	strace $0x9FFFFFFF  }
0xca: {  	(tm) =	ssettm $0x7FFFFFFF  }
0xcb: {  	_ =	shalt  }
tec
execute0_lowered:
.L_overlay_start_1:
0x0: {  	(tag) =	ssettag $0x1  }
0x1: {  	v0 =	vimm.s32 $0x5C483420;
	v1 =	vimm.s32 $0x2C180470  }
0x2: {  	v2 =	vimm.s32 $0xC786450;
	v3 =	vimm.s32 $0x3C281400;
	v8 =	vlaneseq.u32  }
0x3: {  	vm0 =	vcmask $0x1F10;
	v47 =	vimm.s32 $0x5D493521;
	v49 =	vimm.s32 $0x2D190571  }
0x4: {  	v4 =	vimm.s32 $0xD796551;
	v5 =	vimm.s32 $0x3D291501;
	v50 =	vimm.s32 $0x5E4A3622  }
0x5: {  	v53 =	vimm.s32 $0x2E1A0672;
	v54 =	vimm.s32 $0xE7A6652;
	v55 =	vimm.s32 $0x3E2A1602  }
0x6: {  	v58 =	vimm.s32 $0x5F4B3723;
	v60 =	vimm.s32 $0x2F1B0773;
	v61 =	vimm.s32 $0xF7B6753  }
0x7: {  	v62 =	vimm.s32 $0x3F2B1703;
	v13 =	vimm.s32 $0x604C3824;
	v15 =	vimm.s32 $0x301C0874  }
0x8: {  	v16 =	vimm.s32 $0x402C1804;
	v17 =	vimm.s32 $0x107C6854;
	v18 =	vimm.s32 $0x614D3925  }
0x9: {  	v20 =	vimm.s32 $0x311D0975;
	v21 =	vimm.s32 $0x412D1905;
	v22 =	vimm.s32 $0x117D6955  }
0xa: {  	v24 =	vimm.s32 $0x624E3A26;
	v26 =	vimm.s32 $0x321E0A76;
	v27 =	vimm.s32 $0x422E1A06  }
0xb: {  	v28 =	vimm.s32 $0x127E6A56;
	v30 =	vimm.s32 $0x634F3B27;
	v32 =	vimm.s32 $0x331F0B77  }
0xc: {  	v33 =	vimm.s32 $0x432F1B07;
	v34 =	vimm.s32 $0x137F6B57;
	v36 =	vimm.s32 $0x64503C28  }
0xd: {  	v38 =	vimm.s32 $0x34200C78;
	v39 =	vimm.s32 $0x44301C08;
	v40 =	vimm.s32 $0x14006C58  }
0xe: {  	v42 =	vimm.s32 $0x65513D29;
	v44 =	vimm.s32 $0x35210D79;
	v45 =	vimm.s32 $0x45311D09  }
0xf: {  	v46 =	vimm.s32 $0x15016D59;
	v11 =	vimm.s32 $0x3824107C;
	v0 =	vunpack.c.0.s8.s32 v0  }
0x10: {  	v1 =	vunpack.c.0.s8.s32 v1;
	v2 =	vunpack.c.0.s8.s32 v2;
	v6 =	vunpack.c.0.s8.s32 v3  }
0x11: {  	v3 =	vunpack.c.0.s8.s32 v47;
	v7 =	vunpack.c.0.s8.s32 v49;
	v4 =	vunpack.c.0.s8.s32 v4  }
0x12: {  	v12 =	vmul.u32 $0x14, v8;
	v56 =	vunpack.c.0.s8.s32 v53;
	v9 =	vunpack.c.0.s8.s32 v60  }
0x13: {  	v8 =	vunpack.c.0.s8.s32 v16;
	v60 =	vimm.s32 $0x17036F5B;
	v16 =	vimm.s32 $0x1804705C  }
0x14: {  	v0 =	vsel vm0, v1, v0;
	v48 =	vsel vm0, v2, v6;
	v2 =	vunpack.c.0.s8.s32 v5  }
0x15: {  	v51 =	vsel vm0, v7, v3;
	v5 =	vunpack.c.0.s8.s32 v54;
	v57 =	vor.u32 $0x1, v12  }
0x16: {  	v7 =	vunpack.c.0.s8.s32 v61;
	v63 =	vor.u32 $0x2, v12;
	v10 =	vor.u32 $0x3, v12  }
0x17: {  	v23 =	vadd.s32 $0x4, v12;
	v29 =	vadd.s32 $0x5, v12;
	v35 =	vadd.s32 $0x6, v12;
	[tilespmem:$0x1FDA0] =	vst v57  }
0x18: {  	v41 =	vadd.s32 $0x7, v12;
	v47 =	vadd.s32 $0x8, v12;
	v53 =	vadd.s32 $0x9, v12;
	[tilespmem:$0x1FDC0] =	vst v63  }
0x19: {  	v54 =	vadd.s32 $0xA, v12;
	v61 =	vimm.s32 $0x6854402C;
	v0 =	vcombine.low v48, v0;
	[tilespmem:$0x1FE00] =	vst v23  }
0x1a: {  	[tilespmem:$0x1FE40] =	vst v35;
	v48 =	vimm.s32 $0x66523E2A;
	v57 =	vimm.s32 $0x67533F2B;
	v63 =	vunpack.c.0.s8.s32 v11  }
0x1b: {  	[tilespmem:$0x1FE80] =	vst v47;
	v23 =	vadd.s32 $0xC, v12;
	v35 =	vimm.s32 $0x1B07735F;
	v47 =	vimm.s32 $0x1D097561  }
0x1c: {  	[tilespmem:$0x1FEC0] =	vst v54;
	v54 =	vimm.s32 $0x4E3A2612;
	v52 =	vsel vm0, v4, v2;
	v4 =	vunpack.c.0.s8.s32 v55  }
0x1d: {  	v11 =	vunpack.c.0.s8.s32 v35;
	[tilespmem:$0x1FD90] =	vst v0;
	v0 =	vunpack.c.0.s8.s32 v50;
	v1 =	vcombine.low v52, v51  }
0x1e: {  	v50 =	vimm.s32 $0x36220E7A;
	v51 =	vimm.s32 $0x46321E0A;
	v52 =	vimm.s32 $0x16026E5A  }
0x1f: {  	v5 =	vsel vm0, v5, v4;
	[tilespmem:$0x1FDB0] =	vst v1;
	v59 =	vsel vm0, v56, v0;
	v1 =	vunpack.c.0.s8.s32 v58  }
0x20: {  	v0 =	vunpack.c.0.s8.s32 v62;
	v58 =	vimm.s32 $0x37230F7B;
	v62 =	vunpack.c.0.s8.s32 v61  }
0x21: {  	v61 =	vadd.s32 $0x11, v12;
	v3 =	vcombine.low v5, v59;
	v5 =	vunpack.c.0.s8.s32 v57  }
0x22: {  	v59 =	vimm.s32 $0x47331F0B;
	v57 =	vimm.s32 $0x4F3B2713;
	v1 =	vsel vm0, v9, v1  }
0x23: {  	v14 =	vsel vm0, v7, v0;
	v7 =	vunpack.c.0.s8.s32 v15;
	v9 =	vunpack.c.0.s8.s32 v17  }
0x24: {  	v15 =	vimm.s32 $0x4834200C;
	v17 =	vimm.s32 $0x6955412D;
	[tilespmem:$0x1FDD0] =	vst v3;
	v3 =	vunpack.c.0.s8.s32 v13  }
0x25: {  	v1 =	vcombine.low v14, v1;
	v13 =	vadd.s32 $0xB, v12;
	v19 =	vsel vm0, v9, v8  }
0x26: {  	v8 =	vunpack.c.0.s8.s32 v21;
	v9 =	vunpack.c.0.s8.s32 v22;
	v3 =	vsel vm0, v7, v3  }
0x27: {  	[tilespmem:$0x1FDF0] =	vst v1;
	v1 =	vunpack.c.0.s8.s32 v18;
	v7 =	vunpack.c.0.s8.s32 v20;
	v18 =	vimm.s32 $0x3925117D  }
0x28: {  	v20 =	vimm.s32 $0x1905715D;
	v3 =	vcombine.low v19, v3;
	v25 =	vsel vm0, v9, v8  }
0x29: {  	v8 =	vunpack.c.0.s8.s32 v27;
	v9 =	vunpack.c.0.s8.s32 v28;
	v19 =	vimm.s32 $0x4935210D  }
0x2a: {  	v22 =	vunpack.c.0.s8.s32 v20;
	v27 =	vimm.s32 $0x3A26127E;
	v1 =	vsel vm0, v7, v1  }
0x2b: {  	[tilespmem:$0x1FE20] =	vst v29;
	v7 =	vunpack.c.0.s8.s32 v26;
	v21 =	vunpack.c.0.s8.s32 v19;
	v26 =	vimm.s32 $0x6A56422E  }
0x2c: {  	v29 =	vunpack.c.0.s8.s32 v27;
	[tilespmem:$0x1FE10] =	vst v3;
	v3 =	vunpack.c.0.s8.s32 v24;
	v1 =	vcombine.low v25, v1  }
0x2d: {  	v31 =	vsel vm0, v9, v8;
	v8 =	vunpack.c.0.s8.s32 v33;
	v9 =	vunpack.c.0.s8.s32 v34  }
0x2e: {  	v28 =	vunpack.c.0.s8.s32 v26;
	v33 =	vimm.s32 $0x3B27137F;
	v3 =	vsel vm0, v7, v3  }
0x2f: {  	[tilespmem:$0x1FE30] =	vst v1;
	v1 =	vunpack.c.0.s8.s32 v30;
	v7 =	vunpack.c.0.s8.s32 v32;
	v3 =	vcombine.low v31, v3  }
0x30: {  	v37 =	vsel vm0, v9, v8;
	v8 =	vunpack.c.0.s8.s32 v39;
	v9 =	vunpack.c.0.s8.s32 v40  }
0x31: {  	v1 =	vsel vm0, v7, v1;
	v7 =	vunpack.c.0.s8.s32 v38;
	[tilespmem:$0x1FE50] =	vst v3;
	v3 =	vunpack.c.0.s8.s32 v36  }
0x32: {  	v34 =	vimm.s32 $0x4B37230F;
	v43 =	vsel vm0, v9, v8;
	v1 =	vcombine.low v37, v1  }
0x33: {  	v8 =	vunpack.c.0.s8.s32 v45;
	v9 =	vunpack.c.0.s8.s32 v46;
	v3 =	vsel vm0, v7, v3  }
0x34: {  	[tilespmem:$0x1FE70] =	vst v1;
	v1 =	vunpack.c.0.s8.s32 v42;
	v7 =	vunpack.c.0.s8.s32 v44;
	v3 =	vcombine.low v43, v3  }
0x35: {  	v49 =	vsel vm0, v9, v8;
	v8 =	vunpack.c.0.s8.s32 v51;
	v9 =	vunpack.c.0.s8.s32 v52  }
0x36: {  	v1 =	vsel vm0, v7, v1;
	v7 =	vunpack.c.0.s8.s32 v50;
	[tilespmem:$0x1FE90] =	vst v3;
	v3 =	vunpack.c.0.s8.s32 v48  }
0x37: {  	v25 =	vsel vm0, v22, v21;
	v56 =	vsel vm0, v9, v8;
	v8 =	vunpack.c.0.s8.s32 v59  }
0x38: {  	v9 =	vunpack.c.0.s8.s32 v60;
	v55 =	vsel vm0, v7, v3;
	v7 =	vunpack.c.0.s8.s32 v58  }
0x39: {  	[tilespmem:$0x1FDE0] =	vst v10;
	v10 =	vunpack.c.0.s8.s32 v34;
	v30 =	vimm.s32 $0x4A36220E;
	v32 =	vimm.s32 $0x6B57432F  }
0x3a: {  	v1 =	vcombine.low v49, v1;
	v14 =	vsel vm0, v9, v8;
	v5 =	vsel vm0, v7, v5  }
0x3b: {  	v40 =	vadd.s32 $0xD, v12;
	v31 =	vimm.s32 $0x1A06725E;
	v5 =	vcombine.low v14, v5  }
0x3c: {  	v39 =	vsel vm0, v11, v10;
	v45 =	vimm.s32 $0x6D594531;
	v46 =	vimm.s32 $0x4D392511;
	[tilespmem:$0x1FEB0] =	vst v1  }
0x3d: {  	v3 =	vunpack.c.0.s8.s32 v15;
	v1 =	vcombine.low v56, v55;
	[tilespmem:$0x1FEF0] =	vst v5;
	v5 =	vunpack.c.0.s8.s32 v16  }
0x3e: {  	[tilespmem:$0x1FE60] =	vst v41;
	v37 =	vimm.s32 $0x6C584430;
	v44 =	vimm.s32 $0x1C087460;
	v8 =	vunpack.c.0.s8.s32 v18  }
0x3f: {  	v7 =	vunpack.c.0.s8.s32 v17;
	[tilespmem:$0x1FED0] =	vst v1;
	v1 =	vsel vm0, v63, v62;
	v3 =	vsel vm0, v5, v3  }
0x40: {  	[tilespmem:$0x1FEA0] =	vst v53;
	v43 =	vimm.s32 $0x4C382410;
	v59 =	vadd.s32 $0xF, v12;
	v1 =	vcombine.low v3, v1  }
0x41: {  	s0 =	rddreg [dreg:$0x0];
	[tilespmem:$0x1FF00] =	vst v23;
	v9 =	vunpack.c.0.s8.s32 v33;
	v24 =	vsel vm0, v8, v7;
	v8 =	vunpack.c.0.s8.s32 v32  }
0x42: {  	s1 =	rddreg [dreg:$0x1];
	v60 =	vadd.s32 $0x10, v12;
	v48 =	vimm.s32 $0x6E5A4632;
	[tilespmem:$0x1FF10] =	vst v1;
	v1 =	vcombine.low v25, v24  }
0x43: {  	s2 =	rddreg [dreg:$0x2];
	s9 =	simm.s32 $0x0;
	[tilespmem:$0x1FEE0] =	vst v13;
	v7 =	vunpack.c.0.s8.s32 v31;
	v38 =	vsel vm0, v9, v8;
	v5 =	vunpack.c.0.s8.s32 v30  }
0x44: {  	[smem:$0x7FF] =	sst s9;
	v49 =	vadd.s32 $0xE, v12;
	v50 =	vunpack.c.0.s8.s32 v48;
	v41 =	vcombine.low v39, v38;
	[tilespmem:$0x1FF20] =	vst v1  }
0x45: {  	s5 =	rddreg [dreg:$0x5];
	v58 =	vimm.s32 $0x1F0B7763;
	v36 =	vsel vm0, v7, v5;
	v5 =	vunpack.c.0.s8.s32 v37;
	_ =	strace $0x80000047;
	[tilespmem:$0x1FF30] =	vst v40  }
0x46: {  	v53 =	vsel vm0, v4, v50;
	v55 =	vimm.s32 $0x1E0A7662;
	v56 =	vimm.s32 $0x6F5B4733;
	[tilespmem:$0x1FF50] =	vst v41  }
0x47: {  	s3 =	srdreg.scid;
	s4 =	stileid.u32;
	s12 =	simm.s32 $0x400;
	v4 =	vunpack.c.0.s8.s32 v56;
	v3 =	vunpack.c.0.s8.s32 v43;
	v42 =	vsel vm0, v6, v5;
	[tilespmem:$0x1FF60] =	vst v49  }
0x48: {  	s15 =	simm.s32 $0x3100;
	s17 =	simm.s32 $0x3900;
	s19 =	simm.s32 $0x4100;
	v5 =	vunpack.c.0.s8.s32 v44;
	v6 =	vunpack.c.0.s8.s32 v45;
	v1 =	vsel vm0, v29, v28;
	[tilespmem:$0x1FF90] =	vst v59  }
0x49: {  	s28 =	simm.s32 $0xE100;
	s3 =	sand.u32 $0x1, s3;
	s4 =	sshll.u32 s4, $0x1;
	v63 =	vadd.s32 $0x12, v12;
	v8 =	vunpack.c.0.s8.s32 v47;
	v1 =	vcombine.low v36, v1;
	[tilespmem:$0x1FFA0] =	vst v60  }
0x4a: {  	s30 =	simm.s32 $0xE900;
	s8 =	simm.s32 $0x2;
	s4 =	sor.u32 s3, s4;
	v7 =	vunpack.c.0.s8.s32 v46;
	v3 =	vsel vm0, v5, v3;
	v51 =	vsel vm0, v2, v6;
	[tilespmem:$0x1FFB0] =	vst v61  }
0x4b: {  	s3 =	ssub.s32 $0x2, s3;
	s6 =	smul.u32 $0x600, s4;
	s7 =	sshll.u32 s4, $0x6;
	v5 =	vunpack.c.0.s8.s32 v57;
	v6 =	vunpack.c.0.s8.s32 v58;
	[tilespmem:$0x1FF40] =	vst v1;
	v1 =	vcombine.low v3, v42  }
0x4c: {  	s24 =	sshrl.u32 s3, $0x1;
	s4 =	smul.u32 $0x500, s4;
	s0 =	sadd.s32 s0, s7;
	v52 =	vsel vm0, v8, v7;
	v2 =	vunpack.c.0.s8.s32 v54;
	[tilespmem:$0x1FFC0] =	vst v12;
	v3 =	vunpack.c.0.s8.s32 v55  }
0x4d: {  	s3 =	ssub.s32 s3, s24;
	s25 =	sadd.s32 s1, s7;
	v0 =	vsel vm0, v0, v4;
	[dreg:$0x7] =	wrdreg s0;
	v62 =	vsel vm0, v6, v5;
	[tilespmem:$0x1FF70] =	vst v1;
	v1 =	vcombine.low v52, v51  }
0x4e: {  	s5 =	sadd.s32 s6, s5;
	s26 =	sadd.s32 s2, s4;
	[dreg:$0x8] =	wrdreg s25;
	[tilespmem:$0x1FFD0] =	vst v63;
	v0 =	vcombine.low v62, v0;
	v2 =	vsel vm0, v3, v2  }
0x4f: {  	s1 =	simm.s32 $0x3;
	s29 =	sadd.s32 $0x400, s5;
	[dreg:$0x9] =	wrdreg s26;
	[tilespmem:$0x1FF80] =	vst v1;
	v1 =	vcombine.low v2, v53  }
0x50: {  	s7 =	simm.s32 $0x1;
	s31 =	smax.u32 s3, $0x1;
	[dreg:$0xa] =	wrdreg s29;
	[tilespmem:$0x1FFF0] =	vst v0  }
0x51: {  	s3 =	simm.s32 $0xF100;
	s2 =	simm.s32 $0x0;
	[dreg:$0xb] =	wrdreg s31;
	[tilespmem:$0x1FFE0] =	vst v1  }
.LBB2_1:
0x52: {  	[dreg:$0xc] =	wrdreg s2  }
0x53: {  	s0 =	rddreg [dreg:$0x7]  }
0x54: {  	[tilespmem:s9], [sflag:$0x3] =	stream.linear.gather [hbm4b:s0+s9], $0x200, $0x38;
	[tilespmem:$0x1C100] =	vst v63  }
0x55: {  	_ =	swait.ge [sflag:s1], $0x200  }
0x56: {  	[sflag:s1] =	ssyncset.done $0x0  }
0x57: {  	s13 =	simm.s32 $0x200;
	s11 =	rddreg [dreg:$0x8];
	[sflag:s1] =	ssyncadd.s32 $0xFFFFFE00  }
0x58: {  	[tilespmem:s13], [sflag:$0x3] =	stream.linear.gather [hbm4b:s11+s9], $0x200, $0x38;
	[tilespmem:$0x1C100] =	vst v63  }
0x59: {  	_ =	swait.ge [sflag:s1], $0x200  }
0x5a: {  	[sflag:s1] =	ssyncset.done $0x0  }
0x5b: {  	s14 =	rddreg [dreg:$0x9];
	[sflag:s1] =	ssyncadd.s32 $0xFFFFFE00  }
0x5c: {  	[tilespmem:s12], [sflag:$0x3] =	stream.linear.gather [hbm4b:s14+s9], $0x2800, $0x38;
	[tilespmem:$0x1C100] =	vst v63  }
0x5d: {  	_ =	swait.ge [sflag:s1], $0x2800  }
0x5e: {  	[sflag:s1] =	ssyncset.done $0x0  }
0x5f: {  	[sflag:s1] =	ssyncadd.s32 $0xFFFFD800  }
0x60: {  	v0 =	vld [tilespmem:$0x0]  }
0x61: {  	v1 =	vld [tilespmem:$0x200]  }
0x62: {  	v2 =	vld [tilespmem:$0x400]  }
0x63: {  	v3 =	vld [tilespmem:$0x410]  }
0x64: {  	v5 =	vld [tilespmem:$0x420]  }
0x65: {  	v7 =	vld [tilespmem:$0x430]  }
0x66: {  	v49 =	vld [tilespmem:$0x440]  }
0x67: {  	v9 =	vld [tilespmem:$0x450]  }
0x68: {  	v10 =	vld [tilespmem:$0x460]  }
0x69: {  	v54 =	vld [tilespmem:$0x470];
	v4 =	vshra.s32 v0, $0x1;
	v6 =	vshra.s32 v1, $0x1;
	v0 =	vand.u32 $0xFFF, v0  }
0x6a: {  	v12 =	vld [tilespmem:$0x480];
	v1 =	vand.u32 $0xFFF, v1;
	v48 =	vshra.s32 v2, $0x1;
	v2 =	vand.u32 $0xFFF, v2  }
0x6b: {  	v59 =	vld [tilespmem:$0x490];
	v8 =	vshra.s32 v3, $0x1;
	v51 =	vshra.s32 v5, $0x1;
	v3 =	vand.u32 $0xFFF, v3  }
0x6c: {  	v5 =	vand.u32 $0xFFF, v5;
	v53 =	vshra.s32 v7, $0x1;
	v7 =	vand.u32 $0xFFF, v7  }
0x6d: {  	v62 =	vld [tilespmem:$0x4A0];
	v11 =	vshra.s32 v49, $0x1;
	v56 =	vshra.s32 v9, $0x1;
	v57 =	vand.u32 $0xFFF, v49  }
0x6e: {  	v15 =	vld [tilespmem:$0x4B0];
	v9 =	vand.u32 $0xFFF, v9;
	v61 =	vshra.s32 v10, $0x1;
	v13 =	vand.u32 $0xFFF, v10  }
0x6f: {  	v14 =	vshra.s32 v54, $0x1;
	v17 =	vshra.s32 v12, $0x1;
	v18 =	vand.u32 $0xFFF, v54  }
0x70: {  	v19 =	vand.u32 $0xFFF, v12;
	v22 =	vshra.s32 v59, $0x1;
	v4 =	vand.u32 $0xFFFFF000, v4  }
0x71: {  	v20 =	vld [tilespmem:$0x4C0];
	v25 =	vand.u32 $0xFFF, v59;
	v6 =	vand.u32 $0xFFFFF000, v6;
	v0 =	vor.u32 v0, v4  }
0x72: {  	v26 =	vshra.s32 v62, $0x1;
	v50 =	vand.u32 $0xFFFFF000, v8;
	v1 =	vor.u32 v1, v6;
	[tilespmem:$0x2C00] =	vst v0  }
0x73: {  	v23 =	vld [tilespmem:$0x4D0];
	v29 =	vshra.s32 v15, $0x1;
	v8 =	vand.u32 $0xFFFFF000, v51;
	v3 =	vor.u32 v3, v50;
	[tilespmem:$0x2C80] =	vst v1  }
0x74: {  	v27 =	vld [tilespmem:$0x4E0];
	v30 =	vand.u32 $0xFFF, v62;
	v58 =	vand.u32 $0xFFFFF000, v56;
	v52 =	vor.u32 v5, v8;
	[tilespmem:$0x2D10] =	vst v3  }
0x75: {  	v31 =	vand.u32 $0xFFF, v15;
	v4 =	vand.u32 $0xFFFFF000, v48;
	v60 =	vor.u32 v9, v58;
	[tilespmem:$0x2D20] =	vst v52  }
0x76: {  	v34 =	vshra.s32 v20, $0x1;
	v5 =	vand.u32 $0xFFFFF000, v53;
	v2 =	vor.u32 v2, v4;
	[tilespmem:$0x2D50] =	vst v60  }
0x77: {  	v32 =	vld [tilespmem:$0x4F0];
	v36 =	vand.u32 $0xFFF, v20;
	v55 =	vand.u32 $0xFFFFF000, v11;
	v5 =	vor.u32 v7, v5;
	[tilespmem:$0x2D00] =	vst v2  }
0x78: {  	v37 =	vshra.s32 v23, $0x1;
	v16 =	vand.u32 $0xFFFFF000, v14;
	v0 =	vor.u32 v57, v55;
	[tilespmem:$0x2D30] =	vst v5  }
0x79: {  	v35 =	vld [tilespmem:$0x500];
	v41 =	vshra.s32 v27, $0x1;
	v6 =	vand.u32 $0xFFFFF000, v17;
	v3 =	vor.u32 v18, v16;
	[tilespmem:$0x2D40] =	vst v0  }
0x7a: {  	v42 =	vand.u32 $0xFFF, v23;
	v28 =	vand.u32 $0xFFFFF000, v26;
	v21 =	vor.u32 v19, v6;
	[tilespmem:$0x2D70] =	vst v3  }
0x7b: {  	v38 =	vld [tilespmem:$0x510];
	v43 =	vand.u32 $0xFFF, v27;
	v63 =	vand.u32 $0xFFFFF000, v61;
	v1 =	vor.u32 v30, v28;
	[tilespmem:$0x2D80] =	vst v21  }
0x7c: {  	v47 =	vld [tilespmem:$0x530];
	v46 =	vshra.s32 v32, $0x1;
	v24 =	vand.u32 $0xFFFFF000, v22;
	v2 =	vor.u32 v13, v63;
	[tilespmem:$0x2DA0] =	vst v1  }
0x7d: {  	v49 =	vand.u32 $0xFFF, v32;
	v40 =	vand.u32 $0xFFFFF000, v37;
	v0 =	vor.u32 v25, v24;
	[tilespmem:$0x2D60] =	vst v2  }
0x7e: {  	v50 =	vshra.s32 v35, $0x1;
	v4 =	vand.u32 $0xFFFFF000, v41;
	v1 =	vor.u32 v42, v40;
	[tilespmem:$0x2D90] =	vst v0  }
0x7f: {  	v44 =	vld [tilespmem:$0x520];
	v53 =	vand.u32 $0xFFF, v35;
	v51 =	vand.u32 $0xFFFFF000, v50;
	v45 =	vor.u32 v43, v4;
	[tilespmem:$0x2DD0] =	vst v1  }
0x80: {  	v54 =	vand.u32 $0xFFF, v38;
	v5 =	vand.u32 $0xFFFFF000, v29;
	v55 =	vor.u32 v53, v51;
	[tilespmem:$0x2DE0] =	vst v45  }
0x81: {  	v62 =	vand.u32 $0xFFF, v47;
	v3 =	vand.u32 $0xFFFFF000, v34;
	v33 =	vor.u32 v31, v5;
	[tilespmem:$0x2E00] =	vst v55  }
0x82: {  	v48 =	vand.u32 $0xFFFFF000, v46;
	v60 =	vshra.s32 v47, $0x1;
	v39 =	vor.u32 v36, v3;
	[tilespmem:$0x2DB0] =	vst v33  }
0x83: {  	v52 =	vshra.s32 v38, $0x1;
	v61 =	vand.u32 $0xFFFFF000, v60;
	v0 =	vor.u32 v49, v48;
	[tilespmem:$0x2DC0] =	vst v39  }
0x84: {  	v57 =	vshra.s32 v44, $0x1;
	v3 =	vand.u32 $0xFFFFF000, v52;
	v63 =	vor.u32 v62, v61;
	[tilespmem:$0x2DF0] =	vst v0  }
0x85: {  	v59 =	vand.u32 $0xFFF, v44;
	v58 =	vand.u32 $0xFFFFF000, v57;
	v56 =	vor.u32 v54, v3;
	[tilespmem:$0x2E30] =	vst v63  }
0x86: {  	v0 =	vor.u32 v59, v58;
	[tilespmem:$0x2E10] =	vst v56  }
0x87: {  	s18 =	simm.s32 $0x10;
	s20 =	simm.s32 $0x2C00;
	s16 =	rddreg [dreg:$0x3];
	[tilespmem:$0x2E20] =	vst v0  }
0x88: {  	[tilespmem:s15], [sflag:$0x1] =	stream.indirect.gather [hbm4b:s16+s18], $0x80, s20, s18, $0xb8;
	[tilespmem:$0x1C100] =	vst v63  }
0x89: {  	s22 =	simm.s32 $0x2C80;
	s21 =	rddreg [dreg:$0x4]  }
0x8a: {  	[tilespmem:s17], [sflag:$0x1] =	stream.indirect.gather [hbm4b:s21+s18], $0x80, s22, s18, $0xb8;
	[tilespmem:$0x1C100] =	vst v63  }
0x8b: {  	s23 =	simm.s32 $0x2D00;
	s4 =	simm.s32 $0x80  }
0x8c: {  	[tilespmem:s19], [sflag:$0x1] =	stream.indirect.gather [hbm4b:s21+s4], $0x80, s23, s4, $0xb8;
	[tilespmem:$0x1C100] =	vst v63  }
0x8d: {  	s24 =	simm.s32 $0x2D80;
	s25 =	simm.s32 $0x8100;
	s26 =	simm.s32 $0x2E00  }
0x8e: {  	[tilespmem:s25], [sflag:$0x1] =	stream.indirect.gather [hbm4b:s21+s4], $0x80, s24, s4, $0xb8;
	[tilespmem:$0x1C100] =	vst v63  }
0x8f: {  	s29 =	simm.s32 $0xC100;
	s31 =	simm.s32 $0x40;
	s4 =	simm.s32 $0x0  }
0x90: {  	[tilespmem:s29], [sflag:$0x1] =	stream.indirect.gather [hbm4b:s21+s31], $0x80, s26, s31, $0xb8;
	[tilespmem:$0x1C100] =	vst v63  }
.LBB2_2:
0x91: {  	s0 =	sshllo.u32 s4, $0x1  }
0x92: {  	s10 =	sshll.u32 s0, $0x4  }
0x93: {  	v0 =	vld [tilespmem:s10+$0x0];
	_ =	sdelay $0x4  }
0x94: {  	v1 =	vshra.s32 v0, $0x1  }
0x95: {  	v0 =	vand.u32 $0xFFF, v0;
	v1 =	vand.u32 $0xFFFFF000, v1  }
0x96: {  	v0 =	vor.u32 v0, v1  }
0x97: {  	[tilespmem:$0x2E80] =	vst v0  }
0x98: {  	v0 =	vld [tilespmem:s10+$0x200];
	_ =	sdelay $0x4  }
0x99: {  	v1 =	vshra.s32 v0, $0x1  }
0x9a: {  	v0 =	vand.u32 $0xFFF, v0;
	v1 =	vand.u32 $0xFFFFF000, v1  }
0x9b: {  	s9 =	smul.u32 $0x140, s0;
	v0 =	vor.u32 v0, v1  }
0x9c: {  	[tilespmem:$0x2F00] =	vst v0  }
0x9d: {  	v0 =	vld [tilespmem:s9+$0x400];
	_ =	sdelay $0x4  }
0x9e: {  	v1 =	vshra.s32 v0, $0x1  }
0x9f: {  	v0 =	vand.u32 $0xFFF, v0;
	v1 =	vand.u32 $0xFFFFF000, v1  }
0xa0: {  	v0 =	vor.u32 v0, v1  }
0xa1: {  	s0 =	sor.u32 $0x50, s9;
	[tilespmem:$0x2F80] =	vst v0  }
0xa2: {  	v0 =	vld [tilespmem:s0+$0x400];
	_ =	sdelay $0x4  }
0xa3: {  	v1 =	vshra.s32 v0, $0x1  }
0xa4: {  	v0 =	vand.u32 $0xFFF, v0;
	v1 =	vand.u32 $0xFFFFF000, v1  }
0xa5: {  	v0 =	vor.u32 v0, v1  }
0xa6: {  	s2 =	sor.u32 $0x60, s9;
	[tilespmem:$0x2F90] =	vst v0  }
0xa7: {  	v0 =	vld [tilespmem:s2+$0x400];
	_ =	sdelay $0x4  }
0xa8: {  	v1 =	vshra.s32 v0, $0x1  }
0xa9: {  	v0 =	vand.u32 $0xFFF, v0;
	v1 =	vand.u32 $0xFFFFF000, v1  }
0xaa: {  	v0 =	vor.u32 v0, v1  }
0xab: {  	s5 =	sor.u32 $0x70, s9;
	[tilespmem:$0x2FA0] =	vst v0  }
0xac: {  	v0 =	vld [tilespmem:s5+$0x400];
	_ =	sdelay $0x4  }
0xad: {  	v1 =	vshra.s32 v0, $0x1  }
0xae: {  	v0 =	vand.u32 $0xFFF, v0;
	v1 =	vand.u32 $0xFFFFF000, v1  }
0xaf: {  	v0 =	vor.u32 v0, v1  }
0xb0: {  	[tilespmem:$0x2FB0] =	vst v0  }
0xb1: {  	v0 =	vld [tilespmem:s9+$0x440];
	_ =	sdelay $0x4  }
0xb2: {  	v1 =	vshra.s32 v0, $0x1  }
0xb3: {  	v0 =	vand.u32 $0xFFF, v0;
	v1 =	vand.u32 $0xFFFFF000, v1  }
0xb4: {  	v0 =	vor.u32 v0, v1  }
0xb5: {  	[tilespmem:$0x2FC0] =	vst v0  }
0xb6: {  	v0 =	vld [tilespmem:s9+$0x450];
	_ =	sdelay $0x4  }
0xb7: {  	v1 =	vshra.s32 v0, $0x1  }
0xb8: {  	v0 =	vand.u32 $0xFFF, v0;
	v1 =	vand.u32 $0xFFFFF000, v1  }
0xb9: {  	v0 =	vor.u32 v0, v1  }
0xba: {  	[tilespmem:$0x2FD0] =	vst v0  }
0xbb: {  	v0 =	vld [tilespmem:s9+$0x460];
	_ =	sdelay $0x4  }
0xbc: {  	v1 =	vshra.s32 v0, $0x1  }
0xbd: {  	v0 =	vand.u32 $0xFFF, v0;
	v1 =	vand.u32 $0xFFFFF000, v1  }
0xbe: {  	v0 =	vor.u32 v0, v1  }
0xbf: {  	[tilespmem:$0x2FE0] =	vst v0  }
0xc0: {  	v0 =	vld [tilespmem:s9+$0x470];
	_ =	sdelay $0x4  }
0xc1: {  	v1 =	vshra.s32 v0, $0x1  }
0xc2: {  	v0 =	vand.u32 $0xFFF, v0;
	v1 =	vand.u32 $0xFFFFF000, v1  }
0xc3: {  	v0 =	vor.u32 v0, v1  }
0xc4: {  	s6 =	sand.u32 $0x3F80, s9;
	[tilespmem:$0x2FF0] =	vst v0  }
0xc5: {  	v0 =	vld [tilespmem:s6+$0x4C0];
	_ =	sdelay $0x4  }
0xc6: {  	v1 =	vshra.s32 v0, $0x1  }
0xc7: {  	v0 =	vand.u32 $0xFFF, v0;
	v1 =	vand.u32 $0xFFFFF000, v1  }
0xc8: {  	v0 =	vor.u32 v0, v1  }
0xc9: {  	[tilespmem:$0x3000] =	vst v0  }
0xca: {  	v0 =	vld [tilespmem:s6+$0x4D0];
	_ =	sdelay $0x4  }
0xcb: {  	v1 =	vshra.s32 v0, $0x1  }
0xcc: {  	v0 =	vand.u32 $0xFFF, v0;
	v1 =	vand.u32 $0xFFFFF000, v1  }
0xcd: {  	v0 =	vor.u32 v0, v1  }
0xce: {  	[tilespmem:$0x3010] =	vst v0  }
0xcf: {  	v0 =	vld [tilespmem:s6+$0x4E0];
	_ =	sdelay $0x4  }
0xd0: {  	v1 =	vshra.s32 v0, $0x1  }
0xd1: {  	v0 =	vand.u32 $0xFFF, v0;
	v1 =	vand.u32 $0xFFFFF000, v1  }
0xd2: {  	v0 =	vor.u32 v0, v1  }
0xd3: {  	[tilespmem:$0x3020] =	vst v0  }
0xd4: {  	v0 =	vld [tilespmem:s6+$0x4F0];
	_ =	sdelay $0x4  }
0xd5: {  	v1 =	vshra.s32 v0, $0x1  }
0xd6: {  	v0 =	vand.u32 $0xFFF, v0;
	v1 =	vand.u32 $0xFFFFF000, v1  }
0xd7: {  	v0 =	vor.u32 v0, v1  }
0xd8: {  	[tilespmem:$0x3030] =	vst v0  }
0xd9: {  	v0 =	vld [tilespmem:s9+$0x4C0];
	_ =	sdelay $0x4  }
0xda: {  	v1 =	vshra.s32 v0, $0x1  }
0xdb: {  	v0 =	vand.u32 $0xFFF, v0;
	v1 =	vand.u32 $0xFFFFF000, v1  }
0xdc: {  	v0 =	vor.u32 v0, v1  }
0xdd: {  	[tilespmem:$0x3040] =	vst v0  }
0xde: {  	v0 =	vld [tilespmem:s9+$0x4D0];
	_ =	sdelay $0x4  }
0xdf: {  	v1 =	vshra.s32 v0, $0x1  }
0xe0: {  	v0 =	vand.u32 $0xFFF, v0;
	v1 =	vand.u32 $0xFFFFF000, v1  }
0xe1: {  	v0 =	vor.u32 v0, v1  }
0xe2: {  	[tilespmem:$0x3050] =	vst v0  }
0xe3: {  	v0 =	vld [tilespmem:s9+$0x4E0];
	_ =	sdelay $0x4  }
0xe4: {  	v1 =	vshra.s32 v0, $0x1  }
0xe5: {  	v0 =	vand.u32 $0xFFF, v0;
	v1 =	vand.u32 $0xFFFFF000, v1  }
0xe6: {  	v0 =	vor.u32 v0, v1  }
0xe7: {  	[tilespmem:$0x3060] =	vst v0  }
0xe8: {  	v0 =	vld [tilespmem:s9+$0x4F0];
	_ =	sdelay $0x4  }
0xe9: {  	v1 =	vshra.s32 v0, $0x1  }
0xea: {  	v0 =	vand.u32 $0xFFF, v0;
	v1 =	vand.u32 $0xFFFFF000, v1  }
0xeb: {  	v0 =	vor.u32 v0, v1  }
0xec: {  	[tilespmem:$0x3070] =	vst v0  }
0xed: {  	v0 =	vld [tilespmem:s6+$0x540];
	_ =	sdelay $0x4  }
0xee: {  	v1 =	vshra.s32 v0, $0x1  }
0xef: {  	v0 =	vand.u32 $0xFFF, v0;
	v1 =	vand.u32 $0xFFFFF000, v1  }
0xf0: {  	v0 =	vor.u32 v0, v1  }
0xf1: {  	[tilespmem:$0x3080] =	vst v0  }
0xf2: {  	v0 =	vld [tilespmem:s6+$0x550];
	_ =	sdelay $0x4  }
0xf3: {  	v1 =	vshra.s32 v0, $0x1  }
0xf4: {  	v0 =	vand.u32 $0xFFF, v0;
	v1 =	vand.u32 $0xFFFFF000, v1  }
0xf5: {  	v0 =	vor.u32 v0, v1  }
0xf6: {  	[tilespmem:$0x3090] =	vst v0  }
0xf7: {  	v0 =	vld [tilespmem:s6+$0x560];
	_ =	sdelay $0x4  }
0xf8: {  	v1 =	vshra.s32 v0, $0x1  }
0xf9: {  	v0 =	vand.u32 $0xFFF, v0;
	v1 =	vand.u32 $0xFFFFF000, v1  }
0xfa: {  	v0 =	vor.u32 v0, v1  }
0xfb: {  	[tilespmem:$0x30A0] =	vst v0  }
0xfc: {  	v0 =	vld [tilespmem:s6+$0x570];
	_ =	sdelay $0x4  }
0xfd: {  	v1 =	vshra.s32 v0, $0x1  }
0xfe: {  	v0 =	vand.u32 $0xFFF, v0;
	v1 =	vand.u32 $0xFFFFF000, v1  }
0xff: {  	v0 =	vor.u32 v0, v1  }
0x100: {  	s11 =	rddreg [dreg:$0x3];
	s1 =	simm.s32 $0x10;
	s2 =	simm.s32 $0x2E80;
	[tilespmem:$0x30B0] =	vst v0  }
0x101: {  	[tilespmem:s28], [sflag:$0x2] =	stream.indirect.gather [hbm4b:s11+s1], $0x80, s2, s1, $0xb8;
	[tilespmem:$0x1C100] =	vst v63  }
0x102: {  	s13 =	rddreg [dreg:$0x4];
	s14 =	simm.s32 $0x2F00  }
0x103: {  	[tilespmem:s30], [sflag:$0x2] =	stream.indirect.gather [hbm4b:s13+s1], $0x80, s14, s1, $0xb8;
	[tilespmem:$0x1C100] =	vst v63  }
0x104: {  	s16 =	simm.s32 $0x80;
	s18 =	simm.s32 $0x2F80  }
0x105: {  	[tilespmem:s3], [sflag:$0x2] =	stream.indirect.gather [hbm4b:s13+s16], $0x80, s18, s16, $0xb8;
	[tilespmem:$0x1C100] =	vst v63  }
0x106: {  	s20 =	simm.s32 $0x3000;
	s5 =	simm.s32 $0x13100  }
0x107: {  	[tilespmem:s5], [sflag:$0x2] =	stream.indirect.gather [hbm4b:s13+s16], $0x80, s20, s16, $0xb8;
	[tilespmem:$0x1C100] =	vst v63  }
0x108: {  	s21 =	simm.s32 $0x40;
	s22 =	simm.s32 $0x3080;
	s23 =	simm.s32 $0x17100  }
0x109: {  	[tilespmem:s23], [sflag:$0x2] =	stream.indirect.gather [hbm4b:s13+s21], $0x80, s22, s21, $0xb8;
	[tilespmem:$0x1C100] =	vst v63  }
0x10a: {  	_ =	swait.ge [sflag:s7], $0x800  }
0x10b: {  	[sflag:s7] =	ssyncset.done $0x0  }
0x10c: {  	[sflag:s7] =	ssyncadd.s32 $0xFFFFF800  }
0x10d: {  	_ =	swait.ge [sflag:s7], $0x800  }
0x10e: {  	[sflag:s7] =	ssyncset.done $0x0  }
0x10f: {  	[sflag:s7] =	ssyncadd.s32 $0xFFFFF800  }
0x110: {  	_ =	swait.ge [sflag:s7], $0x4000  }
0x111: {  	[sflag:s7] =	ssyncset.done $0x0  }
0x112: {  	[sflag:s7] =	ssyncadd.s32 $0xFFFFC000  }
0x113: {  	_ =	swait.ge [sflag:s7], $0x4000  }
0x114: {  	[sflag:s7] =	ssyncset.done $0x0  }
0x115: {  	v21 =	vld [tilespmem:$0x1FFC0];
	[sflag:s7] =	ssyncadd.s32 $0xFFFFC000  }
0x116: {  	v1 =	vld [tilespmem:$0x1FDC0];
	_ =	swait.ge [sflag:s7], $0x2000  }
0x117: {  	v2 =	vld [tilespmem:$0x1FD90]  }
0x118: {  	s24 =	smul.u32 $0x280, s4;
	_ =	sdelay $0x1  }
0x119: {  	v0 =	vadd.s32 s24, v21  }
0x11a: {  	v0 =	vand.u32 $0x7F80, v0  }
0x11b: {  	v0 =	vor.u32 v2, v0;
	v2 =	vld [tilespmem:$0x1FDD0];
	_ =	sdelay $0x2  }
0x11c: {  	v1 =	vadd.s32 s24, v1  }
0x11d: {  	v1 =	vand.u32 $0x7F80, v1  }
0x11e: {  	v1 =	vor.u32 v2, v1;
	v2 =	vld [tilespmem:$0x1FE00]  }
0x11f: {  	[sflag:s7] =	ssyncset.done $0x0  }
0x120: {  	v4 =	vld [tilespmem:$0x1FE10];
	[sflag:s7] =	ssyncadd.s32 $0xFFFFE000  }
0x121: {  	v0 =	vld.idx.msk [tilespmem:v0+s12+$0x0], $0xffff;
	_ =	sdelay $0x1  }
0x122: {  	v2 =	vadd.s32 s24, v2  }
0x123: {  	s1 =	sshll.u32 s4, $0x5;
	v2 =	vand.u32 $0x7F80, v2  }
0x124: {  	v2 =	vor.u32 v4, v2;
	v4 =	vld [tilespmem:s1+$0x200]  }
0x125: {  	v7 =	vshrl.u32 v0, $0x6;
	v0 =	vld [tilespmem:$0x1FDA0];
	_ =	sdelay $0x1  }
0x126: {  	v6 =	vld [tilespmem:$0x1FDB0];
	_ =	sdelay $0x1  }
0x127: {  	v4 =	vshrl.u32 v4, $0x6  }
0x128: {  	v0 =	vadd.s32 s24, v0;
	v5 =	vand.u32 $0x40, v4;
	v4 =	vld [tilespmem:$0x1FDE0]  }
0x129: {  	v0 =	vand.u32 $0x7F80, v0  }
0x12a: {  	v0 =	vor.u32 v6, v0;
	v6 =	vld [tilespmem:$0x1FDF0];
	_ =	sdelay $0x2  }
0x12b: {  	v4 =	vadd.s32 s24, v4  }
0x12c: {  	v2 =	vld.idx.msk [tilespmem:v2+s12+$0x0], $0xffff;
	v4 =	vand.u32 $0x7F80, v4  }
0x12d: {  	v4 =	vor.u32 v6, v4;
	v6 =	vld [tilespmem:$0x1FE20];
	_ =	sdelay $0x4  }
0x12e: {  	v2 =	vshrl.u32 v2, $0x6;
	v6 =	vadd.s32 s24, v6  }
0x12f: {  	v9 =	vand.u32 $0x40, v2;
	v2 =	vand.u32 $0x7F80, v6;
	v6 =	vld [tilespmem:$0x1FE40]  }
0x130: {  	v8 =	vld [tilespmem:$0x1FE30]  }
0x131: {  	v10 =	vld [tilespmem:$0x1FE50];
	_ =	sdelay $0x2  }
0x132: {  	v6 =	vadd.s32 s24, v6  }
0x133: {  	v2 =	vor.u32 v8, v2;
	v8 =	vld [tilespmem:$0x1FE60];
	v6 =	vand.u32 $0x7F80, v6  }
0x134: {  	v6 =	vor.u32 v10, v6;
	v10 =	vld [tilespmem:$0x1FE80]  }
0x135: {  	v11 =	vld [tilespmem:$0x1FE70]  }
0x136: {  	v12 =	vld [tilespmem:$0x1FE90];
	_ =	sdelay $0x1  }
0x137: {  	v8 =	vadd.s32 s24, v8  }
0x138: {  	v13 =	vld.idx.msk [tilespmem:v0+s12+$0x0], $0xffff;
	v8 =	vand.u32 $0x7F80, v8;
	v10 =	vadd.s32 s24, v10  }
0x139: {  	v8 =	vor.u32 v11, v8;
	v11 =	vld [tilespmem:$0x1FEA0];
	v10 =	vand.u32 $0x7F80, v10  }
0x13a: {  	v10 =	vor.u32 v12, v10;
	v12 =	vld [tilespmem:$0x1FEC0]  }
0x13b: {  	v0 =	vld [tilespmem:$0x1FEB0];
	_ =	sdelay $0x2  }
0x13c: {  	v11 =	vadd.s32 s24, v11  }
0x13d: {  	v15 =	vld.idx.msk [tilespmem:v4+s12+$0x0], $0xffff;
	v11 =	vand.u32 $0x7F80, v11;
	v12 =	vadd.s32 s24, v12  }
0x13e: {  	v0 =	vor.u32 v0, v11;
	v11 =	vand.u32 $0x7F80, v12;
	v12 =	vld [tilespmem:$0x1FEE0]  }
0x13f: {  	v4 =	vld [tilespmem:$0x1FED0];
	_ =	sdelay $0x2  }
0x140: {  	v17 =	vld.idx.msk [tilespmem:v2+s12+$0x0], $0xffff  }
0x141: {  	v2 =	vld [tilespmem:$0x1FEF0];
	v12 =	vadd.s32 s24, v12  }
0x142: {  	v11 =	vor.u32 v4, v11;
	v4 =	vand.u32 $0x7F80, v12;
	v12 =	vld [tilespmem:$0x1FF00];
	_ =	sdelay $0x4  }
0x143: {  	v14 =	vor.u32 v2, v4;
	v4 =	vld [tilespmem:$0x1FF30];
	v12 =	vadd.s32 s24, v12  }
0x144: {  	v2 =	vand.u32 $0x7F80, v12;
	v12 =	vld.idx.msk [tilespmem:v6+s12+$0x0], $0xffff  }
0x145: {  	v6 =	vld [tilespmem:$0x1FF10];
	_ =	sdelay $0x3  }
0x146: {  	v4 =	vadd.s32 s24, v4  }
0x147: {  	v16 =	vor.u32 v6, v2;
	v2 =	vand.u32 $0x7F80, v4;
	v4 =	vld [tilespmem:$0x1FF60];
	_ =	sdelay $0x4  }
0x148: {  	v6 =	vadd.s32 s24, v4;
	v4 =	vld.idx.msk [tilespmem:v8+s12+$0x0], $0xffff;
	_ =	sdelay $0x4  }
0x149: {  	[tilespmem:$0x1FBC0] =	vst v4;
	v4 =	vld [tilespmem:$0x1FF20];
	_ =	sdelay $0x4  }
0x14a: {  	v18 =	vor.u32 v4, v2;
	v4 =	vld [tilespmem:$0x1FF90];
	_ =	sdelay $0x4  }
0x14b: {  	v8 =	vadd.s32 s24, v4;
	v4 =	vld.idx.msk [tilespmem:v10+s12+$0x0], $0xffff  }
0x14c: {  	v0 =	vld.idx.msk [tilespmem:v0+s12+$0x0], $0xffff;
	_ =	sdelay $0x3  }
0x14d: {  	[tilespmem:$0x1FBD0] =	vst v4;
	v4 =	vld [tilespmem:$0x1FF40]  }
0x14e: {  	[tilespmem:$0x1FBE0] =	vst v0;
	v0 =	vld [tilespmem:$0x1FF50];
	_ =	sdelay $0x2  }
0x14f: {  	v2 =	vand.u32 $0x7F80, v6  }
0x150: {  	v8 =	vand.u32 $0x7F80, v8;
	v19 =	vor.u32 v4, v2;
	v2 =	vld [tilespmem:$0x1FFA0]  }
0x151: {  	v20 =	vor.u32 v0, v8;
	v0 =	vld [tilespmem:$0x1FFB0];
	_ =	sdelay $0x3  }
0x152: {  	v10 =	vadd.s32 s24, v2  }
0x153: {  	v8 =	vand.u32 $0x7F80, v10;
	v10 =	vadd.s32 s24, v0;
	v0 =	vld.idx.msk [tilespmem:v11+s12+$0x0], $0xffff;
	_ =	sdelay $0x1  }
0x154: {  	v2 =	vld.idx.msk [tilespmem:v16+s12+$0x0], $0xffff;
	_ =	sdelay $0x2  }
0x155: {  	[tilespmem:$0x1FBF0] =	vst v0;
	v0 =	vld [tilespmem:$0x1FF70];
	_ =	sdelay $0x1  }
0x156: {  	[tilespmem:$0x1FC10] =	vst v2;
	v2 =	vld [tilespmem:$0x1FF80];
	_ =	sdelay $0x2  }
0x157: {  	v11 =	vor.u32 v0, v8;
	v0 =	vld [tilespmem:$0x1FFD0]  }
0x158: {  	v10 =	vand.u32 $0x7F80, v10  }
0x159: {  	v16 =	vor.u32 v2, v10;
	v2 =	vld [tilespmem:$0x1FFE0];
	_ =	sdelay $0x2  }
0x15a: {  	v8 =	vadd.s32 s24, v0  }
0x15b: {  	v0 =	vld.idx.msk [tilespmem:v14+s12+$0x0], $0xffff;
	v14 =	vand.u32 $0x7F80, v8  }
0x15c: {  	v6 =	vadd.s32 $0x13, v21;
	v21 =	vor.u32 v2, v14;
	v2 =	vld.idx.msk [tilespmem:v18+s12+$0x0], $0xffff;
	_ =	sdelay $0x3  }
0x15d: {  	[tilespmem:$0x1FC00] =	vst v0;
	v0 =	vlaneseq.u32  }
0x15e: {  	v22 =	vmul.u32 $0xA00, v0;
	[tilespmem:$0x1FC30] =	vst v2;
	v2 =	vmul.u32 $0x80, v0;
	v0 =	vld.idx.msk [tilespmem:v19+s12+$0x0], $0xffff;
	_ =	sdelay $0x4  }
0x15f: {  	[tilespmem:$0x1FC40] =	vst v0;
	v0 =	vld [tilespmem:$0x1FFF0];
	_ =	sdelay $0x2  }
0x160: {  	v14 =	vadd.s32 s24, v6  }
0x161: {  	v14 =	vand.u32 $0x7F80, v14  }
0x162: {  	v19 =	vor.u32 v0, v14;
	v0 =	vld.idx.msk [tilespmem:v20+s12+$0x0], $0xffff  }
0x163: {  	v3 =	vld [tilespmem:s1+$0x0];
	_ =	sdelay $0x3  }
0x164: {  	[tilespmem:$0x1FC60] =	vst v0;
	v0 =	vld.idx.msk [tilespmem:v11+s12+$0x0], $0xffff  }
0x165: {  	v3 =	vshrl.u32 v3, $0x6;
	[tilespmem:$0x1FC20] =	vst v6;
	v18 =	vshrl.u32 v12, $0x6;
	v6 =	vadd.s32 $0x200, v22  }
0x166: {  	v3 =	vand.u32 $0x40, v3;
	[tilespmem:$0x1FC50] =	vst v6;
	v8 =	vor.u32 v6, v9;
	v9 =	vand.u32 $0x40, v18  }
0x167: {  	v1 =	vld.idx.msk [tilespmem:v1+s12+$0x0], $0xffff;
	v6 =	vor.u32 v2, v3;
	[tilespmem:$0x1FC80] =	vst v2;
	v10 =	vor.u32 v2, v5;
	v2 =	vadd.s32 $0x300, v22  }
0x168: {  	[tilespmem:$0x1FCA0] =	vst v2;
	v12 =	vor.u32 v2, v9;
	v2 =	vld.idx.msk [tilespmem:v21+s12+$0x0], $0xffff  }
0x169: {  	[tilespmem:$0x1FC70] =	vst v0;
	v0 =	vld.idx.msk [tilespmem:v16+s12+$0x0], $0xffff;
	_ =	sdelay $0x1  }
0x16a: {  	s25 =	simm.s32 $0x1  }
0x16b: {  	v3 =	vor.u32 s25, v8  }
0x16c: {  	s26 =	simm.s32 $0x2;
	v7 =	vand.u32 $0x40, v7;
	v1 =	vshrl.u32 v1, $0x6;
	v9 =	vor.u32 s25, v10;
	[tilespmem:$0x1FCB0] =	vst v2  }
0x16d: {  	v1 =	vand.u32 $0x40, v1;
	v26 =	vor.u32 s26, v10;
	[tilespmem:$0x1FC90] =	vst v0;
	v0 =	vor.u32 $0x100, v22  }
0x16e: {  	s31 =	simm.s32 $0x0;
	v18 =	vor.u32 v22, v7;
	v5 =	vor.u32 s25, v6;
	[tilespmem:$0x1FCC0] =	vst v0;
	v2 =	vor.u32 v0, v1;
	v0 =	vld.idx.msk [tilespmem:v19+s12+$0x0], $0xffff  }
0x16f: {  	v43 =	vor.u32 s31, v18  }
0x170: {  	v3 =	vld.idx.msk [tilespmem:v3+s19+$0x0], $0xffff;
	v11 =	vshrl.u32 v13, $0x6;
	v13 =	vor.u32 s25, v2  }
0x171: {  	v46 =	vor.u32 s31, v12;
	v9 =	vld.idx.msk [tilespmem:v9+s17+$0x0], $0xffff  }
0x172: {  	v15 =	vshrl.u32 v15, $0x6;
	v32 =	vld.idx.msk [tilespmem:v26+s17+$0x0], $0xffff;
	v11 =	vand.u32 $0x40, v11;
	v1 =	vor.u32 s25, v12  }
0x173: {  	v19 =	vld.idx.msk [tilespmem:v5+s15+$0x0], $0xffff;
	v5 =	vand.u32 $0x40, v15;
	v15 =	vor.u32 s25, v18;
	[tilespmem:$0x1FCD0] =	vst v0;
	v0 =	vor.u32 $0x80, v22  }
0x174: {  	v48 =	vld.idx.msk [tilespmem:v43+s19+$0x0], $0xffff;
	v14 =	vor.u32 v0, v11;
	v11 =	vor.u32 s26, v6  }
0x175: {  	v23 =	vld.idx.msk [tilespmem:v13+s19+$0x0], $0xffff;
	v13 =	vor.u32 s26, v8  }
0x176: {  	s29 =	simm.s32 $0x3;
	v60 =	vld.idx.msk [tilespmem:v46+s19+$0x0], $0xffff;
	[tilespmem:$0x1FCE0] =	vst v0;
	v0 =	vor.u32 $0x180, v22;
	v7 =	vor.u32 s25, v14  }
0x177: {  	v1 =	vld.idx.msk [tilespmem:v1+s19+$0x0], $0xffff;
	v4 =	vor.u32 v0, v5;
	v5 =	vor.u32 s29, v6  }
0x178: {  	v15 =	vld.idx.msk [tilespmem:v15+s19+$0x0], $0xffff;
	v29 =	vor.u32 s31, v14  }
0x179: {  	v21 =	vor.u32 s25, v4;
	v16 =	vld.idx.msk [tilespmem:v11+s15+$0x0], $0xffff  }
0x17a: {  	v45 =	vor.u32 s31, v4;
	v27 =	vld.idx.msk [tilespmem:v13+s19+$0x0], $0xffff  }
0x17b: {  	v11 =	vshrl.u32 v17, $0x6;
	v17 =	vor.u32 s26, v4;
	v25 =	vld.idx.msk [tilespmem:v7+s19+$0x0], $0xffff  }
0x17c: {  	[tilespmem:$0x1FCF0] =	vst v0;
	v0 =	vadd.s32 $0x280, v22;
	v13 =	vor.u32 s26, v2;
	v7 =	vand.u32 $0x40, v11;
	v51 =	vld.idx.msk [tilespmem:v5+s15+$0x0], $0xffff  }
0x17d: {  	v31 =	vor.u32 s29, v8;
	v47 =	vld.idx.msk [tilespmem:v29+s19+$0x0], $0xffff;
	v24 =	vor.u32 v0, v7  }
0x17e: {  	v21 =	vld.idx.msk [tilespmem:v21+s19+$0x0], $0xffff;
	v5 =	vor.u32 s25, v24  }
0x17f: {  	v11 =	vor.u32 s26, v14;
	v43 =	vld.idx.msk [tilespmem:v45+s19+$0x0], $0xffff  }
0x180: {  	v7 =	vor.u32 s26, v18;
	v28 =	vld.idx.msk [tilespmem:v17+s19+$0x0], $0xffff  }
0x181: {  	v35 =	vor.u32 s31, v24;
	v37 =	vld.idx.msk [tilespmem:v13+s19+$0x0], $0xffff  }
0x182: {  	v36 =	vimm.f32 $0.0e+00;
	v17 =	vor.u32 s31, v2;
	v13 =	vld.idx.msk [tilespmem:v31+s19+$0x0], $0xffff  }
0x183: {  	v42 =	vor.u32 s31, v8;
	v55 =	vor.u32 s29, v18;
	v34 =	vld.idx.msk [tilespmem:v5+s19+$0x0], $0xffff;
	v5 =	vor.u32 s31, v6  }
0x184: {  	v46 =	vor.u32 s26, v12;
	v54 =	vmul.f32 v9, v19;
	v38 =	vmul.f32 v23, v19;
	v11 =	vld.idx.msk [tilespmem:v11+s19+$0x0], $0xffff  }
0x185: {  	v45 =	vimm.f32 $0.0e+00;
	v29 =	vmul.f32 v27, v16;
	v52 =	vmul.f32 v32, v16;
	v30 =	vld.idx.msk [tilespmem:v7+s19+$0x0], $0xffff  }
0x186: {  	[tilespmem:$0x1FD00] =	vst v22;
	v32 =	vmul.f32 v1, v19;
	v26 =	vmul.f32 v21, v19;
	v21 =	vor.u32 s29, v24;
	v23 =	vld.idx.msk [tilespmem:v35+s19+$0x0], $0xffff  }
0x187: {  	[tilespmem:$0x1FD20] =	vst v6;
	v1 =	vor.u32 s29, v14;
	v44 =	vld.idx.msk [tilespmem:v17+s19+$0x0], $0xffff;
	v27 =	vmul.f32 v28, v16;
	v28 =	vor.u32 s29, v10  }
0x188: {  	[tilespmem:$0x1FD30] =	vst v8;
	v31 =	vor.u32 s29, v2;
	v17 =	vmul.f32 v25, v19;
	v25 =	vor.u32 s29, v4;
	v39 =	vld.idx.msk [tilespmem:v5+s15+$0x0], $0xffff  }
0x189: {  	[tilespmem:$0x1FD40] =	vst v10;
	v7 =	vor.u32 s31, v10;
	v35 =	vld.idx.msk [tilespmem:v42+s19+$0x0], $0xffff;
	v42 =	vimm.f32 $0.0e+00;
	v9 =	vmul.f32 v11, v16  }
0x18a: {  	[tilespmem:$0x1FD50] =	vst v18;
	v33 =	vmul.f32 v30, v16;
	v30 =	vor.u32 s26, v24;
	v5 =	vmul.f32 v3, v19  }
0x18b: {  	[tilespmem:$0x1FD80] =	vst v12;
	v11 =	vld.idx.msk [tilespmem:v21+s19+$0x0], $0xffff;
	v21 =	vimm.f32 $0.0e+00;
	v63 =	vmul.f32 v34, v19;
	v34 =	vmul.f32 v15, v19  }
0x18c: {  	[tilespmem:$0x1FD70] =	vst v2;
	v3 =	vmul.f32 v37, v16;
	v37 =	vor.u32 s29, v12;
	v19 =	vimm.f32 $0.0e+00;
	v61 =	vld.idx.msk [tilespmem:v28+s17+$0x0], $0xffff  }
0x18d: {  	[tilespmem:$0x1FD60] =	vst v14;
	v28 =	vimm.f32 $0.0e+00;
	v15 =	vmul.f32 v44, v39;
	v56 =	vmul.f32 v47, v39;
	v47 =	vld.idx.msk [tilespmem:v25+s19+$0x0], $0xffff  }
0x18e: {  	s0 =	simm.s32 $0x4;
	[tilespmem:$0x1FD10] =	vst v0;
	s25 =	sshll.u32 s4, $0x1;
	v44 =	vmul.f32 v23, v39;
	v25 =	vimm.f32 $0.0e+00;
	v23 =	vld.idx.msk [tilespmem:v55+s19+$0x0], $0xffff;
	v55 =	vimm.f32 $0.0e+00  }
.LBB2_3:
0x18f: {  	v0 =	vmul.f32 v13, v51;
	v13 =	vld.idx.msk [tilespmem:v30+s19+$0x0], $0xffff  }
0x190: {  	v14 =	vld [tilespmem:$0x1FD30]  }
0x191: {  	v20 =	vld [tilespmem:$0x1FD80]  }
0x192: {  	v7 =	vld.idx.msk [tilespmem:v7+s17+$0x0], $0xffff  }
0x193: {  	v12 =	vld [tilespmem:$0x1FD20]  }
0x194: {  	v18 =	vld [tilespmem:$0x1FD40]  }
0x195: {  	v1 =	vld.idx.msk [tilespmem:v1+s19+$0x0], $0xffff  }
0x196: {  	s13 =	sadd.s32 $0x1, s0;
	v50 =	vld [tilespmem:$0x1FD70]  }
0x197: {  	v49 =	vld [tilespmem:$0x1FD50];
	v30 =	vor.u32 s13, v14  }
0x198: {  	v22 =	vld [tilespmem:$0x1FD60];
	v58 =	vor.u32 s13, v12  }
0x199: {  	v46 =	vld.idx.msk [tilespmem:v46+s19+$0x0], $0xffff;
	v59 =	vor.u32 s13, v18  }
0x19a: {  	s6 =	smov.u32 s0;
	v31 =	vld.idx.msk [tilespmem:v31+s19+$0x0], $0xffff;
	v36 =	vadd.f32 v15, v36;
	v57 =	vor.u32 s13, v20  }
0x19b: {  	v37 =	vld.idx.msk [tilespmem:v37+s19+$0x0], $0xffff;
	v45 =	vadd.f32 v56, v45;
	s5 =	sadd.s32 $0x2, s6;
	[tilespmem:$0x1FBB0] =	vst v0;
	v48 =	vmul.f32 v48, v39;
	v0 =	vor.u32 s13, v50  }
0x19c: {  	v56 =	vor.u32 s13, v4;
	v21 =	vadd.f32 v44, v21;
	v53 =	vor.u32 s5, v12;
	v15 =	vld.idx.msk [tilespmem:v30+s19+$0x0], $0xffff  }
0x19d: {  	s11 =	sadd.s32 $0x3, s6;
	v2 =	vor.u32 s13, v22;
	v42 =	vadd.f32 v48, v42;
	v48 =	vmul.f32 v23, v51;
	v23 =	vld.idx.msk [tilespmem:v58+s15+$0x0], $0xffff  }
0x19e: {  	v40 =	vor.u32 s11, v4;
	v17 =	vadd.f32 v17, v45;
	v41 =	vor.u32 s13, v49;
	v58 =	vld.idx.msk [tilespmem:v59+s17+$0x0], $0xffff  }
0x19f: {  	v8 =	vmul.f32 v1, v51;
	v1 =	vmul.f32 v13, v16;
	v13 =	vor.u32 s11, v12;
	v57 =	vld.idx.msk [tilespmem:v57+s19+$0x0], $0xffff  }
0x1a0: {  	v45 =	vor.u32 s5, v4;
	v36 =	vadd.f32 v38, v36;
	v60 =	vmul.f32 v60, v39;
	v0 =	vld.idx.msk [tilespmem:v0+s19+$0x0], $0xffff  }
0x1a1: {  	v35 =	vmul.f32 v35, v39;
	v6 =	vor.u32 s5, v14;
	v46 =	vmul.f32 v46, v16;
	v16 =	vld.idx.msk [tilespmem:v53+s15+$0x0], $0xffff  }
0x1a2: {  	v47 =	vmul.f32 v47, v51;
	v43 =	vmul.f32 v43, v39;
	v44 =	vor.u32 s5, v49;
	v2 =	vld.idx.msk [tilespmem:v2+s19+$0x0], $0xffff  }
0x1a3: {  	v9 =	vadd.f32 v9, v17;
	v17 =	vor.u32 s5, v50;
	v34 =	vadd.f32 v34, v42;
	v41 =	vld.idx.msk [tilespmem:v41+s19+$0x0], $0xffff  }
0x1a4: {  	v38 =	vmul.f32 v31, v51;
	v31 =	vor.u32 s6, v22;
	v28 =	vadd.f32 v35, v28;
	v13 =	vld.idx.msk [tilespmem:v13+s15+$0x0], $0xffff  }
0x1a5: {  	v25 =	vadd.f32 v60, v25;
	v33 =	vadd.f32 v33, v34;
	v34 =	vmul.f32 v37, v51;
	v37 =	vld.idx.msk [tilespmem:v56+s19+$0x0], $0xffff  }
0x1a6: {  	v19 =	vadd.f32 v43, v19;
	v60 =	vor.u32 s13, v24;
	v5 =	vadd.f32 v5, v28;
	v6 =	vld.idx.msk [tilespmem:v6+s19+$0x0], $0xffff  }
0x1a7: {  	v62 =	vmul.f32 v7, v39;
	v43 =	vor.u32 s6, v12;
	v25 =	vadd.f32 v32, v25;
	v56 =	vld.idx.msk [tilespmem:v45+s19+$0x0], $0xffff  }
0x1a8: {  	v32 =	vor.u32 s6, v14;
	v19 =	vadd.f32 v26, v19;
	v5 =	vadd.f32 v29, v5;
	v29 =	vld.idx.msk [tilespmem:v44+s19+$0x0], $0xffff  }
0x1a9: {  	v12 =	vor.u32 s11, v49;
	v28 =	vsub.f32 v55, v62;
	v59 =	vor.u32 s5, v22;
	v62 =	vld.idx.msk [tilespmem:v17+s19+$0x0], $0xffff  }
0x1aa: {  	v53 =	vor.u32 s5, v18;
	v44 =	vor.u32 s6, v49;
	v17 =	vadd.f32 v27, v19;
	v49 =	vld.idx.msk [tilespmem:v31+s19+$0x0], $0xffff  }
0x1ab: {  	v21 =	vadd.f32 v63, v21;
	v42 =	vor.u32 s6, v50;
	v63 =	vld.idx.msk [tilespmem:v60+s19+$0x0], $0xffff  }
0x1ac: {  	v10 =	vor.u32 s11, v24;
	v19 =	vadd.f32 v47, v17;
	v47 =	vld.idx.msk [tilespmem:v40+s19+$0x0], $0xffff  }
0x1ad: {  	v61 =	vmul.f32 v61, v51;
	v11 =	vmul.f32 v11, v51;
	v3 =	vadd.f32 v3, v36;
	v35 =	vld.idx.msk [tilespmem:v32+s19+$0x0], $0xffff  }
0x1ae: {  	v7 =	vor.u32 s6, v18;
	v39 =	vor.u32 s11, v14;
	v1 =	vadd.f32 v1, v21;
	v59 =	vld.idx.msk [tilespmem:v59+s19+$0x0], $0xffff  }
0x1af: {  	v36 =	vadd.f32 v38, v3;
	v14 =	vor.u32 s6, v4;
	v25 =	vadd.f32 v46, v25;
	v46 =	vld.idx.msk [tilespmem:v53+s17+$0x0], $0xffff  }
0x1b0: {  	v21 =	vadd.f32 v11, v1;
	v11 =	vor.u32 s6, v24;
	v53 =	vor.u32 s11, v18;
	v18 =	vld.idx.msk [tilespmem:v42+s19+$0x0], $0xffff  }
0x1b1: {  	v1 =	vor.u32 s11, v22;
	v51 =	vmovc v13;
	v13 =	vsub.f32 v28, v54;
	v42 =	vadd.f32 v48, v33;
	v48 =	vld.idx.msk [tilespmem:v44+s19+$0x0], $0xffff  }
0x1b2: {  	v30 =	vor.u32 s5, v24;
	v60 =	vor.u32 s6, v20;
	v17 =	vmul.f32 v2, v23;
	v2 =	vld [tilespmem:$0x1FBB0]  }
0x1b3: {  	v26 =	vmul.f32 v37, v23;
	v33 =	vmul.f32 v29, v16;
	v27 =	vsub.f32 v13, v52;
	v13 =	vld.idx.msk [tilespmem:v39+s19+$0x0], $0xffff  }
0x1b4: {  	v31 =	vor.u32 s11, v50;
	v29 =	vmul.f32 v6, v16;
	v54 =	vmul.f32 v58, v23;
	v39 =	vld.idx.msk [tilespmem:v43+s15+$0x0], $0xffff  }
0x1b5: {  	p0 =	sne.s32 s0, $0x3C;
	v45 =	vadd.f32 v8, v9;
	v38 =	vmul.f32 v0, v23;
	v0 =	vld.idx.msk [tilespmem:v11+s19+$0x0], $0xffff;
	v32 =	vmul.f32 v57, v23  }
.Ltmp0:
0x1b6: {  	v25 =	vadd.f32 v34, v25;
	v11 =	vld.idx.msk [tilespmem:v10+s19+$0x0], $0xffff;
	v3 =	vmul.f32 v62, v16;
	v34 =	vmul.f32 v41, v23;
	(pc) =	sbr.rel @p0 .LBB2_3-.Ltmp0, $4  }
0x1b7: {  	v60 =	vld.idx.msk [tilespmem:v60+s19+$0x0], $0xffff;
	v63 =	vmul.f32 v63, v23;
	v55 =	vsub.f32 v27, v61;
	v27 =	vmul.f32 v56, v16  }
0x1b8: {  	v37 =	vor.u32 s11, v20;
	v43 =	vld.idx.msk [tilespmem:v14+s19+$0x0], $0xffff;
	v52 =	vmul.f32 v46, v16;
	v9 =	vmul.f32 v59, v16  }
0x1b9: {  	v28 =	vadd.f32 v2, v5;
	v5 =	vmul.f32 v15, v23;
	v61 =	vld.idx.msk [tilespmem:v53+s17+$0x0], $0xffff;
	v15 =	vmul.f32 v18, v39  }
0x1ba: {  	s0 =	sadd.s32 $0x4, s0;
	v46 =	vor.u32 s5, v20;
	v23 =	vld.idx.msk [tilespmem:v12+s19+$0x0], $0xffff;
	v56 =	vmul.f32 v49, v39;
	v44 =	vmul.f32 v0, v39  }
0x1bb: {  	_ =	sdelay $0x3  }
0x1bc: {  	v0 =	vmul.f32 v48, v39;
	v2 =	vadd.f32 v15, v36;
	v4 =	vld.idx.msk [tilespmem:v7+s17+$0x0], $0xffff;
	v8 =	vmul.f32 v35, v39  }
0x1bd: {  	v1 =	vld.idx.msk [tilespmem:v1+s19+$0x0], $0xffff;
	v6 =	vadd.f32 v56, v45;
	v12 =	vadd.f32 v44, v21  }
0x1be: {  	v14 =	vld.idx.msk [tilespmem:v30+s19+$0x0], $0xffff;
	v0 =	vadd.f32 v0, v42;
	v8 =	vadd.f32 v8, v28  }
0x1bf: {  	v15 =	vld.idx.msk [tilespmem:v46+s19+$0x0], $0xffff;
	v10 =	vmul.f32 v43, v39;
	v2 =	vadd.f32 v38, v2;
	v6 =	vadd.f32 v17, v6  }
0x1c0: {  	v12 =	vadd.f32 v63, v12;
	v0 =	vadd.f32 v34, v0  }
0x1c1: {  	v7 =	vmul.f32 v60, v39;
	v10 =	vadd.f32 v10, v19;
	v5 =	vadd.f32 v5, v8  }
0x1c2: {  	v8 =	vld.idx.msk [tilespmem:v31+s19+$0x0], $0xffff;
	v2 =	vadd.f32 v3, v2;
	v6 =	vadd.f32 v9, v6;
	v4 =	vmul.f32 v4, v39  }
0x1c3: {  	v1 =	vmul.f32 v1, v51;
	v14 =	vmul.f32 v14, v16;
	v0 =	vadd.f32 v33, v0  }
0x1c4: {  	v15 =	vmul.f32 v15, v16;
	v16 =	vld [tilespmem:$0x1FD00];
	v3 =	vadd.f32 v26, v10;
	v4 =	vsub.f32 v55, v4  }
0x1c5: {  	s14 =	sshll.u32 s4, $0x8;
	v10 =	vmul.f32 v11, v51;
	v11 =	vadd.f32 v14, v12;
	v1 =	vadd.f32 v1, v6  }
0x1c6: {  	s0 =	sand.u32 $0xC00, s14;
	v9 =	vmul.f32 v47, v51;
	v3 =	vadd.f32 v27, v3;
	v4 =	vsub.f32 v4, v54  }
0x1c7: {  	v18 =	vld.idx.msk [tilespmem:v37+s19+$0x0], $0xffff;
	s13 =	sand.u32 $0x60, s1;
	s16 =	sor.u32 $0x19100, s0;
	v8 =	vmul.f32 v8, v51;
	v10 =	vadd.f32 v10, v11;
	v11 =	vmul.f32 v23, v51  }
0x1c8: {  	v17 =	vmul.f32 v61, v51;
	s2 =	sor.u32 s13, s16;
	v6 =	vld [tilespmem:$0x1FBC0];
	v3 =	vadd.f32 v9, v3;
	v4 =	vsub.f32 v4, v52  }
0x1c9: {  	[tilespmem:s2+$0x100] =	vst v1;
	v2 =	vadd.f32 v8, v2;
	v0 =	vadd.f32 v11, v0;
	v8 =	vld [tilespmem:$0x1FBD0];
	v11 =	vadd.s32 $0x380, v16  }
0x1ca: {  	v7 =	vadd.f32 v7, v25;
	[tilespmem:$0x1FB30] =	vst v11;
	v4 =	vsub.f32 v4, v17  }
0x1cb: {  	v5 =	vadd.f32 v29, v5;
	v9 =	vmul.f32 v13, v51;
	[tilespmem:s2+$0x200] =	vst v3  }
0x1cc: {  	v7 =	vadd.f32 v32, v7;
	[tilespmem:s2+$0x0] =	vst v4;
	v4 =	vld [tilespmem:$0x1FC30]  }
0x1cd: {  	v12 =	vmul.f32 v18, v51;
	v5 =	vadd.f32 v9, v5;
	v6 =	vshrl.u32 v6, $0x6;
	[tilespmem:s2+$0x80] =	vst v0  }
0x1ce: {  	v7 =	vadd.f32 v15, v7;
	v6 =	vand.u32 $0x40, v6;
	[tilespmem:s2+$0x180] =	vst v2;
	v8 =	vshrl.u32 v8, $0x6  }
0x1cf: {  	s26 =	simm.s32 $0x2;
	s6 =	sor.u32 s13, s14;
	v2 =	vadd.s32 $0x400, v16;
	v27 =	vor.u32 v11, v6;
	[tilespmem:s2+$0x280] =	vst v5;
	v9 =	vand.u32 $0x40, v8  }
0x1d0: {  	s5 =	simm.s32 $0x1;
	s24 =	sor.u32 s14, s1;
	s23 =	sor.u32 $0x300, s6;
	v7 =	vadd.f32 v12, v7;
	[tilespmem:$0x1FB60] =	vst v2;
	v17 =	vor.u32 s26, v27;
	v8 =	vld [tilespmem:$0x1FC10];
	v2 =	vor.u32 v2, v9  }
0x1d1: {  	s1 =	sor.u32 $0x380, s24;
	[tilespmem:s23+$0x19100] =	vst v10;
	v11 =	vor.u32 s5, v2;
	v4 =	vshrl.u32 v4, $0x6  }
0x1d2: {  	v3 =	vld [tilespmem:$0x1FBE0];
	[tilespmem:s1+$0x19100] =	vst v7;
	v7 =	vor.u32 s26, v2;
	v0 =	vand.u32 $0x40, v4;
	v4 =	vadd.s32 $0x680, v16  }
0x1d3: {  	[tilespmem:$0x1FB40] =	vst v4;
	v47 =	vor.u32 v4, v0;
	v0 =	vor.u32 s5, v27;
	v4 =	vld [tilespmem:$0x1FC00];
	_ =	sdelay $0x1  }
0x1d4: {  	s31 =	simm.s32 $0x0;
	v1 =	vadd.s32 $0x600, v16;
	v25 =	vld.idx.msk [tilespmem:v17+s19+$0x0], $0xffff;
	v8 =	vshrl.u32 v8, $0x6  }
0x1d5: {  	v6 =	vadd.s32 $0x580, v16;
	v59 =	vor.u32 s31, v2;
	v8 =	vand.u32 $0x40, v8;
	v11 =	vld.idx.msk [tilespmem:v11+s19+$0x0], $0xffff  }
0x1d6: {  	v3 =	vshrl.u32 v3, $0x6;
	v24 =	vor.u32 s31, v47;
	v8 =	vor.u32 v1, v8;
	v19 =	vld.idx.msk [tilespmem:v7+s19+$0x0], $0xffff  }
0x1d7: {  	v3 =	vand.u32 $0x40, v3;
	v5 =	vor.u32 s5, v8;
	v9 =	vshrl.u32 v4, $0x6;
	v13 =	vld.idx.msk [tilespmem:v0+s19+$0x0], $0xffff  }
0x1d8: {  	[tilespmem:$0x1FB50] =	vst v1;
	v1 =	vor.u32 s5, v47;
	v4 =	vadd.s32 $0x480, v16;
	v0 =	vld [tilespmem:$0x1FBF0];
	v9 =	vand.u32 $0x40, v9  }
0x1d9: {  	[tilespmem:$0x1FB70] =	vst v6;
	v56 =	vor.u32 s31, v8;
	v12 =	vor.u32 v4, v3;
	v10 =	vor.u32 v6, v9;
	v6 =	vld [tilespmem:$0x1FD20]  }
0x1da: {  	v44 =	vld.idx.msk [tilespmem:v59+s19+$0x0], $0xffff;
	v14 =	vor.u32 s26, v12  }
0x1db: {  	v63 =	vld.idx.msk [tilespmem:v24+s19+$0x0], $0xffff;
	v3 =	vor.u32 s26, v10  }
0x1dc: {  	v15 =	vld.idx.msk [tilespmem:v5+s19+$0x0], $0xffff;
	v5 =	vor.u32 s26, v47  }
0x1dd: {  	v1 =	vld.idx.msk [tilespmem:v1+s19+$0x0], $0xffff;
	v26 =	vor.u32 s5, v10  }
0x1de: {  	v42 =	vld.idx.msk [tilespmem:v56+s19+$0x0], $0xffff;
	v0 =	vshrl.u32 v0, $0x6;
	v9 =	vor.u32 s5, v6  }
0x1df: {  	[tilespmem:$0x1FB80] =	vst v4;
	v4 =	vadd.s32 $0x500, v16;
	v0 =	vand.u32 $0x40, v0;
	v20 =	vld.idx.msk [tilespmem:v14+s19+$0x0], $0xffff;
	v14 =	vor.u32 s5, v12  }
0x1e0: {  	v0 =	vor.u32 v4, v0;
	v18 =	vor.u32 s26, v6;
	v22 =	vld.idx.msk [tilespmem:v3+s19+$0x0], $0xffff  }
0x1e1: {  	v7 =	vor.u32 s26, v0;
	v23 =	vld.idx.msk [tilespmem:v5+s19+$0x0], $0xffff  }
0x1e2: {  	s29 =	simm.s32 $0x3;
	v3 =	vor.u32 s26, v8;
	v62 =	vld.idx.msk [tilespmem:v26+s19+$0x0], $0xffff  }
0x1e3: {  	v16 =	vld.idx.msk [tilespmem:v9+s15+$0x0], $0xffff;
	v9 =	vor.u32 s29, v27  }
0x1e4: {  	v40 =	vor.u32 s29, v12;
	v29 =	vld.idx.msk [tilespmem:v14+s19+$0x0], $0xffff  }
0x1e5: {  	v38 =	vimm.f32 $0.0e+00;
	v61 =	vor.u32 s31, v10;
	v57 =	vld.idx.msk [tilespmem:v18+s15+$0x0], $0xffff  }
0x1e6: {  	v34 =	vimm.f32 $0.0e+00;
	v39 =	vimm.f32 $0.0e+00;
	v17 =	vor.u32 s29, v6;
	v21 =	vld.idx.msk [tilespmem:v7+s19+$0x0], $0xffff  }
0x1e7: {  	v36 =	vor.u32 s29, v2;
	v30 =	vor.u32 s31, v12;
	v58 =	vor.u32 s31, v6;
	v31 =	vld.idx.msk [tilespmem:v3+s19+$0x0], $0xffff  }
0x1e8: {  	v3 =	vor.u32 s29, v0;
	v5 =	vld.idx.msk [tilespmem:v9+s19+$0x0], $0xffff;
	v9 =	vor.u32 s31, v27;
	v32 =	vmul.f32 v11, v16  }
0x1e9: {  	[tilespmem:$0x1FBA0] =	vst v27;
	v37 =	vld.idx.msk [tilespmem:v40+s19+$0x0], $0xffff;
	v18 =	vmul.f32 v13, v16;
	v27 =	vmul.f32 v1, v16;
	v1 =	vor.u32 s29, v47  }
0x1ea: {  	v45 =	vld.idx.msk [tilespmem:v61+s19+$0x0], $0xffff;
	v29 =	vmul.f32 v29, v16;
	v11 =	vmul.f32 v19, v57;
	v13 =	vor.u32 s29, v10  }
0x1eb: {  	v43 =	vor.u32 s5, v0;
	v14 =	vld.idx.msk [tilespmem:v17+s15+$0x0], $0xffff;
	v24 =	vmul.f32 v20, v57;
	v20 =	vmul.f32 v25, v57  }
0x1ec: {  	v17 =	vld.idx.msk [tilespmem:v58+s15+$0x0], $0xffff;
	v7 =	vor.u32 s31, v0;
	v35 =	vmul.f32 v62, v16;
	v15 =	vmul.f32 v15, v16  }
0x1ed: {  	v22 =	vmul.f32 v22, v57;
	v19 =	vimm.f32 $0.0e+00;
	v28 =	vld.idx.msk [tilespmem:v3+s19+$0x0], $0xffff;
	v33 =	vmul.f32 v21, v57  }
0x1ee: {  	v21 =	vor.u32 s29, v8;
	v3 =	vmul.f32 v23, v57;
	v26 =	vmul.f32 v31, v57;
	v31 =	vld.idx.msk [tilespmem:v1+s19+$0x0], $0xffff  }
0x1ef: {  	s1 =	simm.s32 $0x4;
	[tilespmem:$0x1FB90] =	vst v4;
	v23 =	vimm.f32 $0.0e+00;
	v1 =	vimm.f32 $0.0e+00;
	v25 =	vld.idx.msk [tilespmem:v13+s19+$0x0], $0xffff;
	v13 =	vimm.f32 $0.0e+00  }
.LBB2_5:
0x1f0: {  	v40 =	vld.idx.msk [tilespmem:v43+s19+$0x0], $0xffff  }
0x1f1: {  	v6 =	vld [tilespmem:$0x1FBA0]  }
0x1f2: {  	s5 =	sadd.s32 $0x1, s1;
	v36 =	vld.idx.msk [tilespmem:v36+s19+$0x0], $0xffff  }
0x1f3: {  	v9 =	vld.idx.msk [tilespmem:v9+s19+$0x0], $0xffff;
	v46 =	vor.u32 s5, v47  }
0x1f4: {  	s6 =	smov.u32 s1;
	v4 =	vmul.f32 v5, v14;
	v7 =	vld.idx.msk [tilespmem:v7+s19+$0x0], $0xffff;
	v48 =	vor.u32 s5, v8  }
0x1f5: {  	v53 =	vld.idx.msk [tilespmem:v30+s19+$0x0], $0xffff;
	v62 =	vor.u32 s5, v2;
	s2 =	sadd.s32 $0x2, s6  }
0x1f6: {  	[tilespmem:$0x1FB20] =	vst v4;
	v4 =	vld [tilespmem:$0x1FD20];
	v54 =	vor.u32 s2, v10  }
0x1f7: {  	v50 =	vor.u32 s2, v12;
	v5 =	vmul.f32 v45, v17;
	v45 =	vld.idx.msk [tilespmem:v21+s19+$0x0], $0xffff  }
0x1f8: {  	v28 =	vmul.f32 v28, v14;
	v59 =	vor.u32 s5, v10;
	v55 =	vor.u32 s2, v47;
	v46 =	vld.idx.msk [tilespmem:v46+s19+$0x0], $0xffff  }
0x1f9: {  	v30 =	vor.u32 s6, v12;
	v51 =	vor.u32 s2, v0;
	v41 =	vmul.f32 v42, v17;
	v48 =	vld.idx.msk [tilespmem:v48+s19+$0x0], $0xffff  }
0x1fa: {  	v52 =	vor.u32 s2, v8;
	v44 =	vmul.f32 v44, v17;
	v37 =	vmul.f32 v37, v14;
	v58 =	vld.idx.msk [tilespmem:v62+s19+$0x0], $0xffff  }
0x1fb: {  	s11 =	sadd.s32 $0x3, s6;
	v31 =	vmul.f32 v31, v14;
	v61 =	vor.u32 s5, v6;
	v49 =	vor.u32 s2, v6;
	v54 =	vld.idx.msk [tilespmem:v54+s19+$0x0], $0xffff  }
0x1fc: {  	v56 =	vor.u32 s11, v6;
	v57 =	vmul.f32 v36, v14;
	v36 =	vmul.f32 v40, v16;
	v50 =	vld.idx.msk [tilespmem:v50+s19+$0x0], $0xffff  }
0x1fd: {  	v40 =	vor.u32 s5, v12;
	v9 =	vmul.f32 v9, v17;
	v5 =	vadd.f32 v5, v34;
	v55 =	vld.idx.msk [tilespmem:v55+s19+$0x0], $0xffff  }
0x1fe: {  	v43 =	vmul.f32 v7, v17;
	v34 =	vor.u32 s2, v2;
	v1 =	vadd.f32 v44, v1;
	v51 =	vld.idx.msk [tilespmem:v51+s19+$0x0], $0xffff  }
0x1ff: {  	v44 =	vmul.f32 v63, v17;
	v62 =	vor.u32 s6, v47;
	v52 =	vld.idx.msk [tilespmem:v52+s19+$0x0], $0xffff;
	v35 =	vadd.f32 v35, v5  }
0x200: {  	v17 =	vmul.f32 v53, v17;
	v5 =	vadd.f32 v43, v19;
	v1 =	vadd.f32 v32, v1;
	v42 =	vld.idx.msk [tilespmem:v61+s19+$0x0], $0xffff  }
0x201: {  	v13 =	vadd.f32 v41, v13;
	v21 =	vor.u32 s5, v4;
	v23 =	vadd.f32 v9, v23;
	v49 =	vld.idx.msk [tilespmem:v49+s19+$0x0], $0xffff  }
0x202: {  	v60 =	vor.u32 s2, v4;
	v1 =	vadd.f32 v11, v1;
	v11 =	vadd.f32 v36, v5;
	v5 =	vld.idx.msk [tilespmem:v56+s19+$0x0], $0xffff  }
0x203: {  	v9 =	vor.u32 s6, v6;
	v6 =	vor.u32 s11, v0;
	v13 =	vadd.f32 v15, v13;
	v15 =	vld.idx.msk [tilespmem:v40+s19+$0x0], $0xffff  }
0x204: {  	v25 =	vmul.f32 v25, v14;
	v7 =	vor.u32 s6, v0;
	v19 =	vadd.f32 v44, v39;
	v34 =	vld.idx.msk [tilespmem:v34+s19+$0x0], $0xffff  }
0x205: {  	v53 =	vor.u32 s11, v10;
	v17 =	vadd.f32 v17, v38;
	v61 =	vor.u32 s11, v4;
	v63 =	vld.idx.msk [tilespmem:v62+s19+$0x0], $0xffff  }
0x206: {  	v4 =	vor.u32 s6, v4;
	v19 =	vadd.f32 v27, v19;
	v16 =	vld.idx.msk [tilespmem:v21+s15+$0x0], $0xffff;
	v11 =	vadd.f32 v33, v11  }
0x207: {  	v41 =	vor.u32 s11, v47;
	v44 =	vor.u32 s6, v8;
	v17 =	vadd.f32 v29, v17;
	v60 =	vld.idx.msk [tilespmem:v60+s15+$0x0], $0xffff  }
0x208: {  	v43 =	vor.u32 s5, v0;
	v3 =	vadd.f32 v3, v19;
	v19 =	vadd.f32 v28, v11;
	v28 =	vld.idx.msk [tilespmem:v6+s19+$0x0], $0xffff  }
0x209: {  	v56 =	vor.u32 s6, v10;
	v40 =	vor.u32 s11, v12;
	v17 =	vadd.f32 v24, v17;
	v6 =	vld.idx.msk [tilespmem:v59+s19+$0x0], $0xffff  }
0x20a: {  	v36 =	vor.u32 s11, v2;
	v39 =	vadd.f32 v31, v3;
	v3 =	vadd.f32 v18, v23;
	v33 =	vld.idx.msk [tilespmem:v61+s15+$0x0], $0xffff  }
0x20b: {  	v11 =	vadd.f32 v26, v13;
	v13 =	vmul.f32 v45, v14;
	v38 =	vadd.f32 v37, v17;
	v17 =	vld.idx.msk [tilespmem:v4+s15+$0x0], $0xffff  }
0x20c: {  	v61 =	vor.u32 s6, v2;
	v4 =	vld [tilespmem:$0x1FB20];
	v3 =	vadd.f32 v20, v3;
	v32 =	vmul.f32 v58, v16  }
0x20d: {  	p0 =	sne.s32 s1, $0x3C;
	v31 =	vld.idx.msk [tilespmem:v41+s19+$0x0], $0xffff;
	v13 =	vadd.f32 v13, v11;
	v18 =	vmul.f32 v42, v16;
	v27 =	vmul.f32 v46, v16  }
.Ltmp1:
0x20e: {  	v45 =	vld.idx.msk [tilespmem:v56+s19+$0x0], $0xffff;
	v20 =	vadd.f32 v22, v35;
	v29 =	vmul.f32 v15, v16;
	v11 =	vmul.f32 v34, v60;
	(pc) =	sbr.rel @p0 .LBB2_5-.Ltmp1, $4  }
0x20f: {  	v1 =	vadd.f32 v57, v1;
	v37 =	vld.idx.msk [tilespmem:v40+s19+$0x0], $0xffff;
	v24 =	vmul.f32 v50, v60;
	v26 =	vmul.f32 v52, v60  }
0x210: {  	v42 =	vld.idx.msk [tilespmem:v44+s19+$0x0], $0xffff;
	v15 =	vmul.f32 v48, v16;
	v22 =	vmul.f32 v54, v60;
	v34 =	vadd.f32 v25, v20  }
0x211: {  	v20 =	vmul.f32 v49, v60;
	v25 =	vld.idx.msk [tilespmem:v53+s19+$0x0], $0xffff;
	v35 =	vmul.f32 v6, v16;
	v23 =	vadd.f32 v4, v3  }
0x212: {  	s1 =	sadd.s32 $0x4, s1;
	v21 =	vor.u32 s11, v8;
	v14 =	vmovc v33;
	v44 =	vld.idx.msk [tilespmem:v61+s19+$0x0], $0xffff;
	v33 =	vmul.f32 v51, v60;
	v3 =	vmul.f32 v55, v60  }
0x213: {  	_ =	sdelay $0x3  }
0x214: {  	v0 =	vld.idx.msk [tilespmem:v43+s19+$0x0], $0xffff  }
0x215: {  	v2 =	vld.idx.msk [tilespmem:v9+s19+$0x0], $0xffff  }
0x216: {  	v4 =	vld.idx.msk [tilespmem:v7+s19+$0x0], $0xffff;
	v7 =	vmul.f32 v45, v17;
	_ =	sdelay $0x1  }
0x217: {  	v8 =	vld.idx.msk [tilespmem:v30+s19+$0x0], $0xffff;
	v7 =	vadd.f32 v7, v34;
	v9 =	vmul.f32 v42, v17  }
0x218: {  	v6 =	vmul.f32 v44, v17  }
0x219: {  	v7 =	vadd.f32 v35, v7;
	v9 =	vadd.f32 v9, v13;
	v0 =	vmul.f32 v0, v16  }
0x21a: {  	v2 =	vmul.f32 v2, v17;
	v4 =	vmul.f32 v4, v17;
	v1 =	vadd.f32 v6, v1  }
0x21b: {  	v6 =	vmul.f32 v63, v17;
	v9 =	vadd.f32 v15, v9;
	v7 =	vadd.f32 v22, v7  }
0x21c: {  	v8 =	vmul.f32 v8, v17;
	v2 =	vadd.f32 v2, v23;
	v4 =	vadd.f32 v4, v19  }
0x21d: {  	v10 =	vld.idx.msk [tilespmem:v36+s19+$0x0], $0xffff;
	v1 =	vadd.f32 v32, v1;
	v6 =	vadd.f32 v6, v39  }
0x21e: {  	v0 =	vadd.f32 v0, v4;
	v4 =	vadd.f32 v8, v38;
	v8 =	vld.idx.msk [tilespmem:v21+s19+$0x0], $0xffff  }
0x21f: {  	v2 =	vadd.f32 v18, v2;
	v6 =	vadd.f32 v27, v6  }
0x220: {  	v5 =	vmul.f32 v5, v14;
	v1 =	vadd.f32 v11, v1;
	v4 =	vadd.f32 v29, v4  }
0x221: {  	v11 =	vmul.f32 v28, v14;
	v0 =	vadd.f32 v33, v0;
	v3 =	vadd.f32 v3, v6  }
0x222: {  	v6 =	vmul.f32 v10, v14;
	v10 =	vmul.f32 v37, v14;
	v4 =	vadd.f32 v24, v4  }
0x223: {  	v11 =	vadd.f32 v11, v0;
	v0 =	vadd.f32 v26, v9;
	v8 =	vmul.f32 v8, v14  }
0x224: {  	v2 =	vadd.f32 v20, v2;
	v1 =	vadd.f32 v6, v1;
	v6 =	vmul.f32 v25, v14  }
0x225: {  	v4 =	vadd.f32 v10, v4;
	v10 =	vadd.f32 v8, v0  }
0x226: {  	v0 =	vadd.f32 v5, v2;
	v5 =	vadd.f32 v6, v7;
	v6 =	vld [tilespmem:$0x1FC70];
	_ =	sdelay $0x1  }
0x227: {  	v13 =	vld [tilespmem:$0x1FD00]  }
0x228: {  	v23 =	vld [tilespmem:$0x1FD20]  }
0x229: {  	s18 =	sadd.s32 $0x1A100, s0;
	v2 =	vld [tilespmem:$0x1FC40]  }
0x22a: {  	s20 =	sadd.s32 $0x1A180, s0;
	s1 =	sadd.s32 s13, s18;
	v8 =	vld [tilespmem:$0x1FCD0];
	v6 =	vshrl.u32 v6, $0x6  }
0x22b: {  	s2 =	sadd.s32 s13, s20;
	[tilespmem:s1+$0x0] =	vst v0;
	v7 =	vand.u32 $0x40, v6;
	v6 =	vld [tilespmem:$0x1FC90]  }
0x22c: {  	s21 =	sadd.s32 $0x1A200, s0;
	v0 =	vadd.s32 $0x700, v13;
	[tilespmem:s2+$0x0] =	vst v1  }
0x22d: {  	s31 =	simm.s32 $0x0;
	s5 =	sadd.s32 s13, s21;
	v9 =	vmul.f32 v31, v14;
	[tilespmem:$0x1FAC0] =	vst v0  }
0x22e: {  	s23 =	sadd.s32 $0x1A280, s0;
	v26 =	vor.u32 s31, v23;
	v1 =	vadd.s32 $0x880, v13;
	[tilespmem:s5+$0x0] =	vst v4  }
0x22f: {  	s24 =	sadd.s32 $0x1A300, s0;
	s6 =	sadd.s32 s13, s23;
	v3 =	vadd.f32 v9, v3;
	[tilespmem:$0x1FAD0] =	vst v1;
	v4 =	vadd.s32 $0x980, v13;
	v2 =	vshrl.u32 v2, $0x6  }
0x230: {  	s5 =	sadd.s32 s13, s24;
	v8 =	vshrl.u32 v8, $0x6;
	[tilespmem:s6+$0x0] =	vst v11;
	v2 =	vand.u32 $0x40, v2;
	v6 =	vshrl.u32 v6, $0x6  }
0x231: {  	s26 =	sadd.s32 $0x1A380, s0;
	s2 =	simm.s32 $0x1;
	v11 =	vadd.s32 $0x800, v13;
	[tilespmem:s5+$0x0] =	vst v5;
	v0 =	vor.u32 v0, v2;
	v6 =	vand.u32 $0x40, v6  }
0x232: {  	s11 =	sadd.s32 s13, s26;
	s6 =	simm.s32 $0x2;
	v8 =	vand.u32 $0x40, v8;
	[tilespmem:$0x1FAF0] =	vst v11;
	v2 =	vor.u32 v1, v6;
	v1 =	vor.u32 s2, v0  }
0x233: {  	s29 =	sadd.s32 $0x1A400, s0;
	[tilespmem:s11+$0x0] =	vst v10;
	v10 =	vld [tilespmem:$0x1FCB0];
	v6 =	vor.u32 v4, v8;
	v8 =	vor.u32 v11, v7;
	v11 =	vor.u32 s6, v0  }
0x234: {  	s22 =	sadd.s32 s13, s29;
	s1 =	simm.s32 $0x3;
	[tilespmem:$0x1FAE0] =	vst v4;
	v7 =	vld [tilespmem:$0x1FC60];
	v4 =	vor.u32 s2, v2  }
0x235: {  	[tilespmem:s22+$0x0] =	vst v3;
	v5 =	vor.u32 s1, v6  }
0x236: {  	v29 =	vld.idx.msk [tilespmem:v26+s15+$0x0], $0xffff;
	v9 =	vor.u32 s2, v8  }
0x237: {  	v3 =	vor.u32 s6, v6;
	v1 =	vld.idx.msk [tilespmem:v1+s19+$0x0], $0xffff  }
0x238: {  	v12 =	vadd.s32 $0x780, v13;
	v13 =	vadd.s32 $0x900, v13;
	v17 =	vor.u32 s31, v2;
	v11 =	vld.idx.msk [tilespmem:v11+s19+$0x0], $0xffff  }
0x239: {  	v10 =	vshrl.u32 v10, $0x6;
	v19 =	vor.u32 s6, v8;
	v7 =	vshrl.u32 v7, $0x6;
	v18 =	vld.idx.msk [tilespmem:v4+s19+$0x0], $0xffff  }
0x23a: {  	v10 =	vand.u32 $0x40, v10;
	v20 =	vor.u32 s2, v6;
	v7 =	vand.u32 $0x40, v7;
	v4 =	vld.idx.msk [tilespmem:v5+s19+$0x0], $0xffff  }
0x23b: {  	[tilespmem:$0x1FB00] =	vst v12;
	v14 =	vor.u32 v13, v10;
	v15 =	vld.idx.msk [tilespmem:v9+s19+$0x0], $0xffff;
	v12 =	vor.u32 v12, v7;
	v7 =	vor.u32 s2, v23  }
0x23c: {  	v5 =	vor.u32 s6, v14;
	v16 =	vld.idx.msk [tilespmem:v3+s19+$0x0], $0xffff  }
0x23d: {  	v9 =	vor.u32 s6, v23;
	v21 =	vld.idx.msk [tilespmem:v17+s19+$0x0], $0xffff  }
0x23e: {  	v62 =	vor.u32 s2, v14;
	v25 =	vld.idx.msk [tilespmem:v19+s19+$0x0], $0xffff  }
0x23f: {  	[tilespmem:$0x1FB10] =	vst v13;
	v28 =	vld.idx.msk [tilespmem:v20+s19+$0x0], $0xffff;
	v13 =	vor.u32 s2, v12  }
0x240: {  	v10 =	vld.idx.msk [tilespmem:v7+s15+$0x0], $0xffff;
	v7 =	vor.u32 s31, v14  }
0x241: {  	v22 =	vld.idx.msk [tilespmem:v5+s19+$0x0], $0xffff;
	v5 =	vor.u32 s6, v12  }
0x242: {  	v3 =	vld.idx.msk [tilespmem:v9+s15+$0x0], $0xffff;
	v9 =	vor.u32 s31, v8  }
0x243: {  	v34 =	vld.idx.msk [tilespmem:v62+s19+$0x0], $0xffff;
	v24 =	vor.u32 s31, v12  }
0x244: {  	v36 =	vimm.f32 $0.0e+00;
	v27 =	vimm.f32 $0.0e+00;
	v40 =	vor.u32 s1, v12;
	v13 =	vld.idx.msk [tilespmem:v13+s19+$0x0], $0xffff  }
0x245: {  	v31 =	vor.u32 s1, v23;
	v39 =	vor.u32 s1, v8;
	v32 =	vld.idx.msk [tilespmem:v7+s19+$0x0], $0xffff;
	v7 =	vor.u32 s1, v2  }
0x246: {  	v30 =	vor.u32 s1, v14;
	v19 =	vor.u32 s31, v6;
	v17 =	vor.u32 s31, v0;
	v63 =	vld.idx.msk [tilespmem:v5+s19+$0x0], $0xffff  }
0x247: {  	v23 =	vor.u32 s6, v2;
	v37 =	vld.idx.msk [tilespmem:v9+s19+$0x0], $0xffff;
	v16 =	vmul.f32 v16, v3;
	v9 =	vmul.f32 v1, v10  }
0x248: {  	v38 =	vld.idx.msk [tilespmem:v24+s19+$0x0], $0xffff;
	v24 =	vimm.f32 $0.0e+00;
	v20 =	vmul.f32 v15, v10;
	v15 =	vmul.f32 v11, v3  }
0x249: {  	v35 =	vld.idx.msk [tilespmem:v40+s19+$0x0], $0xffff;
	v1 =	vor.u32 s1, v0;
	v11 =	vmul.f32 v22, v3;
	v26 =	vmul.f32 v28, v10  }
0x24a: {  	v22 =	vmul.f32 v25, v3;
	v28 =	vimm.f32 $0.0e+00;
	v25 =	vimm.f32 $0.0e+00;
	v33 =	vld.idx.msk [tilespmem:v7+s19+$0x0], $0xffff  }
0x24b: {  	s1 =	simm.s32 $0x4;
	v5 =	vmul.f32 v13, v10;
	v13 =	vmul.f32 v63, v3;
	v7 =	vld.idx.msk [tilespmem:v31+s15+$0x0], $0xffff;
	v31 =	vimm.f32 $0.0e+00  }
.LBB2_7:
0x24c: {  	v41 =	vld.idx.msk [tilespmem:v30+s19+$0x0], $0xffff  }
0x24d: {  	s6 =	sadd.s32 $0x1, s1;
	v42 =	vld.idx.msk [tilespmem:v19+s19+$0x0], $0xffff  }
0x24e: {  	s2 =	smov.u32 s1;
	v23 =	vld.idx.msk [tilespmem:v23+s19+$0x0], $0xffff;
	v43 =	vor.u32 s6, v8  }
0x24f: {  	v57 =	vld [tilespmem:$0x1FD20];
	v62 =	vor.u32 s2, v14  }
0x250: {  	v39 =	vld.idx.msk [tilespmem:v39+s19+$0x0], $0xffff;
	v30 =	vor.u32 s6, v12;
	s5 =	sadd.s32 $0x3, s2;
	v56 =	vor.u32 s2, v8  }
0x251: {  	v49 =	vld.idx.msk [tilespmem:v17+s19+$0x0], $0xffff;
	v19 =	vor.u32 s6, v2;
	s11 =	sadd.s32 $0x2, s2;
	v55 =	vor.u32 s6, v6;
	v46 =	vor.u32 s5, v6  }
0x252: {  	v1 =	vld.idx.msk [tilespmem:v1+s19+$0x0], $0xffff;
	v61 =	vor.u32 s2, v2;
	v48 =	vor.u32 s11, v6;
	v32 =	vmul.f32 v32, v29  }
0x253: {  	v17 =	vor.u32 s2, v0;
	v47 =	vor.u32 s11, v0;
	v37 =	vmul.f32 v37, v29;
	v43 =	vld.idx.msk [tilespmem:v43+s19+$0x0], $0xffff  }
0x254: {  	v53 =	vor.u32 s11, v8;
	v54 =	vor.u32 s11, v14;
	v27 =	vadd.f32 v32, v27;
	v32 =	vld.idx.msk [tilespmem:v62+s19+$0x0], $0xffff  }
0x255: {  	v40 =	vmul.f32 v18, v10;
	v38 =	vmul.f32 v38, v29;
	v25 =	vadd.f32 v37, v25;
	v37 =	vld.idx.msk [tilespmem:v56+s19+$0x0], $0xffff  }
0x256: {  	v63 =	vor.u32 s11, v12;
	v51 =	vmul.f32 v33, v7;
	v33 =	vmul.f32 v4, v7;
	v4 =	vld.idx.msk [tilespmem:v46+s19+$0x0], $0xffff  }
0x257: {  	v18 =	vor.u32 s6, v0;
	v21 =	vmul.f32 v21, v29;
	v35 =	vmul.f32 v35, v7;
	v48 =	vld.idx.msk [tilespmem:v48+s19+$0x0], $0xffff  }
0x258: {  	v44 =	vor.u32 s6, v57;
	v46 =	vmul.f32 v23, v3;
	v3 =	vmul.f32 v49, v29;
	v47 =	vld.idx.msk [tilespmem:v47+s19+$0x0], $0xffff  }
0x259: {  	v45 =	vor.u32 s5, v57;
	v50 =	vor.u32 s11, v57;
	v57 =	vor.u32 s2, v57;
	v58 =	vld.idx.msk [tilespmem:v54+s19+$0x0], $0xffff  }
0x25a: {  	v36 =	vadd.f32 v21, v36;
	v21 =	vmul.f32 v34, v10;
	v59 =	vld.idx.msk [tilespmem:v53+s19+$0x0], $0xffff;
	v3 =	vadd.f32 v3, v24  }
0x25b: {  	v60 =	vmul.f32 v39, v7;
	v39 =	vor.u32 s5, v8;
	v29 =	vmul.f32 v42, v29;
	v63 =	vld.idx.msk [tilespmem:v63+s19+$0x0], $0xffff  }
0x25c: {  	v23 =	vor.u32 s11, v2;
	v21 =	vadd.f32 v21, v27;
	v52 =	vld.idx.msk [tilespmem:v18+s19+$0x0], $0xffff;
	v9 =	vadd.f32 v9, v3  }
0x25d: {  	v49 =	vor.u32 s6, v14;
	v18 =	vld.idx.msk [tilespmem:v19+s19+$0x0], $0xffff;
	v24 =	vadd.f32 v38, v31;
	v27 =	vadd.f32 v29, v28  }
0x25e: {  	v31 =	vld.idx.msk [tilespmem:v30+s19+$0x0], $0xffff;
	v11 =	vadd.f32 v11, v21;
	v9 =	vadd.f32 v15, v9;
	v15 =	vmul.f32 v1, v7  }
0x25f: {  	v19 =	vor.u32 s2, v6;
	v10 =	vld.idx.msk [tilespmem:v44+s15+$0x0], $0xffff;
	v5 =	vadd.f32 v5, v24;
	v26 =	vadd.f32 v26, v27  }
0x260: {  	v28 =	vor.u32 s2, v12;
	v21 =	vld.idx.msk [tilespmem:v61+s19+$0x0], $0xffff;
	v27 =	vadd.f32 v40, v36;
	v24 =	vadd.f32 v15, v9  }
0x261: {  	v3 =	vld.idx.msk [tilespmem:v50+s15+$0x0], $0xffff;
	v7 =	vmul.f32 v41, v7;
	v15 =	vadd.f32 v16, v26;
	v16 =	vadd.f32 v20, v25  }
0x262: {  	v61 =	vld.idx.msk [tilespmem:v55+s19+$0x0], $0xffff;
	v13 =	vadd.f32 v13, v5;
	v62 =	vadd.f32 v46, v27;
	v26 =	vor.u32 s5, v2  }
0x263: {  	p0 =	sne.s32 s1, $0x3C;
	v29 =	vld.idx.msk [tilespmem:v57+s15+$0x0], $0xffff;
	v27 =	vadd.f32 v7, v11;
	v7 =	vadd.f32 v22, v16;
	v22 =	vor.u32 s5, v12  }
.Ltmp2:
0x264: {  	v30 =	vor.u32 s5, v14;
	v34 =	vld.idx.msk [tilespmem:v49+s19+$0x0], $0xffff;
	v1 =	vor.u32 s5, v0;
	v5 =	vmul.f32 v31, v10;
	(pc) =	sbr.rel @p0 .LBB2_7-.Ltmp2, $4  }
0x265: {  	v38 =	vld.idx.msk [tilespmem:v28+s19+$0x0], $0xffff;
	v9 =	vmul.f32 v52, v10;
	v20 =	vmul.f32 v43, v10;
	v31 =	vadd.f32 v35, v13  }
0x266: {  	v11 =	vmul.f32 v58, v3;
	v13 =	vmul.f32 v63, v3;
	v25 =	vadd.f32 v60, v7;
	v7 =	vld.idx.msk [tilespmem:v45+s15+$0x0], $0xffff  }
0x267: {  	v16 =	vmul.f32 v48, v3;
	v28 =	vadd.f32 v33, v15;
	v15 =	vmul.f32 v47, v3;
	v33 =	vld.idx.msk [tilespmem:v26+s19+$0x0], $0xffff  }
0x268: {  	s1 =	sadd.s32 $0x4, s1;
	v36 =	vadd.f32 v51, v62;
	v26 =	vmul.f32 v61, v10;
	v35 =	vld.idx.msk [tilespmem:v22+s19+$0x0], $0xffff;
	v22 =	vmul.f32 v59, v3  }
0x269: {  	_ =	sdelay $0x3  }
0x26a: {  	v0 =	vld.idx.msk [tilespmem:v17+s19+$0x0], $0xffff;
	_ =	sdelay $0x2  }
0x26b: {  	v2 =	vld.idx.msk [tilespmem:v19+s19+$0x0], $0xffff;
	v6 =	vmul.f32 v32, v29  }
0x26c: {  	v8 =	vmul.f32 v21, v29;
	v51 =	vmul.f32 v34, v10  }
0x26d: {  	v12 =	vld.idx.msk [tilespmem:v23+s19+$0x0], $0xffff;
	v52 =	vmul.f32 v37, v29;
	v0 =	vmul.f32 v0, v29  }
0x26e: {  	v1 =	vld.idx.msk [tilespmem:v1+s19+$0x0], $0xffff;
	v14 =	vmul.f32 v38, v29;
	v6 =	vadd.f32 v6, v27;
	v8 =	vadd.f32 v8, v36  }
0x26f: {  	v54 =	vmul.f32 v18, v10;
	v55 =	vadd.f32 v52, v25;
	v0 =	vadd.f32 v0, v24  }
0x270: {  	v53 =	vld.idx.msk [tilespmem:v39+s19+$0x0], $0xffff;
	v14 =	vadd.f32 v14, v31;
	v6 =	vadd.f32 v51, v6;
	v2 =	vmul.f32 v2, v29  }
0x271: {  	v8 =	vadd.f32 v54, v8;
	v0 =	vadd.f32 v9, v0  }
0x272: {  	v56 =	vld.idx.msk [tilespmem:v30+s19+$0x0], $0xffff;
	v3 =	vmul.f32 v12, v3;
	v5 =	vadd.f32 v5, v14;
	v2 =	vadd.f32 v2, v28  }
0x273: {  	v1 =	vmul.f32 v1, v7;
	v9 =	vadd.f32 v20, v55;
	v0 =	vadd.f32 v15, v0  }
0x274: {  	v57 =	vmul.f32 v35, v7;
	v5 =	vadd.f32 v13, v5;
	v3 =	vadd.f32 v3, v8  }
0x275: {  	s31 =	sadd.s32 $0x1A480, s0;
	v58 =	vmul.f32 v53, v7;
	v59 =	vadd.f32 v22, v9;
	v0 =	vadd.f32 v1, v0  }
0x276: {  	s1 =	sadd.s32 $0x1B100, s0;
	s2 =	sadd.s32 s13, s31;
	v60 =	vmul.f32 v33, v7;
	v2 =	vadd.f32 v26, v2;
	v5 =	vadd.f32 v57, v5  }
0x277: {  	s11 =	sadd.s32 $0x1B180, s0;
	p0 =	seq.s32 s4, $0xF;
	s5 =	sadd.s32 s13, s1;
	v61 =	vmul.f32 v56, v7;
	v6 =	vadd.f32 v11, v6;
	v1 =	vadd.f32 v58, v59;
	[tilespmem:s2+$0x0] =	vst v0  }
.Ltmp3:
0x278: {  	s6 =	sadd.s32 s13, s11;
	v62 =	vmul.f32 v4, v7;
	v3 =	vadd.f32 v60, v3;
	v2 =	vadd.f32 v16, v2;
	[tilespmem:s5+$0x0] =	vst v5;
	s5 =	sadd.s32 $0x1B200, s0;
	(pc) =	sbr.rel @p0 .LBB2_10-.Ltmp3, $4  }
0x279: {  	v63 =	vadd.f32 v61, v6;
	[tilespmem:s6+$0x0] =	vst v1;
	s22 =	sadd.s32 s13, s5;
	s6 =	sadd.s32 $0x1B280, s0  }
0x27a: {  	v0 =	vadd.f32 v62, v2;
	s0 =	sadd.s32 $0x1B300, s0;
	[tilespmem:s22+$0x0] =	vst v3;
	s22 =	sadd.s32 s13, s6  }
0x27b: {  	[tilespmem:s22+$0x0] =	vst v63;
	s22 =	sadd.s32 s13, s0  }
0x27c: {  	[tilespmem:s22+$0x0] =	vst v0  }
0x27d: {  	s2 =	sadd.s32 $0x2, s25  }
0x27e: {  	s13 =	sshll.u32 s2, $0x4  }
0x27f: {  	v0 =	vld [tilespmem:s13+$0x0];
	_ =	sdelay $0x4  }
0x280: {  	v1 =	vshra.s32 v0, $0x1  }
0x281: {  	v0 =	vand.u32 $0xFFF, v0;
	v1 =	vand.u32 $0xFFFFF000, v1  }
0x282: {  	v0 =	vor.u32 v0, v1  }
0x283: {  	[tilespmem:$0x2C00] =	vst v0  }
0x284: {  	v0 =	vld [tilespmem:s13+$0x200];
	_ =	sdelay $0x4  }
0x285: {  	v43 =	vshra.s32 v0, $0x1  }
0x286: {  	s2 =	smul.u32 $0x500, s2;
	v0 =	vand.u32 $0xFFF, v0;
	v1 =	vand.u32 $0xFFFFF000, v43  }
0x287: {  	v0 =	vor.u32 v0, v1  }
0x288: {  	s22 =	sshra.s32 s2, $0x2;
	[tilespmem:$0x2C80] =	vst v0  }
0x289: {  	v0 =	vld [tilespmem:s22+$0x400];
	_ =	sdelay $0x4  }
0x28a: {  	v44 =	vshra.s32 v0, $0x1  }
0x28b: {  	v0 =	vand.u32 $0xFFF, v0;
	v1 =	vand.u32 $0xFFFFF000, v44  }
0x28c: {  	v0 =	vor.u32 v0, v1  }
0x28d: {  	[tilespmem:$0x2D00] =	vst v0  }
0x28e: {  	v0 =	vld [tilespmem:s22+$0x410];
	_ =	sdelay $0x4  }
0x28f: {  	v45 =	vshra.s32 v0, $0x1  }
0x290: {  	v0 =	vand.u32 $0xFFF, v0;
	v1 =	vand.u32 $0xFFFFF000, v45  }
0x291: {  	v0 =	vor.u32 v0, v1  }
0x292: {  	[tilespmem:$0x2D10] =	vst v0  }
0x293: {  	v0 =	vld [tilespmem:s22+$0x420];
	_ =	sdelay $0x4  }
0x294: {  	v46 =	vshra.s32 v0, $0x1  }
0x295: {  	v0 =	vand.u32 $0xFFF, v0;
	v1 =	vand.u32 $0xFFFFF000, v46  }
0x296: {  	v0 =	vor.u32 v0, v1  }
0x297: {  	[tilespmem:$0x2D20] =	vst v0  }
0x298: {  	v0 =	vld [tilespmem:s22+$0x430];
	_ =	sdelay $0x4  }
0x299: {  	v47 =	vshra.s32 v0, $0x1  }
0x29a: {  	v0 =	vand.u32 $0xFFF, v0;
	v1 =	vand.u32 $0xFFFFF000, v47  }
0x29b: {  	v0 =	vor.u32 v0, v1  }
0x29c: {  	[tilespmem:$0x2D30] =	vst v0  }
0x29d: {  	v0 =	vld [tilespmem:s22+$0x440];
	_ =	sdelay $0x4  }
0x29e: {  	v48 =	vshra.s32 v0, $0x1  }
0x29f: {  	v0 =	vand.u32 $0xFFF, v0;
	v1 =	vand.u32 $0xFFFFF000, v48  }
0x2a0: {  	v0 =	vor.u32 v0, v1  }
0x2a1: {  	[tilespmem:$0x2D40] =	vst v0  }
0x2a2: {  	v0 =	vld [tilespmem:s22+$0x450];
	_ =	sdelay $0x4  }
0x2a3: {  	v49 =	vshra.s32 v0, $0x1  }
0x2a4: {  	v0 =	vand.u32 $0xFFF, v0;
	v1 =	vand.u32 $0xFFFFF000, v49  }
0x2a5: {  	v0 =	vor.u32 v0, v1  }
0x2a6: {  	[tilespmem:$0x2D50] =	vst v0  }
0x2a7: {  	v0 =	vld [tilespmem:s22+$0x460];
	_ =	sdelay $0x4  }
0x2a8: {  	v50 =	vshra.s32 v0, $0x1  }
0x2a9: {  	v0 =	vand.u32 $0xFFF, v0;
	v1 =	vand.u32 $0xFFFFF000, v50  }
0x2aa: {  	v0 =	vor.u32 v0, v1  }
0x2ab: {  	[tilespmem:$0x2D60] =	vst v0  }
0x2ac: {  	v0 =	vld [tilespmem:s22+$0x470];
	_ =	sdelay $0x4  }
0x2ad: {  	v51 =	vshra.s32 v0, $0x1  }
0x2ae: {  	v0 =	vand.u32 $0xFFF, v0;
	v1 =	vand.u32 $0xFFFFF000, v51  }
0x2af: {  	v0 =	vor.u32 v0, v1  }
0x2b0: {  	[tilespmem:$0x2D70] =	vst v0  }
0x2b1: {  	v0 =	vld [tilespmem:s22+$0x480];
	_ =	sdelay $0x4  }
0x2b2: {  	v52 =	vshra.s32 v0, $0x1  }
0x2b3: {  	v0 =	vand.u32 $0xFFF, v0;
	v1 =	vand.u32 $0xFFFFF000, v52  }
0x2b4: {  	v0 =	vor.u32 v0, v1  }
0x2b5: {  	[tilespmem:$0x2D80] =	vst v0  }
0x2b6: {  	v0 =	vld [tilespmem:s22+$0x490];
	_ =	sdelay $0x4  }
0x2b7: {  	v53 =	vshra.s32 v0, $0x1  }
0x2b8: {  	v0 =	vand.u32 $0xFFF, v0;
	v1 =	vand.u32 $0xFFFFF000, v53  }
0x2b9: {  	v0 =	vor.u32 v0, v1  }
0x2ba: {  	[tilespmem:$0x2D90] =	vst v0  }
0x2bb: {  	v0 =	vld [tilespmem:s22+$0x4A0];
	_ =	sdelay $0x4  }
0x2bc: {  	v54 =	vshra.s32 v0, $0x1  }
0x2bd: {  	v0 =	vand.u32 $0xFFF, v0;
	v1 =	vand.u32 $0xFFFFF000, v54  }
0x2be: {  	v0 =	vor.u32 v0, v1  }
0x2bf: {  	[tilespmem:$0x2DA0] =	vst v0  }
0x2c0: {  	v0 =	vld [tilespmem:s22+$0x4B0];
	_ =	sdelay $0x4  }
0x2c1: {  	v55 =	vshra.s32 v0, $0x1  }
0x2c2: {  	v0 =	vand.u32 $0xFFF, v0;
	v1 =	vand.u32 $0xFFFFF000, v55  }
0x2c3: {  	v0 =	vor.u32 v0, v1  }
0x2c4: {  	[tilespmem:$0x2DB0] =	vst v0  }
0x2c5: {  	v0 =	vld [tilespmem:s22+$0x4C0];
	_ =	sdelay $0x4  }
0x2c6: {  	v56 =	vshra.s32 v0, $0x1  }
0x2c7: {  	v0 =	vand.u32 $0xFFF, v0;
	v1 =	vand.u32 $0xFFFFF000, v56  }
0x2c8: {  	v0 =	vor.u32 v0, v1  }
0x2c9: {  	[tilespmem:$0x2DC0] =	vst v0  }
0x2ca: {  	v0 =	vld [tilespmem:s22+$0x4D0];
	_ =	sdelay $0x4  }
0x2cb: {  	v57 =	vshra.s32 v0, $0x1  }
0x2cc: {  	v0 =	vand.u32 $0xFFF, v0;
	v1 =	vand.u32 $0xFFFFF000, v57  }
0x2cd: {  	v0 =	vor.u32 v0, v1  }
0x2ce: {  	[tilespmem:$0x2DD0] =	vst v0  }
0x2cf: {  	v0 =	vld [tilespmem:s22+$0x4E0];
	_ =	sdelay $0x4  }
0x2d0: {  	v58 =	vshra.s32 v0, $0x1  }
0x2d1: {  	v0 =	vand.u32 $0xFFF, v0;
	v1 =	vand.u32 $0xFFFFF000, v58  }
0x2d2: {  	v0 =	vor.u32 v0, v1  }
0x2d3: {  	[tilespmem:$0x2DE0] =	vst v0  }
0x2d4: {  	v0 =	vld [tilespmem:s22+$0x4F0];
	_ =	sdelay $0x4  }
0x2d5: {  	v59 =	vshra.s32 v0, $0x1  }
0x2d6: {  	v0 =	vand.u32 $0xFFF, v0;
	v1 =	vand.u32 $0xFFFFF000, v59  }
0x2d7: {  	v0 =	vor.u32 v0, v1  }
0x2d8: {  	[tilespmem:$0x2DF0] =	vst v0  }
0x2d9: {  	v0 =	vld [tilespmem:s22+$0x500];
	_ =	sdelay $0x4  }
0x2da: {  	v60 =	vshra.s32 v0, $0x1  }
0x2db: {  	v0 =	vand.u32 $0xFFF, v0;
	v1 =	vand.u32 $0xFFFFF000, v60  }
0x2dc: {  	v0 =	vor.u32 v0, v1  }
0x2dd: {  	[tilespmem:$0x2E00] =	vst v0  }
0x2de: {  	v0 =	vld [tilespmem:s22+$0x510];
	_ =	sdelay $0x4  }
0x2df: {  	v61 =	vshra.s32 v0, $0x1  }
0x2e0: {  	v0 =	vand.u32 $0xFFF, v0;
	v1 =	vand.u32 $0xFFFFF000, v61  }
0x2e1: {  	v0 =	vor.u32 v0, v1  }
0x2e2: {  	[tilespmem:$0x2E10] =	vst v0  }
0x2e3: {  	v0 =	vld [tilespmem:s22+$0x520];
	_ =	sdelay $0x4  }
0x2e4: {  	v62 =	vshra.s32 v0, $0x1  }
0x2e5: {  	v0 =	vand.u32 $0xFFF, v0;
	v1 =	vand.u32 $0xFFFFF000, v62  }
0x2e6: {  	v0 =	vor.u32 v0, v1  }
0x2e7: {  	[tilespmem:$0x2E20] =	vst v0  }
0x2e8: {  	v0 =	vld [tilespmem:s22+$0x530];
	_ =	sdelay $0x4  }
0x2e9: {  	v63 =	vshra.s32 v0, $0x1  }
0x2ea: {  	v0 =	vand.u32 $0xFFF, v0;
	v1 =	vand.u32 $0xFFFFF000, v63  }
0x2eb: {  	v0 =	vor.u32 v0, v1  }
0x2ec: {  	s25 =	rddreg [dreg:$0x3];
	s13 =	simm.s32 $0x10;
	s22 =	simm.s32 $0x2C00;
	[tilespmem:$0x2E30] =	vst v0  }
0x2ed: {  	[tilespmem:s15], [sflag:$0x1] =	stream.indirect.gather [hbm4b:s25+s13], $0x80, s22, s13, $0xb8;
	[tilespmem:$0x1C100] =	vst v63  }
0x2ee: {  	s2 =	rddreg [dreg:$0x4];
	s25 =	simm.s32 $0x2C80  }
0x2ef: {  	[tilespmem:s17], [sflag:$0x1] =	stream.indirect.gather [hbm4b:s2+s13], $0x80, s25, s13, $0xb8;
	[tilespmem:$0x1C100] =	vst v63  }
0x2f0: {  	s22 =	simm.s32 $0x2D00;
	s25 =	simm.s32 $0x80  }
0x2f1: {  	[tilespmem:s19], [sflag:$0x1] =	stream.indirect.gather [hbm4b:s2+s25], $0x80, s22, s25, $0xb8;
	[tilespmem:$0x1C100] =	vst v63  }
0x2f2: {  	s13 =	simm.s32 $0x2D80;
	s22 =	simm.s32 $0x8100  }
0x2f3: {  	[tilespmem:s22], [sflag:$0x1] =	stream.indirect.gather [hbm4b:s2+s25], $0x80, s13, s25, $0xb8;
	[tilespmem:$0x1C100] =	vst v63  }
0x2f4: {  	s13 =	simm.s32 $0x2E00;
	s22 =	simm.s32 $0xC100;
	s25 =	simm.s32 $0x40  }
0x2f5: {  	[tilespmem:s22], [sflag:$0x1] =	stream.indirect.gather [hbm4b:s2+s25], $0x80, s13, s25, $0xb8;
	[tilespmem:$0x1C100] =	vst v63  }
.LBB2_10:
0x2f6: {  	_ =	swait.ge [sflag:s8], $0x800  }
0x2f7: {  	[sflag:s8] =	ssyncset.done $0x0  }
0x2f8: {  	[sflag:s8] =	ssyncadd.s32 $0xFFFFF800  }
0x2f9: {  	_ =	swait.ge [sflag:s8], $0x800  }
0x2fa: {  	[sflag:s8] =	ssyncset.done $0x0  }
0x2fb: {  	[sflag:s8] =	ssyncadd.s32 $0xFFFFF800  }
0x2fc: {  	_ =	swait.ge [sflag:s8], $0x4000  }
0x2fd: {  	[sflag:s8] =	ssyncset.done $0x0  }
0x2fe: {  	[sflag:s8] =	ssyncadd.s32 $0xFFFFC000  }
0x2ff: {  	_ =	swait.ge [sflag:s8], $0x4000  }
0x300: {  	[sflag:s8] =	ssyncset.done $0x0  }
0x301: {  	[sflag:s8] =	ssyncadd.s32 $0xFFFFC000  }
0x302: {  	_ =	swait.ge [sflag:s8], $0x2000  }
0x303: {  	v2 =	vld [tilespmem:$0x1FDC0];
	_ =	sdelay $0x4  }
0x304: {  	v2 =	vadd.s32 s9, v2;
	_ =	sdelay $0x2  }
0x305: {  	[sflag:s8] =	ssyncset.done $0x0  }
0x306: {  	v4 =	vld [tilespmem:$0x1FDE0];
	[sflag:s8] =	ssyncadd.s32 $0xFFFFE000  }
0x307: {  	v9 =	vld.idx.msk [tilespmem:v2+s12+$0x0], $0xffff  }
0x308: {  	v2 =	vld [tilespmem:$0x1FE60];
	_ =	sdelay $0x2  }
0x309: {  	v4 =	vadd.s32 s9, v4;
	_ =	sdelay $0x1  }
0x30a: {  	v2 =	vadd.s32 s9, v2;
	_ =	sdelay $0x1  }
0x30b: {  	v6 =	vld [tilespmem:$0x1FE00]  }
0x30c: {  	v11 =	vld.idx.msk [tilespmem:v4+s12+$0x0], $0xffff  }
0x30d: {  	v4 =	vld [tilespmem:$0x1FE80]  }
0x30e: {  	v2 =	vld.idx.msk [tilespmem:v2+s12+$0x0], $0xffff;
	_ =	sdelay $0x2  }
0x30f: {  	v6 =	vadd.s32 s9, v6;
	_ =	sdelay $0x1  }
0x310: {  	v4 =	vadd.s32 s9, v4;
	[tilespmem:$0x1F970] =	vst v2;
	v2 =	vld [tilespmem:$0x1FF00];
	_ =	sdelay $0x1  }
0x311: {  	v8 =	vld [tilespmem:$0x1FE40]  }
0x312: {  	v12 =	vld.idx.msk [tilespmem:v6+s12+$0x0], $0xffff  }
0x313: {  	v6 =	vld [tilespmem:$0x1FEA0]  }
0x314: {  	v16 =	vadd.s32 s9, v2;
	v2 =	vld.idx.msk [tilespmem:v4+s12+$0x0], $0xffff;
	_ =	sdelay $0x2  }
0x315: {  	v8 =	vadd.s32 s9, v8;
	_ =	sdelay $0x1  }
0x316: {  	v6 =	vadd.s32 s9, v6;
	[tilespmem:$0x1F980] =	vst v2;
	v2 =	vld [tilespmem:$0x1FF30]  }
0x317: {  	v0 =	vld [tilespmem:$0x1FFC0];
	_ =	sdelay $0x1  }
0x318: {  	v15 =	vld.idx.msk [tilespmem:v8+s12+$0x0], $0xffff  }
0x319: {  	v8 =	vld [tilespmem:$0x1FEE0]  }
0x31a: {  	v17 =	vadd.s32 s9, v2;
	v2 =	vld.idx.msk [tilespmem:v6+s12+$0x0], $0xffff  }
0x31b: {  	v0 =	vadd.s32 s9, v0;
	_ =	sdelay $0x3  }
0x31c: {  	v14 =	vadd.s32 s9, v8;
	[tilespmem:$0x1F990] =	vst v2;
	v2 =	vld [tilespmem:$0x1FF60]  }
0x31d: {  	v7 =	vld.idx.msk [tilespmem:v0+s12+$0x0], $0xffff  }
0x31e: {  	v0 =	vld [tilespmem:$0x1FE20];
	_ =	sdelay $0x2  }
0x31f: {  	v18 =	vadd.s32 s9, v2;
	v2 =	vld.idx.msk [tilespmem:v14+s12+$0x0], $0xffff;
	_ =	sdelay $0x1  }
0x320: {  	v0 =	vadd.s32 s9, v0;
	_ =	sdelay $0x2  }
0x321: {  	[tilespmem:$0x1F9B0] =	vst v2;
	v2 =	vld [tilespmem:$0x1FFA0];
	_ =	sdelay $0x1  }
0x322: {  	v13 =	vld.idx.msk [tilespmem:v0+s12+$0x0], $0xffff  }
0x323: {  	v0 =	vld [tilespmem:$0x1FEC0];
	_ =	sdelay $0x1  }
0x324: {  	v19 =	vadd.s32 s9, v2;
	v2 =	vld.idx.msk [tilespmem:v16+s12+$0x0], $0xffff;
	_ =	sdelay $0x2  }
0x325: {  	v0 =	vadd.s32 s9, v0;
	_ =	sdelay $0x1  }
0x326: {  	[tilespmem:$0x1F9C0] =	vst v2;
	v2 =	vld [tilespmem:$0x1FFB0];
	_ =	sdelay $0x2  }
0x327: {  	v0 =	vld.idx.msk [tilespmem:v0+s12+$0x0], $0xffff;
	_ =	sdelay $0x1  }
0x328: {  	v20 =	vadd.s32 s9, v2;
	v2 =	vld.idx.msk [tilespmem:v17+s12+$0x0], $0xffff;
	_ =	sdelay $0x2  }
0x329: {  	[tilespmem:$0x1F9A0] =	vst v0;
	v0 =	vld [tilespmem:$0x1FF90];
	_ =	sdelay $0x1  }
0x32a: {  	[tilespmem:$0x1F9D0] =	vst v2;
	v2 =	vld [tilespmem:$0x1FFD0];
	_ =	sdelay $0x2  }
0x32b: {  	v0 =	vadd.s32 s9, v0;
	_ =	sdelay $0x1  }
0x32c: {  	v17 =	vadd.s32 s9, v2;
	v2 =	vld.idx.msk [tilespmem:v18+s12+$0x0], $0xffff;
	_ =	sdelay $0x2  }
0x32d: {  	v0 =	vld.idx.msk [tilespmem:v0+s12+$0x0], $0xffff;
	_ =	sdelay $0x1  }
0x32e: {  	[tilespmem:$0x1F9E0] =	vst v2;
	v2 =	vld [tilespmem:$0x1FC20]  }
0x32f: {  	v3 =	vld [tilespmem:s10+$0x0]  }
0x330: {  	v5 =	vld [tilespmem:s10+$0x200]  }
0x331: {  	[tilespmem:$0x1F9F0] =	vst v0;
	v0 =	vld [tilespmem:$0x1FC80]  }
0x332: {  	v4 =	vld.idx.msk [tilespmem:v19+s12+$0x0], $0xffff  }
0x333: {  	v21 =	vadd.s32 s9, v2;
	v2 =	vld [tilespmem:$0x1FC50];
	_ =	sdelay $0x2  }
0x334: {  	v3 =	vshrl.u32 v3, $0x6;
	v5 =	vshrl.u32 v5, $0x6;
	v14 =	vshrl.u32 v12, $0x6  }
0x335: {  	v3 =	vand.u32 $0x40, v3;
	v5 =	vand.u32 $0x40, v5;
	v16 =	vand.u32 $0x40, v14;
	[tilespmem:$0x1FA00] =	vst v4  }
0x336: {  	v4 =	vor.u32 v0, v5;
	v8 =	vor.u32 v2, v16;
	v2 =	vor.u32 v0, v3;
	v0 =	vld.idx.msk [tilespmem:v20+s12+$0x0], $0xffff;
	_ =	sdelay $0x4  }
0x337: {  	[tilespmem:$0x1FA10] =	vst v0;
	v0 =	vld [tilespmem:$0x1FCA0];
	_ =	sdelay $0x2  }
0x338: {  	v15 =	vshrl.u32 v15, $0x6  }
0x339: {  	v15 =	vand.u32 $0x40, v15  }
0x33a: {  	v10 =	vor.u32 v0, v15;
	v0 =	vld.idx.msk [tilespmem:v17+s12+$0x0], $0xffff;
	_ =	sdelay $0x2  }
0x33b: {  	v1 =	vld [tilespmem:$0x1FDA0];
	_ =	sdelay $0x1  }
0x33c: {  	[tilespmem:$0x1FA20] =	vst v0;
	v0 =	vld [tilespmem:$0x1FCC0];
	_ =	sdelay $0x2  }
0x33d: {  	v1 =	vadd.s32 s9, v1;
	v9 =	vshrl.u32 v9, $0x6  }
0x33e: {  	v9 =	vand.u32 $0x40, v9  }
0x33f: {  	v12 =	vor.u32 v0, v9;
	v0 =	vld.idx.msk [tilespmem:v21+s12+$0x0], $0xffff  }
0x340: {  	s22 =	simm.s32 $0x2  }
0x341: {  	s2 =	simm.s32 $0x3;
	v26 =	vor.u32 s22, v4  }
0x342: {  	s13 =	simm.s32 $0x1;
	v1 =	vld.idx.msk [tilespmem:v1+s12+$0x0], $0xffff;
	v60 =	vor.u32 s2, v4  }
0x343: {  	v3 =	vor.u32 s13, v8  }
0x344: {  	[tilespmem:$0x1FA30] =	vst v0;
	v0 =	vld [tilespmem:$0x1FCE0]  }
0x345: {  	v23 =	vor.u32 s22, v8  }
0x346: {  	s25 =	simm.s32 $0x0;
	v26 =	vld.idx.msk [tilespmem:v26+s30+$0x0], $0xffff;
	v15 =	vor.u32 s13, v4  }
0x347: {  	v1 =	vshrl.u32 v1, $0x6;
	v60 =	vld.idx.msk [tilespmem:v60+s30+$0x0], $0xffff;
	v49 =	vor.u32 s25, v10  }
0x348: {  	v1 =	vand.u32 $0x40, v1;
	v5 =	vor.u32 s13, v2;
	v3 =	vld.idx.msk [tilespmem:v3+s3+$0x0], $0xffff  }
0x349: {  	v6 =	vor.u32 v0, v1;
	v0 =	vld [tilespmem:$0x1FD00]  }
0x34a: {  	v23 =	vld.idx.msk [tilespmem:v23+s3+$0x0], $0xffff;
	v9 =	vor.u32 s13, v10  }
0x34b: {  	v15 =	vld.idx.msk [tilespmem:v15+s30+$0x0], $0xffff;
	v17 =	vor.u32 s13, v12  }
0x34c: {  	v7 =	vshrl.u32 v7, $0x6;
	v61 =	vld.idx.msk [tilespmem:v49+s3+$0x0], $0xffff;
	v27 =	vor.u32 s22, v12  }
0x34d: {  	v7 =	vand.u32 $0x40, v7;
	v21 =	vld.idx.msk [tilespmem:v5+s28+$0x0], $0xffff;
	v25 =	vor.u32 s22, v6  }
0x34e: {  	v14 =	vor.u32 v0, v7;
	v0 =	vld [tilespmem:$0x1FCF0]  }
0x34f: {  	v9 =	vld.idx.msk [tilespmem:v9+s3+$0x0], $0xffff;
	v1 =	vor.u32 s22, v2  }
0x350: {  	v11 =	vshrl.u32 v11, $0x6;
	v17 =	vld.idx.msk [tilespmem:v17+s3+$0x0], $0xffff;
	v7 =	vor.u32 s13, v6  }
0x351: {  	v5 =	vand.u32 $0x40, v11;
	v35 =	vld.idx.msk [tilespmem:v27+s3+$0x0], $0xffff;
	v11 =	vor.u32 s13, v14  }
0x352: {  	v30 =	vld.idx.msk [tilespmem:v25+s3+$0x0], $0xffff;
	v25 =	vor.u32 s25, v6  }
0x353: {  	v38 =	vor.u32 s25, v14;
	v16 =	vor.u32 v0, v5;
	v0 =	vld [tilespmem:$0x1FD10]  }
0x354: {  	v40 =	vld.idx.msk [tilespmem:v1+s28+$0x0], $0xffff;
	v5 =	vor.u32 s2, v2  }
0x355: {  	v1 =	vshrl.u32 v13, $0x6;
	v7 =	vld.idx.msk [tilespmem:v7+s3+$0x0], $0xffff;
	v13 =	vor.u32 s22, v16  }
0x356: {  	v34 =	vor.u32 s25, v2;
	v11 =	vld.idx.msk [tilespmem:v11+s3+$0x0], $0xffff  }
0x357: {  	v1 =	vand.u32 $0x40, v1;
	v19 =	vor.u32 s13, v16;
	v55 =	vld.idx.msk [tilespmem:v25+s3+$0x0], $0xffff  }
0x358: {  	v59 =	vld.idx.msk [tilespmem:v38+s3+$0x0], $0xffff;
	v48 =	vor.u32 v0, v1;
	v1 =	vor.u32 s22, v14  }
0x359: {  	v47 =	vld.idx.msk [tilespmem:v5+s28+$0x0], $0xffff;
	v5 =	vor.u32 s13, v48  }
0x35a: {  	v50 =	vimm.f32 $0.0e+00;
	v54 =	vor.u32 s22, v10;
	v28 =	vld.idx.msk [tilespmem:v13+s3+$0x0], $0xffff;
	v13 =	vor.u32 s25, v12  }
0x35b: {  	v52 =	vor.u32 s2, v10;
	v25 =	vmul.f32 v7, v21;
	v7 =	vld.idx.msk [tilespmem:v34+s28+$0x0], $0xffff;
	v36 =	vor.u32 s25, v48  }
0x35c: {  	v33 =	vmul.f32 v23, v40;
	v23 =	vor.u32 s2, v14;
	v53 =	vor.u32 s2, v16;
	v19 =	vld.idx.msk [tilespmem:v19+s3+$0x0], $0xffff  }
0x35d: {  	v26 =	vmul.f32 v26, v40;
	v56 =	vor.u32 s25, v16;
	v38 =	vmul.f32 v9, v21;
	v29 =	vld.idx.msk [tilespmem:v1+s3+$0x0], $0xffff  }
0x35e: {  	v9 =	vmul.f32 v3, v21;
	v3 =	vmul.f32 v35, v40;
	v31 =	vld.idx.msk [tilespmem:v5+s3+$0x0], $0xffff;
	v5 =	vor.u32 s25, v8  }
0x35f: {  	[tilespmem:$0x1FA60] =	vst v4;
	v35 =	vimm.f32 $0.0e+00;
	v34 =	vor.u32 s2, v12;
	v1 =	vor.u32 s2, v8;
	v37 =	vld.idx.msk [tilespmem:v13+s3+$0x0], $0xffff  }
0x360: {  	[tilespmem:$0x1FA40] =	vst v8;
	v32 =	vor.u32 s22, v48;
	v45 =	vor.u32 s2, v48;
	v49 =	vmul.f32 v11, v21;
	v57 =	vld.idx.msk [tilespmem:v36+s3+$0x0], $0xffff  }
0x361: {  	[tilespmem:$0x1FA50] =	vst v2;
	v58 =	vld.idx.msk [tilespmem:v53+s3+$0x0], $0xffff;
	v53 =	vimm.f32 $0.0e+00;
	v27 =	vmul.f32 v19, v21;
	v19 =	vmul.f32 v30, v40  }
0x362: {  	[tilespmem:$0x1FAB0] =	vst v10;
	v56 =	vld.idx.msk [tilespmem:v56+s3+$0x0], $0xffff;
	v11 =	vimm.f32 $0.0e+00;
	v30 =	vmul.f32 v28, v40;
	v39 =	vmul.f32 v29, v40  }
0x363: {  	[tilespmem:$0x1FAA0] =	vst v12;
	v13 =	vor.u32 s25, v4;
	v29 =	vmul.f32 v15, v21;
	v51 =	vld.idx.msk [tilespmem:v5+s3+$0x0], $0xffff;
	v5 =	vmul.f32 v17, v21  }
0x364: {  	[tilespmem:$0x1FA90] =	vst v6;
	v36 =	vor.u32 s2, v6;
	v1 =	vld.idx.msk [tilespmem:v1+s3+$0x0], $0xffff;
	v15 =	vmul.f32 v31, v21;
	v21 =	vmul.f32 v37, v7  }
0x365: {  	[tilespmem:$0x1FA80] =	vst v14;
	v28 =	vimm.f32 $0.0e+00;
	v17 =	vld.idx.msk [tilespmem:v45+s3+$0x0], $0xffff;
	v45 =	vmul.f32 v55, v7;
	v57 =	vmul.f32 v57, v7  }
0x366: {  	s9 =	sand.u32 $0x70, s10;
	s10 =	simm.s32 $0x4;
	[tilespmem:$0x1FA70] =	vst v16;
	v55 =	vimm.f32 $0.0e+00;
	v31 =	vld.idx.msk [tilespmem:v23+s3+$0x0], $0xffff;
	v23 =	vimm.f32 $0.0e+00;
	v37 =	vimm.f32 $0.0e+00  }
.LBB2_11:
0x367: {  	v18 =	vld [tilespmem:$0x1FA40]  }
0x368: {  	v22 =	vld [tilespmem:$0x1FAB0]  }
0x369: {  	v13 =	vld.idx.msk [tilespmem:v13+s30+$0x0], $0xffff  }
0x36a: {  	v16 =	vld [tilespmem:$0x1FA50]  }
0x36b: {  	v20 =	vld [tilespmem:$0x1FA60]  }
0x36c: {  	v36 =	vld.idx.msk [tilespmem:v36+s3+$0x0], $0xffff  }
0x36d: {  	v42 =	vld [tilespmem:$0x1FA80]  }
0x36e: {  	v6 =	vld [tilespmem:$0x1FAA0]  }
0x36f: {  	s2 =	sadd.s32 $0x1, s10;
	v54 =	vld.idx.msk [tilespmem:v54+s3+$0x0], $0xffff  }
0x370: {  	v0 =	vmul.f32 v1, v47;
	v1 =	vld.idx.msk [tilespmem:v32+s3+$0x0], $0xffff;
	v32 =	vor.u32 s2, v18  }
0x371: {  	v24 =	vld [tilespmem:$0x1FA90];
	v62 =	vor.u32 s2, v16  }
0x372: {  	v44 =	vld [tilespmem:$0x1FA70];
	v63 =	vor.u32 s2, v20  }
0x373: {  	s25 =	smov.u32 s10;
	v34 =	vld.idx.msk [tilespmem:v34+s3+$0x0], $0xffff;
	v41 =	vor.u32 s2, v22  }
0x374: {  	v52 =	vld.idx.msk [tilespmem:v52+s3+$0x0], $0xffff;
	s13 =	sadd.s32 $0x2, s25;
	v59 =	vmul.f32 v59, v7;
	v43 =	vor.u32 s2, v6  }
0x375: {  	v51 =	vmul.f32 v51, v7;
	v50 =	vadd.f32 v21, v50;
	v4 =	vor.u32 s13, v16;
	v21 =	vld.idx.msk [tilespmem:v32+s3+$0x0], $0xffff  }
0x376: {  	s22 =	sadd.s32 $0x3, s25;
	v2 =	vor.u32 s2, v24;
	v53 =	vadd.f32 v59, v53;
	v59 =	vmul.f32 v31, v47;
	v31 =	vld.idx.msk [tilespmem:v62+s28+$0x0], $0xffff  }
0x377: {  	v45 =	vadd.f32 v45, v55;
	v28 =	vadd.f32 v57, v28;
	v46 =	vor.u32 s22, v16;
	v62 =	vld.idx.msk [tilespmem:v63+s30+$0x0], $0xffff  }
0x378: {  	v12 =	vor.u32 s22, v48;
	v37 =	vadd.f32 v51, v37;
	v55 =	vor.u32 s2, v44;
	v41 =	vld.idx.msk [tilespmem:v41+s3+$0x0], $0xffff  }
0x379: {  	v51 =	vor.u32 s2, v48;
	v25 =	vadd.f32 v25, v45;
	v8 =	vor.u32 s13, v18;
	v43 =	vld.idx.msk [tilespmem:v43+s3+$0x0], $0xffff  }
0x37a: {  	v45 =	vor.u32 s13, v44;
	v54 =	vmul.f32 v54, v40;
	v1 =	vmul.f32 v1, v40;
	v40 =	vld.idx.msk [tilespmem:v4+s28+$0x0], $0xffff  }
0x37b: {  	v5 =	vadd.f32 v5, v50;
	v57 =	vor.u32 s13, v42;
	v49 =	vadd.f32 v49, v53;
	v2 =	vld.idx.msk [tilespmem:v2+s3+$0x0], $0xffff  }
0x37c: {  	v15 =	vadd.f32 v15, v28;
	v10 =	vmul.f32 v36, v47;
	v19 =	vadd.f32 v19, v25;
	v36 =	vld.idx.msk [tilespmem:v46+s28+$0x0], $0xffff  }
0x37d: {  	v25 =	vor.u32 s13, v6;
	v39 =	vadd.f32 v39, v49;
	v49 =	vmul.f32 v52, v47;
	v52 =	vld.idx.msk [tilespmem:v55+s3+$0x0], $0xffff  }
0x37e: {  	v9 =	vadd.f32 v9, v37;
	v50 =	vmul.f32 v34, v47;
	v34 =	vor.u32 s25, v24;
	v8 =	vld.idx.msk [tilespmem:v8+s3+$0x0], $0xffff  }
0x37f: {  	v61 =	vmul.f32 v61, v7;
	v56 =	vmul.f32 v56, v7;
	v37 =	vor.u32 s25, v18;
	v45 =	vld.idx.msk [tilespmem:v45+s3+$0x0], $0xffff  }
0x380: {  	v7 =	vmul.f32 v13, v7;
	[tilespmem:$0x1F960] =	vst v0;
	v0 =	vor.u32 s2, v42;
	v9 =	vadd.f32 v33, v9;
	v33 =	vld.idx.msk [tilespmem:v57+s3+$0x0], $0xffff  }
0x381: {  	v14 =	vor.u32 s22, v44;
	v23 =	vadd.f32 v56, v23;
	v56 =	vor.u32 s25, v16;
	v57 =	vld.idx.msk [tilespmem:v51+s3+$0x0], $0xffff  }
0x382: {  	v3 =	vadd.f32 v3, v5;
	v7 =	vsub.f32 v11, v7;
	v11 =	vor.u32 s22, v18;
	v18 =	vld.idx.msk [tilespmem:v25+s3+$0x0], $0xffff  }
0x383: {  	v53 =	vor.u32 s25, v6;
	v5 =	vadd.f32 v27, v23;
	v46 =	vor.u32 s25, v44;
	v44 =	vld.idx.msk [tilespmem:v34+s3+$0x0], $0xffff  }
0x384: {  	v60 =	vmul.f32 v60, v47;
	v35 =	vadd.f32 v61, v35;
	v7 =	vsub.f32 v7, v29;
	v51 =	vld.idx.msk [tilespmem:v37+s3+$0x0], $0xffff  }
0x385: {  	v58 =	vmul.f32 v58, v47;
	v17 =	vmul.f32 v17, v47;
	v5 =	vadd.f32 v30, v5;
	v0 =	vld.idx.msk [tilespmem:v0+s3+$0x0], $0xffff  }
0x386: {  	v28 =	vadd.f32 v38, v35;
	v63 =	vor.u32 s13, v24;
	v26 =	vsub.f32 v7, v26;
	v7 =	vld.idx.msk [tilespmem:v56+s28+$0x0], $0xffff  }
0x387: {  	v38 =	vor.u32 s25, v42;
	v1 =	vadd.f32 v1, v15;
	v23 =	vadd.f32 v58, v5;
	v58 =	vld.idx.msk [tilespmem:v14+s3+$0x0], $0xffff  }
0x388: {  	v16 =	vor.u32 s22, v42;
	v4 =	vor.u32 s13, v20;
	v15 =	vadd.f32 v54, v28;
	v42 =	vld.idx.msk [tilespmem:v53+s3+$0x0], $0xffff  }
0x389: {  	v28 =	vadd.f32 v17, v1;
	v17 =	vor.u32 s25, v48;
	v25 =	vmul.f32 v2, v31;
	v2 =	vld [tilespmem:$0x1F960]  }
0x38a: {  	v13 =	vor.u32 s25, v20;
	v50 =	vadd.f32 v50, v3;
	v32 =	vor.u32 s13, v48;
	v1 =	vld.idx.msk [tilespmem:v11+s3+$0x0], $0xffff  }
0x38b: {  	v34 =	vor.u32 s22, v6;
	v61 =	vld.idx.msk [tilespmem:v63+s3+$0x0], $0xffff;
	v63 =	vor.u32 s22, v20;
	v20 =	vor.u32 s25, v22  }
0x38c: {  	v53 =	vadd.f32 v59, v39;
	v59 =	vld.idx.msk [tilespmem:v38+s3+$0x0], $0xffff;
	v27 =	vmul.f32 v52, v31;
	v39 =	vmul.f32 v33, v40  }
0x38d: {  	v55 =	vadd.f32 v10, v19;
	v4 =	vld.idx.msk [tilespmem:v4+s30+$0x0], $0xffff;
	v33 =	vmul.f32 v8, v40;
	v29 =	vmul.f32 v62, v31  }
0x38e: {  	p0 =	sne.s32 s10, $0x3C;
	v5 =	vmul.f32 v43, v31;
	v30 =	vmul.f32 v45, v40;
	v37 =	vadd.f32 v2, v9;
	v2 =	vld.idx.msk [tilespmem:v17+s3+$0x0], $0xffff  }
.Ltmp4:
0x38f: {  	v35 =	vadd.f32 v49, v15;
	v38 =	vmul.f32 v41, v31;
	v15 =	vmul.f32 v57, v31;
	v56 =	vld.idx.msk [tilespmem:v46+s3+$0x0], $0xffff;
	(pc) =	sbr.rel @p0 .LBB2_11-.Ltmp4, $4  }
0x390: {  	v54 =	vor.u32 s13, v22;
	v3 =	vmul.f32 v18, v40;
	v19 =	vmul.f32 v61, v40;
	v61 =	vld.idx.msk [tilespmem:v20+s3+$0x0], $0xffff  }
0x391: {  	v11 =	vsub.f32 v26, v60;
	v49 =	vmul.f32 v0, v31;
	v45 =	vmul.f32 v44, v7;
	v17 =	vld.idx.msk [tilespmem:v12+s3+$0x0], $0xffff  }
0x392: {  	v47 =	vmovc v36;
	v36 =	vor.u32 s22, v24;
	v26 =	vmul.f32 v4, v40;
	v9 =	vmul.f32 v21, v31;
	v60 =	vld.idx.msk [tilespmem:v63+s30+$0x0], $0xffff  }
0x393: {  	s10 =	sadd.s32 $0x4, s10;
	v52 =	vor.u32 s22, v22;
	v21 =	vmul.f32 v42, v7;
	v31 =	vld.idx.msk [tilespmem:v16+s3+$0x0], $0xffff;
	v57 =	vmul.f32 v2, v7  }
0x394: {  	_ =	sdelay $0x3  }
0x395: {  	v4 =	vld.idx.msk [tilespmem:v13+s30+$0x0], $0xffff  }
0x396: {  	v10 =	vmul.f32 v51, v7  }
0x397: {  	v0 =	vmul.f32 v59, v7;
	v6 =	vadd.f32 v45, v55  }
0x398: {  	v2 =	vadd.f32 v21, v50;
	v10 =	vadd.f32 v10, v37  }
0x399: {  	v12 =	vmul.f32 v56, v7;
	v13 =	vadd.f32 v57, v28;
	v0 =	vadd.f32 v0, v53  }
0x39a: {  	v2 =	vadd.f32 v5, v2;
	v5 =	vadd.f32 v9, v10;
	v4 =	vmul.f32 v4, v7  }
0x39b: {  	v14 =	vld.idx.msk [tilespmem:v32+s3+$0x0], $0xffff;
	v8 =	vmul.f32 v61, v7;
	v6 =	vadd.f32 v25, v6;
	v12 =	vadd.f32 v12, v23  }
0x39c: {  	v1 =	vmul.f32 v1, v47;
	v9 =	vld.idx.msk [tilespmem:v36+s3+$0x0], $0xffff;
	v5 =	vadd.f32 v33, v5;
	v4 =	vsub.f32 v11, v4  }
0x39d: {  	v16 =	vld.idx.msk [tilespmem:v54+s3+$0x0], $0xffff;
	v8 =	vadd.f32 v8, v35;
	v13 =	vadd.f32 v15, v13  }
0x39e: {  	v1 =	vadd.f32 v1, v5;
	v5 =	vld [tilespmem:$0x1F970];
	v4 =	vsub.f32 v4, v29  }
0x39f: {  	v0 =	vadd.f32 v49, v0;
	v6 =	vadd.f32 v19, v6;
	v7 =	vmul.f32 v60, v47;
	v11 =	vld.idx.msk [tilespmem:v34+s3+$0x0], $0xffff  }
0x3a0: {  	v14 =	vmul.f32 v14, v40;
	v8 =	vadd.f32 v38, v8;
	v4 =	vsub.f32 v4, v26  }
0x3a1: {  	v2 =	vadd.f32 v3, v2;
	v0 =	vadd.f32 v39, v0;
	v9 =	vmul.f32 v9, v47  }
0x3a2: {  	v16 =	vmul.f32 v16, v40;
	v3 =	vadd.f32 v14, v13;
	v4 =	vsub.f32 v4, v7  }
0x3a3: {  	s2 =	sadd.s32 s9, s16;
	v15 =	vld.idx.msk [tilespmem:v52+s3+$0x0], $0xffff;
	v13 =	vmul.f32 v31, v47;
	v6 =	vadd.f32 v9, v6;
	v5 =	vshrl.u32 v5, $0x6  }
0x3a4: {  	v14 =	vadd.f32 v16, v8;
	v8 =	vmul.f32 v11, v47;
	[tilespmem:s2+$0x0] =	vst v4;
	v4 =	vand.u32 $0x40, v5;
	v5 =	vld [tilespmem:$0x1F980]  }
0x3a5: {  	v0 =	vadd.f32 v13, v0;
	[tilespmem:s2+$0x100] =	vst v6;
	v6 =	vld [tilespmem:$0x1FB30]  }
0x3a6: {  	v12 =	vadd.f32 v27, v12;
	v2 =	vadd.f32 v8, v2;
	v8 =	vld [tilespmem:$0x1F9D0]  }
0x3a7: {  	[tilespmem:s2+$0x80] =	vst v0;
	v0 =	vld [tilespmem:$0x1F9C0]  }
0x3a8: {  	v10 =	vmul.f32 v58, v47;
	v12 =	vadd.f32 v30, v12;
	[tilespmem:s2+$0x180] =	vst v2;
	v2 =	vld [tilespmem:$0x1FB40]  }
0x3a9: {  	v5 =	vshrl.u32 v5, $0x6  }
0x3aa: {  	v11 =	vadd.f32 v10, v12;
	v12 =	vor.u32 v6, v4;
	v4 =	vand.u32 $0x40, v5;
	v5 =	vld [tilespmem:$0x1FB50]  }
0x3ab: {  	[tilespmem:s2+$0x280] =	vst v1;
	v1 =	vld [tilespmem:$0x1FB60];
	v8 =	vshrl.u32 v8, $0x6  }
0x3ac: {  	s10 =	simm.s32 $0x1;
	v17 =	vmul.f32 v17, v47;
	v10 =	vld [tilespmem:$0x1FA50];
	v7 =	vmul.f32 v15, v47;
	v9 =	vand.u32 $0x40, v8  }
0x3ad: {  	v0 =	vshrl.u32 v0, $0x6;
	v58 =	vor.u32 v2, v9;
	v2 =	vor.u32 s10, v12  }
0x3ae: {  	s13 =	sor.u32 s14, s9;
	s16 =	simm.s32 $0x2;
	v3 =	vadd.f32 v17, v3;
	v0 =	vand.u32 $0x40, v0;
	v6 =	vld [tilespmem:$0x1F990]  }
0x3af: {  	s25 =	sor.u32 $0x300, s13;
	[tilespmem:s2+$0x200] =	vst v11;
	v8 =	vld [tilespmem:$0x1FB90];
	v15 =	vor.u32 s16, v58;
	v41 =	vor.u32 v5, v0;
	v5 =	vadd.f32 v7, v14  }
0x3b0: {  	s14 =	sor.u32 $0x380, s13;
	[tilespmem:s25+$0x19100] =	vst v3;
	v16 =	vor.u32 s16, v12;
	v14 =	vor.u32 v1, v4;
	v4 =	vld [tilespmem:$0x1F9B0]  }
0x3b1: {  	v20 =	vor.u32 s16, v10;
	s25 =	simm.s32 $0x0;
	v7 =	vld [tilespmem:$0x1FB70];
	[tilespmem:s14+$0x19100] =	vst v5  }
0x3b2: {  	v61 =	vor.u32 s25, v10;
	v11 =	vld.idx.msk [tilespmem:v2+s3+$0x0], $0xffff  }
0x3b3: {  	v0 =	vor.u32 s10, v58;
	v2 =	vld [tilespmem:$0x1FB80]  }
0x3b4: {  	v1 =	vor.u32 s10, v41;
	v15 =	vld.idx.msk [tilespmem:v15+s3+$0x0], $0xffff  }
0x3b5: {  	v3 =	vor.u32 s10, v14;
	v22 =	vld.idx.msk [tilespmem:v16+s3+$0x0], $0xffff  }
0x3b6: {  	v59 =	vld.idx.msk [tilespmem:v20+s28+$0x0], $0xffff  }
0x3b7: {  	v31 =	vor.u32 s25, v41;
	v40 =	vld.idx.msk [tilespmem:v61+s28+$0x0], $0xffff  }
0x3b8: {  	v62 =	vor.u32 s25, v14;
	v4 =	vshrl.u32 v4, $0x6;
	v0 =	vld.idx.msk [tilespmem:v0+s3+$0x0], $0xffff  }
0x3b9: {  	v6 =	vshrl.u32 v6, $0x6;
	v5 =	vor.u32 s16, v14;
	v4 =	vand.u32 $0x40, v4;
	v1 =	vld.idx.msk [tilespmem:v1+s3+$0x0], $0xffff  }
0x3ba: {  	v6 =	vand.u32 $0x40, v6;
	v3 =	vld.idx.msk [tilespmem:v3+s3+$0x0], $0xffff;
	v4 =	vor.u32 v7, v4;
	v7 =	vor.u32 s10, v10  }
0x3bb: {  	v6 =	vor.u32 v2, v6;
	v9 =	vor.u32 s16, v4;
	v2 =	vld [tilespmem:$0x1F9A0]  }
0x3bc: {  	v47 =	vld.idx.msk [tilespmem:v31+s3+$0x0], $0xffff;
	v19 =	vor.u32 s10, v6  }
0x3bd: {  	v24 =	vor.u32 s25, v58;
	v48 =	vld.idx.msk [tilespmem:v62+s3+$0x0], $0xffff  }
0x3be: {  	s22 =	simm.s32 $0x3;
	v17 =	vld.idx.msk [tilespmem:v5+s3+$0x0], $0xffff;
	v25 =	vor.u32 s10, v4  }
0x3bf: {  	v16 =	vor.u32 s22, v10;
	v18 =	vld.idx.msk [tilespmem:v7+s28+$0x0], $0xffff  }
0x3c0: {  	v13 =	vor.u32 s16, v6;
	v2 =	vshrl.u32 v2, $0x6;
	v21 =	vld.idx.msk [tilespmem:v9+s3+$0x0], $0xffff  }
0x3c1: {  	v9 =	vor.u32 s16, v41;
	v2 =	vand.u32 $0x40, v2;
	v30 =	vld.idx.msk [tilespmem:v19+s3+$0x0], $0xffff  }
0x3c2: {  	v19 =	vld.idx.msk [tilespmem:v24+s3+$0x0], $0xffff;
	v24 =	vor.u32 s25, v4;
	v60 =	vor.u32 v8, v2  }
0x3c3: {  	v35 =	vimm.f32 $0.0e+00;
	v25 =	vld.idx.msk [tilespmem:v25+s3+$0x0], $0xffff;
	v5 =	vor.u32 s16, v60  }
0x3c4: {  	v39 =	vimm.f32 $0.0e+00;
	v36 =	vor.u32 s22, v14;
	v16 =	vld.idx.msk [tilespmem:v16+s28+$0x0], $0xffff;
	v7 =	vor.u32 s22, v12  }
0x3c5: {  	v22 =	vmul.f32 v22, v59;
	v32 =	vor.u32 s25, v6;
	v13 =	vld.idx.msk [tilespmem:v13+s3+$0x0], $0xffff;
	v26 =	vor.u32 s22, v60  }
0x3c6: {  	v63 =	vor.u32 s22, v6;
	v33 =	vor.u32 s25, v60;
	v46 =	vor.u32 s10, v60;
	v27 =	vld.idx.msk [tilespmem:v9+s3+$0x0], $0xffff  }
0x3c7: {  	v20 =	vmul.f32 v11, v18;
	v11 =	vmul.f32 v17, v59;
	v17 =	vor.u32 s22, v4;
	v49 =	vld.idx.msk [tilespmem:v24+s3+$0x0], $0xffff  }
0x3c8: {  	[tilespmem:$0x1F900] =	vst v12;
	v29 =	vmul.f32 v0, v18;
	v0 =	vor.u32 s22, v58;
	v37 =	vmul.f32 v25, v18;
	v23 =	vld.idx.msk [tilespmem:v5+s3+$0x0], $0xffff  }
0x3c9: {  	[tilespmem:$0x1F920] =	vst v58;
	v9 =	vor.u32 s25, v12;
	v30 =	vmul.f32 v30, v18;
	v24 =	vmul.f32 v21, v59;
	v5 =	vld.idx.msk [tilespmem:v7+s3+$0x0], $0xffff  }
0x3ca: {  	[tilespmem:$0x1F940] =	vst v41;
	v25 =	vimm.f32 $0.0e+00;
	v7 =	vmul.f32 v3, v18;
	v28 =	vld.idx.msk [tilespmem:v26+s3+$0x0], $0xffff;
	v26 =	vmul.f32 v13, v59  }
0x3cb: {  	[tilespmem:$0x1F950] =	vst v14;
	v44 =	vld.idx.msk [tilespmem:v63+s3+$0x0], $0xffff;
	v21 =	vimm.f32 $0.0e+00;
	v3 =	vmul.f32 v15, v59;
	v15 =	vmul.f32 v1, v18  }
0x3cc: {  	[tilespmem:$0x1F930] =	vst v4;
	v1 =	vimm.f32 $0.0e+00;
	v13 =	vimm.f32 $0.0e+00;
	v31 =	vld.idx.msk [tilespmem:v17+s3+$0x0], $0xffff;
	v17 =	vimm.f32 $0.0e+00  }
0x3cd: {  	[tilespmem:$0x1F910] =	vst v6;
	s10 =	simm.s32 $0x4;
	v34 =	vld.idx.msk [tilespmem:v0+s3+$0x0], $0xffff;
	v27 =	vmul.f32 v27, v59;
	v38 =	vmul.f32 v23, v59;
	v23 =	vor.u32 s22, v41  }
.LBB2_13:
0x3ce: {  	v0 =	vld.idx.msk [tilespmem:v46+s3+$0x0], $0xffff  }
0x3cf: {  	v10 =	vld [tilespmem:$0x1F900]  }
0x3d0: {  	v4 =	vld [tilespmem:$0x1F950]  }
0x3d1: {  	v36 =	vld.idx.msk [tilespmem:v36+s3+$0x0], $0xffff  }
0x3d2: {  	v12 =	vld [tilespmem:$0x1F920]  }
0x3d3: {  	v8 =	vld [tilespmem:$0x1FA50]  }
0x3d4: {  	s14 =	smov.u32 s10;
	v14 =	vld [tilespmem:$0x1F940]  }
0x3d5: {  	v9 =	vld.idx.msk [tilespmem:v9+s3+$0x0], $0xffff;
	s2 =	sadd.s32 $0x2, s14  }
0x3d6: {  	s13 =	sadd.s32 $0x1, s10;
	v2 =	vld [tilespmem:$0x1F910];
	v52 =	vor.u32 s2, v60  }
0x3d7: {  	v6 =	vld [tilespmem:$0x1F930];
	v42 =	vor.u32 s13, v10  }
0x3d8: {  	v33 =	vld.idx.msk [tilespmem:v33+s3+$0x0], $0xffff;
	v61 =	vor.u32 s13, v12  }
0x3d9: {  	v54 =	vld.idx.msk [tilespmem:v32+s3+$0x0], $0xffff;
	v62 =	vor.u32 s13, v14  }
0x3da: {  	v28 =	vmul.f32 v28, v16;
	v41 =	vmul.f32 v47, v40;
	v47 =	vld.idx.msk [tilespmem:v23+s3+$0x0], $0xffff;
	v43 =	vor.u32 s13, v4  }
0x3db: {  	v45 =	vmul.f32 v48, v40;
	v48 =	vmul.f32 v5, v16;
	v63 =	vor.u32 s2, v4;
	v52 =	vld.idx.msk [tilespmem:v52+s3+$0x0], $0xffff  }
0x3dc: {  	v5 =	vmul.f32 v49, v40;
	v44 =	vmul.f32 v44, v16;
	v55 =	vor.u32 s2, v6;
	v42 =	vld.idx.msk [tilespmem:v42+s3+$0x0], $0xffff  }
0x3dd: {  	v34 =	vmul.f32 v34, v16;
	v19 =	vmul.f32 v19, v40;
	v51 =	vor.u32 s2, v2;
	v58 =	vld.idx.msk [tilespmem:v61+s3+$0x0], $0xffff  }
0x3de: {  	v31 =	vmul.f32 v31, v16;
	v56 =	vor.u32 s2, v12;
	v0 =	vmul.f32 v0, v18;
	v18 =	vld.idx.msk [tilespmem:v62+s3+$0x0], $0xffff  }
0x3df: {  	s16 =	sadd.s32 $0x3, s14;
	v23 =	vor.u32 s13, v8;
	v50 =	vor.u32 s2, v10;
	v53 =	vor.u32 s2, v14;
	v43 =	vld.idx.msk [tilespmem:v43+s3+$0x0], $0xffff  }
0x3e0: {  	v57 =	vor.u32 s16, v10;
	v59 =	vmul.f32 v36, v16;
	v5 =	vadd.f32 v5, v35;
	v35 =	vld.idx.msk [tilespmem:v63+s3+$0x0], $0xffff  }
0x3e1: {  	v36 =	vor.u32 s13, v2;
	v46 =	vmul.f32 v33, v40;
	v1 =	vadd.f32 v45, v1;
	v55 =	vld.idx.msk [tilespmem:v55+s3+$0x0], $0xffff  }
0x3e2: {  	v49 =	vor.u32 s2, v8;
	v13 =	vadd.f32 v19, v13;
	v17 =	vadd.f32 v41, v17;
	v51 =	vld.idx.msk [tilespmem:v51+s3+$0x0], $0xffff  }
0x3e3: {  	v9 =	vmul.f32 v9, v40;
	v37 =	vadd.f32 v37, v5;
	v5 =	vadd.f32 v46, v21;
	v56 =	vld.idx.msk [tilespmem:v56+s3+$0x0], $0xffff  }
0x3e4: {  	v41 =	vor.u32 s16, v12;
	v1 =	vadd.f32 v7, v1;
	v7 =	vmul.f32 v54, v40;
	v50 =	vld.idx.msk [tilespmem:v50+s3+$0x0], $0xffff  }
0x3e5: {  	v32 =	vor.u32 s14, v2;
	v13 =	vadd.f32 v29, v13;
	v0 =	vadd.f32 v0, v5;
	v5 =	vld.idx.msk [tilespmem:v57+s3+$0x0], $0xffff  }
0x3e6: {  	v33 =	vor.u32 s14, v60;
	v61 =	vor.u32 s16, v8;
	v7 =	vadd.f32 v7, v39;
	v53 =	vld.idx.msk [tilespmem:v53+s3+$0x0], $0xffff  }
0x3e7: {  	v45 =	vor.u32 s13, v6;
	v62 =	vor.u32 s14, v12;
	v3 =	vadd.f32 v3, v13;
	v12 =	vld.idx.msk [tilespmem:v49+s28+$0x0], $0xffff  }
0x3e8: {  	v63 =	vor.u32 s14, v8;
	v8 =	vor.u32 s16, v60;
	v7 =	vadd.f32 v30, v7;
	v30 =	vld.idx.msk [tilespmem:v36+s3+$0x0], $0xffff  }
0x3e9: {  	v1 =	vadd.f32 v11, v1;
	v11 =	vor.u32 s14, v14;
	v13 =	vadd.f32 v34, v3;
	v34 =	vld.idx.msk [tilespmem:v41+s3+$0x0], $0xffff  }
0x3ea: {  	v25 =	vadd.f32 v9, v25;
	v9 =	vor.u32 s14, v10;
	v0 =	vadd.f32 v38, v0;
	[tilespmem:$0x1F8F0] =	vst v18;
	v18 =	vld.idx.msk [tilespmem:v23+s28+$0x0], $0xffff  }
0x3eb: {  	v10 =	vor.u32 s16, v2;
	v54 =	vor.u32 s16, v6;
	v15 =	vadd.f32 v15, v17;
	v38 =	vld.idx.msk [tilespmem:v61+s28+$0x0], $0xffff  }
0x3ec: {  	v57 =	vor.u32 s14, v6;
	v21 =	vadd.f32 v28, v0;
	v0 =	vadd.f32 v20, v25;
	v19 =	vld.idx.msk [tilespmem:v62+s3+$0x0], $0xffff  }
0x3ed: {  	v3 =	vadd.f32 v27, v15;
	v15 =	vmul.f32 v47, v16;
	v17 =	vadd.f32 v26, v7;
	v28 =	vld.idx.msk [tilespmem:v8+s3+$0x0], $0xffff  }
0x3ee: {  	v61 =	vor.u32 s14, v4;
	v47 =	vld.idx.msk [tilespmem:v11+s3+$0x0], $0xffff;
	v11 =	vmul.f32 v35, v12;
	v0 =	vadd.f32 v22, v0  }
0x3ef: {  	v8 =	vld.idx.msk [tilespmem:v45+s3+$0x0], $0xffff;
	v26 =	vmul.f32 v51, v12;
	v39 =	vadd.f32 v44, v17;
	v17 =	vadd.f32 v15, v3  }
0x3f0: {  	p0 =	sne.s32 s10, $0x3C;
	v27 =	vmul.f32 v53, v12;
	v3 =	vadd.f32 v24, v37;
	v25 =	vadd.f32 v48, v0;
	v0 =	vld [tilespmem:$0x1F8F0]  }
.Ltmp5:
0x3f1: {  	v46 =	vor.u32 s13, v60;
	v40 =	vld.idx.msk [tilespmem:v63+s28+$0x0], $0xffff;
	v22 =	vmul.f32 v50, v12;
	v24 =	vmul.f32 v55, v12;
	(pc) =	sbr.rel @p0 .LBB2_13-.Ltmp5, $4  }
0x3f2: {  	v49 =	vld.idx.msk [tilespmem:v57+s3+$0x0], $0xffff;
	v35 =	vadd.f32 v31, v3;
	v3 =	vmul.f32 v56, v12;
	v7 =	vmul.f32 v43, v18  }
0x3f3: {  	v1 =	vadd.f32 v59, v1;
	v44 =	vld.idx.msk [tilespmem:v10+s3+$0x0], $0xffff;
	v20 =	vmul.f32 v42, v18;
	v29 =	vmul.f32 v58, v18  }
0x3f4: {  	v36 =	vor.u32 s16, v4;
	v31 =	vld.idx.msk [tilespmem:v54+s3+$0x0], $0xffff;
	v30 =	vmul.f32 v30, v18;
	v16 =	vmovc v38;
	v38 =	vmul.f32 v52, v12  }
0x3f5: {  	s10 =	sadd.s32 $0x4, s10;
	v23 =	vor.u32 s16, v14;
	v48 =	vld.idx.msk [tilespmem:v61+s3+$0x0], $0xffff;
	v37 =	vmul.f32 v8, v18;
	v15 =	vmul.f32 v0, v18  }
0x3f6: {  	_ =	sdelay $0x3  }
0x3f7: {  	v0 =	vld.idx.msk [tilespmem:v33+s3+$0x0], $0xffff  }
0x3f8: {  	v2 =	vld.idx.msk [tilespmem:v9+s3+$0x0], $0xffff  }
0x3f9: {  	v4 =	vld.idx.msk [tilespmem:v46+s3+$0x0], $0xffff;
	v6 =	vmul.f32 v49, v40  }
0x3fa: {  	v9 =	vld.idx.msk [tilespmem:v32+s3+$0x0], $0xffff;
	v8 =	vmul.f32 v48, v40  }
0x3fb: {  	v6 =	vadd.f32 v6, v35  }
0x3fc: {  	v10 =	vmul.f32 v47, v40;
	v0 =	vmul.f32 v0, v40;
	v1 =	vadd.f32 v8, v1  }
0x3fd: {  	v2 =	vmul.f32 v2, v40;
	v6 =	vadd.f32 v37, v6;
	v8 =	vmul.f32 v19, v40  }
0x3fe: {  	v4 =	vmul.f32 v4, v18;
	v0 =	vadd.f32 v0, v21;
	v1 =	vadd.f32 v7, v1  }
0x3ff: {  	v2 =	vadd.f32 v2, v25;
	v7 =	vmul.f32 v9, v40;
	v8 =	vadd.f32 v8, v13;
	v9 =	vld.idx.msk [tilespmem:v36+s3+$0x0], $0xffff  }
0x400: {  	v0 =	vadd.f32 v4, v0;
	v1 =	vadd.f32 v11, v1;
	v11 =	vld.idx.msk [tilespmem:v23+s3+$0x0], $0xffff  }
0x401: {  	v4 =	vadd.f32 v7, v39;
	v7 =	vadd.f32 v10, v17  }
0x402: {  	v5 =	vmul.f32 v5, v16;
	v2 =	vadd.f32 v20, v2;
	v8 =	vadd.f32 v29, v8  }
0x403: {  	v10 =	vmul.f32 v28, v16;
	v0 =	vadd.f32 v38, v0;
	v7 =	vadd.f32 v15, v7  }
0x404: {  	v2 =	vadd.f32 v22, v2;
	v3 =	vadd.f32 v3, v8;
	v8 =	vmul.f32 v9, v16  }
0x405: {  	v9 =	vadd.f32 v10, v0;
	v7 =	vadd.f32 v27, v7;
	v10 =	vmul.f32 v11, v16  }
0x406: {  	v6 =	vadd.f32 v24, v6;
	v4 =	vadd.f32 v30, v4  }
0x407: {  	v0 =	vmul.f32 v31, v16;
	v2 =	vadd.f32 v5, v2;
	v5 =	vadd.f32 v10, v7;
	v10 =	vld [tilespmem:$0x1FA10]  }
0x408: {  	v12 =	vmul.f32 v44, v16;
	v23 =	vld [tilespmem:$0x1FA50];
	v4 =	vadd.f32 v26, v4  }
0x409: {  	s2 =	sadd.s32 s9, s18;
	v1 =	vadd.f32 v8, v1;
	v7 =	vadd.f32 v0, v6;
	v0 =	vld [tilespmem:$0x1F9E0]  }
0x40a: {  	s20 =	sadd.s32 s9, s20;
	[tilespmem:s2+$0x0] =	vst v2;
	v4 =	vadd.f32 v12, v4;
	v6 =	vld [tilespmem:$0x1FA00]  }
0x40b: {  	s22 =	sadd.s32 s9, s21;
	[tilespmem:s20+$0x0] =	vst v1;
	v1 =	vld [tilespmem:$0x1FAC0]  }
0x40c: {  	[tilespmem:s22+$0x0] =	vst v4;
	v4 =	vld [tilespmem:$0x1FAD0];
	v10 =	vshrl.u32 v10, $0x6  }
0x40d: {  	v2 =	vand.u32 $0x40, v10;
	v10 =	vld [tilespmem:$0x1FA30]  }
0x40e: {  	s23 =	sadd.s32 s9, s23  }
0x40f: {  	s13 =	sadd.s32 s9, s24;
	[tilespmem:s23+$0x0] =	vst v9  }
0x410: {  	s25 =	sadd.s32 s9, s26;
	s26 =	sadd.s32 s9, s29;
	s29 =	simm.s32 $0x0;
	v8 =	vmul.f32 v34, v16;
	[tilespmem:s13+$0x0] =	vst v7;
	v7 =	vld [tilespmem:$0x1FAF0];
	v0 =	vshrl.u32 v0, $0x6  }
0x411: {  	v26 =	vor.u32 s29, v23;
	v6 =	vshrl.u32 v6, $0x6;
	v0 =	vand.u32 $0x40, v0  }
0x412: {  	s10 =	simm.s32 $0x1;
	v0 =	vor.u32 v1, v0;
	v4 =	vor.u32 v4, v2;
	v10 =	vshrl.u32 v10, $0x6  }
0x413: {  	s14 =	simm.s32 $0x2;
	v2 =	vor.u32 s10, v0;
	v1 =	vand.u32 $0x40, v10;
	v10 =	vand.u32 $0x40, v6;
	v6 =	vld [tilespmem:$0x1FAE0]  }
0x414: {  	v3 =	vadd.f32 v8, v3;
	v11 =	vor.u32 s14, v0  }
0x415: {  	[tilespmem:s25+$0x0] =	vst v5;
	v17 =	vor.u32 s29, v4;
	v8 =	vor.u32 v7, v10;
	v10 =	vld [tilespmem:$0x1FA20]  }
0x416: {  	v9 =	vld [tilespmem:$0x1F9F0];
	[tilespmem:s26+$0x0] =	vst v3  }
0x417: {  	v29 =	vld.idx.msk [tilespmem:v26+s28+$0x0], $0xffff;
	v5 =	vor.u32 s10, v8  }
0x418: {  	v13 =	vld.idx.msk [tilespmem:v2+s3+$0x0], $0xffff;
	v6 =	vor.u32 v6, v1;
	v1 =	vor.u32 s10, v4  }
0x419: {  	s24 =	simm.s32 $0x3;
	v11 =	vld.idx.msk [tilespmem:v11+s3+$0x0], $0xffff  }
0x41a: {  	v28 =	vor.u32 s24, v4;
	v21 =	vld.idx.msk [tilespmem:v17+s3+$0x0], $0xffff;
	v10 =	vshrl.u32 v10, $0x6  }
0x41b: {  	v3 =	vor.u32 s14, v6;
	v2 =	vand.u32 $0x40, v10;
	v10 =	vld [tilespmem:$0x1FB00]  }
0x41c: {  	v15 =	vld.idx.msk [tilespmem:v5+s3+$0x0], $0xffff;
	v5 =	vor.u32 s14, v23  }
0x41d: {  	v19 =	vor.u32 s14, v8;
	v18 =	vld.idx.msk [tilespmem:v1+s3+$0x0], $0xffff  }
0x41e: {  	v9 =	vshrl.u32 v9, $0x6;
	v20 =	vor.u32 s10, v6;
	v1 =	vld [tilespmem:$0x1FB10]  }
0x41f: {  	v9 =	vand.u32 $0x40, v9;
	v33 =	vld.idx.msk [tilespmem:v28+s3+$0x0], $0xffff;
	v7 =	vor.u32 s24, v6  }
0x420: {  	v16 =	vld.idx.msk [tilespmem:v3+s3+$0x0], $0xffff;
	v12 =	vor.u32 v10, v9;
	v9 =	vor.u32 s10, v23  }
0x421: {  	v3 =	vld.idx.msk [tilespmem:v5+s28+$0x0], $0xffff;
	v5 =	vor.u32 s29, v8  }
0x422: {  	v25 =	vld.idx.msk [tilespmem:v19+s3+$0x0], $0xffff;
	v22 =	vor.u32 s14, v12  }
0x423: {  	v31 =	vld.idx.msk [tilespmem:v20+s3+$0x0], $0xffff;
	v14 =	vor.u32 v1, v2;
	v1 =	vor.u32 s10, v12  }
0x424: {  	v2 =	vld.idx.msk [tilespmem:v7+s3+$0x0], $0xffff;
	v7 =	vor.u32 s14, v14  }
0x425: {  	v24 =	vor.u32 s29, v12;
	v10 =	vld.idx.msk [tilespmem:v9+s28+$0x0], $0xffff  }
0x426: {  	v9 =	vor.u32 s29, v14;
	v37 =	vld.idx.msk [tilespmem:v5+s3+$0x0], $0xffff  }
0x427: {  	v36 =	vimm.f32 $0.0e+00;
	v27 =	vimm.f32 $0.0e+00;
	v63 =	vor.u32 s24, v12;
	v22 =	vld.idx.msk [tilespmem:v22+s3+$0x0], $0xffff  }
0x428: {  	v61 =	vor.u32 s24, v23;
	v17 =	vor.u32 s29, v0;
	v62 =	vor.u32 s10, v14;
	v1 =	vld.idx.msk [tilespmem:v1+s3+$0x0], $0xffff  }
0x429: {  	v28 =	vimm.f32 $0.0e+00;
	v39 =	vor.u32 s24, v8;
	v19 =	vor.u32 s29, v6;
	v7 =	vld.idx.msk [tilespmem:v7+s3+$0x0], $0xffff  }
0x42a: {  	v23 =	vor.u32 s14, v4;
	v30 =	vor.u32 s24, v14;
	v16 =	vmul.f32 v16, v3;
	v38 =	vld.idx.msk [tilespmem:v24+s3+$0x0], $0xffff  }
0x42b: {  	v24 =	vimm.f32 $0.0e+00;
	v32 =	vld.idx.msk [tilespmem:v9+s3+$0x0], $0xffff;
	v9 =	vmul.f32 v13, v10;
	v20 =	vmul.f32 v15, v10  }
0x42c: {  	v35 =	vld.idx.msk [tilespmem:v63+s3+$0x0], $0xffff;
	v15 =	vmul.f32 v11, v3;
	v26 =	vmul.f32 v31, v10;
	v31 =	vimm.f32 $0.0e+00  }
0x42d: {  	v34 =	vld.idx.msk [tilespmem:v62+s3+$0x0], $0xffff;
	v13 =	vmul.f32 v22, v3;
	v5 =	vmul.f32 v1, v10;
	v1 =	vor.u32 s24, v0  }
0x42e: {  	s10 =	simm.s32 $0x4;
	v22 =	vld.idx.msk [tilespmem:v61+s28+$0x0], $0xffff;
	v11 =	vmul.f32 v7, v3;
	v7 =	vmul.f32 v25, v3;
	v25 =	vimm.f32 $0.0e+00  }
.LBB2_15:
0x42f: {  	v41 =	vld.idx.msk [tilespmem:v30+s3+$0x0], $0xffff  }
0x430: {  	s14 =	sadd.s32 $0x1, s10;
	v42 =	vld.idx.msk [tilespmem:v19+s3+$0x0], $0xffff  }
0x431: {  	s2 =	smov.u32 s10;
	v23 =	vld.idx.msk [tilespmem:v23+s3+$0x0], $0xffff;
	v43 =	vor.u32 s14, v8  }
0x432: {  	v57 =	vld [tilespmem:$0x1FA50];
	v62 =	vor.u32 s2, v14  }
0x433: {  	v39 =	vld.idx.msk [tilespmem:v39+s3+$0x0], $0xffff;
	v30 =	vor.u32 s14, v12;
	s13 =	sadd.s32 $0x3, s2;
	v56 =	vor.u32 s2, v8  }
0x434: {  	v49 =	vld.idx.msk [tilespmem:v17+s3+$0x0], $0xffff;
	v19 =	vor.u32 s14, v4;
	s16 =	sadd.s32 $0x2, s2;
	v55 =	vor.u32 s14, v6;
	v46 =	vor.u32 s13, v6  }
0x435: {  	v1 =	vld.idx.msk [tilespmem:v1+s3+$0x0], $0xffff;
	v60 =	vor.u32 s2, v4;
	v48 =	vor.u32 s16, v6;
	v32 =	vmul.f32 v32, v29  }
0x436: {  	v17 =	vor.u32 s2, v0;
	v47 =	vor.u32 s16, v0;
	v37 =	vmul.f32 v37, v29;
	v43 =	vld.idx.msk [tilespmem:v43+s3+$0x0], $0xffff  }
0x437: {  	v53 =	vor.u32 s16, v8;
	v54 =	vor.u32 s16, v14;
	v27 =	vadd.f32 v32, v27;
	v32 =	vld.idx.msk [tilespmem:v62+s3+$0x0], $0xffff  }
0x438: {  	v40 =	vmul.f32 v18, v10;
	v38 =	vmul.f32 v38, v29;
	v25 =	vadd.f32 v37, v25;
	v37 =	vld.idx.msk [tilespmem:v56+s3+$0x0], $0xffff  }
0x439: {  	v63 =	vor.u32 s16, v12;
	v51 =	vmul.f32 v33, v22;
	v33 =	vmul.f32 v2, v22;
	v2 =	vld.idx.msk [tilespmem:v46+s3+$0x0], $0xffff  }
0x43a: {  	v18 =	vor.u32 s14, v0;
	v61 =	vmul.f32 v23, v3;
	v3 =	vmul.f32 v49, v29;
	v48 =	vld.idx.msk [tilespmem:v48+s3+$0x0], $0xffff  }
0x43b: {  	v21 =	vmul.f32 v21, v29;
	v35 =	vmul.f32 v35, v22;
	v44 =	vor.u32 s14, v57;
	v47 =	vld.idx.msk [tilespmem:v47+s3+$0x0], $0xffff  }
0x43c: {  	v45 =	vor.u32 s13, v57;
	v3 =	vadd.f32 v3, v24;
	v24 =	vadd.f32 v38, v31;
	v31 =	vld.idx.msk [tilespmem:v30+s3+$0x0], $0xffff  }
0x43d: {  	v50 =	vor.u32 s16, v57;
	v36 =	vadd.f32 v21, v36;
	v21 =	vmul.f32 v34, v10;
	v58 =	vld.idx.msk [tilespmem:v54+s3+$0x0], $0xffff  }
0x43e: {  	v57 =	vor.u32 s2, v57;
	v23 =	vor.u32 s16, v4;
	v29 =	vmul.f32 v42, v29;
	v62 =	vld.idx.msk [tilespmem:v63+s3+$0x0], $0xffff  }
0x43f: {  	v49 =	vor.u32 s14, v14;
	v30 =	vor.u32 s13, v14;
	v21 =	vadd.f32 v21, v27;
	v52 =	vld.idx.msk [tilespmem:v18+s3+$0x0], $0xffff  }
0x440: {  	v63 =	vor.u32 s13, v12;
	v27 =	vadd.f32 v29, v28;
	v18 =	vld.idx.msk [tilespmem:v19+s3+$0x0], $0xffff;
	v9 =	vadd.f32 v9, v3  }
0x441: {  	v28 =	vor.u32 s2, v12;
	v5 =	vadd.f32 v5, v24;
	v10 =	vld.idx.msk [tilespmem:v44+s28+$0x0], $0xffff;
	v11 =	vadd.f32 v11, v21  }
0x442: {  	v19 =	vor.u32 s2, v6;
	v3 =	vld.idx.msk [tilespmem:v50+s28+$0x0], $0xffff;
	v26 =	vadd.f32 v26, v27;
	v27 =	vadd.f32 v40, v36  }
0x443: {  	v21 =	vld.idx.msk [tilespmem:v60+s3+$0x0], $0xffff;
	v60 =	vmul.f32 v39, v22;
	v9 =	vadd.f32 v15, v9;
	v15 =	vmul.f32 v1, v22  }
0x444: {  	v59 =	vld.idx.msk [tilespmem:v53+s3+$0x0], $0xffff;
	v39 =	vor.u32 s13, v8;
	v13 =	vadd.f32 v13, v5;
	v61 =	vadd.f32 v61, v27  }
0x445: {  	v29 =	vld.idx.msk [tilespmem:v57+s28+$0x0], $0xffff;
	v24 =	vadd.f32 v15, v9;
	v9 =	vmul.f32 v41, v22;
	v22 =	vor.u32 s13, v4  }
0x446: {  	p0 =	sne.s32 s10, $0x3C;
	v1 =	vor.u32 s13, v0;
	v15 =	vadd.f32 v16, v26;
	v26 =	vld.idx.msk [tilespmem:v55+s3+$0x0], $0xffff;
	v16 =	vadd.f32 v20, v25  }
.Ltmp6:
0x447: {  	v34 =	vld.idx.msk [tilespmem:v49+s3+$0x0], $0xffff;
	v5 =	vmul.f32 v31, v10;
	v27 =	vadd.f32 v9, v11;
	v9 =	vmul.f32 v52, v10;
	(pc) =	sbr.rel @p0 .LBB2_15-.Ltmp6, $4  }
0x448: {  	v38 =	vld.idx.msk [tilespmem:v28+s3+$0x0], $0xffff;
	v20 =	vmul.f32 v43, v10;
	v7 =	vadd.f32 v7, v16;
	v16 =	vmul.f32 v48, v3  }
0x449: {  	v28 =	vadd.f32 v33, v15;
	v15 =	vmul.f32 v47, v3;
	v31 =	vadd.f32 v35, v13;
	v35 =	vld.idx.msk [tilespmem:v63+s3+$0x0], $0xffff  }
0x44a: {  	v36 =	vadd.f32 v51, v61;
	v11 =	vmul.f32 v58, v3;
	v13 =	vmul.f32 v62, v3;
	v33 =	vld.idx.msk [tilespmem:v22+s3+$0x0], $0xffff  }
0x44b: {  	s10 =	sadd.s32 $0x4, s10;
	v25 =	vadd.f32 v60, v7;
	v7 =	vmul.f32 v59, v3;
	v26 =	vmul.f32 v26, v10;
	v22 =	vld.idx.msk [tilespmem:v45+s28+$0x0], $0xffff  }
0x44c: {  	_ =	sdelay $0x3  }
0x44d: {  	v0 =	vld.idx.msk [tilespmem:v17+s3+$0x0], $0xffff;
	_ =	sdelay $0x2  }
0x44e: {  	v4 =	vld.idx.msk [tilespmem:v19+s3+$0x0], $0xffff;
	v6 =	vmul.f32 v32, v29  }
0x44f: {  	v8 =	vmul.f32 v21, v29;
	v50 =	vmul.f32 v34, v10  }
0x450: {  	v12 =	vld.idx.msk [tilespmem:v23+s3+$0x0], $0xffff;
	v51 =	vmul.f32 v37, v29;
	v0 =	vmul.f32 v0, v29  }
0x451: {  	v1 =	vld.idx.msk [tilespmem:v1+s3+$0x0], $0xffff;
	v14 =	vmul.f32 v38, v29;
	v6 =	vadd.f32 v6, v27;
	v8 =	vadd.f32 v8, v36  }
0x452: {  	v53 =	vmul.f32 v18, v10;
	v54 =	vadd.f32 v51, v25;
	v0 =	vadd.f32 v0, v24  }
0x453: {  	v52 =	vld.idx.msk [tilespmem:v39+s3+$0x0], $0xffff;
	v14 =	vadd.f32 v14, v31;
	v6 =	vadd.f32 v50, v6;
	v4 =	vmul.f32 v4, v29  }
0x454: {  	v8 =	vadd.f32 v53, v8;
	v0 =	vadd.f32 v9, v0  }
0x455: {  	v55 =	vld.idx.msk [tilespmem:v30+s3+$0x0], $0xffff;
	v3 =	vmul.f32 v12, v3;
	v5 =	vadd.f32 v5, v14;
	v4 =	vadd.f32 v4, v28  }
0x456: {  	v1 =	vmul.f32 v1, v22;
	v9 =	vadd.f32 v20, v54;
	v0 =	vadd.f32 v15, v0  }
0x457: {  	v56 =	vmul.f32 v35, v22;
	v5 =	vadd.f32 v13, v5;
	v3 =	vadd.f32 v3, v8  }
0x458: {  	v57 =	vmul.f32 v52, v22;
	v58 =	vadd.f32 v7, v9;
	v0 =	vadd.f32 v1, v0  }
0x459: {  	s2 =	sadd.s32 s9, s31;
	s4 =	sadd.s32 $0x1, s4;
	v59 =	vmul.f32 v33, v22;
	v4 =	vadd.f32 v26, v4;
	v5 =	vadd.f32 v56, v5  }
0x45a: {  	s1 =	sadd.s32 s9, s1;
	p0 =	sne.s32 s4, $0x10;
	v60 =	vmul.f32 v55, v22;
	v6 =	vadd.f32 v11, v6;
	v1 =	vadd.f32 v57, v58;
	[tilespmem:s2+$0x0] =	vst v0  }
.Ltmp7:
0x45b: {  	s26 =	sadd.s32 s9, s11;
	v61 =	vmul.f32 v2, v22;
	v3 =	vadd.f32 v59, v3;
	v62 =	vadd.f32 v16, v4;
	[tilespmem:s1+$0x0] =	vst v5;
	(pc) =	sbr.rel @p0 .LBB2_2-.Ltmp7, $4  }
0x45c: {  	s29 =	sadd.s32 s9, s5;
	v63 =	vadd.f32 v60, v6;
	[tilespmem:s26+$0x0] =	vst v1  }
0x45d: {  	s31 =	sadd.s32 s9, s6;
	v0 =	vadd.f32 v61, v62;
	[tilespmem:s29+$0x0] =	vst v3  }
0x45e: {  	s0 =	sadd.s32 s9, s0;
	[tilespmem:s31+$0x0] =	vst v63  }
0x45f: {  	[tilespmem:s0+$0x0] =	vst v0  }
0x460: {  	s9 =	simm.s32 $0x0;
	s0 =	rddreg [dreg:$0xa];
	s1 =	simm.s32 $0x19100  }
0x461: {  	[hbm4b:s0+s9] =	stream.linear.scatter [tilespmem:s1], [sflag:$0x3], $0x3000, $0x38;
	[tilespmem:$0x1C100] =	vst v63  }
0x462: {  	s1 =	simm.s32 $0x3  }
0x463: {  	_ =	swait.ge [sflag:s1], $0x3000  }
0x464: {  	s2 =	rddreg [dreg:$0xc]  }
0x465: {  	s31 =	rddreg [dreg:$0xb];
	s2 =	sadd.s32 $0x1, s2  }
0x466: {  	p0 =	sne.s32 s2, s31  }
.Ltmp8:
0x467: {  	_ = 	snop;
	(pc) =	sbr.rel @p0 .LBB2_1-.Ltmp8, $3  }
0x468: {  	_ =	sdelay $0x1  }
0x469: {  	[sflag:s1] =	ssyncset.done $0x0  }
0x46a: {  	[sflag:s1] =	ssyncadd.s32 $0xFFFFD000  }
0x46b: {  	_ =	sfence.sel $0x180000  }
0x46c: {  	[bflag:$0x0] =	sbarrier.arrive $0xFFFF  }
0x46d: {  	_ =	strace $0x90000047  }
0x46e: {  	s0 =	stileid.u32;
	[bflag:$0x2] =	sbarrier.arrive $0xFFFF  }
0x46f: {  	p0 =	sne.s32 s0, $0x0;
	s0 =	rddreg [dreg:$0x6]  }
0x470: {  	s0 =	sadd.s32 @!p0 $0x100000, s0  }
0x471: {  	[sflag:s0] =	ssyncadd.tile.s32 @!p0 $0x1;
	_ =	shalt  }
.Lfunc_end2:
_tile_overlayer_lowered:
.L_overlay_start_2:
0x472: {  	(tag) =	ssettag $0x2  }
0x473: {  	s0 =	rddreg [dreg:$0x0];
	s2 =	stileid.u32  }
0x474: {  	s1 =	rddreg [dreg:$0x1];
	p0 =	sne.s32 s2, $0x0  }
0x475: {  	s3 =	rddreg [dreg:$0x2];
	[bflag:$0x3] =	sbarrier.arrive $0xFFFF;
	s2 =	simm.s32 @!p0 $0x1C03  }
0x476: {  	[timem:s3], [sflag:s2] =	dma.local @!p0 [hbm:s0], s1  }
0x477: {  	s0 =	simm.s32 @!p0 $0x3  }
0x478: {  	_ =	swait.ge @!p0 [sflag:s0], s1  }
0x479: {  	s1 =	ssub.s32 @!p0 $0x0, s1;
	[sflag:s0] =	ssyncset.done @!p0 $0x0  }
0x47a: {  	[sflag:s0] =	ssyncadd.s32 @!p0 s1  }
0x47b: {  	[bflag:$0x3] =	sbarrier.arrive $0xFFFF  }
0x47c: {  	_ =	shalt  }

</sc_bundles>
